<compile_context>
chip_gen: v7x
topology: tpu7x:2x2x1
jax: 0.10.2.dev20260603
libtpu: 0.0.44.dev20260713+nightly
codegen_flags: <defaults>
</compile_context>

<pallas_src>
import functools

import jax
import jax.numpy as jnp
from jax import lax
from jax.experimental import pallas as pl
from jax.experimental.pallas import tpu as pltpu
from jax.experimental.pallas import tpu_sc as plsc

EMB = 64
NC = 2
NS = 16
NW = NC * NS
BT = 128
NBUF = 5
TP = BT + 1


def _gather_kernel(seq, nbt):
    n_blocks = seq * nbt
    per_w = n_blocks // NW
    mesh = plsc.VectorSubcoreMesh(
        core_axis_name="c", subcore_axis_name="s", num_cores=NC, num_subcores=NS
    )

    @functools.partial(
        pl.kernel,
        out_type=jax.ShapeDtypeStruct((seq, 8, nbt, 8, BT), jnp.float32),
        mesh=mesh,
        scratch_types=[
            pltpu.VMEM((NBUF, BT), jnp.int32),
            pltpu.VMEM((NBUF, BT, EMB), jnp.float32),
            pltpu.VMEM((NBUF, EMB, TP), jnp.float32),
            pltpu.SemaphoreType.DMA,
            pltpu.SemaphoreType.DMA,
            pltpu.SemaphoreType.DMA,
        ],
        compiler_params=pltpu.CompilerParams(
            use_tc_tiling_on_sc=False, needs_layout_passes=False
        ),
    )
    def body(ids_hbm, table_hbm, out_hbm, idx_v, g_v, t_v, isem, gsem, ssem):
        wid = lax.axis_index("s") * NC + lax.axis_index("c")
        f0 = wid * per_w
        iota16 = lax.iota(jnp.int32, 16)
        erows = [iota16 + (k * 16) for k in range(EMB // 16)]

        def transpose_block(b):
            @plsc.parallel_loop(0, BT, step=1, unroll=8)
            def token(bb):
                col = jnp.full((16,), 0, jnp.int32) + bb
                for k in range(EMB // 16):
                    v = g_v[b, bb, pl.ds(k * 16, 16)]
                    plsc.store_scatter(t_v.at[b], [erows[k], col], v)

        def group(g, _):
            for b in range(NBUF):
                f = f0 + g * NBUF + b
                l, bt = f // nbt, f % nbt

                @pl.when(g > 0)
                def _():
                    pltpu.make_async_copy(
                        t_v.at[b, :, pl.ds(0, BT)], out_hbm.at[l, 0, bt], ssem
                    ).wait()

                pltpu.async_copy(ids_hbm.at[l, bt], idx_v.at[b], isem)
            for b in range(NBUF):
                f = f0 + g * NBUF + b
                l, bt = f // nbt, f % nbt
                pltpu.make_async_copy(ids_hbm.at[l, bt], idx_v.at[b], isem).wait()
                pltpu.async_copy(table_hbm.at[idx_v.at[b]], g_v.at[b], gsem)
            for b in range(NBUF):
                f = f0 + g * NBUF + b
                l, bt = f // nbt, f % nbt
                pltpu.make_async_copy(
                    table_hbm.at[idx_v.at[b]], g_v.at[b], gsem
                ).wait()
                transpose_block(b)
                for et in range(8):
                    pltpu.async_copy(
                        t_v.at[b, pl.ds(et * 8, 8), pl.ds(0, BT)],
                        out_hbm.at[l, et, bt],
                        ssem,
                    )
            return 0

        lax.fori_loop(0, per_w // NBUF, group, 0)
        for b in range(NBUF):
            f = f0 + b
            l, bt = f // nbt, f % nbt
            pltpu.make_async_copy(
                t_v.at[b, :, pl.ds(0, BT)], out_hbm.at[l, 0, bt], ssem
            ).wait()

    return body


def kernel(input_ids, embedding_table):
    bsz, seq = input_ids.shape
    nbt = bsz // BT
    ids = (jnp.transpose(input_ids.astype(jnp.int32)) * 2).reshape(seq, nbt, BT)
    vocab = embedding_table.shape[0]
    tbl = jnp.pad(embedding_table, ((0, 0), (0, 64))).reshape(2 * vocab, EMB)
    out5 = _gather_kernel(seq, nbt)(ids, tbl)
    return out5.transpose(2, 4, 0, 1, 3).reshape(bsz, seq, EMB)

# --- scband reference (transcript-rebuilt; emitter-appended) ---
"""Pipeline reference for scband-wdembedding-56530359550238 (READ-ONLY COPY).

The authoritative reference and input builder live on the scoring server;
editing this copy changes nothing except your own understanding.
"""

import jax, jax.numpy as jnp
import numpy as np

VOCAB = 1000000
EMB = 64
B = 16384
L = 50

def setup_inputs(seed: int = 0) -> dict:
    key = jax.random.key(seed)
    k1, k2 = jax.random.split(key)
    input_ids = jax.random.randint(k1, (B, L), 0, VOCAB, dtype=jnp.int64 if jax.config.jax_enable_x64 else jnp.int32)
    embedding_table = jax.random.normal(k2, (VOCAB, EMB), dtype=jnp.float32) * 0.02
    return {"input_ids": input_ids, "embedding_table": embedding_table}

def reference(input_ids, embedding_table):
    # input_ids has ndims == 2 -> expand last dim (as in the TF module)
    ids = input_ids[..., None]  # [B, L, 1]
    flat_input_ids = ids.reshape(-1)  # [B*L]
    output = jnp.take(embedding_table, flat_input_ids, axis=0)  # [B*L, EMB]
    # reshape to input_shape[0:-1] + [last_dim * embedding_size] = [B, L, 1*EMB]
    output = output.reshape(ids.shape[0], ids.shape[1], ids.shape[2] * EMB)
    return output

if __name__ == "__main__":
    import jax
    _d = setup_inputs()
    print(jax.jit(kernel)(*tuple(_d.values())))

</pallas_src>

<mosaic_0001>
#map = affine_map<(d0, d1) -> (0, 0, 0)>
#map1 = affine_map<(d0, d1) -> (0, 0)>
#map2 = affine_map<(d0, d1) -> (0, 0, 0, 0, 0)>
module attributes {stable_mosaic.version = 14 : i64} {
  func.func @body(%arg0: i32, %arg1: i32, %arg2: memref<50x128x128xi32, #tpu.memory_space<hbm>>, %arg3: memref<2000000x64xf32, #tpu.memory_space<hbm>>, %arg4: memref<50x8x128x8x128xf32, #tpu.memory_space<hbm>>, %arg5: memref<5x128xi32, #tpu.memory_space<vmem>>, %arg6: memref<5x128x64xf32, #tpu.memory_space<vmem>>, %arg7: memref<5x64x129xf32, #tpu.memory_space<vmem>>, %arg8: memref<!tpu.dma_semaphore, #tpu.memory_space<semaphore_mem>>, %arg9: memref<!tpu.dma_semaphore, #tpu.memory_space<semaphore_mem>>, %arg10: memref<!tpu.dma_semaphore, #tpu.memory_space<semaphore_mem>>) attributes {dimension_semantics = [#tpu.dimension_semantics<core_parallel>, #tpu.dimension_semantics<subcore_parallel>], iteration_bounds = array<i64: 2, 16>, scalar_prefetch = 0 : i64, scratch_operands = 6 : i64, tpu.core_type = #tpu.core_type<sc_vector_subcore>, window_params = [{transform_indices = #map}, {transform_indices = #map1}, {transform_indices = #map2}]} {
    %mul3A = arith.constant 2 : i32
    %mul3A_0 = arith.muli %arg1, %mul3A : i32
    %add3A = arith.addi %mul3A_0, %arg0 : i32
    %mul3A_1 = arith.constant 200 : i32
    %mul3A_2 = arith.muli %add3A, %mul3A_1 : i32
    %iota3A = tpu.iota {dimensions = array<i32: 0>} : vector<16xi32>
    %add3A_3 = arith.constant 0 : i32
    %add3A_4 = vector.broadcast %add3A_3 : i32 to vector<16xi32>
    %add3A_5 = arith.addi %iota3A, %add3A_4 : vector<16xi32>
    %add3A_6 = arith.constant 16 : i32
    %add3A_7 = vector.broadcast %add3A_6 : i32 to vector<16xi32>
    %add3A_8 = arith.addi %iota3A, %add3A_7 : vector<16xi32>
    %add3A_9 = arith.constant 32 : i32
    %add3A_10 = vector.broadcast %add3A_9 : i32 to vector<16xi32>
    %add3A_11 = arith.addi %iota3A, %add3A_10 : vector<16xi32>
    %add3A_12 = arith.constant 48 : i32
    %add3A_13 = vector.broadcast %add3A_12 : i32 to vector<16xi32>
    %add3A_14 = arith.addi %iota3A, %add3A_13 : vector<16xi32>
    %scan3A = arith.constant 0 : i32
    %scan3A_15 = arith.constant 0 : i32
    %scan3A_16 = arith.constant 40 : i32
    %scan3A_17 = arith.addi %scan3A_15, %scan3A_16 : i32
    %scan3A_18 = arith.constant 1 : i32
    %scan3A_19 = scf.for %scan3A_310 = %scan3A_15 to %scan3A_17 step %scan3A_18 iter_args(%scan3A_311 = %scan3A) -> (i32)  : i32 {
      %mul3A_312 = arith.constant 5 : i32
      %mul3A_313 = arith.muli %scan3A_310, %mul3A_312 : i32
      %add3A_314 = arith.addi %mul3A_2, %mul3A_313 : i32
      %add3A_315 = arith.constant 0 : i32
      %add3A_316 = arith.addi %add3A_314, %add3A_315 : i32
      %jit3A_317 = arith.constant 128 : i32
      %div3A_318 = arith.divsi %add3A_316, %jit3A_317 : i32
      %sign3A_319 = arith.constant 0 : i32
      %sign3A_320 = arith.cmpi sgt, %add3A_316, %sign3A_319 : i32
      %sign3A_321 = arith.extui %sign3A_320 : i1 to i32
      %sign3A_322 = arith.constant 0 : i32
      %sign3A_323 = arith.cmpi slt, %add3A_316, %sign3A_322 : i32
      %sign3A_324 = arith.extui %sign3A_323 : i1 to i32
      %sign3A_325 = arith.subi %sign3A_321, %sign3A_324 : i32
      %sign3A_326 = arith.constant 0 : i32
      %sign3A_327 = arith.cmpi sgt, %jit3A_317, %sign3A_326 : i32
      %sign3A_328 = arith.extui %sign3A_327 : i1 to i32
      %sign3A_329 = arith.constant 0 : i32
      %sign3A_330 = arith.cmpi slt, %jit3A_317, %sign3A_329 : i32
      %sign3A_331 = arith.extui %sign3A_330 : i1 to i32
      %sign3A_332 = arith.subi %sign3A_328, %sign3A_331 : i32
      %ne3A_333 = arith.cmpi ne, %sign3A_325, %sign3A_332 : i32
      %rem3A_334 = arith.remsi %add3A_316, %jit3A_317 : i32
      %ne3A_335 = arith.constant 0 : i32
      %ne3A_336 = arith.cmpi ne, %rem3A_334, %ne3A_335 : i32
      %and3A_337 = arith.andi %ne3A_333, %ne3A_336 : i1
      %sub3A_338 = arith.constant 1 : i32
      %sub3A_339 = arith.subi %div3A_318, %sub3A_338 : i32
      %select_n3A_340 = arith.select %and3A_337, %sub3A_339, %div3A_318 : i32
      %jit3A_341 = arith.constant 128 : i32
      %eq3A_342 = arith.constant 0 : i32
      %eq3A_343 = arith.cmpi eq, %jit3A_341, %eq3A_342 : i32
      %jit3A_344 = arith.constant 1 : i32
      %select_n3A_345 = arith.select %eq3A_343, %jit3A_344, %jit3A_341 : i32
      %rem3A_346 = arith.remsi %add3A_316, %select_n3A_345 : i32
      %ne3A_347 = arith.constant 0 : i32
      %ne3A_348 = arith.cmpi ne, %rem3A_346, %ne3A_347 : i32
      %lt3A_349 = arith.constant 0 : i32
      %lt3A_350 = arith.cmpi slt, %rem3A_346, %lt3A_349 : i32
      %lt3A_351 = arith.constant 0 : i32
      %lt3A_352 = arith.cmpi slt, %select_n3A_345, %lt3A_351 : i32
      %ne3A_353 = arith.xori %lt3A_350, %lt3A_352 : i1
      %and3A_354 = arith.andi %ne3A_353, %ne3A_348 : i1
      %add3A_355 = arith.addi %rem3A_346, %select_n3A_345 : i32
      %select_n3A_356 = arith.select %and3A_354, %add3A_355, %rem3A_346 : i32
      %gt3A = arith.constant 0 : i32
      %gt3A_357 = arith.cmpi sgt, %scan3A_310, %gt3A : i32
      %convert_element_type3A = arith.extui %gt3A_357 : i1 to i32
      %cond3A = arith.constant 0 : i32
      %cond3A_358 = arith.cmpi ne, %convert_element_type3A, %cond3A : i32
      scf.if %cond3A_358 {
        %dma_wait3A_1993 = arith.constant 0 : i32
        %dma_wait3A_1994 = arith.constant 0 : i32
        %dma_wait3A_1995 = arith.constant 0 : i32
        %dma_wait3A_1996 = arith.constant 0 : i32
        %dma_wait3A_1997 = tpu.memref_slice %arg7[%dma_wait3A_1993, %dma_wait3A_1995, %dma_wait3A_1996] : memref<5x64x129xf32, #tpu.memory_space<vmem>> -> memref<1x64x128xf32, #tpu.memory_space<vmem>>
        %dma_wait3A_1998 = tpu.memref_squeeze %dma_wait3A_1997 : memref<1x64x128xf32, #tpu.memory_space<vmem>> -> memref<64x128xf32, #tpu.memory_space<vmem>>
        %dma_wait3A_1999 = arith.constant 0 : i32
        %dma_wait3A_2000 = arith.constant 0 : i32
        %dma_wait3A_2001 = tpu.memref_slice %arg4[%select_n3A_340, %dma_wait3A_1994, %select_n3A_356, %dma_wait3A_1999, %dma_wait3A_2000] : memref<50x8x128x8x128xf32, #tpu.memory_space<hbm>> -> memref<1x1x1x8x128xf32, #tpu.memory_space<hbm>>
        %dma_wait3A_2002 = tpu.memref_squeeze %dma_wait3A_2001 : memref<1x1x1x8x128xf32, #tpu.memory_space<hbm>> -> memref<8x128xf32, #tpu.memory_space<hbm>>
        %dma_wait3A_2003 = arith.constant 0 : i32
        %dma_wait3A_2004 = arith.constant 0 : i32
        %dma_wait3A_2005 = tpu.memref_slice %arg4[%select_n3A_340, %dma_wait3A_1994, %select_n3A_356, %dma_wait3A_2003, %dma_wait3A_2004] : memref<50x8x128x8x128xf32, #tpu.memory_space<hbm>> -> memref<1x1x1x8x128xf32, #tpu.memory_space<hbm>>
        %dma_wait3A_2006 = tpu.memref_squeeze %dma_wait3A_2005 : memref<1x1x1x8x128xf32, #tpu.memory_space<hbm>> -> memref<8x128xf32, #tpu.memory_space<hbm>>
        %dma_wait3A_2007 = arith.constant 0 : i32
        %dma_wait3A_2008 = arith.constant 0 : i32
        %dma_wait3A_2009 = tpu.memref_slice %arg7[%dma_wait3A_1993, %dma_wait3A_2007, %dma_wait3A_2008] : memref<5x64x129xf32, #tpu.memory_space<vmem>> -> memref<1x64x128xf32, #tpu.memory_space<vmem>>
        %dma_wait3A_2010 = tpu.memref_squeeze %dma_wait3A_2009 : memref<1x64x128xf32, #tpu.memory_space<vmem>> -> memref<64x128xf32, #tpu.memory_space<vmem>>
        tpu.wait_dma2 semaphore(%arg10 : memref<!tpu.dma_semaphore, #tpu.memory_space<semaphore_mem>>) src(%dma_wait3A_2010 : memref<64x128xf32, #tpu.memory_space<vmem>>) dst(%dma_wait3A_2006 : memref<8x128xf32, #tpu.memory_space<hbm>>)
      } else {
      }
      %dma_start3A = arith.constant 0 : i32
      %dma_start3A_359 = arith.constant 0 : i32
      %dma_start3A_360 = tpu.memref_slice %arg5[%dma_start3A, %dma_start3A_359] : memref<5x128xi32, #tpu.memory_space<vmem>> -> memref<1x128xi32, #tpu.memory_space<vmem>>
      %dma_start3A_361 = tpu.memref_squeeze %dma_start3A_360 : memref<1x128xi32, #tpu.memory_space<vmem>> -> memref<128xi32, #tpu.memory_space<vmem>>
      %dma_start3A_362 = arith.constant 0 : i32
      %dma_start3A_363 = tpu.memref_slice %arg2[%select_n3A_340, %select_n3A_356, %dma_start3A_362] : memref<50x128x128xi32, #tpu.memory_space<hbm>> -> memref<1x1x128xi32, #tpu.memory_space<hbm>>
      %dma_start3A_364 = tpu.memref_squeeze %dma_start3A_363 : memref<1x1x128xi32, #tpu.memory_space<hbm>> -> memref<128xi32, #tpu.memory_space<hbm>>
      %dma_start3A_365 = arith.constant 0 : i32
      %dma_start3A_366 = tpu.memref_slice %arg5[%dma_start3A, %dma_start3A_365] : memref<5x128xi32, #tpu.memory_space<vmem>> -> memref<1x128xi32, #tpu.memory_space<vmem>>
      %dma_start3A_367 = tpu.memref_squeeze %dma_start3A_366 : memref<1x128xi32, #tpu.memory_space<vmem>> -> memref<128xi32, #tpu.memory_space<vmem>>
      %dma_start3A_368 = arith.constant 0 : i32
      %dma_start3A_369 = tpu.memref_slice %arg2[%select_n3A_340, %select_n3A_356, %dma_start3A_368] : memref<50x128x128xi32, #tpu.memory_space<hbm>> -> memref<1x1x128xi32, #tpu.memory_space<hbm>>
      %dma_start3A_370 = tpu.memref_squeeze %dma_start3A_369 : memref<1x1x128xi32, #tpu.memory_space<hbm>> -> memref<128xi32, #tpu.memory_space<hbm>>
      tpu.enqueue_dma source(%dma_start3A_370 : memref<128xi32, #tpu.memory_space<hbm>>) target(%dma_start3A_367 : memref<128xi32, #tpu.memory_space<vmem>>) target_semaphore(%arg8 : memref<!tpu.dma_semaphore, #tpu.memory_space<semaphore_mem>>)
      %mul3A_371 = arith.constant 5 : i32
      %mul3A_372 = arith.muli %scan3A_310, %mul3A_371 : i32
      %add3A_373 = arith.addi %mul3A_2, %mul3A_372 : i32
      %add3A_374 = arith.constant 1 : i32
      %add3A_375 = arith.addi %add3A_373, %add3A_374 : i32
      %jit3A_376 = arith.constant 128 : i32
      %div3A_377 = arith.divsi %add3A_375, %jit3A_376 : i32
      %sign3A_378 = arith.constant 0 : i32
      %sign3A_379 = arith.cmpi sgt, %add3A_375, %sign3A_378 : i32
      %sign3A_380 = arith.extui %sign3A_379 : i1 to i32
      %sign3A_381 = arith.constant 0 : i32
      %sign3A_382 = arith.cmpi slt, %add3A_375, %sign3A_381 : i32
      %sign3A_383 = arith.extui %sign3A_382 : i1 to i32
      %sign3A_384 = arith.subi %sign3A_380, %sign3A_383 : i32
      %sign3A_385 = arith.constant 0 : i32
      %sign3A_386 = arith.cmpi sgt, %jit3A_376, %sign3A_385 : i32
      %sign3A_387 = arith.extui %sign3A_386 : i1 to i32
      %sign3A_388 = arith.constant 0 : i32
      %sign3A_389 = arith.cmpi slt, %jit3A_376, %sign3A_388 : i32
      %sign3A_390 = arith.extui %sign3A_389 : i1 to i32
      %sign3A_391 = arith.subi %sign3A_387, %sign3A_390 : i32
      %ne3A_392 = arith.cmpi ne, %sign3A_384, %sign3A_391 : i32
      %rem3A_393 = arith.remsi %add3A_375, %jit3A_376 : i32
      %ne3A_394 = arith.constant 0 : i32
      %ne3A_395 = arith.cmpi ne, %rem3A_393, %ne3A_394 : i32
      %and3A_396 = arith.andi %ne3A_392, %ne3A_395 : i1
      %sub3A_397 = arith.constant 1 : i32
      %sub3A_398 = arith.subi %div3A_377, %sub3A_397 : i32
      %select_n3A_399 = arith.select %and3A_396, %sub3A_398, %div3A_377 : i32
      %jit3A_400 = arith.constant 128 : i32
      %eq3A_401 = arith.constant 0 : i32
      %eq3A_402 = arith.cmpi eq, %jit3A_400, %eq3A_401 : i32
      %jit3A_403 = arith.constant 1 : i32
      %select_n3A_404 = arith.select %eq3A_402, %jit3A_403, %jit3A_400 : i32
      %rem3A_405 = arith.remsi %add3A_375, %select_n3A_404 : i32
      %ne3A_406 = arith.constant 0 : i32
      %ne3A_407 = arith.cmpi ne, %rem3A_405, %ne3A_406 : i32
      %lt3A_408 = arith.constant 0 : i32
      %lt3A_409 = arith.cmpi slt, %rem3A_405, %lt3A_408 : i32
      %lt3A_410 = arith.constant 0 : i32
      %lt3A_411 = arith.cmpi slt, %select_n3A_404, %lt3A_410 : i32
      %ne3A_412 = arith.xori %lt3A_409, %lt3A_411 : i1
      %and3A_413 = arith.andi %ne3A_412, %ne3A_407 : i1
      %add3A_414 = arith.addi %rem3A_405, %select_n3A_404 : i32
      %select_n3A_415 = arith.select %and3A_413, %add3A_414, %rem3A_405 : i32
      %gt3A_416 = arith.constant 0 : i32
      %gt3A_417 = arith.cmpi sgt, %scan3A_310, %gt3A_416 : i32
      %convert_element_type3A_418 = arith.extui %gt3A_417 : i1 to i32
      %cond3A_419 = arith.constant 0 : i32
      %cond3A_420 = arith.cmpi ne, %convert_element_type3A_418, %cond3A_419 : i32
      scf.if %cond3A_420 {
        %dma_wait3A_1993 = arith.constant 1 : i32
        %dma_wait3A_1994 = arith.constant 0 : i32
        %dma_wait3A_1995 = arith.constant 0 : i32
        %dma_wait3A_1996 = arith.constant 0 : i32
        %dma_wait3A_1997 = tpu.memref_slice %arg7[%dma_wait3A_1993, %dma_wait3A_1995, %dma_wait3A_1996] : memref<5x64x129xf32, #tpu.memory_space<vmem>> -> memref<1x64x128xf32, #tpu.memory_space<vmem>>
        %dma_wait3A_1998 = tpu.memref_squeeze %dma_wait3A_1997 : memref<1x64x128xf32, #tpu.memory_space<vmem>> -> memref<64x128xf32, #tpu.memory_space<vmem>>
        %dma_wait3A_1999 = arith.constant 0 : i32
        %dma_wait3A_2000 = arith.constant 0 : i32
        %dma_wait3A_2001 = tpu.memref_slice %arg4[%select_n3A_399, %dma_wait3A_1994, %select_n3A_415, %dma_wait3A_1999, %dma_wait3A_2000] : memref<50x8x128x8x128xf32, #tpu.memory_space<hbm>> -> memref<1x1x1x8x128xf32, #tpu.memory_space<hbm>>
        %dma_wait3A_2002 = tpu.memref_squeeze %dma_wait3A_2001 : memref<1x1x1x8x128xf32, #tpu.memory_space<hbm>> -> memref<8x128xf32, #tpu.memory_space<hbm>>
        %dma_wait3A_2003 = arith.constant 0 : i32
        %dma_wait3A_2004 = arith.constant 0 : i32
        %dma_wait3A_2005 = tpu.memref_slice %arg4[%select_n3A_399, %dma_wait3A_1994, %select_n3A_415, %dma_wait3A_2003, %dma_wait3A_2004] : memref<50x8x128x8x128xf32, #tpu.memory_space<hbm>> -> memref<1x1x1x8x128xf32, #tpu.memory_space<hbm>>
        %dma_wait3A_2006 = tpu.memref_squeeze %dma_wait3A_2005 : memref<1x1x1x8x128xf32, #tpu.memory_space<hbm>> -> memref<8x128xf32, #tpu.memory_space<hbm>>
        %dma_wait3A_2007 = arith.constant 0 : i32
        %dma_wait3A_2008 = arith.constant 0 : i32
        %dma_wait3A_2009 = tpu.memref_slice %arg7[%dma_wait3A_1993, %dma_wait3A_2007, %dma_wait3A_2008] : memref<5x64x129xf32, #tpu.memory_space<vmem>> -> memref<1x64x128xf32, #tpu.memory_space<vmem>>
        %dma_wait3A_2010 = tpu.memref_squeeze %dma_wait3A_2009 : memref<1x64x128xf32, #tpu.memory_space<vmem>> -> memref<64x128xf32, #tpu.memory_space<vmem>>
        tpu.wait_dma2 semaphore(%arg10 : memref<!tpu.dma_semaphore, #tpu.memory_space<semaphore_mem>>) src(%dma_wait3A_2010 : memref<64x128xf32, #tpu.memory_space<vmem>>) dst(%dma_wait3A_2006 : memref<8x128xf32, #tpu.memory_space<hbm>>)
      } else {
      }
      %dma_start3A_421 = arith.constant 1 : i32
      %dma_start3A_422 = arith.constant 0 : i32
      %dma_start3A_423 = tpu.memref_slice %arg5[%dma_start3A_421, %dma_start3A_422] : memref<5x128xi32, #tpu.memory_space<vmem>> -> memref<1x128xi32, #tpu.memory_space<vmem>>
      %dma_start3A_424 = tpu.memref_squeeze %dma_start3A_423 : memref<1x128xi32, #tpu.memory_space<vmem>> -> memref<128xi32, #tpu.memory_space<vmem>>
      %dma_start3A_425 = arith.constant 0 : i32
      %dma_start3A_426 = tpu.memref_slice %arg2[%select_n3A_399, %select_n3A_415, %dma_start3A_425] : memref<50x128x128xi32, #tpu.memory_space<hbm>> -> memref<1x1x128xi32, #tpu.memory_space<hbm>>
      %dma_start3A_427 = tpu.memref_squeeze %dma_start3A_426 : memref<1x1x128xi32, #tpu.memory_space<hbm>> -> memref<128xi32, #tpu.memory_space<hbm>>
      %dma_start3A_428 = arith.constant 0 : i32
      %dma_start3A_429 = tpu.memref_slice %arg5[%dma_start3A_421, %dma_start3A_428] : memref<5x128xi32, #tpu.memory_space<vmem>> -> memref<1x128xi32, #tpu.memory_space<vmem>>
      %dma_start3A_430 = tpu.memref_squeeze %dma_start3A_429 : memref<1x128xi32, #tpu.memory_space<vmem>> -> memref<128xi32, #tpu.memory_space<vmem>>
      %dma_start3A_431 = arith.constant 0 : i32
      %dma_start3A_432 = tpu.memref_slice %arg2[%select_n3A_399, %select_n3A_415, %dma_start3A_431] : memref<50x128x128xi32, #tpu.memory_space<hbm>> -> memref<1x1x128xi32, #tpu.memory_space<hbm>>
      %dma_start3A_433 = tpu.memref_squeeze %dma_start3A_432 : memref<1x1x128xi32, #tpu.memory_space<hbm>> -> memref<128xi32, #tpu.memory_space<hbm>>
      tpu.enqueue_dma source(%dma_start3A_433 : memref<128xi32, #tpu.memory_space<hbm>>) target(%dma_start3A_430 : memref<128xi32, #tpu.memory_space<vmem>>) target_semaphore(%arg8 : memref<!tpu.dma_semaphore, #tpu.memory_space<semaphore_mem>>)
      %mul3A_434 = arith.constant 5 : i32
      %mul3A_435 = arith.muli %scan3A_310, %mul3A_434 : i32
      %add3A_436 = arith.addi %mul3A_2, %mul3A_435 : i32
      %add3A_437 = arith.constant 2 : i32
      %add3A_438 = arith.addi %add3A_436, %add3A_437 : i32
      %jit3A_439 = arith.constant 128 : i32
      %div3A_440 = arith.divsi %add3A_438, %jit3A_439 : i32
      %sign3A_441 = arith.constant 0 : i32
      %sign3A_442 = arith.cmpi sgt, %add3A_438, %sign3A_441 : i32
      %sign3A_443 = arith.extui %sign3A_442 : i1 to i32
      %sign3A_444 = arith.constant 0 : i32
      %sign3A_445 = arith.cmpi slt, %add3A_438, %sign3A_444 : i32
      %sign3A_446 = arith.extui %sign3A_445 : i1 to i32
      %sign3A_447 = arith.subi %sign3A_443, %sign3A_446 : i32
      %sign3A_448 = arith.constant 0 : i32
      %sign3A_449 = arith.cmpi sgt, %jit3A_439, %sign3A_448 : i32
      %sign3A_450 = arith.extui %sign3A_449 : i1 to i32
      %sign3A_451 = arith.constant 0 : i32
      %sign3A_452 = arith.cmpi slt, %jit3A_439, %sign3A_451 : i32
      %sign3A_453 = arith.extui %sign3A_452 : i1 to i32
      %sign3A_454 = arith.subi %sign3A_450, %sign3A_453 : i32
      %ne3A_455 = arith.cmpi ne, %sign3A_447, %sign3A_454 : i32
      %rem3A_456 = arith.remsi %add3A_438, %jit3A_439 : i32
      %ne3A_457 = arith.constant 0 : i32
      %ne3A_458 = arith.cmpi ne, %rem3A_456, %ne3A_457 : i32
      %and3A_459 = arith.andi %ne3A_455, %ne3A_458 : i1
      %sub3A_460 = arith.constant 1 : i32
      %sub3A_461 = arith.subi %div3A_440, %sub3A_460 : i32
      %select_n3A_462 = arith.select %and3A_459, %sub3A_461, %div3A_440 : i32
      %jit3A_463 = arith.constant 128 : i32
      %eq3A_464 = arith.constant 0 : i32
      %eq3A_465 = arith.cmpi eq, %jit3A_463, %eq3A_464 : i32
      %jit3A_466 = arith.constant 1 : i32
      %select_n3A_467 = arith.select %eq3A_465, %jit3A_466, %jit3A_463 : i32
      %rem3A_468 = arith.remsi %add3A_438, %select_n3A_467 : i32
      %ne3A_469 = arith.constant 0 : i32
      %ne3A_470 = arith.cmpi ne, %rem3A_468, %ne3A_469 : i32
      %lt3A_471 = arith.constant 0 : i32
      %lt3A_472 = arith.cmpi slt, %rem3A_468, %lt3A_471 : i32
      %lt3A_473 = arith.constant 0 : i32
      %lt3A_474 = arith.cmpi slt, %select_n3A_467, %lt3A_473 : i32
      %ne3A_475 = arith.xori %lt3A_472, %lt3A_474 : i1
      %and3A_476 = arith.andi %ne3A_475, %ne3A_470 : i1
      %add3A_477 = arith.addi %rem3A_468, %select_n3A_467 : i32
      %select_n3A_478 = arith.select %and3A_476, %add3A_477, %rem3A_468 : i32
      %gt3A_479 = arith.constant 0 : i32
      %gt3A_480 = arith.cmpi sgt, %scan3A_310, %gt3A_479 : i32
      %convert_element_type3A_481 = arith.extui %gt3A_480 : i1 to i32
      %cond3A_482 = arith.constant 0 : i32
      %cond3A_483 = arith.cmpi ne, %convert_element_type3A_481, %cond3A_482 : i32
      scf.if %cond3A_483 {
        %dma_wait3A_1993 = arith.constant 2 : i32
        %dma_wait3A_1994 = arith.constant 0 : i32
        %dma_wait3A_1995 = arith.constant 0 : i32
        %dma_wait3A_1996 = arith.constant 0 : i32
        %dma_wait3A_1997 = tpu.memref_slice %arg7[%dma_wait3A_1993, %dma_wait3A_1995, %dma_wait3A_1996] : memref<5x64x129xf32, #tpu.memory_space<vmem>> -> memref<1x64x128xf32, #tpu.memory_space<vmem>>
        %dma_wait3A_1998 = tpu.memref_squeeze %dma_wait3A_1997 : memref<1x64x128xf32, #tpu.memory_space<vmem>> -> memref<64x128xf32, #tpu.memory_space<vmem>>
        %dma_wait3A_1999 = arith.constant 0 : i32
        %dma_wait3A_2000 = arith.constant 0 : i32
        %dma_wait3A_2001 = tpu.memref_slice %arg4[%select_n3A_462, %dma_wait3A_1994, %select_n3A_478, %dma_wait3A_1999, %dma_wait3A_2000] : memref<50x8x128x8x128xf32, #tpu.memory_space<hbm>> -> memref<1x1x1x8x128xf32, #tpu.memory_space<hbm>>
        %dma_wait3A_2002 = tpu.memref_squeeze %dma_wait3A_2001 : memref<1x1x1x8x128xf32, #tpu.memory_space<hbm>> -> memref<8x128xf32, #tpu.memory_space<hbm>>
        %dma_wait3A_2003 = arith.constant 0 : i32
        %dma_wait3A_2004 = arith.constant 0 : i32
        %dma_wait3A_2005 = tpu.memref_slice %arg4[%select_n3A_462, %dma_wait3A_1994, %select_n3A_478, %dma_wait3A_2003, %dma_wait3A_2004] : memref<50x8x128x8x128xf32, #tpu.memory_space<hbm>> -> memref<1x1x1x8x128xf32, #tpu.memory_space<hbm>>
        %dma_wait3A_2006 = tpu.memref_squeeze %dma_wait3A_2005 : memref<1x1x1x8x128xf32, #tpu.memory_space<hbm>> -> memref<8x128xf32, #tpu.memory_space<hbm>>
        %dma_wait3A_2007 = arith.constant 0 : i32
        %dma_wait3A_2008 = arith.constant 0 : i32
        %dma_wait3A_2009 = tpu.memref_slice %arg7[%dma_wait3A_1993, %dma_wait3A_2007, %dma_wait3A_2008] : memref<5x64x129xf32, #tpu.memory_space<vmem>> -> memref<1x64x128xf32, #tpu.memory_space<vmem>>
        %dma_wait3A_2010 = tpu.memref_squeeze %dma_wait3A_2009 : memref<1x64x128xf32, #tpu.memory_space<vmem>> -> memref<64x128xf32, #tpu.memory_space<vmem>>
        tpu.wait_dma2 semaphore(%arg10 : memref<!tpu.dma_semaphore, #tpu.memory_space<semaphore_mem>>) src(%dma_wait3A_2010 : memref<64x128xf32, #tpu.memory_space<vmem>>) dst(%dma_wait3A_2006 : memref<8x128xf32, #tpu.memory_space<hbm>>)
      } else {
      }
      %dma_start3A_484 = arith.constant 2 : i32
      %dma_start3A_485 = arith.constant 0 : i32
      %dma_start3A_486 = tpu.memref_slice %arg5[%dma_start3A_484, %dma_start3A_485] : memref<5x128xi32, #tpu.memory_space<vmem>> -> memref<1x128xi32, #tpu.memory_space<vmem>>
      %dma_start3A_487 = tpu.memref_squeeze %dma_start3A_486 : memref<1x128xi32, #tpu.memory_space<vmem>> -> memref<128xi32, #tpu.memory_space<vmem>>
      %dma_start3A_488 = arith.constant 0 : i32
      %dma_start3A_489 = tpu.memref_slice %arg2[%select_n3A_462, %select_n3A_478, %dma_start3A_488] : memref<50x128x128xi32, #tpu.memory_space<hbm>> -> memref<1x1x128xi32, #tpu.memory_space<hbm>>
      %dma_start3A_490 = tpu.memref_squeeze %dma_start3A_489 : memref<1x1x128xi32, #tpu.memory_space<hbm>> -> memref<128xi32, #tpu.memory_space<hbm>>
      %dma_start3A_491 = arith.constant 0 : i32
      %dma_start3A_492 = tpu.memref_slice %arg5[%dma_start3A_484, %dma_start3A_491] : memref<5x128xi32, #tpu.memory_space<vmem>> -> memref<1x128xi32, #tpu.memory_space<vmem>>
      %dma_start3A_493 = tpu.memref_squeeze %dma_start3A_492 : memref<1x128xi32, #tpu.memory_space<vmem>> -> memref<128xi32, #tpu.memory_space<vmem>>
      %dma_start3A_494 = arith.constant 0 : i32
      %dma_start3A_495 = tpu.memref_slice %arg2[%select_n3A_462, %select_n3A_478, %dma_start3A_494] : memref<50x128x128xi32, #tpu.memory_space<hbm>> -> memref<1x1x128xi32, #tpu.memory_space<hbm>>
      %dma_start3A_496 = tpu.memref_squeeze %dma_start3A_495 : memref<1x1x128xi32, #tpu.memory_space<hbm>> -> memref<128xi32, #tpu.memory_space<hbm>>
      tpu.enqueue_dma source(%dma_start3A_496 : memref<128xi32, #tpu.memory_space<hbm>>) target(%dma_start3A_493 : memref<128xi32, #tpu.memory_space<vmem>>) target_semaphore(%arg8 : memref<!tpu.dma_semaphore, #tpu.memory_space<semaphore_mem>>)
      %mul3A_497 = arith.constant 5 : i32
      %mul3A_498 = arith.muli %scan3A_310, %mul3A_497 : i32
      %add3A_499 = arith.addi %mul3A_2, %mul3A_498 : i32
      %add3A_500 = arith.constant 3 : i32
      %add3A_501 = arith.addi %add3A_499, %add3A_500 : i32
      %jit3A_502 = arith.constant 128 : i32
      %div3A_503 = arith.divsi %add3A_501, %jit3A_502 : i32
      %sign3A_504 = arith.constant 0 : i32
      %sign3A_505 = arith.cmpi sgt, %add3A_501, %sign3A_504 : i32
      %sign3A_506 = arith.extui %sign3A_505 : i1 to i32
      %sign3A_507 = arith.constant 0 : i32
      %sign3A_508 = arith.cmpi slt, %add3A_501, %sign3A_507 : i32
      %sign3A_509 = arith.extui %sign3A_508 : i1 to i32
      %sign3A_510 = arith.subi %sign3A_506, %sign3A_509 : i32
      %sign3A_511 = arith.constant 0 : i32
      %sign3A_512 = arith.cmpi sgt, %jit3A_502, %sign3A_511 : i32
      %sign3A_513 = arith.extui %sign3A_512 : i1 to i32
      %sign3A_514 = arith.constant 0 : i32
      %sign3A_515 = arith.cmpi slt, %jit3A_502, %sign3A_514 : i32
      %sign3A_516 = arith.extui %sign3A_515 : i1 to i32
      %sign3A_517 = arith.subi %sign3A_513, %sign3A_516 : i32
      %ne3A_518 = arith.cmpi ne, %sign3A_510, %sign3A_517 : i32
      %rem3A_519 = arith.remsi %add3A_501, %jit3A_502 : i32
      %ne3A_520 = arith.constant 0 : i32
      %ne3A_521 = arith.cmpi ne, %rem3A_519, %ne3A_520 : i32
      %and3A_522 = arith.andi %ne3A_518, %ne3A_521 : i1
      %sub3A_523 = arith.constant 1 : i32
      %sub3A_524 = arith.subi %div3A_503, %sub3A_523 : i32
      %select_n3A_525 = arith.select %and3A_522, %sub3A_524, %div3A_503 : i32
      %jit3A_526 = arith.constant 128 : i32
      %eq3A_527 = arith.constant 0 : i32
      %eq3A_528 = arith.cmpi eq, %jit3A_526, %eq3A_527 : i32
      %jit3A_529 = arith.constant 1 : i32
      %select_n3A_530 = arith.select %eq3A_528, %jit3A_529, %jit3A_526 : i32
      %rem3A_531 = arith.remsi %add3A_501, %select_n3A_530 : i32
      %ne3A_532 = arith.constant 0 : i32
      %ne3A_533 = arith.cmpi ne, %rem3A_531, %ne3A_532 : i32
      %lt3A_534 = arith.constant 0 : i32
      %lt3A_535 = arith.cmpi slt, %rem3A_531, %lt3A_534 : i32
      %lt3A_536 = arith.constant 0 : i32
      %lt3A_537 = arith.cmpi slt, %select_n3A_530, %lt3A_536 : i32
      %ne3A_538 = arith.xori %lt3A_535, %lt3A_537 : i1
      %and3A_539 = arith.andi %ne3A_538, %ne3A_533 : i1
      %add3A_540 = arith.addi %rem3A_531, %select_n3A_530 : i32
      %select_n3A_541 = arith.select %and3A_539, %add3A_540, %rem3A_531 : i32
      %gt3A_542 = arith.constant 0 : i32
      %gt3A_543 = arith.cmpi sgt, %scan3A_310, %gt3A_542 : i32
      %convert_element_type3A_544 = arith.extui %gt3A_543 : i1 to i32
      %cond3A_545 = arith.constant 0 : i32
      %cond3A_546 = arith.cmpi ne, %convert_element_type3A_544, %cond3A_545 : i32
      scf.if %cond3A_546 {
        %dma_wait3A_1993 = arith.constant 3 : i32
        %dma_wait3A_1994 = arith.constant 0 : i32
        %dma_wait3A_1995 = arith.constant 0 : i32
        %dma_wait3A_1996 = arith.constant 0 : i32
        %dma_wait3A_1997 = tpu.memref_slice %arg7[%dma_wait3A_1993, %dma_wait3A_1995, %dma_wait3A_1996] : memref<5x64x129xf32, #tpu.memory_space<vmem>> -> memref<1x64x128xf32, #tpu.memory_space<vmem>>
        %dma_wait3A_1998 = tpu.memref_squeeze %dma_wait3A_1997 : memref<1x64x128xf32, #tpu.memory_space<vmem>> -> memref<64x128xf32, #tpu.memory_space<vmem>>
        %dma_wait3A_1999 = arith.constant 0 : i32
        %dma_wait3A_2000 = arith.constant 0 : i32
        %dma_wait3A_2001 = tpu.memref_slice %arg4[%select_n3A_525, %dma_wait3A_1994, %select_n3A_541, %dma_wait3A_1999, %dma_wait3A_2000] : memref<50x8x128x8x128xf32, #tpu.memory_space<hbm>> -> memref<1x1x1x8x128xf32, #tpu.memory_space<hbm>>
        %dma_wait3A_2002 = tpu.memref_squeeze %dma_wait3A_2001 : memref<1x1x1x8x128xf32, #tpu.memory_space<hbm>> -> memref<8x128xf32, #tpu.memory_space<hbm>>
        %dma_wait3A_2003 = arith.constant 0 : i32
        %dma_wait3A_2004 = arith.constant 0 : i32
        %dma_wait3A_2005 = tpu.memref_slice %arg4[%select_n3A_525, %dma_wait3A_1994, %select_n3A_541, %dma_wait3A_2003, %dma_wait3A_2004] : memref<50x8x128x8x128xf32, #tpu.memory_space<hbm>> -> memref<1x1x1x8x128xf32, #tpu.memory_space<hbm>>
        %dma_wait3A_2006 = tpu.memref_squeeze %dma_wait3A_2005 : memref<1x1x1x8x128xf32, #tpu.memory_space<hbm>> -> memref<8x128xf32, #tpu.memory_space<hbm>>
        %dma_wait3A_2007 = arith.constant 0 : i32
        %dma_wait3A_2008 = arith.constant 0 : i32
        %dma_wait3A_2009 = tpu.memref_slice %arg7[%dma_wait3A_1993, %dma_wait3A_2007, %dma_wait3A_2008] : memref<5x64x129xf32, #tpu.memory_space<vmem>> -> memref<1x64x128xf32, #tpu.memory_space<vmem>>
        %dma_wait3A_2010 = tpu.memref_squeeze %dma_wait3A_2009 : memref<1x64x128xf32, #tpu.memory_space<vmem>> -> memref<64x128xf32, #tpu.memory_space<vmem>>
        tpu.wait_dma2 semaphore(%arg10 : memref<!tpu.dma_semaphore, #tpu.memory_space<semaphore_mem>>) src(%dma_wait3A_2010 : memref<64x128xf32, #tpu.memory_space<vmem>>) dst(%dma_wait3A_2006 : memref<8x128xf32, #tpu.memory_space<hbm>>)
      } else {
      }
      %dma_start3A_547 = arith.constant 3 : i32
      %dma_start3A_548 = arith.constant 0 : i32
      %dma_start3A_549 = tpu.memref_slice %arg5[%dma_start3A_547, %dma_start3A_548] : memref<5x128xi32, #tpu.memory_space<vmem>> -> memref<1x128xi32, #tpu.memory_space<vmem>>
      %dma_start3A_550 = tpu.memref_squeeze %dma_start3A_549 : memref<1x128xi32, #tpu.memory_space<vmem>> -> memref<128xi32, #tpu.memory_space<vmem>>
      %dma_start3A_551 = arith.constant 0 : i32
      %dma_start3A_552 = tpu.memref_slice %arg2[%select_n3A_525, %select_n3A_541, %dma_start3A_551] : memref<50x128x128xi32, #tpu.memory_space<hbm>> -> memref<1x1x128xi32, #tpu.memory_space<hbm>>
      %dma_start3A_553 = tpu.memref_squeeze %dma_start3A_552 : memref<1x1x128xi32, #tpu.memory_space<hbm>> -> memref<128xi32, #tpu.memory_space<hbm>>
      %dma_start3A_554 = arith.constant 0 : i32
      %dma_start3A_555 = tpu.memref_slice %arg5[%dma_start3A_547, %dma_start3A_554] : memref<5x128xi32, #tpu.memory_space<vmem>> -> memref<1x128xi32, #tpu.memory_space<vmem>>
      %dma_start3A_556 = tpu.memref_squeeze %dma_start3A_555 : memref<1x128xi32, #tpu.memory_space<vmem>> -> memref<128xi32, #tpu.memory_space<vmem>>
      %dma_start3A_557 = arith.constant 0 : i32
      %dma_start3A_558 = tpu.memref_slice %arg2[%select_n3A_525, %select_n3A_541, %dma_start3A_557] : memref<50x128x128xi32, #tpu.memory_space<hbm>> -> memref<1x1x128xi32, #tpu.memory_space<hbm>>
      %dma_start3A_559 = tpu.memref_squeeze %dma_start3A_558 : memref<1x1x128xi32, #tpu.memory_space<hbm>> -> memref<128xi32, #tpu.memory_space<hbm>>
      tpu.enqueue_dma source(%dma_start3A_559 : memref<128xi32, #tpu.memory_space<hbm>>) target(%dma_start3A_556 : memref<128xi32, #tpu.memory_space<vmem>>) target_semaphore(%arg8 : memref<!tpu.dma_semaphore, #tpu.memory_space<semaphore_mem>>)
      %mul3A_560 = arith.constant 5 : i32
      %mul3A_561 = arith.muli %scan3A_310, %mul3A_560 : i32
      %add3A_562 = arith.addi %mul3A_2, %mul3A_561 : i32
      %add3A_563 = arith.constant 4 : i32
      %add3A_564 = arith.addi %add3A_562, %add3A_563 : i32
      %jit3A_565 = arith.constant 128 : i32
      %div3A_566 = arith.divsi %add3A_564, %jit3A_565 : i32
      %sign3A_567 = arith.constant 0 : i32
      %sign3A_568 = arith.cmpi sgt, %add3A_564, %sign3A_567 : i32
      %sign3A_569 = arith.extui %sign3A_568 : i1 to i32
      %sign3A_570 = arith.constant 0 : i32
      %sign3A_571 = arith.cmpi slt, %add3A_564, %sign3A_570 : i32
      %sign3A_572 = arith.extui %sign3A_571 : i1 to i32
      %sign3A_573 = arith.subi %sign3A_569, %sign3A_572 : i32
      %sign3A_574 = arith.constant 0 : i32
      %sign3A_575 = arith.cmpi sgt, %jit3A_565, %sign3A_574 : i32
      %sign3A_576 = arith.extui %sign3A_575 : i1 to i32
      %sign3A_577 = arith.constant 0 : i32
      %sign3A_578 = arith.cmpi slt, %jit3A_565, %sign3A_577 : i32
      %sign3A_579 = arith.extui %sign3A_578 : i1 to i32
      %sign3A_580 = arith.subi %sign3A_576, %sign3A_579 : i32
      %ne3A_581 = arith.cmpi ne, %sign3A_573, %sign3A_580 : i32
      %rem3A_582 = arith.remsi %add3A_564, %jit3A_565 : i32
      %ne3A_583 = arith.constant 0 : i32
      %ne3A_584 = arith.cmpi ne, %rem3A_582, %ne3A_583 : i32
      %and3A_585 = arith.andi %ne3A_581, %ne3A_584 : i1
      %sub3A_586 = arith.constant 1 : i32
      %sub3A_587 = arith.subi %div3A_566, %sub3A_586 : i32
      %select_n3A_588 = arith.select %and3A_585, %sub3A_587, %div3A_566 : i32
      %jit3A_589 = arith.constant 128 : i32
      %eq3A_590 = arith.constant 0 : i32
      %eq3A_591 = arith.cmpi eq, %jit3A_589, %eq3A_590 : i32
      %jit3A_592 = arith.constant 1 : i32
      %select_n3A_593 = arith.select %eq3A_591, %jit3A_592, %jit3A_589 : i32
      %rem3A_594 = arith.remsi %add3A_564, %select_n3A_593 : i32
      %ne3A_595 = arith.constant 0 : i32
      %ne3A_596 = arith.cmpi ne, %rem3A_594, %ne3A_595 : i32
      %lt3A_597 = arith.constant 0 : i32
      %lt3A_598 = arith.cmpi slt, %rem3A_594, %lt3A_597 : i32
      %lt3A_599 = arith.constant 0 : i32
      %lt3A_600 = arith.cmpi slt, %select_n3A_593, %lt3A_599 : i32
      %ne3A_601 = arith.xori %lt3A_598, %lt3A_600 : i1
      %and3A_602 = arith.andi %ne3A_601, %ne3A_596 : i1
      %add3A_603 = arith.addi %rem3A_594, %select_n3A_593 : i32
      %select_n3A_604 = arith.select %and3A_602, %add3A_603, %rem3A_594 : i32
      %gt3A_605 = arith.constant 0 : i32
      %gt3A_606 = arith.cmpi sgt, %scan3A_310, %gt3A_605 : i32
      %convert_element_type3A_607 = arith.extui %gt3A_606 : i1 to i32
      %cond3A_608 = arith.constant 0 : i32
      %cond3A_609 = arith.cmpi ne, %convert_element_type3A_607, %cond3A_608 : i32
      scf.if %cond3A_609 {
        %dma_wait3A_1993 = arith.constant 4 : i32
        %dma_wait3A_1994 = arith.constant 0 : i32
        %dma_wait3A_1995 = arith.constant 0 : i32
        %dma_wait3A_1996 = arith.constant 0 : i32
        %dma_wait3A_1997 = tpu.memref_slice %arg7[%dma_wait3A_1993, %dma_wait3A_1995, %dma_wait3A_1996] : memref<5x64x129xf32, #tpu.memory_space<vmem>> -> memref<1x64x128xf32, #tpu.memory_space<vmem>>
        %dma_wait3A_1998 = tpu.memref_squeeze %dma_wait3A_1997 : memref<1x64x128xf32, #tpu.memory_space<vmem>> -> memref<64x128xf32, #tpu.memory_space<vmem>>
        %dma_wait3A_1999 = arith.constant 0 : i32
        %dma_wait3A_2000 = arith.constant 0 : i32
        %dma_wait3A_2001 = tpu.memref_slice %arg4[%select_n3A_588, %dma_wait3A_1994, %select_n3A_604, %dma_wait3A_1999, %dma_wait3A_2000] : memref<50x8x128x8x128xf32, #tpu.memory_space<hbm>> -> memref<1x1x1x8x128xf32, #tpu.memory_space<hbm>>
        %dma_wait3A_2002 = tpu.memref_squeeze %dma_wait3A_2001 : memref<1x1x1x8x128xf32, #tpu.memory_space<hbm>> -> memref<8x128xf32, #tpu.memory_space<hbm>>
        %dma_wait3A_2003 = arith.constant 0 : i32
        %dma_wait3A_2004 = arith.constant 0 : i32
        %dma_wait3A_2005 = tpu.memref_slice %arg4[%select_n3A_588, %dma_wait3A_1994, %select_n3A_604, %dma_wait3A_2003, %dma_wait3A_2004] : memref<50x8x128x8x128xf32, #tpu.memory_space<hbm>> -> memref<1x1x1x8x128xf32, #tpu.memory_space<hbm>>
        %dma_wait3A_2006 = tpu.memref_squeeze %dma_wait3A_2005 : memref<1x1x1x8x128xf32, #tpu.memory_space<hbm>> -> memref<8x128xf32, #tpu.memory_space<hbm>>
        %dma_wait3A_2007 = arith.constant 0 : i32
        %dma_wait3A_2008 = arith.constant 0 : i32
        %dma_wait3A_2009 = tpu.memref_slice %arg7[%dma_wait3A_1993, %dma_wait3A_2007, %dma_wait3A_2008] : memref<5x64x129xf32, #tpu.memory_space<vmem>> -> memref<1x64x128xf32, #tpu.memory_space<vmem>>
        %dma_wait3A_2010 = tpu.memref_squeeze %dma_wait3A_2009 : memref<1x64x128xf32, #tpu.memory_space<vmem>> -> memref<64x128xf32, #tpu.memory_space<vmem>>
        tpu.wait_dma2 semaphore(%arg10 : memref<!tpu.dma_semaphore, #tpu.memory_space<semaphore_mem>>) src(%dma_wait3A_2010 : memref<64x128xf32, #tpu.memory_space<vmem>>) dst(%dma_wait3A_2006 : memref<8x128xf32, #tpu.memory_space<hbm>>)
      } else {
      }
      %dma_start3A_610 = arith.constant 4 : i32
      %dma_start3A_611 = arith.constant 0 : i32
      %dma_start3A_612 = tpu.memref_slice %arg5[%dma_start3A_610, %dma_start3A_611] : memref<5x128xi32, #tpu.memory_space<vmem>> -> memref<1x128xi32, #tpu.memory_space<vmem>>
      %dma_start3A_613 = tpu.memref_squeeze %dma_start3A_612 : memref<1x128xi32, #tpu.memory_space<vmem>> -> memref<128xi32, #tpu.memory_space<vmem>>
      %dma_start3A_614 = arith.constant 0 : i32
      %dma_start3A_615 = tpu.memref_slice %arg2[%select_n3A_588, %select_n3A_604, %dma_start3A_614] : memref<50x128x128xi32, #tpu.memory_space<hbm>> -> memref<1x1x128xi32, #tpu.memory_space<hbm>>
      %dma_start3A_616 = tpu.memref_squeeze %dma_start3A_615 : memref<1x1x128xi32, #tpu.memory_space<hbm>> -> memref<128xi32, #tpu.memory_space<hbm>>
      %dma_start3A_617 = arith.constant 0 : i32
      %dma_start3A_618 = tpu.memref_slice %arg5[%dma_start3A_610, %dma_start3A_617] : memref<5x128xi32, #tpu.memory_space<vmem>> -> memref<1x128xi32, #tpu.memory_space<vmem>>
      %dma_start3A_619 = tpu.memref_squeeze %dma_start3A_618 : memref<1x128xi32, #tpu.memory_space<vmem>> -> memref<128xi32, #tpu.memory_space<vmem>>
      %dma_start3A_620 = arith.constant 0 : i32
      %dma_start3A_621 = tpu.memref_slice %arg2[%select_n3A_588, %select_n3A_604, %dma_start3A_620] : memref<50x128x128xi32, #tpu.memory_space<hbm>> -> memref<1x1x128xi32, #tpu.memory_space<hbm>>
      %dma_start3A_622 = tpu.memref_squeeze %dma_start3A_621 : memref<1x1x128xi32, #tpu.memory_space<hbm>> -> memref<128xi32, #tpu.memory_space<hbm>>
      tpu.enqueue_dma source(%dma_start3A_622 : memref<128xi32, #tpu.memory_space<hbm>>) target(%dma_start3A_619 : memref<128xi32, #tpu.memory_space<vmem>>) target_semaphore(%arg8 : memref<!tpu.dma_semaphore, #tpu.memory_space<semaphore_mem>>)
      %mul3A_623 = arith.constant 5 : i32
      %mul3A_624 = arith.muli %scan3A_310, %mul3A_623 : i32
      %add3A_625 = arith.addi %mul3A_2, %mul3A_624 : i32
      %add3A_626 = arith.constant 0 : i32
      %add3A_627 = arith.addi %add3A_625, %add3A_626 : i32
      %jit3A_628 = arith.constant 128 : i32
      %div3A_629 = arith.divsi %add3A_627, %jit3A_628 : i32
      %sign3A_630 = arith.constant 0 : i32
      %sign3A_631 = arith.cmpi sgt, %add3A_627, %sign3A_630 : i32
      %sign3A_632 = arith.extui %sign3A_631 : i1 to i32
      %sign3A_633 = arith.constant 0 : i32
      %sign3A_634 = arith.cmpi slt, %add3A_627, %sign3A_633 : i32
      %sign3A_635 = arith.extui %sign3A_634 : i1 to i32
      %sign3A_636 = arith.subi %sign3A_632, %sign3A_635 : i32
      %sign3A_637 = arith.constant 0 : i32
      %sign3A_638 = arith.cmpi sgt, %jit3A_628, %sign3A_637 : i32
      %sign3A_639 = arith.extui %sign3A_638 : i1 to i32
      %sign3A_640 = arith.constant 0 : i32
      %sign3A_641 = arith.cmpi slt, %jit3A_628, %sign3A_640 : i32
      %sign3A_642 = arith.extui %sign3A_641 : i1 to i32
      %sign3A_643 = arith.subi %sign3A_639, %sign3A_642 : i32
      %ne3A_644 = arith.cmpi ne, %sign3A_636, %sign3A_643 : i32
      %rem3A_645 = arith.remsi %add3A_627, %jit3A_628 : i32
      %ne3A_646 = arith.constant 0 : i32
      %ne3A_647 = arith.cmpi ne, %rem3A_645, %ne3A_646 : i32
      %and3A_648 = arith.andi %ne3A_644, %ne3A_647 : i1
      %sub3A_649 = arith.constant 1 : i32
      %sub3A_650 = arith.subi %div3A_629, %sub3A_649 : i32
      %select_n3A_651 = arith.select %and3A_648, %sub3A_650, %div3A_629 : i32
      %jit3A_652 = arith.constant 128 : i32
      %eq3A_653 = arith.constant 0 : i32
      %eq3A_654 = arith.cmpi eq, %jit3A_652, %eq3A_653 : i32
      %jit3A_655 = arith.constant 1 : i32
      %select_n3A_656 = arith.select %eq3A_654, %jit3A_655, %jit3A_652 : i32
      %rem3A_657 = arith.remsi %add3A_627, %select_n3A_656 : i32
      %ne3A_658 = arith.constant 0 : i32
      %ne3A_659 = arith.cmpi ne, %rem3A_657, %ne3A_658 : i32
      %lt3A_660 = arith.constant 0 : i32
      %lt3A_661 = arith.cmpi slt, %rem3A_657, %lt3A_660 : i32
      %lt3A_662 = arith.constant 0 : i32
      %lt3A_663 = arith.cmpi slt, %select_n3A_656, %lt3A_662 : i32
      %ne3A_664 = arith.xori %lt3A_661, %lt3A_663 : i1
      %and3A_665 = arith.andi %ne3A_664, %ne3A_659 : i1
      %add3A_666 = arith.addi %rem3A_657, %select_n3A_656 : i32
      %select_n3A_667 = arith.select %and3A_665, %add3A_666, %rem3A_657 : i32
      %dma_wait3A_668 = arith.constant 0 : i32
      %dma_wait3A_669 = arith.constant 0 : i32
      %dma_wait3A_670 = tpu.memref_slice %arg5[%dma_wait3A_668, %dma_wait3A_669] : memref<5x128xi32, #tpu.memory_space<vmem>> -> memref<1x128xi32, #tpu.memory_space<vmem>>
      %dma_wait3A_671 = tpu.memref_squeeze %dma_wait3A_670 : memref<1x128xi32, #tpu.memory_space<vmem>> -> memref<128xi32, #tpu.memory_space<vmem>>
      %dma_wait3A_672 = arith.constant 0 : i32
      %dma_wait3A_673 = tpu.memref_slice %arg2[%select_n3A_651, %select_n3A_667, %dma_wait3A_672] : memref<50x128x128xi32, #tpu.memory_space<hbm>> -> memref<1x1x128xi32, #tpu.memory_space<hbm>>
      %dma_wait3A_674 = tpu.memref_squeeze %dma_wait3A_673 : memref<1x1x128xi32, #tpu.memory_space<hbm>> -> memref<128xi32, #tpu.memory_space<hbm>>
      %dma_wait3A_675 = arith.constant 0 : i32
      %dma_wait3A_676 = tpu.memref_slice %arg5[%dma_wait3A_668, %dma_wait3A_675] : memref<5x128xi32, #tpu.memory_space<vmem>> -> memref<1x128xi32, #tpu.memory_space<vmem>>
      %dma_wait3A_677 = tpu.memref_squeeze %dma_wait3A_676 : memref<1x128xi32, #tpu.memory_space<vmem>> -> memref<128xi32, #tpu.memory_space<vmem>>
      %dma_wait3A_678 = arith.constant 0 : i32
      %dma_wait3A_679 = tpu.memref_slice %arg2[%select_n3A_651, %select_n3A_667, %dma_wait3A_678] : memref<50x128x128xi32, #tpu.memory_space<hbm>> -> memref<1x1x128xi32, #tpu.memory_space<hbm>>
      %dma_wait3A_680 = tpu.memref_squeeze %dma_wait3A_679 : memref<1x1x128xi32, #tpu.memory_space<hbm>> -> memref<128xi32, #tpu.memory_space<hbm>>
      tpu.wait_dma2 semaphore(%arg8 : memref<!tpu.dma_semaphore, #tpu.memory_space<semaphore_mem>>) src(%dma_wait3A_680 : memref<128xi32, #tpu.memory_space<hbm>>) dst(%dma_wait3A_677 : memref<128xi32, #tpu.memory_space<vmem>>)
      %dma_start3A_681 = arith.constant 0 : i32
      %dma_start3A_682 = arith.constant 0 : i32
      %dma_start3A_683 = arith.constant 0 : i32
      %dma_start3A_684 = arith.constant 0 : i32
      %dma_start3A_685 = tpu.memref_slice %arg6[%dma_start3A_682, %dma_start3A_683, %dma_start3A_684] : memref<5x128x64xf32, #tpu.memory_space<vmem>> -> memref<1x128x64xf32, #tpu.memory_space<vmem>>
      %dma_start3A_686 = tpu.memref_squeeze %dma_start3A_685 : memref<1x128x64xf32, #tpu.memory_space<vmem>> -> memref<128x64xf32, #tpu.memory_space<vmem>>
      %dma_start3A_687 = arith.constant 0 : i32
      %dma_start3A_688 = tpu.memref_slice %arg5[%dma_start3A_681, %dma_start3A_687] : memref<5x128xi32, #tpu.memory_space<vmem>> -> memref<1x128xi32, #tpu.memory_space<vmem>>
      %dma_start3A_689 = tpu.memref_squeeze %dma_start3A_688 : memref<1x128xi32, #tpu.memory_space<vmem>> -> memref<128xi32, #tpu.memory_space<vmem>>
      %dma_start3A_690 = arith.constant 0 : i32
      %dma_start3A_691 = arith.constant 0 : i32
      %dma_start3A_692 = tpu.memref_slice %arg3[%dma_start3A_690, %dma_start3A_691] : memref<2000000x64xf32, #tpu.memory_space<hbm>> -> memref<2000000x64xf32, #tpu.memory_space<hbm>>
      tpu.enqueue_indirect_dma source(%dma_start3A_692 : memref<2000000x64xf32, #tpu.memory_space<hbm>>) target(%dma_start3A_686 : memref<128x64xf32, #tpu.memory_space<vmem>>) offsets(%dma_start3A_689 : memref<128xi32, #tpu.memory_space<vmem>>) semaphore(%arg9 : memref<!tpu.dma_semaphore, #tpu.memory_space<semaphore_mem>>)
      %mul3A_693 = arith.constant 5 : i32
      %mul3A_694 = arith.muli %scan3A_310, %mul3A_693 : i32
      %add3A_695 = arith.addi %mul3A_2, %mul3A_694 : i32
      %add3A_696 = arith.constant 1 : i32
      %add3A_697 = arith.addi %add3A_695, %add3A_696 : i32
      %jit3A_698 = arith.constant 128 : i32
      %div3A_699 = arith.divsi %add3A_697, %jit3A_698 : i32
      %sign3A_700 = arith.constant 0 : i32
      %sign3A_701 = arith.cmpi sgt, %add3A_697, %sign3A_700 : i32
      %sign3A_702 = arith.extui %sign3A_701 : i1 to i32
      %sign3A_703 = arith.constant 0 : i32
      %sign3A_704 = arith.cmpi slt, %add3A_697, %sign3A_703 : i32
      %sign3A_705 = arith.extui %sign3A_704 : i1 to i32
      %sign3A_706 = arith.subi %sign3A_702, %sign3A_705 : i32
      %sign3A_707 = arith.constant 0 : i32
      %sign3A_708 = arith.cmpi sgt, %jit3A_698, %sign3A_707 : i32
      %sign3A_709 = arith.extui %sign3A_708 : i1 to i32
      %sign3A_710 = arith.constant 0 : i32
      %sign3A_711 = arith.cmpi slt, %jit3A_698, %sign3A_710 : i32
      %sign3A_712 = arith.extui %sign3A_711 : i1 to i32
      %sign3A_713 = arith.subi %sign3A_709, %sign3A_712 : i32
      %ne3A_714 = arith.cmpi ne, %sign3A_706, %sign3A_713 : i32
      %rem3A_715 = arith.remsi %add3A_697, %jit3A_698 : i32
      %ne3A_716 = arith.constant 0 : i32
      %ne3A_717 = arith.cmpi ne, %rem3A_715, %ne3A_716 : i32
      %and3A_718 = arith.andi %ne3A_714, %ne3A_717 : i1
      %sub3A_719 = arith.constant 1 : i32
      %sub3A_720 = arith.subi %div3A_699, %sub3A_719 : i32
      %select_n3A_721 = arith.select %and3A_718, %sub3A_720, %div3A_699 : i32
      %jit3A_722 = arith.constant 128 : i32
      %eq3A_723 = arith.constant 0 : i32
      %eq3A_724 = arith.cmpi eq, %jit3A_722, %eq3A_723 : i32
      %jit3A_725 = arith.constant 1 : i32
      %select_n3A_726 = arith.select %eq3A_724, %jit3A_725, %jit3A_722 : i32
      %rem3A_727 = arith.remsi %add3A_697, %select_n3A_726 : i32
      %ne3A_728 = arith.constant 0 : i32
      %ne3A_729 = arith.cmpi ne, %rem3A_727, %ne3A_728 : i32
      %lt3A_730 = arith.constant 0 : i32
      %lt3A_731 = arith.cmpi slt, %rem3A_727, %lt3A_730 : i32
      %lt3A_732 = arith.constant 0 : i32
      %lt3A_733 = arith.cmpi slt, %select_n3A_726, %lt3A_732 : i32
      %ne3A_734 = arith.xori %lt3A_731, %lt3A_733 : i1
      %and3A_735 = arith.andi %ne3A_734, %ne3A_729 : i1
      %add3A_736 = arith.addi %rem3A_727, %select_n3A_726 : i32
      %select_n3A_737 = arith.select %and3A_735, %add3A_736, %rem3A_727 : i32
      %dma_wait3A_738 = arith.constant 1 : i32
      %dma_wait3A_739 = arith.constant 0 : i32
      %dma_wait3A_740 = tpu.memref_slice %arg5[%dma_wait3A_738, %dma_wait3A_739] : memref<5x128xi32, #tpu.memory_space<vmem>> -> memref<1x128xi32, #tpu.memory_space<vmem>>
      %dma_wait3A_741 = tpu.memref_squeeze %dma_wait3A_740 : memref<1x128xi32, #tpu.memory_space<vmem>> -> memref<128xi32, #tpu.memory_space<vmem>>
      %dma_wait3A_742 = arith.constant 0 : i32
      %dma_wait3A_743 = tpu.memref_slice %arg2[%select_n3A_721, %select_n3A_737, %dma_wait3A_742] : memref<50x128x128xi32, #tpu.memory_space<hbm>> -> memref<1x1x128xi32, #tpu.memory_space<hbm>>
      %dma_wait3A_744 = tpu.memref_squeeze %dma_wait3A_743 : memref<1x1x128xi32, #tpu.memory_space<hbm>> -> memref<128xi32, #tpu.memory_space<hbm>>
      %dma_wait3A_745 = arith.constant 0 : i32
      %dma_wait3A_746 = tpu.memref_slice %arg5[%dma_wait3A_738, %dma_wait3A_745] : memref<5x128xi32, #tpu.memory_space<vmem>> -> memref<1x128xi32, #tpu.memory_space<vmem>>
      %dma_wait3A_747 = tpu.memref_squeeze %dma_wait3A_746 : memref<1x128xi32, #tpu.memory_space<vmem>> -> memref<128xi32, #tpu.memory_space<vmem>>
      %dma_wait3A_748 = arith.constant 0 : i32
      %dma_wait3A_749 = tpu.memref_slice %arg2[%select_n3A_721, %select_n3A_737, %dma_wait3A_748] : memref<50x128x128xi32, #tpu.memory_space<hbm>> -> memref<1x1x128xi32, #tpu.memory_space<hbm>>
      %dma_wait3A_750 = tpu.memref_squeeze %dma_wait3A_749 : memref<1x1x128xi32, #tpu.memory_space<hbm>> -> memref<128xi32, #tpu.memory_space<hbm>>
      tpu.wait_dma2 semaphore(%arg8 : memref<!tpu.dma_semaphore, #tpu.memory_space<semaphore_mem>>) src(%dma_wait3A_750 : memref<128xi32, #tpu.memory_space<hbm>>) dst(%dma_wait3A_747 : memref<128xi32, #tpu.memory_space<vmem>>)
      %dma_start3A_751 = arith.constant 1 : i32
      %dma_start3A_752 = arith.constant 1 : i32
      %dma_start3A_753 = arith.constant 0 : i32
      %dma_start3A_754 = arith.constant 0 : i32
      %dma_start3A_755 = tpu.memref_slice %arg6[%dma_start3A_752, %dma_start3A_753, %dma_start3A_754] : memref<5x128x64xf32, #tpu.memory_space<vmem>> -> memref<1x128x64xf32, #tpu.memory_space<vmem>>
      %dma_start3A_756 = tpu.memref_squeeze %dma_start3A_755 : memref<1x128x64xf32, #tpu.memory_space<vmem>> -> memref<128x64xf32, #tpu.memory_space<vmem>>
      %dma_start3A_757 = arith.constant 0 : i32
      %dma_start3A_758 = tpu.memref_slice %arg5[%dma_start3A_751, %dma_start3A_757] : memref<5x128xi32, #tpu.memory_space<vmem>> -> memref<1x128xi32, #tpu.memory_space<vmem>>
      %dma_start3A_759 = tpu.memref_squeeze %dma_start3A_758 : memref<1x128xi32, #tpu.memory_space<vmem>> -> memref<128xi32, #tpu.memory_space<vmem>>
      %dma_start3A_760 = arith.constant 0 : i32
      %dma_start3A_761 = arith.constant 0 : i32
      %dma_start3A_762 = tpu.memref_slice %arg3[%dma_start3A_760, %dma_start3A_761] : memref<2000000x64xf32, #tpu.memory_space<hbm>> -> memref<2000000x64xf32, #tpu.memory_space<hbm>>
      tpu.enqueue_indirect_dma source(%dma_start3A_762 : memref<2000000x64xf32, #tpu.memory_space<hbm>>) target(%dma_start3A_756 : memref<128x64xf32, #tpu.memory_space<vmem>>) offsets(%dma_start3A_759 : memref<128xi32, #tpu.memory_space<vmem>>) semaphore(%arg9 : memref<!tpu.dma_semaphore, #tpu.memory_space<semaphore_mem>>)
      %mul3A_763 = arith.constant 5 : i32
      %mul3A_764 = arith.muli %scan3A_310, %mul3A_763 : i32
      %add3A_765 = arith.addi %mul3A_2, %mul3A_764 : i32
      %add3A_766 = arith.constant 2 : i32
      %add3A_767 = arith.addi %add3A_765, %add3A_766 : i32
      %jit3A_768 = arith.constant 128 : i32
      %div3A_769 = arith.divsi %add3A_767, %jit3A_768 : i32
      %sign3A_770 = arith.constant 0 : i32
      %sign3A_771 = arith.cmpi sgt, %add3A_767, %sign3A_770 : i32
      %sign3A_772 = arith.extui %sign3A_771 : i1 to i32
      %sign3A_773 = arith.constant 0 : i32
      %sign3A_774 = arith.cmpi slt, %add3A_767, %sign3A_773 : i32
      %sign3A_775 = arith.extui %sign3A_774 : i1 to i32
      %sign3A_776 = arith.subi %sign3A_772, %sign3A_775 : i32
      %sign3A_777 = arith.constant 0 : i32
      %sign3A_778 = arith.cmpi sgt, %jit3A_768, %sign3A_777 : i32
      %sign3A_779 = arith.extui %sign3A_778 : i1 to i32
      %sign3A_780 = arith.constant 0 : i32
      %sign3A_781 = arith.cmpi slt, %jit3A_768, %sign3A_780 : i32
      %sign3A_782 = arith.extui %sign3A_781 : i1 to i32
      %sign3A_783 = arith.subi %sign3A_779, %sign3A_782 : i32
      %ne3A_784 = arith.cmpi ne, %sign3A_776, %sign3A_783 : i32
      %rem3A_785 = arith.remsi %add3A_767, %jit3A_768 : i32
      %ne3A_786 = arith.constant 0 : i32
      %ne3A_787 = arith.cmpi ne, %rem3A_785, %ne3A_786 : i32
      %and3A_788 = arith.andi %ne3A_784, %ne3A_787 : i1
      %sub3A_789 = arith.constant 1 : i32
      %sub3A_790 = arith.subi %div3A_769, %sub3A_789 : i32
      %select_n3A_791 = arith.select %and3A_788, %sub3A_790, %div3A_769 : i32
      %jit3A_792 = arith.constant 128 : i32
      %eq3A_793 = arith.constant 0 : i32
      %eq3A_794 = arith.cmpi eq, %jit3A_792, %eq3A_793 : i32
      %jit3A_795 = arith.constant 1 : i32
      %select_n3A_796 = arith.select %eq3A_794, %jit3A_795, %jit3A_792 : i32
      %rem3A_797 = arith.remsi %add3A_767, %select_n3A_796 : i32
      %ne3A_798 = arith.constant 0 : i32
      %ne3A_799 = arith.cmpi ne, %rem3A_797, %ne3A_798 : i32
      %lt3A_800 = arith.constant 0 : i32
      %lt3A_801 = arith.cmpi slt, %rem3A_797, %lt3A_800 : i32
      %lt3A_802 = arith.constant 0 : i32
      %lt3A_803 = arith.cmpi slt, %select_n3A_796, %lt3A_802 : i32
      %ne3A_804 = arith.xori %lt3A_801, %lt3A_803 : i1
      %and3A_805 = arith.andi %ne3A_804, %ne3A_799 : i1
      %add3A_806 = arith.addi %rem3A_797, %select_n3A_796 : i32
      %select_n3A_807 = arith.select %and3A_805, %add3A_806, %rem3A_797 : i32
      %dma_wait3A_808 = arith.constant 2 : i32
      %dma_wait3A_809 = arith.constant 0 : i32
      %dma_wait3A_810 = tpu.memref_slice %arg5[%dma_wait3A_808, %dma_wait3A_809] : memref<5x128xi32, #tpu.memory_space<vmem>> -> memref<1x128xi32, #tpu.memory_space<vmem>>
      %dma_wait3A_811 = tpu.memref_squeeze %dma_wait3A_810 : memref<1x128xi32, #tpu.memory_space<vmem>> -> memref<128xi32, #tpu.memory_space<vmem>>
      %dma_wait3A_812 = arith.constant 0 : i32
      %dma_wait3A_813 = tpu.memref_slice %arg2[%select_n3A_791, %select_n3A_807, %dma_wait3A_812] : memref<50x128x128xi32, #tpu.memory_space<hbm>> -> memref<1x1x128xi32, #tpu.memory_space<hbm>>
      %dma_wait3A_814 = tpu.memref_squeeze %dma_wait3A_813 : memref<1x1x128xi32, #tpu.memory_space<hbm>> -> memref<128xi32, #tpu.memory_space<hbm>>
      %dma_wait3A_815 = arith.constant 0 : i32
      %dma_wait3A_816 = tpu.memref_slice %arg5[%dma_wait3A_808, %dma_wait3A_815] : memref<5x128xi32, #tpu.memory_space<vmem>> -> memref<1x128xi32, #tpu.memory_space<vmem>>
      %dma_wait3A_817 = tpu.memref_squeeze %dma_wait3A_816 : memref<1x128xi32, #tpu.memory_space<vmem>> -> memref<128xi32, #tpu.memory_space<vmem>>
      %dma_wait3A_818 = arith.constant 0 : i32
      %dma_wait3A_819 = tpu.memref_slice %arg2[%select_n3A_791, %select_n3A_807, %dma_wait3A_818] : memref<50x128x128xi32, #tpu.memory_space<hbm>> -> memref<1x1x128xi32, #tpu.memory_space<hbm>>
      %dma_wait3A_820 = tpu.memref_squeeze %dma_wait3A_819 : memref<1x1x128xi32, #tpu.memory_space<hbm>> -> memref<128xi32, #tpu.memory_space<hbm>>
      tpu.wait_dma2 semaphore(%arg8 : memref<!tpu.dma_semaphore, #tpu.memory_space<semaphore_mem>>) src(%dma_wait3A_820 : memref<128xi32, #tpu.memory_space<hbm>>) dst(%dma_wait3A_817 : memref<128xi32, #tpu.memory_space<vmem>>)
      %dma_start3A_821 = arith.constant 2 : i32
      %dma_start3A_822 = arith.constant 2 : i32
      %dma_start3A_823 = arith.constant 0 : i32
      %dma_start3A_824 = arith.constant 0 : i32
      %dma_start3A_825 = tpu.memref_slice %arg6[%dma_start3A_822, %dma_start3A_823, %dma_start3A_824] : memref<5x128x64xf32, #tpu.memory_space<vmem>> -> memref<1x128x64xf32, #tpu.memory_space<vmem>>
      %dma_start3A_826 = tpu.memref_squeeze %dma_start3A_825 : memref<1x128x64xf32, #tpu.memory_space<vmem>> -> memref<128x64xf32, #tpu.memory_space<vmem>>
      %dma_start3A_827 = arith.constant 0 : i32
      %dma_start3A_828 = tpu.memref_slice %arg5[%dma_start3A_821, %dma_start3A_827] : memref<5x128xi32, #tpu.memory_space<vmem>> -> memref<1x128xi32, #tpu.memory_space<vmem>>
      %dma_start3A_829 = tpu.memref_squeeze %dma_start3A_828 : memref<1x128xi32, #tpu.memory_space<vmem>> -> memref<128xi32, #tpu.memory_space<vmem>>
      %dma_start3A_830 = arith.constant 0 : i32
      %dma_start3A_831 = arith.constant 0 : i32
      %dma_start3A_832 = tpu.memref_slice %arg3[%dma_start3A_830, %dma_start3A_831] : memref<2000000x64xf32, #tpu.memory_space<hbm>> -> memref<2000000x64xf32, #tpu.memory_space<hbm>>
      tpu.enqueue_indirect_dma source(%dma_start3A_832 : memref<2000000x64xf32, #tpu.memory_space<hbm>>) target(%dma_start3A_826 : memref<128x64xf32, #tpu.memory_space<vmem>>) offsets(%dma_start3A_829 : memref<128xi32, #tpu.memory_space<vmem>>) semaphore(%arg9 : memref<!tpu.dma_semaphore, #tpu.memory_space<semaphore_mem>>)
      %mul3A_833 = arith.constant 5 : i32
      %mul3A_834 = arith.muli %scan3A_310, %mul3A_833 : i32
      %add3A_835 = arith.addi %mul3A_2, %mul3A_834 : i32
      %add3A_836 = arith.constant 3 : i32
      %add3A_837 = arith.addi %add3A_835, %add3A_836 : i32
      %jit3A_838 = arith.constant 128 : i32
      %div3A_839 = arith.divsi %add3A_837, %jit3A_838 : i32
      %sign3A_840 = arith.constant 0 : i32
      %sign3A_841 = arith.cmpi sgt, %add3A_837, %sign3A_840 : i32
      %sign3A_842 = arith.extui %sign3A_841 : i1 to i32
      %sign3A_843 = arith.constant 0 : i32
      %sign3A_844 = arith.cmpi slt, %add3A_837, %sign3A_843 : i32
      %sign3A_845 = arith.extui %sign3A_844 : i1 to i32
      %sign3A_846 = arith.subi %sign3A_842, %sign3A_845 : i32
      %sign3A_847 = arith.constant 0 : i32
      %sign3A_848 = arith.cmpi sgt, %jit3A_838, %sign3A_847 : i32
      %sign3A_849 = arith.extui %sign3A_848 : i1 to i32
      %sign3A_850 = arith.constant 0 : i32
      %sign3A_851 = arith.cmpi slt, %jit3A_838, %sign3A_850 : i32
      %sign3A_852 = arith.extui %sign3A_851 : i1 to i32
      %sign3A_853 = arith.subi %sign3A_849, %sign3A_852 : i32
      %ne3A_854 = arith.cmpi ne, %sign3A_846, %sign3A_853 : i32
      %rem3A_855 = arith.remsi %add3A_837, %jit3A_838 : i32
      %ne3A_856 = arith.constant 0 : i32
      %ne3A_857 = arith.cmpi ne, %rem3A_855, %ne3A_856 : i32
      %and3A_858 = arith.andi %ne3A_854, %ne3A_857 : i1
      %sub3A_859 = arith.constant 1 : i32
      %sub3A_860 = arith.subi %div3A_839, %sub3A_859 : i32
      %select_n3A_861 = arith.select %and3A_858, %sub3A_860, %div3A_839 : i32
      %jit3A_862 = arith.constant 128 : i32
      %eq3A_863 = arith.constant 0 : i32
      %eq3A_864 = arith.cmpi eq, %jit3A_862, %eq3A_863 : i32
      %jit3A_865 = arith.constant 1 : i32
      %select_n3A_866 = arith.select %eq3A_864, %jit3A_865, %jit3A_862 : i32
      %rem3A_867 = arith.remsi %add3A_837, %select_n3A_866 : i32
      %ne3A_868 = arith.constant 0 : i32
      %ne3A_869 = arith.cmpi ne, %rem3A_867, %ne3A_868 : i32
      %lt3A_870 = arith.constant 0 : i32
      %lt3A_871 = arith.cmpi slt, %rem3A_867, %lt3A_870 : i32
      %lt3A_872 = arith.constant 0 : i32
      %lt3A_873 = arith.cmpi slt, %select_n3A_866, %lt3A_872 : i32
      %ne3A_874 = arith.xori %lt3A_871, %lt3A_873 : i1
      %and3A_875 = arith.andi %ne3A_874, %ne3A_869 : i1
      %add3A_876 = arith.addi %rem3A_867, %select_n3A_866 : i32
      %select_n3A_877 = arith.select %and3A_875, %add3A_876, %rem3A_867 : i32
      %dma_wait3A_878 = arith.constant 3 : i32
      %dma_wait3A_879 = arith.constant 0 : i32
      %dma_wait3A_880 = tpu.memref_slice %arg5[%dma_wait3A_878, %dma_wait3A_879] : memref<5x128xi32, #tpu.memory_space<vmem>> -> memref<1x128xi32, #tpu.memory_space<vmem>>
      %dma_wait3A_881 = tpu.memref_squeeze %dma_wait3A_880 : memref<1x128xi32, #tpu.memory_space<vmem>> -> memref<128xi32, #tpu.memory_space<vmem>>
      %dma_wait3A_882 = arith.constant 0 : i32
      %dma_wait3A_883 = tpu.memref_slice %arg2[%select_n3A_861, %select_n3A_877, %dma_wait3A_882] : memref<50x128x128xi32, #tpu.memory_space<hbm>> -> memref<1x1x128xi32, #tpu.memory_space<hbm>>
      %dma_wait3A_884 = tpu.memref_squeeze %dma_wait3A_883 : memref<1x1x128xi32, #tpu.memory_space<hbm>> -> memref<128xi32, #tpu.memory_space<hbm>>
      %dma_wait3A_885 = arith.constant 0 : i32
      %dma_wait3A_886 = tpu.memref_slice %arg5[%dma_wait3A_878, %dma_wait3A_885] : memref<5x128xi32, #tpu.memory_space<vmem>> -> memref<1x128xi32, #tpu.memory_space<vmem>>
      %dma_wait3A_887 = tpu.memref_squeeze %dma_wait3A_886 : memref<1x128xi32, #tpu.memory_space<vmem>> -> memref<128xi32, #tpu.memory_space<vmem>>
      %dma_wait3A_888 = arith.constant 0 : i32
      %dma_wait3A_889 = tpu.memref_slice %arg2[%select_n3A_861, %select_n3A_877, %dma_wait3A_888] : memref<50x128x128xi32, #tpu.memory_space<hbm>> -> memref<1x1x128xi32, #tpu.memory_space<hbm>>
      %dma_wait3A_890 = tpu.memref_squeeze %dma_wait3A_889 : memref<1x1x128xi32, #tpu.memory_space<hbm>> -> memref<128xi32, #tpu.memory_space<hbm>>
      tpu.wait_dma2 semaphore(%arg8 : memref<!tpu.dma_semaphore, #tpu.memory_space<semaphore_mem>>) src(%dma_wait3A_890 : memref<128xi32, #tpu.memory_space<hbm>>) dst(%dma_wait3A_887 : memref<128xi32, #tpu.memory_space<vmem>>)
      %dma_start3A_891 = arith.constant 3 : i32
      %dma_start3A_892 = arith.constant 3 : i32
      %dma_start3A_893 = arith.constant 0 : i32
      %dma_start3A_894 = arith.constant 0 : i32
      %dma_start3A_895 = tpu.memref_slice %arg6[%dma_start3A_892, %dma_start3A_893, %dma_start3A_894] : memref<5x128x64xf32, #tpu.memory_space<vmem>> -> memref<1x128x64xf32, #tpu.memory_space<vmem>>
      %dma_start3A_896 = tpu.memref_squeeze %dma_start3A_895 : memref<1x128x64xf32, #tpu.memory_space<vmem>> -> memref<128x64xf32, #tpu.memory_space<vmem>>
      %dma_start3A_897 = arith.constant 0 : i32
      %dma_start3A_898 = tpu.memref_slice %arg5[%dma_start3A_891, %dma_start3A_897] : memref<5x128xi32, #tpu.memory_space<vmem>> -> memref<1x128xi32, #tpu.memory_space<vmem>>
      %dma_start3A_899 = tpu.memref_squeeze %dma_start3A_898 : memref<1x128xi32, #tpu.memory_space<vmem>> -> memref<128xi32, #tpu.memory_space<vmem>>
      %dma_start3A_900 = arith.constant 0 : i32
      %dma_start3A_901 = arith.constant 0 : i32
      %dma_start3A_902 = tpu.memref_slice %arg3[%dma_start3A_900, %dma_start3A_901] : memref<2000000x64xf32, #tpu.memory_space<hbm>> -> memref<2000000x64xf32, #tpu.memory_space<hbm>>
      tpu.enqueue_indirect_dma source(%dma_start3A_902 : memref<2000000x64xf32, #tpu.memory_space<hbm>>) target(%dma_start3A_896 : memref<128x64xf32, #tpu.memory_space<vmem>>) offsets(%dma_start3A_899 : memref<128xi32, #tpu.memory_space<vmem>>) semaphore(%arg9 : memref<!tpu.dma_semaphore, #tpu.memory_space<semaphore_mem>>)
      %mul3A_903 = arith.constant 5 : i32
      %mul3A_904 = arith.muli %scan3A_310, %mul3A_903 : i32
      %add3A_905 = arith.addi %mul3A_2, %mul3A_904 : i32
      %add3A_906 = arith.constant 4 : i32
      %add3A_907 = arith.addi %add3A_905, %add3A_906 : i32
      %jit3A_908 = arith.constant 128 : i32
      %div3A_909 = arith.divsi %add3A_907, %jit3A_908 : i32
      %sign3A_910 = arith.constant 0 : i32
      %sign3A_911 = arith.cmpi sgt, %add3A_907, %sign3A_910 : i32
      %sign3A_912 = arith.extui %sign3A_911 : i1 to i32
      %sign3A_913 = arith.constant 0 : i32
      %sign3A_914 = arith.cmpi slt, %add3A_907, %sign3A_913 : i32
      %sign3A_915 = arith.extui %sign3A_914 : i1 to i32
      %sign3A_916 = arith.subi %sign3A_912, %sign3A_915 : i32
      %sign3A_917 = arith.constant 0 : i32
      %sign3A_918 = arith.cmpi sgt, %jit3A_908, %sign3A_917 : i32
      %sign3A_919 = arith.extui %sign3A_918 : i1 to i32
      %sign3A_920 = arith.constant 0 : i32
      %sign3A_921 = arith.cmpi slt, %jit3A_908, %sign3A_920 : i32
      %sign3A_922 = arith.extui %sign3A_921 : i1 to i32
      %sign3A_923 = arith.subi %sign3A_919, %sign3A_922 : i32
      %ne3A_924 = arith.cmpi ne, %sign3A_916, %sign3A_923 : i32
      %rem3A_925 = arith.remsi %add3A_907, %jit3A_908 : i32
      %ne3A_926 = arith.constant 0 : i32
      %ne3A_927 = arith.cmpi ne, %rem3A_925, %ne3A_926 : i32
      %and3A_928 = arith.andi %ne3A_924, %ne3A_927 : i1
      %sub3A_929 = arith.constant 1 : i32
      %sub3A_930 = arith.subi %div3A_909, %sub3A_929 : i32
      %select_n3A_931 = arith.select %and3A_928, %sub3A_930, %div3A_909 : i32
      %jit3A_932 = arith.constant 128 : i32
      %eq3A_933 = arith.constant 0 : i32
      %eq3A_934 = arith.cmpi eq, %jit3A_932, %eq3A_933 : i32
      %jit3A_935 = arith.constant 1 : i32
      %select_n3A_936 = arith.select %eq3A_934, %jit3A_935, %jit3A_932 : i32
      %rem3A_937 = arith.remsi %add3A_907, %select_n3A_936 : i32
      %ne3A_938 = arith.constant 0 : i32
      %ne3A_939 = arith.cmpi ne, %rem3A_937, %ne3A_938 : i32
      %lt3A_940 = arith.constant 0 : i32
      %lt3A_941 = arith.cmpi slt, %rem3A_937, %lt3A_940 : i32
      %lt3A_942 = arith.constant 0 : i32
      %lt3A_943 = arith.cmpi slt, %select_n3A_936, %lt3A_942 : i32
      %ne3A_944 = arith.xori %lt3A_941, %lt3A_943 : i1
      %and3A_945 = arith.andi %ne3A_944, %ne3A_939 : i1
      %add3A_946 = arith.addi %rem3A_937, %select_n3A_936 : i32
      %select_n3A_947 = arith.select %and3A_945, %add3A_946, %rem3A_937 : i32
      %dma_wait3A_948 = arith.constant 4 : i32
      %dma_wait3A_949 = arith.constant 0 : i32
      %dma_wait3A_950 = tpu.memref_slice %arg5[%dma_wait3A_948, %dma_wait3A_949] : memref<5x128xi32, #tpu.memory_space<vmem>> -> memref<1x128xi32, #tpu.memory_space<vmem>>
      %dma_wait3A_951 = tpu.memref_squeeze %dma_wait3A_950 : memref<1x128xi32, #tpu.memory_space<vmem>> -> memref<128xi32, #tpu.memory_space<vmem>>
      %dma_wait3A_952 = arith.constant 0 : i32
      %dma_wait3A_953 = tpu.memref_slice %arg2[%select_n3A_931, %select_n3A_947, %dma_wait3A_952] : memref<50x128x128xi32, #tpu.memory_space<hbm>> -> memref<1x1x128xi32, #tpu.memory_space<hbm>>
      %dma_wait3A_954 = tpu.memref_squeeze %dma_wait3A_953 : memref<1x1x128xi32, #tpu.memory_space<hbm>> -> memref<128xi32, #tpu.memory_space<hbm>>
      %dma_wait3A_955 = arith.constant 0 : i32
      %dma_wait3A_956 = tpu.memref_slice %arg5[%dma_wait3A_948, %dma_wait3A_955] : memref<5x128xi32, #tpu.memory_space<vmem>> -> memref<1x128xi32, #tpu.memory_space<vmem>>
      %dma_wait3A_957 = tpu.memref_squeeze %dma_wait3A_956 : memref<1x128xi32, #tpu.memory_space<vmem>> -> memref<128xi32, #tpu.memory_space<vmem>>
      %dma_wait3A_958 = arith.constant 0 : i32
      %dma_wait3A_959 = tpu.memref_slice %arg2[%select_n3A_931, %select_n3A_947, %dma_wait3A_958] : memref<50x128x128xi32, #tpu.memory_space<hbm>> -> memref<1x1x128xi32, #tpu.memory_space<hbm>>
      %dma_wait3A_960 = tpu.memref_squeeze %dma_wait3A_959 : memref<1x1x128xi32, #tpu.memory_space<hbm>> -> memref<128xi32, #tpu.memory_space<hbm>>
      tpu.wait_dma2 semaphore(%arg8 : memref<!tpu.dma_semaphore, #tpu.memory_space<semaphore_mem>>) src(%dma_wait3A_960 : memref<128xi32, #tpu.memory_space<hbm>>) dst(%dma_wait3A_957 : memref<128xi32, #tpu.memory_space<vmem>>)
      %dma_start3A_961 = arith.constant 4 : i32
      %dma_start3A_962 = arith.constant 4 : i32
      %dma_start3A_963 = arith.constant 0 : i32
      %dma_start3A_964 = arith.constant 0 : i32
      %dma_start3A_965 = tpu.memref_slice %arg6[%dma_start3A_962, %dma_start3A_963, %dma_start3A_964] : memref<5x128x64xf32, #tpu.memory_space<vmem>> -> memref<1x128x64xf32, #tpu.memory_space<vmem>>
      %dma_start3A_966 = tpu.memref_squeeze %dma_start3A_965 : memref<1x128x64xf32, #tpu.memory_space<vmem>> -> memref<128x64xf32, #tpu.memory_space<vmem>>
      %dma_start3A_967 = arith.constant 0 : i32
      %dma_start3A_968 = tpu.memref_slice %arg5[%dma_start3A_961, %dma_start3A_967] : memref<5x128xi32, #tpu.memory_space<vmem>> -> memref<1x128xi32, #tpu.memory_space<vmem>>
      %dma_start3A_969 = tpu.memref_squeeze %dma_start3A_968 : memref<1x128xi32, #tpu.memory_space<vmem>> -> memref<128xi32, #tpu.memory_space<vmem>>
      %dma_start3A_970 = arith.constant 0 : i32
      %dma_start3A_971 = arith.constant 0 : i32
      %dma_start3A_972 = tpu.memref_slice %arg3[%dma_start3A_970, %dma_start3A_971] : memref<2000000x64xf32, #tpu.memory_space<hbm>> -> memref<2000000x64xf32, #tpu.memory_space<hbm>>
      tpu.enqueue_indirect_dma source(%dma_start3A_972 : memref<2000000x64xf32, #tpu.memory_space<hbm>>) target(%dma_start3A_966 : memref<128x64xf32, #tpu.memory_space<vmem>>) offsets(%dma_start3A_969 : memref<128xi32, #tpu.memory_space<vmem>>) semaphore(%arg9 : memref<!tpu.dma_semaphore, #tpu.memory_space<semaphore_mem>>)
      %mul3A_973 = arith.constant 5 : i32
      %mul3A_974 = arith.muli %scan3A_310, %mul3A_973 : i32
      %add3A_975 = arith.addi %mul3A_2, %mul3A_974 : i32
      %add3A_976 = arith.constant 0 : i32
      %add3A_977 = arith.addi %add3A_975, %add3A_976 : i32
      %jit3A_978 = arith.constant 128 : i32
      %div3A_979 = arith.divsi %add3A_977, %jit3A_978 : i32
      %sign3A_980 = arith.constant 0 : i32
      %sign3A_981 = arith.cmpi sgt, %add3A_977, %sign3A_980 : i32
      %sign3A_982 = arith.extui %sign3A_981 : i1 to i32
      %sign3A_983 = arith.constant 0 : i32
      %sign3A_984 = arith.cmpi slt, %add3A_977, %sign3A_983 : i32
      %sign3A_985 = arith.extui %sign3A_984 : i1 to i32
      %sign3A_986 = arith.subi %sign3A_982, %sign3A_985 : i32
      %sign3A_987 = arith.constant 0 : i32
      %sign3A_988 = arith.cmpi sgt, %jit3A_978, %sign3A_987 : i32
      %sign3A_989 = arith.extui %sign3A_988 : i1 to i32
      %sign3A_990 = arith.constant 0 : i32
      %sign3A_991 = arith.cmpi slt, %jit3A_978, %sign3A_990 : i32
      %sign3A_992 = arith.extui %sign3A_991 : i1 to i32
      %sign3A_993 = arith.subi %sign3A_989, %sign3A_992 : i32
      %ne3A_994 = arith.cmpi ne, %sign3A_986, %sign3A_993 : i32
      %rem3A_995 = arith.remsi %add3A_977, %jit3A_978 : i32
      %ne3A_996 = arith.constant 0 : i32
      %ne3A_997 = arith.cmpi ne, %rem3A_995, %ne3A_996 : i32
      %and3A_998 = arith.andi %ne3A_994, %ne3A_997 : i1
      %sub3A_999 = arith.constant 1 : i32
      %sub3A_1000 = arith.subi %div3A_979, %sub3A_999 : i32
      %select_n3A_1001 = arith.select %and3A_998, %sub3A_1000, %div3A_979 : i32
      %jit3A_1002 = arith.constant 128 : i32
      %eq3A_1003 = arith.constant 0 : i32
      %eq3A_1004 = arith.cmpi eq, %jit3A_1002, %eq3A_1003 : i32
      %jit3A_1005 = arith.constant 1 : i32
      %select_n3A_1006 = arith.select %eq3A_1004, %jit3A_1005, %jit3A_1002 : i32
      %rem3A_1007 = arith.remsi %add3A_977, %select_n3A_1006 : i32
      %ne3A_1008 = arith.constant 0 : i32
      %ne3A_1009 = arith.cmpi ne, %rem3A_1007, %ne3A_1008 : i32
      %lt3A_1010 = arith.constant 0 : i32
      %lt3A_1011 = arith.cmpi slt, %rem3A_1007, %lt3A_1010 : i32
      %lt3A_1012 = arith.constant 0 : i32
      %lt3A_1013 = arith.cmpi slt, %select_n3A_1006, %lt3A_1012 : i32
      %ne3A_1014 = arith.xori %lt3A_1011, %lt3A_1013 : i1
      %and3A_1015 = arith.andi %ne3A_1014, %ne3A_1009 : i1
      %add3A_1016 = arith.addi %rem3A_1007, %select_n3A_1006 : i32
      %select_n3A_1017 = arith.select %and3A_1015, %add3A_1016, %rem3A_1007 : i32
      %dma_wait3A_1018 = arith.constant 0 : i32
      %dma_wait3A_1019 = arith.constant 0 : i32
      %dma_wait3A_1020 = arith.constant 0 : i32
      %dma_wait3A_1021 = arith.constant 0 : i32
      %dma_wait3A_1022 = tpu.memref_slice %arg6[%dma_wait3A_1019, %dma_wait3A_1020, %dma_wait3A_1021] : memref<5x128x64xf32, #tpu.memory_space<vmem>> -> memref<1x128x64xf32, #tpu.memory_space<vmem>>
      %dma_wait3A_1023 = tpu.memref_squeeze %dma_wait3A_1022 : memref<1x128x64xf32, #tpu.memory_space<vmem>> -> memref<128x64xf32, #tpu.memory_space<vmem>>
      %dma_wait3A_1024 = arith.constant 0 : i32
      %dma_wait3A_1025 = tpu.memref_slice %arg5[%dma_wait3A_1018, %dma_wait3A_1024] : memref<5x128xi32, #tpu.memory_space<vmem>> -> memref<1x128xi32, #tpu.memory_space<vmem>>
      %dma_wait3A_1026 = tpu.memref_squeeze %dma_wait3A_1025 : memref<1x128xi32, #tpu.memory_space<vmem>> -> memref<128xi32, #tpu.memory_space<vmem>>
      %dma_wait3A_1027 = arith.constant 0 : i32
      %dma_wait3A_1028 = arith.constant 0 : i32
      %dma_wait3A_1029 = tpu.memref_slice %arg3[%dma_wait3A_1027, %dma_wait3A_1028] : memref<2000000x64xf32, #tpu.memory_space<hbm>> -> memref<2000000x64xf32, #tpu.memory_space<hbm>>
      tpu.wait_indirect_dma semaphore(%arg9 : memref<!tpu.dma_semaphore, #tpu.memory_space<semaphore_mem>>) src(%dma_wait3A_1029 : memref<2000000x64xf32, #tpu.memory_space<hbm>>) dst(%dma_wait3A_1023 : memref<128x64xf32, #tpu.memory_space<vmem>>)
      %parallel_loop3A = arith.constant 0 : i32
      %parallel_loop3A_1030 = arith.constant 128 : i32
      %parallel_loop3A_1031 = arith.constant 1 : i32
      scf.for %parallel_loop3A_1993 = %parallel_loop3A to %parallel_loop3A_1030 step %parallel_loop3A_1031  : i32 {
        %parallel_loop3A_1994 = arith.constant 0 : i32
        %parallel_loop3A_1995 = vector.broadcast %parallel_loop3A_1994 : i32 to vector<16xi32>
        %parallel_loop3A_1996 = vector.broadcast %parallel_loop3A_1993 : i32 to vector<16xi32>
        %parallel_loop3A_1997 = arith.addi %parallel_loop3A_1995, %parallel_loop3A_1996 : vector<16xi32>
        %parallel_loop3A_1998 = arith.constant 0 : i32
        %parallel_loop3A_1999 = arith.index_cast %parallel_loop3A_1998 : i32 to index
        %parallel_loop3A_2000 = arith.index_cast %parallel_loop3A_1993 : i32 to index
        %parallel_loop3A_2001 = arith.constant 0 : index
        %parallel_loop3A_2002 = tpu.vector_load %arg6[%parallel_loop3A_1999, %parallel_loop3A_2000, %parallel_loop3A_2001] {strides = array<i32>} : memref<5x128x64xf32, #tpu.memory_space<vmem>>, vector<16xf32>,
        %parallel_loop3A_2003 = arith.constant 0 : i32
        %parallel_loop3A_2004 = arith.constant 0 : i32
        %parallel_loop3A_2005 = arith.constant 0 : i32
        %parallel_loop3A_2006 = tpu.memref_slice %arg7[%parallel_loop3A_2003, %parallel_loop3A_2004, %parallel_loop3A_2005] : memref<5x64x129xf32, #tpu.memory_space<vmem>> -> memref<1x64x129xf32, #tpu.memory_space<vmem>>
        %parallel_loop3A_2007 = tpu.memref_squeeze %parallel_loop3A_2006 : memref<1x64x129xf32, #tpu.memory_space<vmem>> -> memref<64x129xf32, #tpu.memory_space<vmem>>
        tpu.vector_store_idx %parallel_loop3A_2007[%add3A_5, %parallel_loop3A_1997], %parallel_loop3A_2002 : memref<64x129xf32, #tpu.memory_space<vmem>>[vector<16xi32>, vector<16xi32>], vector<16xf32>,
        %parallel_loop3A_2008 = arith.constant 0 : i32
        %parallel_loop3A_2009 = arith.index_cast %parallel_loop3A_2008 : i32 to index
        %parallel_loop3A_2010 = arith.index_cast %parallel_loop3A_1993 : i32 to index
        %parallel_loop3A_2011 = arith.constant 16 : index
        %parallel_loop3A_2012 = tpu.vector_load %arg6[%parallel_loop3A_2009, %parallel_loop3A_2010, %parallel_loop3A_2011] {strides = array<i32>} : memref<5x128x64xf32, #tpu.memory_space<vmem>>, vector<16xf32>,
        %parallel_loop3A_2013 = arith.constant 0 : i32
        %parallel_loop3A_2014 = arith.constant 0 : i32
        %parallel_loop3A_2015 = arith.constant 0 : i32
        %parallel_loop3A_2016 = tpu.memref_slice %arg7[%parallel_loop3A_2013, %parallel_loop3A_2014, %parallel_loop3A_2015] : memref<5x64x129xf32, #tpu.memory_space<vmem>> -> memref<1x64x129xf32, #tpu.memory_space<vmem>>
        %parallel_loop3A_2017 = tpu.memref_squeeze %parallel_loop3A_2016 : memref<1x64x129xf32, #tpu.memory_space<vmem>> -> memref<64x129xf32, #tpu.memory_space<vmem>>
        tpu.vector_store_idx %parallel_loop3A_2017[%add3A_8, %parallel_loop3A_1997], %parallel_loop3A_2012 : memref<64x129xf32, #tpu.memory_space<vmem>>[vector<16xi32>, vector<16xi32>], vector<16xf32>,
        %parallel_loop3A_2018 = arith.constant 0 : i32
        %parallel_loop3A_2019 = arith.index_cast %parallel_loop3A_2018 : i32 to index
        %parallel_loop3A_2020 = arith.index_cast %parallel_loop3A_1993 : i32 to index
        %parallel_loop3A_2021 = arith.constant 32 : index
        %parallel_loop3A_2022 = tpu.vector_load %arg6[%parallel_loop3A_2019, %parallel_loop3A_2020, %parallel_loop3A_2021] {strides = array<i32>} : memref<5x128x64xf32, #tpu.memory_space<vmem>>, vector<16xf32>,
        %parallel_loop3A_2023 = arith.constant 0 : i32
        %parallel_loop3A_2024 = arith.constant 0 : i32
        %parallel_loop3A_2025 = arith.constant 0 : i32
        %parallel_loop3A_2026 = tpu.memref_slice %arg7[%parallel_loop3A_2023, %parallel_loop3A_2024, %parallel_loop3A_2025] : memref<5x64x129xf32, #tpu.memory_space<vmem>> -> memref<1x64x129xf32, #tpu.memory_space<vmem>>
        %parallel_loop3A_2027 = tpu.memref_squeeze %parallel_loop3A_2026 : memref<1x64x129xf32, #tpu.memory_space<vmem>> -> memref<64x129xf32, #tpu.memory_space<vmem>>
        tpu.vector_store_idx %parallel_loop3A_2027[%add3A_11, %parallel_loop3A_1997], %parallel_loop3A_2022 : memref<64x129xf32, #tpu.memory_space<vmem>>[vector<16xi32>, vector<16xi32>], vector<16xf32>,
        %parallel_loop3A_2028 = arith.constant 0 : i32
        %parallel_loop3A_2029 = arith.index_cast %parallel_loop3A_2028 : i32 to index
        %parallel_loop3A_2030 = arith.index_cast %parallel_loop3A_1993 : i32 to index
        %parallel_loop3A_2031 = arith.constant 48 : index
        %parallel_loop3A_2032 = tpu.vector_load %arg6[%parallel_loop3A_2029, %parallel_loop3A_2030, %parallel_loop3A_2031] {strides = array<i32>} : memref<5x128x64xf32, #tpu.memory_space<vmem>>, vector<16xf32>,
        %parallel_loop3A_2033 = arith.constant 0 : i32
        %parallel_loop3A_2034 = arith.constant 0 : i32
        %parallel_loop3A_2035 = arith.constant 0 : i32
        %parallel_loop3A_2036 = tpu.memref_slice %arg7[%parallel_loop3A_2033, %parallel_loop3A_2034, %parallel_loop3A_2035] : memref<5x64x129xf32, #tpu.memory_space<vmem>> -> memref<1x64x129xf32, #tpu.memory_space<vmem>>
        %parallel_loop3A_2037 = tpu.memref_squeeze %parallel_loop3A_2036 : memref<1x64x129xf32, #tpu.memory_space<vmem>> -> memref<64x129xf32, #tpu.memory_space<vmem>>
        tpu.vector_store_idx %parallel_loop3A_2037[%add3A_14, %parallel_loop3A_1997], %parallel_loop3A_2032 : memref<64x129xf32, #tpu.memory_space<vmem>>[vector<16xi32>, vector<16xi32>], vector<16xf32>,
      } {sc.loop_unroll_factor = 8 : i64, sc.parallel_access}
      %dma_start3A_1032 = arith.constant 0 : i32
      %dma_start3A_1033 = arith.constant 0 : i32
      %dma_start3A_1034 = arith.constant 0 : i32
      %dma_start3A_1035 = arith.constant 0 : i32
      %dma_start3A_1036 = tpu.memref_slice %arg7[%dma_start3A_1032, %dma_start3A_1034, %dma_start3A_1035] : memref<5x64x129xf32, #tpu.memory_space<vmem>> -> memref<1x8x128xf32, #tpu.memory_space<vmem>>
      %dma_start3A_1037 = tpu.memref_squeeze %dma_start3A_1036 : memref<1x8x128xf32, #tpu.memory_space<vmem>> -> memref<8x128xf32, #tpu.memory_space<vmem>>
      %dma_start3A_1038 = arith.constant 0 : i32
      %dma_start3A_1039 = arith.constant 0 : i32
      %dma_start3A_1040 = tpu.memref_slice %arg4[%select_n3A_1001, %dma_start3A_1033, %select_n3A_1017, %dma_start3A_1038, %dma_start3A_1039] : memref<50x8x128x8x128xf32, #tpu.memory_space<hbm>> -> memref<1x1x1x8x128xf32, #tpu.memory_space<hbm>>
      %dma_start3A_1041 = tpu.memref_squeeze %dma_start3A_1040 : memref<1x1x1x8x128xf32, #tpu.memory_space<hbm>> -> memref<8x128xf32, #tpu.memory_space<hbm>>
      %dma_start3A_1042 = arith.constant 0 : i32
      %dma_start3A_1043 = arith.constant 0 : i32
      %dma_start3A_1044 = tpu.memref_slice %arg4[%select_n3A_1001, %dma_start3A_1033, %select_n3A_1017, %dma_start3A_1042, %dma_start3A_1043] : memref<50x8x128x8x128xf32, #tpu.memory_space<hbm>> -> memref<1x1x1x8x128xf32, #tpu.memory_space<hbm>>
      %dma_start3A_1045 = tpu.memref_squeeze %dma_start3A_1044 : memref<1x1x1x8x128xf32, #tpu.memory_space<hbm>> -> memref<8x128xf32, #tpu.memory_space<hbm>>
      %dma_start3A_1046 = arith.constant 0 : i32
      %dma_start3A_1047 = arith.constant 0 : i32
      %dma_start3A_1048 = tpu.memref_slice %arg7[%dma_start3A_1032, %dma_start3A_1046, %dma_start3A_1047] : memref<5x64x129xf32, #tpu.memory_space<vmem>> -> memref<1x8x128xf32, #tpu.memory_space<vmem>>
      %dma_start3A_1049 = tpu.memref_squeeze %dma_start3A_1048 : memref<1x8x128xf32, #tpu.memory_space<vmem>> -> memref<8x128xf32, #tpu.memory_space<vmem>>
      tpu.enqueue_dma source(%dma_start3A_1049 : memref<8x128xf32, #tpu.memory_space<vmem>>) target(%dma_start3A_1045 : memref<8x128xf32, #tpu.memory_space<hbm>>) target_semaphore(%arg10 : memref<!tpu.dma_semaphore, #tpu.memory_space<semaphore_mem>>)
      %dma_start3A_1050 = arith.constant 0 : i32
      %dma_start3A_1051 = arith.constant 1 : i32
      %dma_start3A_1052 = arith.constant 8 : i32
      %dma_start3A_1053 = arith.constant 0 : i32
      %dma_start3A_1054 = tpu.memref_slice %arg7[%dma_start3A_1050, %dma_start3A_1052, %dma_start3A_1053] : memref<5x64x129xf32, #tpu.memory_space<vmem>> -> memref<1x8x128xf32, #tpu.memory_space<vmem>>
      %dma_start3A_1055 = tpu.memref_squeeze %dma_start3A_1054 : memref<1x8x128xf32, #tpu.memory_space<vmem>> -> memref<8x128xf32, #tpu.memory_space<vmem>>
      %dma_start3A_1056 = arith.constant 0 : i32
      %dma_start3A_1057 = arith.constant 0 : i32
      %dma_start3A_1058 = tpu.memref_slice %arg4[%select_n3A_1001, %dma_start3A_1051, %select_n3A_1017, %dma_start3A_1056, %dma_start3A_1057] : memref<50x8x128x8x128xf32, #tpu.memory_space<hbm>> -> memref<1x1x1x8x128xf32, #tpu.memory_space<hbm>>
      %dma_start3A_1059 = tpu.memref_squeeze %dma_start3A_1058 : memref<1x1x1x8x128xf32, #tpu.memory_space<hbm>> -> memref<8x128xf32, #tpu.memory_space<hbm>>
      %dma_start3A_1060 = arith.constant 0 : i32
      %dma_start3A_1061 = arith.constant 0 : i32
      %dma_start3A_1062 = tpu.memref_slice %arg4[%select_n3A_1001, %dma_start3A_1051, %select_n3A_1017, %dma_start3A_1060, %dma_start3A_1061] : memref<50x8x128x8x128xf32, #tpu.memory_space<hbm>> -> memref<1x1x1x8x128xf32, #tpu.memory_space<hbm>>
      %dma_start3A_1063 = tpu.memref_squeeze %dma_start3A_1062 : memref<1x1x1x8x128xf32, #tpu.memory_space<hbm>> -> memref<8x128xf32, #tpu.memory_space<hbm>>
      %dma_start3A_1064 = arith.constant 8 : i32
      %dma_start3A_1065 = arith.constant 0 : i32
      %dma_start3A_1066 = tpu.memref_slice %arg7[%dma_start3A_1050, %dma_start3A_1064, %dma_start3A_1065] : memref<5x64x129xf32, #tpu.memory_space<vmem>> -> memref<1x8x128xf32, #tpu.memory_space<vmem>>
      %dma_start3A_1067 = tpu.memref_squeeze %dma_start3A_1066 : memref<1x8x128xf32, #tpu.memory_space<vmem>> -> memref<8x128xf32, #tpu.memory_space<vmem>>
      tpu.enqueue_dma source(%dma_start3A_1067 : memref<8x128xf32, #tpu.memory_space<vmem>>) target(%dma_start3A_1063 : memref<8x128xf32, #tpu.memory_space<hbm>>) target_semaphore(%arg10 : memref<!tpu.dma_semaphore, #tpu.memory_space<semaphore_mem>>)
      %dma_start3A_1068 = arith.constant 0 : i32
      %dma_start3A_1069 = arith.constant 2 : i32
      %dma_start3A_1070 = arith.constant 16 : i32
      %dma_start3A_1071 = arith.constant 0 : i32
      %dma_start3A_1072 = tpu.memref_slice %arg7[%dma_start3A_1068, %dma_start3A_1070, %dma_start3A_1071] : memref<5x64x129xf32, #tpu.memory_space<vmem>> -> memref<1x8x128xf32, #tpu.memory_space<vmem>>
      %dma_start3A_1073 = tpu.memref_squeeze %dma_start3A_1072 : memref<1x8x128xf32, #tpu.memory_space<vmem>> -> memref<8x128xf32, #tpu.memory_space<vmem>>
      %dma_start3A_1074 = arith.constant 0 : i32
      %dma_start3A_1075 = arith.constant 0 : i32
      %dma_start3A_1076 = tpu.memref_slice %arg4[%select_n3A_1001, %dma_start3A_1069, %select_n3A_1017, %dma_start3A_1074, %dma_start3A_1075] : memref<50x8x128x8x128xf32, #tpu.memory_space<hbm>> -> memref<1x1x1x8x128xf32, #tpu.memory_space<hbm>>
      %dma_start3A_1077 = tpu.memref_squeeze %dma_start3A_1076 : memref<1x1x1x8x128xf32, #tpu.memory_space<hbm>> -> memref<8x128xf32, #tpu.memory_space<hbm>>
      %dma_start3A_1078 = arith.constant 0 : i32
      %dma_start3A_1079 = arith.constant 0 : i32
      %dma_start3A_1080 = tpu.memref_slice %arg4[%select_n3A_1001, %dma_start3A_1069, %select_n3A_1017, %dma_start3A_1078, %dma_start3A_1079] : memref<50x8x128x8x128xf32, #tpu.memory_space<hbm>> -> memref<1x1x1x8x128xf32, #tpu.memory_space<hbm>>
      %dma_start3A_1081 = tpu.memref_squeeze %dma_start3A_1080 : memref<1x1x1x8x128xf32, #tpu.memory_space<hbm>> -> memref<8x128xf32, #tpu.memory_space<hbm>>
      %dma_start3A_1082 = arith.constant 16 : i32
      %dma_start3A_1083 = arith.constant 0 : i32
      %dma_start3A_1084 = tpu.memref_slice %arg7[%dma_start3A_1068, %dma_start3A_1082, %dma_start3A_1083] : memref<5x64x129xf32, #tpu.memory_space<vmem>> -> memref<1x8x128xf32, #tpu.memory_space<vmem>>
      %dma_start3A_1085 = tpu.memref_squeeze %dma_start3A_1084 : memref<1x8x128xf32, #tpu.memory_space<vmem>> -> memref<8x128xf32, #tpu.memory_space<vmem>>
      tpu.enqueue_dma source(%dma_start3A_1085 : memref<8x128xf32, #tpu.memory_space<vmem>>) target(%dma_start3A_1081 : memref<8x128xf32, #tpu.memory_space<hbm>>) target_semaphore(%arg10 : memref<!tpu.dma_semaphore, #tpu.memory_space<semaphore_mem>>)
      %dma_start3A_1086 = arith.constant 0 : i32
      %dma_start3A_1087 = arith.constant 3 : i32
      %dma_start3A_1088 = arith.constant 24 : i32
      %dma_start3A_1089 = arith.constant 0 : i32
      %dma_start3A_1090 = tpu.memref_slice %arg7[%dma_start3A_1086, %dma_start3A_1088, %dma_start3A_1089] : memref<5x64x129xf32, #tpu.memory_space<vmem>> -> memref<1x8x128xf32, #tpu.memory_space<vmem>>
      %dma_start3A_1091 = tpu.memref_squeeze %dma_start3A_1090 : memref<1x8x128xf32, #tpu.memory_space<vmem>> -> memref<8x128xf32, #tpu.memory_space<vmem>>
      %dma_start3A_1092 = arith.constant 0 : i32
      %dma_start3A_1093 = arith.constant 0 : i32
      %dma_start3A_1094 = tpu.memref_slice %arg4[%select_n3A_1001, %dma_start3A_1087, %select_n3A_1017, %dma_start3A_1092, %dma_start3A_1093] : memref<50x8x128x8x128xf32, #tpu.memory_space<hbm>> -> memref<1x1x1x8x128xf32, #tpu.memory_space<hbm>>
      %dma_start3A_1095 = tpu.memref_squeeze %dma_start3A_1094 : memref<1x1x1x8x128xf32, #tpu.memory_space<hbm>> -> memref<8x128xf32, #tpu.memory_space<hbm>>
      %dma_start3A_1096 = arith.constant 0 : i32
      %dma_start3A_1097 = arith.constant 0 : i32
      %dma_start3A_1098 = tpu.memref_slice %arg4[%select_n3A_1001, %dma_start3A_1087, %select_n3A_1017, %dma_start3A_1096, %dma_start3A_1097] : memref<50x8x128x8x128xf32, #tpu.memory_space<hbm>> -> memref<1x1x1x8x128xf32, #tpu.memory_space<hbm>>
      %dma_start3A_1099 = tpu.memref_squeeze %dma_start3A_1098 : memref<1x1x1x8x128xf32, #tpu.memory_space<hbm>> -> memref<8x128xf32, #tpu.memory_space<hbm>>
      %dma_start3A_1100 = arith.constant 24 : i32
      %dma_start3A_1101 = arith.constant 0 : i32
      %dma_start3A_1102 = tpu.memref_slice %arg7[%dma_start3A_1086, %dma_start3A_1100, %dma_start3A_1101] : memref<5x64x129xf32, #tpu.memory_space<vmem>> -> memref<1x8x128xf32, #tpu.memory_space<vmem>>
      %dma_start3A_1103 = tpu.memref_squeeze %dma_start3A_1102 : memref<1x8x128xf32, #tpu.memory_space<vmem>> -> memref<8x128xf32, #tpu.memory_space<vmem>>
      tpu.enqueue_dma source(%dma_start3A_1103 : memref<8x128xf32, #tpu.memory_space<vmem>>) target(%dma_start3A_1099 : memref<8x128xf32, #tpu.memory_space<hbm>>) target_semaphore(%arg10 : memref<!tpu.dma_semaphore, #tpu.memory_space<semaphore_mem>>)
      %dma_start3A_1104 = arith.constant 0 : i32
      %dma_start3A_1105 = arith.constant 4 : i32
      %dma_start3A_1106 = arith.constant 32 : i32
      %dma_start3A_1107 = arith.constant 0 : i32
      %dma_start3A_1108 = tpu.memref_slice %arg7[%dma_start3A_1104, %dma_start3A_1106, %dma_start3A_1107] : memref<5x64x129xf32, #tpu.memory_space<vmem>> -> memref<1x8x128xf32, #tpu.memory_space<vmem>>
      %dma_start3A_1109 = tpu.memref_squeeze %dma_start3A_1108 : memref<1x8x128xf32, #tpu.memory_space<vmem>> -> memref<8x128xf32, #tpu.memory_space<vmem>>
      %dma_start3A_1110 = arith.constant 0 : i32
      %dma_start3A_1111 = arith.constant 0 : i32
      %dma_start3A_1112 = tpu.memref_slice %arg4[%select_n3A_1001, %dma_start3A_1105, %select_n3A_1017, %dma_start3A_1110, %dma_start3A_1111] : memref<50x8x128x8x128xf32, #tpu.memory_space<hbm>> -> memref<1x1x1x8x128xf32, #tpu.memory_space<hbm>>
      %dma_start3A_1113 = tpu.memref_squeeze %dma_start3A_1112 : memref<1x1x1x8x128xf32, #tpu.memory_space<hbm>> -> memref<8x128xf32, #tpu.memory_space<hbm>>
      %dma_start3A_1114 = arith.constant 0 : i32
      %dma_start3A_1115 = arith.constant 0 : i32
      %dma_start3A_1116 = tpu.memref_slice %arg4[%select_n3A_1001, %dma_start3A_1105, %select_n3A_1017, %dma_start3A_1114, %dma_start3A_1115] : memref<50x8x128x8x128xf32, #tpu.memory_space<hbm>> -> memref<1x1x1x8x128xf32, #tpu.memory_space<hbm>>
      %dma_start3A_1117 = tpu.memref_squeeze %dma_start3A_1116 : memref<1x1x1x8x128xf32, #tpu.memory_space<hbm>> -> memref<8x128xf32, #tpu.memory_space<hbm>>
      %dma_start3A_1118 = arith.constant 32 : i32
      %dma_start3A_1119 = arith.constant 0 : i32
      %dma_start3A_1120 = tpu.memref_slice %arg7[%dma_start3A_1104, %dma_start3A_1118, %dma_start3A_1119] : memref<5x64x129xf32, #tpu.memory_space<vmem>> -> memref<1x8x128xf32, #tpu.memory_space<vmem>>
      %dma_start3A_1121 = tpu.memref_squeeze %dma_start3A_1120 : memref<1x8x128xf32, #tpu.memory_space<vmem>> -> memref<8x128xf32, #tpu.memory_space<vmem>>
      tpu.enqueue_dma source(%dma_start3A_1121 : memref<8x128xf32, #tpu.memory_space<vmem>>) target(%dma_start3A_1117 : memref<8x128xf32, #tpu.memory_space<hbm>>) target_semaphore(%arg10 : memref<!tpu.dma_semaphore, #tpu.memory_space<semaphore_mem>>)
      %dma_start3A_1122 = arith.constant 0 : i32
      %dma_start3A_1123 = arith.constant 5 : i32
      %dma_start3A_1124 = arith.constant 40 : i32
      %dma_start3A_1125 = arith.constant 0 : i32
      %dma_start3A_1126 = tpu.memref_slice %arg7[%dma_start3A_1122, %dma_start3A_1124, %dma_start3A_1125] : memref<5x64x129xf32, #tpu.memory_space<vmem>> -> memref<1x8x128xf32, #tpu.memory_space<vmem>>
      %dma_start3A_1127 = tpu.memref_squeeze %dma_start3A_1126 : memref<1x8x128xf32, #tpu.memory_space<vmem>> -> memref<8x128xf32, #tpu.memory_space<vmem>>
      %dma_start3A_1128 = arith.constant 0 : i32
      %dma_start3A_1129 = arith.constant 0 : i32
      %dma_start3A_1130 = tpu.memref_slice %arg4[%select_n3A_1001, %dma_start3A_1123, %select_n3A_1017, %dma_start3A_1128, %dma_start3A_1129] : memref<50x8x128x8x128xf32, #tpu.memory_space<hbm>> -> memref<1x1x1x8x128xf32, #tpu.memory_space<hbm>>
      %dma_start3A_1131 = tpu.memref_squeeze %dma_start3A_1130 : memref<1x1x1x8x128xf32, #tpu.memory_space<hbm>> -> memref<8x128xf32, #tpu.memory_space<hbm>>
      %dma_start3A_1132 = arith.constant 0 : i32
      %dma_start3A_1133 = arith.constant 0 : i32
      %dma_start3A_1134 = tpu.memref_slice %arg4[%select_n3A_1001, %dma_start3A_1123, %select_n3A_1017, %dma_start3A_1132, %dma_start3A_1133] : memref<50x8x128x8x128xf32, #tpu.memory_space<hbm>> -> memref<1x1x1x8x128xf32, #tpu.memory_space<hbm>>
      %dma_start3A_1135 = tpu.memref_squeeze %dma_start3A_1134 : memref<1x1x1x8x128xf32, #tpu.memory_space<hbm>> -> memref<8x128xf32, #tpu.memory_space<hbm>>
      %dma_start3A_1136 = arith.constant 40 : i32
      %dma_start3A_1137 = arith.constant 0 : i32
      %dma_start3A_1138 = tpu.memref_slice %arg7[%dma_start3A_1122, %dma_start3A_1136, %dma_start3A_1137] : memref<5x64x129xf32, #tpu.memory_space<vmem>> -> memref<1x8x128xf32, #tpu.memory_space<vmem>>
      %dma_start3A_1139 = tpu.memref_squeeze %dma_start3A_1138 : memref<1x8x128xf32, #tpu.memory_space<vmem>> -> memref<8x128xf32, #tpu.memory_space<vmem>>
      tpu.enqueue_dma source(%dma_start3A_1139 : memref<8x128xf32, #tpu.memory_space<vmem>>) target(%dma_start3A_1135 : memref<8x128xf32, #tpu.memory_space<hbm>>) target_semaphore(%arg10 : memref<!tpu.dma_semaphore, #tpu.memory_space<semaphore_mem>>)
      %dma_start3A_1140 = arith.constant 0 : i32
      %dma_start3A_1141 = arith.constant 6 : i32
      %dma_start3A_1142 = arith.constant 48 : i32
      %dma_start3A_1143 = arith.constant 0 : i32
      %dma_start3A_1144 = tpu.memref_slice %arg7[%dma_start3A_1140, %dma_start3A_1142, %dma_start3A_1143] : memref<5x64x129xf32, #tpu.memory_space<vmem>> -> memref<1x8x128xf32, #tpu.memory_space<vmem>>
      %dma_start3A_1145 = tpu.memref_squeeze %dma_start3A_1144 : memref<1x8x128xf32, #tpu.memory_space<vmem>> -> memref<8x128xf32, #tpu.memory_space<vmem>>
      %dma_start3A_1146 = arith.constant 0 : i32
      %dma_start3A_1147 = arith.constant 0 : i32
      %dma_start3A_1148 = tpu.memref_slice %arg4[%select_n3A_1001, %dma_start3A_1141, %select_n3A_1017, %dma_start3A_1146, %dma_start3A_1147] : memref<50x8x128x8x128xf32, #tpu.memory_space<hbm>> -> memref<1x1x1x8x128xf32, #tpu.memory_space<hbm>>
      %dma_start3A_1149 = tpu.memref_squeeze %dma_start3A_1148 : memref<1x1x1x8x128xf32, #tpu.memory_space<hbm>> -> memref<8x128xf32, #tpu.memory_space<hbm>>
      %dma_start3A_1150 = arith.constant 0 : i32
      %dma_start3A_1151 = arith.constant 0 : i32
      %dma_start3A_1152 = tpu.memref_slice %arg4[%select_n3A_1001, %dma_start3A_1141, %select_n3A_1017, %dma_start3A_1150, %dma_start3A_1151] : memref<50x8x128x8x128xf32, #tpu.memory_space<hbm>> -> memref<1x1x1x8x128xf32, #tpu.memory_space<hbm>>
      %dma_start3A_1153 = tpu.memref_squeeze %dma_start3A_1152 : memref<1x1x1x8x128xf32, #tpu.memory_space<hbm>> -> memref<8x128xf32, #tpu.memory_space<hbm>>
      %dma_start3A_1154 = arith.constant 48 : i32
      %dma_start3A_1155 = arith.constant 0 : i32
      %dma_start3A_1156 = tpu.memref_slice %arg7[%dma_start3A_1140, %dma_start3A_1154, %dma_start3A_1155] : memref<5x64x129xf32, #tpu.memory_space<vmem>> -> memref<1x8x128xf32, #tpu.memory_space<vmem>>
      %dma_start3A_1157 = tpu.memref_squeeze %dma_start3A_1156 : memref<1x8x128xf32, #tpu.memory_space<vmem>> -> memref<8x128xf32, #tpu.memory_space<vmem>>
      tpu.enqueue_dma source(%dma_start3A_1157 : memref<8x128xf32, #tpu.memory_space<vmem>>) target(%dma_start3A_1153 : memref<8x128xf32, #tpu.memory_space<hbm>>) target_semaphore(%arg10 : memref<!tpu.dma_semaphore, #tpu.memory_space<semaphore_mem>>)
      %dma_start3A_1158 = arith.constant 0 : i32
      %dma_start3A_1159 = arith.constant 7 : i32
      %dma_start3A_1160 = arith.constant 56 : i32
      %dma_start3A_1161 = arith.constant 0 : i32
      %dma_start3A_1162 = tpu.memref_slice %arg7[%dma_start3A_1158, %dma_start3A_1160, %dma_start3A_1161] : memref<5x64x129xf32, #tpu.memory_space<vmem>> -> memref<1x8x128xf32, #tpu.memory_space<vmem>>
      %dma_start3A_1163 = tpu.memref_squeeze %dma_start3A_1162 : memref<1x8x128xf32, #tpu.memory_space<vmem>> -> memref<8x128xf32, #tpu.memory_space<vmem>>
      %dma_start3A_1164 = arith.constant 0 : i32
      %dma_start3A_1165 = arith.constant 0 : i32
      %dma_start3A_1166 = tpu.memref_slice %arg4[%select_n3A_1001, %dma_start3A_1159, %select_n3A_1017, %dma_start3A_1164, %dma_start3A_1165] : memref<50x8x128x8x128xf32, #tpu.memory_space<hbm>> -> memref<1x1x1x8x128xf32, #tpu.memory_space<hbm>>
      %dma_start3A_1167 = tpu.memref_squeeze %dma_start3A_1166 : memref<1x1x1x8x128xf32, #tpu.memory_space<hbm>> -> memref<8x128xf32, #tpu.memory_space<hbm>>
      %dma_start3A_1168 = arith.constant 0 : i32
      %dma_start3A_1169 = arith.constant 0 : i32
      %dma_start3A_1170 = tpu.memref_slice %arg4[%select_n3A_1001, %dma_start3A_1159, %select_n3A_1017, %dma_start3A_1168, %dma_start3A_1169] : memref<50x8x128x8x128xf32, #tpu.memory_space<hbm>> -> memref<1x1x1x8x128xf32, #tpu.memory_space<hbm>>
      %dma_start3A_1171 = tpu.memref_squeeze %dma_start3A_1170 : memref<1x1x1x8x128xf32, #tpu.memory_space<hbm>> -> memref<8x128xf32, #tpu.memory_space<hbm>>
      %dma_start3A_1172 = arith.constant 56 : i32
      %dma_start3A_1173 = arith.constant 0 : i32
      %dma_start3A_1174 = tpu.memref_slice %arg7[%dma_start3A_1158, %dma_start3A_1172, %dma_start3A_1173] : memref<5x64x129xf32, #tpu.memory_space<vmem>> -> memref<1x8x128xf32, #tpu.memory_space<vmem>>
      %dma_start3A_1175 = tpu.memref_squeeze %dma_start3A_1174 : memref<1x8x128xf32, #tpu.memory_space<vmem>> -> memref<8x128xf32, #tpu.memory_space<vmem>>
      tpu.enqueue_dma source(%dma_start3A_1175 : memref<8x128xf32, #tpu.memory_space<vmem>>) target(%dma_start3A_1171 : memref<8x128xf32, #tpu.memory_space<hbm>>) target_semaphore(%arg10 : memref<!tpu.dma_semaphore, #tpu.memory_space<semaphore_mem>>)
      %mul3A_1176 = arith.constant 5 : i32
      %mul3A_1177 = arith.muli %scan3A_310, %mul3A_1176 : i32
      %add3A_1178 = arith.addi %mul3A_2, %mul3A_1177 : i32
      %add3A_1179 = arith.constant 1 : i32
      %add3A_1180 = arith.addi %add3A_1178, %add3A_1179 : i32
      %jit3A_1181 = arith.constant 128 : i32
      %div3A_1182 = arith.divsi %add3A_1180, %jit3A_1181 : i32
      %sign3A_1183 = arith.constant 0 : i32
      %sign3A_1184 = arith.cmpi sgt, %add3A_1180, %sign3A_1183 : i32
      %sign3A_1185 = arith.extui %sign3A_1184 : i1 to i32
      %sign3A_1186 = arith.constant 0 : i32
      %sign3A_1187 = arith.cmpi slt, %add3A_1180, %sign3A_1186 : i32
      %sign3A_1188 = arith.extui %sign3A_1187 : i1 to i32
      %sign3A_1189 = arith.subi %sign3A_1185, %sign3A_1188 : i32
      %sign3A_1190 = arith.constant 0 : i32
      %sign3A_1191 = arith.cmpi sgt, %jit3A_1181, %sign3A_1190 : i32
      %sign3A_1192 = arith.extui %sign3A_1191 : i1 to i32
      %sign3A_1193 = arith.constant 0 : i32
      %sign3A_1194 = arith.cmpi slt, %jit3A_1181, %sign3A_1193 : i32
      %sign3A_1195 = arith.extui %sign3A_1194 : i1 to i32
      %sign3A_1196 = arith.subi %sign3A_1192, %sign3A_1195 : i32
      %ne3A_1197 = arith.cmpi ne, %sign3A_1189, %sign3A_1196 : i32
      %rem3A_1198 = arith.remsi %add3A_1180, %jit3A_1181 : i32
      %ne3A_1199 = arith.constant 0 : i32
      %ne3A_1200 = arith.cmpi ne, %rem3A_1198, %ne3A_1199 : i32
      %and3A_1201 = arith.andi %ne3A_1197, %ne3A_1200 : i1
      %sub3A_1202 = arith.constant 1 : i32
      %sub3A_1203 = arith.subi %div3A_1182, %sub3A_1202 : i32
      %select_n3A_1204 = arith.select %and3A_1201, %sub3A_1203, %div3A_1182 : i32
      %jit3A_1205 = arith.constant 128 : i32
      %eq3A_1206 = arith.constant 0 : i32
      %eq3A_1207 = arith.cmpi eq, %jit3A_1205, %eq3A_1206 : i32
      %jit3A_1208 = arith.constant 1 : i32
      %select_n3A_1209 = arith.select %eq3A_1207, %jit3A_1208, %jit3A_1205 : i32
      %rem3A_1210 = arith.remsi %add3A_1180, %select_n3A_1209 : i32
      %ne3A_1211 = arith.constant 0 : i32
      %ne3A_1212 = arith.cmpi ne, %rem3A_1210, %ne3A_1211 : i32
      %lt3A_1213 = arith.constant 0 : i32
      %lt3A_1214 = arith.cmpi slt, %rem3A_1210, %lt3A_1213 : i32
      %lt3A_1215 = arith.constant 0 : i32
      %lt3A_1216 = arith.cmpi slt, %select_n3A_1209, %lt3A_1215 : i32
      %ne3A_1217 = arith.xori %lt3A_1214, %lt3A_1216 : i1
      %and3A_1218 = arith.andi %ne3A_1217, %ne3A_1212 : i1
      %add3A_1219 = arith.addi %rem3A_1210, %select_n3A_1209 : i32
      %select_n3A_1220 = arith.select %and3A_1218, %add3A_1219, %rem3A_1210 : i32
      %dma_wait3A_1221 = arith.constant 1 : i32
      %dma_wait3A_1222 = arith.constant 1 : i32
      %dma_wait3A_1223 = arith.constant 0 : i32
      %dma_wait3A_1224 = arith.constant 0 : i32
      %dma_wait3A_1225 = tpu.memref_slice %arg6[%dma_wait3A_1222, %dma_wait3A_1223, %dma_wait3A_1224] : memref<5x128x64xf32, #tpu.memory_space<vmem>> -> memref<1x128x64xf32, #tpu.memory_space<vmem>>
      %dma_wait3A_1226 = tpu.memref_squeeze %dma_wait3A_1225 : memref<1x128x64xf32, #tpu.memory_space<vmem>> -> memref<128x64xf32, #tpu.memory_space<vmem>>
      %dma_wait3A_1227 = arith.constant 0 : i32
      %dma_wait3A_1228 = tpu.memref_slice %arg5[%dma_wait3A_1221, %dma_wait3A_1227] : memref<5x128xi32, #tpu.memory_space<vmem>> -> memref<1x128xi32, #tpu.memory_space<vmem>>
      %dma_wait3A_1229 = tpu.memref_squeeze %dma_wait3A_1228 : memref<1x128xi32, #tpu.memory_space<vmem>> -> memref<128xi32, #tpu.memory_space<vmem>>
      %dma_wait3A_1230 = arith.constant 0 : i32
      %dma_wait3A_1231 = arith.constant 0 : i32
      %dma_wait3A_1232 = tpu.memref_slice %arg3[%dma_wait3A_1230, %dma_wait3A_1231] : memref<2000000x64xf32, #tpu.memory_space<hbm>> -> memref<2000000x64xf32, #tpu.memory_space<hbm>>
      tpu.wait_indirect_dma semaphore(%arg9 : memref<!tpu.dma_semaphore, #tpu.memory_space<semaphore_mem>>) src(%dma_wait3A_1232 : memref<2000000x64xf32, #tpu.memory_space<hbm>>) dst(%dma_wait3A_1226 : memref<128x64xf32, #tpu.memory_space<vmem>>)
      %parallel_loop3A_1233 = arith.constant 0 : i32
      %parallel_loop3A_1234 = arith.constant 128 : i32
      %parallel_loop3A_1235 = arith.constant 1 : i32
      scf.for %parallel_loop3A_1993 = %parallel_loop3A_1233 to %parallel_loop3A_1234 step %parallel_loop3A_1235  : i32 {
        %parallel_loop3A_1994 = arith.constant 0 : i32
        %parallel_loop3A_1995 = vector.broadcast %parallel_loop3A_1994 : i32 to vector<16xi32>
        %parallel_loop3A_1996 = vector.broadcast %parallel_loop3A_1993 : i32 to vector<16xi32>
        %parallel_loop3A_1997 = arith.addi %parallel_loop3A_1995, %parallel_loop3A_1996 : vector<16xi32>
        %parallel_loop3A_1998 = arith.constant 1 : i32
        %parallel_loop3A_1999 = arith.index_cast %parallel_loop3A_1998 : i32 to index
        %parallel_loop3A_2000 = arith.index_cast %parallel_loop3A_1993 : i32 to index
        %parallel_loop3A_2001 = arith.constant 0 : index
        %parallel_loop3A_2002 = tpu.vector_load %arg6[%parallel_loop3A_1999, %parallel_loop3A_2000, %parallel_loop3A_2001] {strides = array<i32>} : memref<5x128x64xf32, #tpu.memory_space<vmem>>, vector<16xf32>,
        %parallel_loop3A_2003 = arith.constant 1 : i32
        %parallel_loop3A_2004 = arith.constant 0 : i32
        %parallel_loop3A_2005 = arith.constant 0 : i32
        %parallel_loop3A_2006 = tpu.memref_slice %arg7[%parallel_loop3A_2003, %parallel_loop3A_2004, %parallel_loop3A_2005] : memref<5x64x129xf32, #tpu.memory_space<vmem>> -> memref<1x64x129xf32, #tpu.memory_space<vmem>>
        %parallel_loop3A_2007 = tpu.memref_squeeze %parallel_loop3A_2006 : memref<1x64x129xf32, #tpu.memory_space<vmem>> -> memref<64x129xf32, #tpu.memory_space<vmem>>
        tpu.vector_store_idx %parallel_loop3A_2007[%add3A_5, %parallel_loop3A_1997], %parallel_loop3A_2002 : memref<64x129xf32, #tpu.memory_space<vmem>>[vector<16xi32>, vector<16xi32>], vector<16xf32>,
        %parallel_loop3A_2008 = arith.constant 1 : i32
        %parallel_loop3A_2009 = arith.index_cast %parallel_loop3A_2008 : i32 to index
        %parallel_loop3A_2010 = arith.index_cast %parallel_loop3A_1993 : i32 to index
        %parallel_loop3A_2011 = arith.constant 16 : index
        %parallel_loop3A_2012 = tpu.vector_load %arg6[%parallel_loop3A_2009, %parallel_loop3A_2010, %parallel_loop3A_2011] {strides = array<i32>} : memref<5x128x64xf32, #tpu.memory_space<vmem>>, vector<16xf32>,
        %parallel_loop3A_2013 = arith.constant 1 : i32
        %parallel_loop3A_2014 = arith.constant 0 : i32
        %parallel_loop3A_2015 = arith.constant 0 : i32
        %parallel_loop3A_2016 = tpu.memref_slice %arg7[%parallel_loop3A_2013, %parallel_loop3A_2014, %parallel_loop3A_2015] : memref<5x64x129xf32, #tpu.memory_space<vmem>> -> memref<1x64x129xf32, #tpu.memory_space<vmem>>
        %parallel_loop3A_2017 = tpu.memref_squeeze %parallel_loop3A_2016 : memref<1x64x129xf32, #tpu.memory_space<vmem>> -> memref<64x129xf32, #tpu.memory_space<vmem>>
        tpu.vector_store_idx %parallel_loop3A_2017[%add3A_8, %parallel_loop3A_1997], %parallel_loop3A_2012 : memref<64x129xf32, #tpu.memory_space<vmem>>[vector<16xi32>, vector<16xi32>], vector<16xf32>,
        %parallel_loop3A_2018 = arith.constant 1 : i32
        %parallel_loop3A_2019 = arith.index_cast %parallel_loop3A_2018 : i32 to index
        %parallel_loop3A_2020 = arith.index_cast %parallel_loop3A_1993 : i32 to index
        %parallel_loop3A_2021 = arith.constant 32 : index
        %parallel_loop3A_2022 = tpu.vector_load %arg6[%parallel_loop3A_2019, %parallel_loop3A_2020, %parallel_loop3A_2021] {strides = array<i32>} : memref<5x128x64xf32, #tpu.memory_space<vmem>>, vector<16xf32>,
        %parallel_loop3A_2023 = arith.constant 1 : i32
        %parallel_loop3A_2024 = arith.constant 0 : i32
        %parallel_loop3A_2025 = arith.constant 0 : i32
        %parallel_loop3A_2026 = tpu.memref_slice %arg7[%parallel_loop3A_2023, %parallel_loop3A_2024, %parallel_loop3A_2025] : memref<5x64x129xf32, #tpu.memory_space<vmem>> -> memref<1x64x129xf32, #tpu.memory_space<vmem>>
        %parallel_loop3A_2027 = tpu.memref_squeeze %parallel_loop3A_2026 : memref<1x64x129xf32, #tpu.memory_space<vmem>> -> memref<64x129xf32, #tpu.memory_space<vmem>>
        tpu.vector_store_idx %parallel_loop3A_2027[%add3A_11, %parallel_loop3A_1997], %parallel_loop3A_2022 : memref<64x129xf32, #tpu.memory_space<vmem>>[vector<16xi32>, vector<16xi32>], vector<16xf32>,
        %parallel_loop3A_2028 = arith.constant 1 : i32
        %parallel_loop3A_2029 = arith.index_cast %parallel_loop3A_2028 : i32 to index
        %parallel_loop3A_2030 = arith.index_cast %parallel_loop3A_1993 : i32 to index
        %parallel_loop3A_2031 = arith.constant 48 : index
        %parallel_loop3A_2032 = tpu.vector_load %arg6[%parallel_loop3A_2029, %parallel_loop3A_2030, %parallel_loop3A_2031] {strides = array<i32>} : memref<5x128x64xf32, #tpu.memory_space<vmem>>, vector<16xf32>,
        %parallel_loop3A_2033 = arith.constant 1 : i32
        %parallel_loop3A_2034 = arith.constant 0 : i32
        %parallel_loop3A_2035 = arith.constant 0 : i32
        %parallel_loop3A_2036 = tpu.memref_slice %arg7[%parallel_loop3A_2033, %parallel_loop3A_2034, %parallel_loop3A_2035] : memref<5x64x129xf32, #tpu.memory_space<vmem>> -> memref<1x64x129xf32, #tpu.memory_space<vmem>>
        %parallel_loop3A_2037 = tpu.memref_squeeze %parallel_loop3A_2036 : memref<1x64x129xf32, #tpu.memory_space<vmem>> -> memref<64x129xf32, #tpu.memory_space<vmem>>
        tpu.vector_store_idx %parallel_loop3A_2037[%add3A_14, %parallel_loop3A_1997], %parallel_loop3A_2032 : memref<64x129xf32, #tpu.memory_space<vmem>>[vector<16xi32>, vector<16xi32>], vector<16xf32>,
      } {sc.loop_unroll_factor = 8 : i64, sc.parallel_access}
      %dma_start3A_1236 = arith.constant 1 : i32
      %dma_start3A_1237 = arith.constant 0 : i32
      %dma_start3A_1238 = arith.constant 0 : i32
      %dma_start3A_1239 = arith.constant 0 : i32
      %dma_start3A_1240 = tpu.memref_slice %arg7[%dma_start3A_1236, %dma_start3A_1238, %dma_start3A_1239] : memref<5x64x129xf32, #tpu.memory_space<vmem>> -> memref<1x8x128xf32, #tpu.memory_space<vmem>>
      %dma_start3A_1241 = tpu.memref_squeeze %dma_start3A_1240 : memref<1x8x128xf32, #tpu.memory_space<vmem>> -> memref<8x128xf32, #tpu.memory_space<vmem>>
      %dma_start3A_1242 = arith.constant 0 : i32
      %dma_start3A_1243 = arith.constant 0 : i32
      %dma_start3A_1244 = tpu.memref_slice %arg4[%select_n3A_1204, %dma_start3A_1237, %select_n3A_1220, %dma_start3A_1242, %dma_start3A_1243] : memref<50x8x128x8x128xf32, #tpu.memory_space<hbm>> -> memref<1x1x1x8x128xf32, #tpu.memory_space<hbm>>
      %dma_start3A_1245 = tpu.memref_squeeze %dma_start3A_1244 : memref<1x1x1x8x128xf32, #tpu.memory_space<hbm>> -> memref<8x128xf32, #tpu.memory_space<hbm>>
      %dma_start3A_1246 = arith.constant 0 : i32
      %dma_start3A_1247 = arith.constant 0 : i32
      %dma_start3A_1248 = tpu.memref_slice %arg4[%select_n3A_1204, %dma_start3A_1237, %select_n3A_1220, %dma_start3A_1246, %dma_start3A_1247] : memref<50x8x128x8x128xf32, #tpu.memory_space<hbm>> -> memref<1x1x1x8x128xf32, #tpu.memory_space<hbm>>
      %dma_start3A_1249 = tpu.memref_squeeze %dma_start3A_1248 : memref<1x1x1x8x128xf32, #tpu.memory_space<hbm>> -> memref<8x128xf32, #tpu.memory_space<hbm>>
      %dma_start3A_1250 = arith.constant 0 : i32
      %dma_start3A_1251 = arith.constant 0 : i32
      %dma_start3A_1252 = tpu.memref_slice %arg7[%dma_start3A_1236, %dma_start3A_1250, %dma_start3A_1251] : memref<5x64x129xf32, #tpu.memory_space<vmem>> -> memref<1x8x128xf32, #tpu.memory_space<vmem>>
      %dma_start3A_1253 = tpu.memref_squeeze %dma_start3A_1252 : memref<1x8x128xf32, #tpu.memory_space<vmem>> -> memref<8x128xf32, #tpu.memory_space<vmem>>
      tpu.enqueue_dma source(%dma_start3A_1253 : memref<8x128xf32, #tpu.memory_space<vmem>>) target(%dma_start3A_1249 : memref<8x128xf32, #tpu.memory_space<hbm>>) target_semaphore(%arg10 : memref<!tpu.dma_semaphore, #tpu.memory_space<semaphore_mem>>)
      %dma_start3A_1254 = arith.constant 1 : i32
      %dma_start3A_1255 = arith.constant 1 : i32
      %dma_start3A_1256 = arith.constant 8 : i32
      %dma_start3A_1257 = arith.constant 0 : i32
      %dma_start3A_1258 = tpu.memref_slice %arg7[%dma_start3A_1254, %dma_start3A_1256, %dma_start3A_1257] : memref<5x64x129xf32, #tpu.memory_space<vmem>> -> memref<1x8x128xf32, #tpu.memory_space<vmem>>
      %dma_start3A_1259 = tpu.memref_squeeze %dma_start3A_1258 : memref<1x8x128xf32, #tpu.memory_space<vmem>> -> memref<8x128xf32, #tpu.memory_space<vmem>>
      %dma_start3A_1260 = arith.constant 0 : i32
      %dma_start3A_1261 = arith.constant 0 : i32
      %dma_start3A_1262 = tpu.memref_slice %arg4[%select_n3A_1204, %dma_start3A_1255, %select_n3A_1220, %dma_start3A_1260, %dma_start3A_1261] : memref<50x8x128x8x128xf32, #tpu.memory_space<hbm>> -> memref<1x1x1x8x128xf32, #tpu.memory_space<hbm>>
      %dma_start3A_1263 = tpu.memref_squeeze %dma_start3A_1262 : memref<1x1x1x8x128xf32, #tpu.memory_space<hbm>> -> memref<8x128xf32, #tpu.memory_space<hbm>>
      %dma_start3A_1264 = arith.constant 0 : i32
      %dma_start3A_1265 = arith.constant 0 : i32
      %dma_start3A_1266 = tpu.memref_slice %arg4[%select_n3A_1204, %dma_start3A_1255, %select_n3A_1220, %dma_start3A_1264, %dma_start3A_1265] : memref<50x8x128x8x128xf32, #tpu.memory_space<hbm>> -> memref<1x1x1x8x128xf32, #tpu.memory_space<hbm>>
      %dma_start3A_1267 = tpu.memref_squeeze %dma_start3A_1266 : memref<1x1x1x8x128xf32, #tpu.memory_space<hbm>> -> memref<8x128xf32, #tpu.memory_space<hbm>>
      %dma_start3A_1268 = arith.constant 8 : i32
      %dma_start3A_1269 = arith.constant 0 : i32
      %dma_start3A_1270 = tpu.memref_slice %arg7[%dma_start3A_1254, %dma_start3A_1268, %dma_start3A_1269] : memref<5x64x129xf32, #tpu.memory_space<vmem>> -> memref<1x8x128xf32, #tpu.memory_space<vmem>>
      %dma_start3A_1271 = tpu.memref_squeeze %dma_start3A_1270 : memref<1x8x128xf32, #tpu.memory_space<vmem>> -> memref<8x128xf32, #tpu.memory_space<vmem>>
      tpu.enqueue_dma source(%dma_start3A_1271 : memref<8x128xf32, #tpu.memory_space<vmem>>) target(%dma_start3A_1267 : memref<8x128xf32, #tpu.memory_space<hbm>>) target_semaphore(%arg10 : memref<!tpu.dma_semaphore, #tpu.memory_space<semaphore_mem>>)
      %dma_start3A_1272 = arith.constant 1 : i32
      %dma_start3A_1273 = arith.constant 2 : i32
      %dma_start3A_1274 = arith.constant 16 : i32
      %dma_start3A_1275 = arith.constant 0 : i32
      %dma_start3A_1276 = tpu.memref_slice %arg7[%dma_start3A_1272, %dma_start3A_1274, %dma_start3A_1275] : memref<5x64x129xf32, #tpu.memory_space<vmem>> -> memref<1x8x128xf32, #tpu.memory_space<vmem>>
      %dma_start3A_1277 = tpu.memref_squeeze %dma_start3A_1276 : memref<1x8x128xf32, #tpu.memory_space<vmem>> -> memref<8x128xf32, #tpu.memory_space<vmem>>
      %dma_start3A_1278 = arith.constant 0 : i32
      %dma_start3A_1279 = arith.constant 0 : i32
      %dma_start3A_1280 = tpu.memref_slice %arg4[%select_n3A_1204, %dma_start3A_1273, %select_n3A_1220, %dma_start3A_1278, %dma_start3A_1279] : memref<50x8x128x8x128xf32, #tpu.memory_space<hbm>> -> memref<1x1x1x8x128xf32, #tpu.memory_space<hbm>>
      %dma_start3A_1281 = tpu.memref_squeeze %dma_start3A_1280 : memref<1x1x1x8x128xf32, #tpu.memory_space<hbm>> -> memref<8x128xf32, #tpu.memory_space<hbm>>
      %dma_start3A_1282 = arith.constant 0 : i32
      %dma_start3A_1283 = arith.constant 0 : i32
      %dma_start3A_1284 = tpu.memref_slice %arg4[%select_n3A_1204, %dma_start3A_1273, %select_n3A_1220, %dma_start3A_1282, %dma_start3A_1283] : memref<50x8x128x8x128xf32, #tpu.memory_space<hbm>> -> memref<1x1x1x8x128xf32, #tpu.memory_space<hbm>>
      %dma_start3A_1285 = tpu.memref_squeeze %dma_start3A_1284 : memref<1x1x1x8x128xf32, #tpu.memory_space<hbm>> -> memref<8x128xf32, #tpu.memory_space<hbm>>
      %dma_start3A_1286 = arith.constant 16 : i32
      %dma_start3A_1287 = arith.constant 0 : i32
      %dma_start3A_1288 = tpu.memref_slice %arg7[%dma_start3A_1272, %dma_start3A_1286, %dma_start3A_1287] : memref<5x64x129xf32, #tpu.memory_space<vmem>> -> memref<1x8x128xf32, #tpu.memory_space<vmem>>
      %dma_start3A_1289 = tpu.memref_squeeze %dma_start3A_1288 : memref<1x8x128xf32, #tpu.memory_space<vmem>> -> memref<8x128xf32, #tpu.memory_space<vmem>>
      tpu.enqueue_dma source(%dma_start3A_1289 : memref<8x128xf32, #tpu.memory_space<vmem>>) target(%dma_start3A_1285 : memref<8x128xf32, #tpu.memory_space<hbm>>) target_semaphore(%arg10 : memref<!tpu.dma_semaphore, #tpu.memory_space<semaphore_mem>>)
      %dma_start3A_1290 = arith.constant 1 : i32
      %dma_start3A_1291 = arith.constant 3 : i32
      %dma_start3A_1292 = arith.constant 24 : i32
      %dma_start3A_1293 = arith.constant 0 : i32
      %dma_start3A_1294 = tpu.memref_slice %arg7[%dma_start3A_1290, %dma_start3A_1292, %dma_start3A_1293] : memref<5x64x129xf32, #tpu.memory_space<vmem>> -> memref<1x8x128xf32, #tpu.memory_space<vmem>>
      %dma_start3A_1295 = tpu.memref_squeeze %dma_start3A_1294 : memref<1x8x128xf32, #tpu.memory_space<vmem>> -> memref<8x128xf32, #tpu.memory_space<vmem>>
      %dma_start3A_1296 = arith.constant 0 : i32
      %dma_start3A_1297 = arith.constant 0 : i32
      %dma_start3A_1298 = tpu.memref_slice %arg4[%select_n3A_1204, %dma_start3A_1291, %select_n3A_1220, %dma_start3A_1296, %dma_start3A_1297] : memref<50x8x128x8x128xf32, #tpu.memory_space<hbm>> -> memref<1x1x1x8x128xf32, #tpu.memory_space<hbm>>
      %dma_start3A_1299 = tpu.memref_squeeze %dma_start3A_1298 : memref<1x1x1x8x128xf32, #tpu.memory_space<hbm>> -> memref<8x128xf32, #tpu.memory_space<hbm>>
      %dma_start3A_1300 = arith.constant 0 : i32
      %dma_start3A_1301 = arith.constant 0 : i32
      %dma_start3A_1302 = tpu.memref_slice %arg4[%select_n3A_1204, %dma_start3A_1291, %select_n3A_1220, %dma_start3A_1300, %dma_start3A_1301] : memref<50x8x128x8x128xf32, #tpu.memory_space<hbm>> -> memref<1x1x1x8x128xf32, #tpu.memory_space<hbm>>
      %dma_start3A_1303 = tpu.memref_squeeze %dma_start3A_1302 : memref<1x1x1x8x128xf32, #tpu.memory_space<hbm>> -> memref<8x128xf32, #tpu.memory_space<hbm>>
      %dma_start3A_1304 = arith.constant 24 : i32
      %dma_start3A_1305 = arith.constant 0 : i32
      %dma_start3A_1306 = tpu.memref_slice %arg7[%dma_start3A_1290, %dma_start3A_1304, %dma_start3A_1305] : memref<5x64x129xf32, #tpu.memory_space<vmem>> -> memref<1x8x128xf32, #tpu.memory_space<vmem>>
      %dma_start3A_1307 = tpu.memref_squeeze %dma_start3A_1306 : memref<1x8x128xf32, #tpu.memory_space<vmem>> -> memref<8x128xf32, #tpu.memory_space<vmem>>
      tpu.enqueue_dma source(%dma_start3A_1307 : memref<8x128xf32, #tpu.memory_space<vmem>>) target(%dma_start3A_1303 : memref<8x128xf32, #tpu.memory_space<hbm>>) target_semaphore(%arg10 : memref<!tpu.dma_semaphore, #tpu.memory_space<semaphore_mem>>)
      %dma_start3A_1308 = arith.constant 1 : i32
      %dma_start3A_1309 = arith.constant 4 : i32
      %dma_start3A_1310 = arith.constant 32 : i32
      %dma_start3A_1311 = arith.constant 0 : i32
      %dma_start3A_1312 = tpu.memref_slice %arg7[%dma_start3A_1308, %dma_start3A_1310, %dma_start3A_1311] : memref<5x64x129xf32, #tpu.memory_space<vmem>> -> memref<1x8x128xf32, #tpu.memory_space<vmem>>
      %dma_start3A_1313 = tpu.memref_squeeze %dma_start3A_1312 : memref<1x8x128xf32, #tpu.memory_space<vmem>> -> memref<8x128xf32, #tpu.memory_space<vmem>>
      %dma_start3A_1314 = arith.constant 0 : i32
      %dma_start3A_1315 = arith.constant 0 : i32
      %dma_start3A_1316 = tpu.memref_slice %arg4[%select_n3A_1204, %dma_start3A_1309, %select_n3A_1220, %dma_start3A_1314, %dma_start3A_1315] : memref<50x8x128x8x128xf32, #tpu.memory_space<hbm>> -> memref<1x1x1x8x128xf32, #tpu.memory_space<hbm>>
      %dma_start3A_1317 = tpu.memref_squeeze %dma_start3A_1316 : memref<1x1x1x8x128xf32, #tpu.memory_space<hbm>> -> memref<8x128xf32, #tpu.memory_space<hbm>>
      %dma_start3A_1318 = arith.constant 0 : i32
      %dma_start3A_1319 = arith.constant 0 : i32
      %dma_start3A_1320 = tpu.memref_slice %arg4[%select_n3A_1204, %dma_start3A_1309, %select_n3A_1220, %dma_start3A_1318, %dma_start3A_1319] : memref<50x8x128x8x128xf32, #tpu.memory_space<hbm>> -> memref<1x1x1x8x128xf32, #tpu.memory_space<hbm>>
      %dma_start3A_1321 = tpu.memref_squeeze %dma_start3A_1320 : memref<1x1x1x8x128xf32, #tpu.memory_space<hbm>> -> memref<8x128xf32, #tpu.memory_space<hbm>>
      %dma_start3A_1322 = arith.constant 32 : i32
      %dma_start3A_1323 = arith.constant 0 : i32
      %dma_start3A_1324 = tpu.memref_slice %arg7[%dma_start3A_1308, %dma_start3A_1322, %dma_start3A_1323] : memref<5x64x129xf32, #tpu.memory_space<vmem>> -> memref<1x8x128xf32, #tpu.memory_space<vmem>>
      %dma_start3A_1325 = tpu.memref_squeeze %dma_start3A_1324 : memref<1x8x128xf32, #tpu.memory_space<vmem>> -> memref<8x128xf32, #tpu.memory_space<vmem>>
      tpu.enqueue_dma source(%dma_start3A_1325 : memref<8x128xf32, #tpu.memory_space<vmem>>) target(%dma_start3A_1321 : memref<8x128xf32, #tpu.memory_space<hbm>>) target_semaphore(%arg10 : memref<!tpu.dma_semaphore, #tpu.memory_space<semaphore_mem>>)
      %dma_start3A_1326 = arith.constant 1 : i32
      %dma_start3A_1327 = arith.constant 5 : i32
      %dma_start3A_1328 = arith.constant 40 : i32
      %dma_start3A_1329 = arith.constant 0 : i32
      %dma_start3A_1330 = tpu.memref_slice %arg7[%dma_start3A_1326, %dma_start3A_1328, %dma_start3A_1329] : memref<5x64x129xf32, #tpu.memory_space<vmem>> -> memref<1x8x128xf32, #tpu.memory_space<vmem>>
      %dma_start3A_1331 = tpu.memref_squeeze %dma_start3A_1330 : memref<1x8x128xf32, #tpu.memory_space<vmem>> -> memref<8x128xf32, #tpu.memory_space<vmem>>
      %dma_start3A_1332 = arith.constant 0 : i32
      %dma_start3A_1333 = arith.constant 0 : i32
      %dma_start3A_1334 = tpu.memref_slice %arg4[%select_n3A_1204, %dma_start3A_1327, %select_n3A_1220, %dma_start3A_1332, %dma_start3A_1333] : memref<50x8x128x8x128xf32, #tpu.memory_space<hbm>> -> memref<1x1x1x8x128xf32, #tpu.memory_space<hbm>>
      %dma_start3A_1335 = tpu.memref_squeeze %dma_start3A_1334 : memref<1x1x1x8x128xf32, #tpu.memory_space<hbm>> -> memref<8x128xf32, #tpu.memory_space<hbm>>
      %dma_start3A_1336 = arith.constant 0 : i32
      %dma_start3A_1337 = arith.constant 0 : i32
      %dma_start3A_1338 = tpu.memref_slice %arg4[%select_n3A_1204, %dma_start3A_1327, %select_n3A_1220, %dma_start3A_1336, %dma_start3A_1337] : memref<50x8x128x8x128xf32, #tpu.memory_space<hbm>> -> memref<1x1x1x8x128xf32, #tpu.memory_space<hbm>>
      %dma_start3A_1339 = tpu.memref_squeeze %dma_start3A_1338 : memref<1x1x1x8x128xf32, #tpu.memory_space<hbm>> -> memref<8x128xf32, #tpu.memory_space<hbm>>
      %dma_start3A_1340 = arith.constant 40 : i32
      %dma_start3A_1341 = arith.constant 0 : i32
      %dma_start3A_1342 = tpu.memref_slice %arg7[%dma_start3A_1326, %dma_start3A_1340, %dma_start3A_1341] : memref<5x64x129xf32, #tpu.memory_space<vmem>> -> memref<1x8x128xf32, #tpu.memory_space<vmem>>
      %dma_start3A_1343 = tpu.memref_squeeze %dma_start3A_1342 : memref<1x8x128xf32, #tpu.memory_space<vmem>> -> memref<8x128xf32, #tpu.memory_space<vmem>>
      tpu.enqueue_dma source(%dma_start3A_1343 : memref<8x128xf32, #tpu.memory_space<vmem>>) target(%dma_start3A_1339 : memref<8x128xf32, #tpu.memory_space<hbm>>) target_semaphore(%arg10 : memref<!tpu.dma_semaphore, #tpu.memory_space<semaphore_mem>>)
      %dma_start3A_1344 = arith.constant 1 : i32
      %dma_start3A_1345 = arith.constant 6 : i32
      %dma_start3A_1346 = arith.constant 48 : i32
      %dma_start3A_1347 = arith.constant 0 : i32
      %dma_start3A_1348 = tpu.memref_slice %arg7[%dma_start3A_1344, %dma_start3A_1346, %dma_start3A_1347] : memref<5x64x129xf32, #tpu.memory_space<vmem>> -> memref<1x8x128xf32, #tpu.memory_space<vmem>>
      %dma_start3A_1349 = tpu.memref_squeeze %dma_start3A_1348 : memref<1x8x128xf32, #tpu.memory_space<vmem>> -> memref<8x128xf32, #tpu.memory_space<vmem>>
      %dma_start3A_1350 = arith.constant 0 : i32
      %dma_start3A_1351 = arith.constant 0 : i32
      %dma_start3A_1352 = tpu.memref_slice %arg4[%select_n3A_1204, %dma_start3A_1345, %select_n3A_1220, %dma_start3A_1350, %dma_start3A_1351] : memref<50x8x128x8x128xf32, #tpu.memory_space<hbm>> -> memref<1x1x1x8x128xf32, #tpu.memory_space<hbm>>
      %dma_start3A_1353 = tpu.memref_squeeze %dma_start3A_1352 : memref<1x1x1x8x128xf32, #tpu.memory_space<hbm>> -> memref<8x128xf32, #tpu.memory_space<hbm>>
      %dma_start3A_1354 = arith.constant 0 : i32
      %dma_start3A_1355 = arith.constant 0 : i32
      %dma_start3A_1356 = tpu.memref_slice %arg4[%select_n3A_1204, %dma_start3A_1345, %select_n3A_1220, %dma_start3A_1354, %dma_start3A_1355] : memref<50x8x128x8x128xf32, #tpu.memory_space<hbm>> -> memref<1x1x1x8x128xf32, #tpu.memory_space<hbm>>
      %dma_start3A_1357 = tpu.memref_squeeze %dma_start3A_1356 : memref<1x1x1x8x128xf32, #tpu.memory_space<hbm>> -> memref<8x128xf32, #tpu.memory_space<hbm>>
      %dma_start3A_1358 = arith.constant 48 : i32
      %dma_start3A_1359 = arith.constant 0 : i32
      %dma_start3A_1360 = tpu.memref_slice %arg7[%dma_start3A_1344, %dma_start3A_1358, %dma_start3A_1359] : memref<5x64x129xf32, #tpu.memory_space<vmem>> -> memref<1x8x128xf32, #tpu.memory_space<vmem>>
      %dma_start3A_1361 = tpu.memref_squeeze %dma_start3A_1360 : memref<1x8x128xf32, #tpu.memory_space<vmem>> -> memref<8x128xf32, #tpu.memory_space<vmem>>
      tpu.enqueue_dma source(%dma_start3A_1361 : memref<8x128xf32, #tpu.memory_space<vmem>>) target(%dma_start3A_1357 : memref<8x128xf32, #tpu.memory_space<hbm>>) target_semaphore(%arg10 : memref<!tpu.dma_semaphore, #tpu.memory_space<semaphore_mem>>)
      %dma_start3A_1362 = arith.constant 1 : i32
      %dma_start3A_1363 = arith.constant 7 : i32
      %dma_start3A_1364 = arith.constant 56 : i32
      %dma_start3A_1365 = arith.constant 0 : i32
      %dma_start3A_1366 = tpu.memref_slice %arg7[%dma_start3A_1362, %dma_start3A_1364, %dma_start3A_1365] : memref<5x64x129xf32, #tpu.memory_space<vmem>> -> memref<1x8x128xf32, #tpu.memory_space<vmem>>
      %dma_start3A_1367 = tpu.memref_squeeze %dma_start3A_1366 : memref<1x8x128xf32, #tpu.memory_space<vmem>> -> memref<8x128xf32, #tpu.memory_space<vmem>>
      %dma_start3A_1368 = arith.constant 0 : i32
      %dma_start3A_1369 = arith.constant 0 : i32
      %dma_start3A_1370 = tpu.memref_slice %arg4[%select_n3A_1204, %dma_start3A_1363, %select_n3A_1220, %dma_start3A_1368, %dma_start3A_1369] : memref<50x8x128x8x128xf32, #tpu.memory_space<hbm>> -> memref<1x1x1x8x128xf32, #tpu.memory_space<hbm>>
      %dma_start3A_1371 = tpu.memref_squeeze %dma_start3A_1370 : memref<1x1x1x8x128xf32, #tpu.memory_space<hbm>> -> memref<8x128xf32, #tpu.memory_space<hbm>>
      %dma_start3A_1372 = arith.constant 0 : i32
      %dma_start3A_1373 = arith.constant 0 : i32
      %dma_start3A_1374 = tpu.memref_slice %arg4[%select_n3A_1204, %dma_start3A_1363, %select_n3A_1220, %dma_start3A_1372, %dma_start3A_1373] : memref<50x8x128x8x128xf32, #tpu.memory_space<hbm>> -> memref<1x1x1x8x128xf32, #tpu.memory_space<hbm>>
      %dma_start3A_1375 = tpu.memref_squeeze %dma_start3A_1374 : memref<1x1x1x8x128xf32, #tpu.memory_space<hbm>> -> memref<8x128xf32, #tpu.memory_space<hbm>>
      %dma_start3A_1376 = arith.constant 56 : i32
      %dma_start3A_1377 = arith.constant 0 : i32
      %dma_start3A_1378 = tpu.memref_slice %arg7[%dma_start3A_1362, %dma_start3A_1376, %dma_start3A_1377] : memref<5x64x129xf32, #tpu.memory_space<vmem>> -> memref<1x8x128xf32, #tpu.memory_space<vmem>>
      %dma_start3A_1379 = tpu.memref_squeeze %dma_start3A_1378 : memref<1x8x128xf32, #tpu.memory_space<vmem>> -> memref<8x128xf32, #tpu.memory_space<vmem>>
      tpu.enqueue_dma source(%dma_start3A_1379 : memref<8x128xf32, #tpu.memory_space<vmem>>) target(%dma_start3A_1375 : memref<8x128xf32, #tpu.memory_space<hbm>>) target_semaphore(%arg10 : memref<!tpu.dma_semaphore, #tpu.memory_space<semaphore_mem>>)
      %mul3A_1380 = arith.constant 5 : i32
      %mul3A_1381 = arith.muli %scan3A_310, %mul3A_1380 : i32
      %add3A_1382 = arith.addi %mul3A_2, %mul3A_1381 : i32
      %add3A_1383 = arith.constant 2 : i32
      %add3A_1384 = arith.addi %add3A_1382, %add3A_1383 : i32
      %jit3A_1385 = arith.constant 128 : i32
      %div3A_1386 = arith.divsi %add3A_1384, %jit3A_1385 : i32
      %sign3A_1387 = arith.constant 0 : i32
      %sign3A_1388 = arith.cmpi sgt, %add3A_1384, %sign3A_1387 : i32
      %sign3A_1389 = arith.extui %sign3A_1388 : i1 to i32
      %sign3A_1390 = arith.constant 0 : i32
      %sign3A_1391 = arith.cmpi slt, %add3A_1384, %sign3A_1390 : i32
      %sign3A_1392 = arith.extui %sign3A_1391 : i1 to i32
      %sign3A_1393 = arith.subi %sign3A_1389, %sign3A_1392 : i32
      %sign3A_1394 = arith.constant 0 : i32
      %sign3A_1395 = arith.cmpi sgt, %jit3A_1385, %sign3A_1394 : i32
      %sign3A_1396 = arith.extui %sign3A_1395 : i1 to i32
      %sign3A_1397 = arith.constant 0 : i32
      %sign3A_1398 = arith.cmpi slt, %jit3A_1385, %sign3A_1397 : i32
      %sign3A_1399 = arith.extui %sign3A_1398 : i1 to i32
      %sign3A_1400 = arith.subi %sign3A_1396, %sign3A_1399 : i32
      %ne3A_1401 = arith.cmpi ne, %sign3A_1393, %sign3A_1400 : i32
      %rem3A_1402 = arith.remsi %add3A_1384, %jit3A_1385 : i32
      %ne3A_1403 = arith.constant 0 : i32
      %ne3A_1404 = arith.cmpi ne, %rem3A_1402, %ne3A_1403 : i32
      %and3A_1405 = arith.andi %ne3A_1401, %ne3A_1404 : i1
      %sub3A_1406 = arith.constant 1 : i32
      %sub3A_1407 = arith.subi %div3A_1386, %sub3A_1406 : i32
      %select_n3A_1408 = arith.select %and3A_1405, %sub3A_1407, %div3A_1386 : i32
      %jit3A_1409 = arith.constant 128 : i32
      %eq3A_1410 = arith.constant 0 : i32
      %eq3A_1411 = arith.cmpi eq, %jit3A_1409, %eq3A_1410 : i32
      %jit3A_1412 = arith.constant 1 : i32
      %select_n3A_1413 = arith.select %eq3A_1411, %jit3A_1412, %jit3A_1409 : i32
      %rem3A_1414 = arith.remsi %add3A_1384, %select_n3A_1413 : i32
      %ne3A_1415 = arith.constant 0 : i32
      %ne3A_1416 = arith.cmpi ne, %rem3A_1414, %ne3A_1415 : i32
      %lt3A_1417 = arith.constant 0 : i32
      %lt3A_1418 = arith.cmpi slt, %rem3A_1414, %lt3A_1417 : i32
      %lt3A_1419 = arith.constant 0 : i32
      %lt3A_1420 = arith.cmpi slt, %select_n3A_1413, %lt3A_1419 : i32
      %ne3A_1421 = arith.xori %lt3A_1418, %lt3A_1420 : i1
      %and3A_1422 = arith.andi %ne3A_1421, %ne3A_1416 : i1
      %add3A_1423 = arith.addi %rem3A_1414, %select_n3A_1413 : i32
      %select_n3A_1424 = arith.select %and3A_1422, %add3A_1423, %rem3A_1414 : i32
      %dma_wait3A_1425 = arith.constant 2 : i32
      %dma_wait3A_1426 = arith.constant 2 : i32
      %dma_wait3A_1427 = arith.constant 0 : i32
      %dma_wait3A_1428 = arith.constant 0 : i32
      %dma_wait3A_1429 = tpu.memref_slice %arg6[%dma_wait3A_1426, %dma_wait3A_1427, %dma_wait3A_1428] : memref<5x128x64xf32, #tpu.memory_space<vmem>> -> memref<1x128x64xf32, #tpu.memory_space<vmem>>
      %dma_wait3A_1430 = tpu.memref_squeeze %dma_wait3A_1429 : memref<1x128x64xf32, #tpu.memory_space<vmem>> -> memref<128x64xf32, #tpu.memory_space<vmem>>
      %dma_wait3A_1431 = arith.constant 0 : i32
      %dma_wait3A_1432 = tpu.memref_slice %arg5[%dma_wait3A_1425, %dma_wait3A_1431] : memref<5x128xi32, #tpu.memory_space<vmem>> -> memref<1x128xi32, #tpu.memory_space<vmem>>
      %dma_wait3A_1433 = tpu.memref_squeeze %dma_wait3A_1432 : memref<1x128xi32, #tpu.memory_space<vmem>> -> memref<128xi32, #tpu.memory_space<vmem>>
      %dma_wait3A_1434 = arith.constant 0 : i32
      %dma_wait3A_1435 = arith.constant 0 : i32
      %dma_wait3A_1436 = tpu.memref_slice %arg3[%dma_wait3A_1434, %dma_wait3A_1435] : memref<2000000x64xf32, #tpu.memory_space<hbm>> -> memref<2000000x64xf32, #tpu.memory_space<hbm>>
      tpu.wait_indirect_dma semaphore(%arg9 : memref<!tpu.dma_semaphore, #tpu.memory_space<semaphore_mem>>) src(%dma_wait3A_1436 : memref<2000000x64xf32, #tpu.memory_space<hbm>>) dst(%dma_wait3A_1430 : memref<128x64xf32, #tpu.memory_space<vmem>>)
      %parallel_loop3A_1437 = arith.constant 0 : i32
      %parallel_loop3A_1438 = arith.constant 128 : i32
      %parallel_loop3A_1439 = arith.constant 1 : i32
      scf.for %parallel_loop3A_1993 = %parallel_loop3A_1437 to %parallel_loop3A_1438 step %parallel_loop3A_1439  : i32 {
        %parallel_loop3A_1994 = arith.constant 0 : i32
        %parallel_loop3A_1995 = vector.broadcast %parallel_loop3A_1994 : i32 to vector<16xi32>
        %parallel_loop3A_1996 = vector.broadcast %parallel_loop3A_1993 : i32 to vector<16xi32>
        %parallel_loop3A_1997 = arith.addi %parallel_loop3A_1995, %parallel_loop3A_1996 : vector<16xi32>
        %parallel_loop3A_1998 = arith.constant 2 : i32
        %parallel_loop3A_1999 = arith.index_cast %parallel_loop3A_1998 : i32 to index
        %parallel_loop3A_2000 = arith.index_cast %parallel_loop3A_1993 : i32 to index
        %parallel_loop3A_2001 = arith.constant 0 : index
        %parallel_loop3A_2002 = tpu.vector_load %arg6[%parallel_loop3A_1999, %parallel_loop3A_2000, %parallel_loop3A_2001] {strides = array<i32>} : memref<5x128x64xf32, #tpu.memory_space<vmem>>, vector<16xf32>,
        %parallel_loop3A_2003 = arith.constant 2 : i32
        %parallel_loop3A_2004 = arith.constant 0 : i32
        %parallel_loop3A_2005 = arith.constant 0 : i32
        %parallel_loop3A_2006 = tpu.memref_slice %arg7[%parallel_loop3A_2003, %parallel_loop3A_2004, %parallel_loop3A_2005] : memref<5x64x129xf32, #tpu.memory_space<vmem>> -> memref<1x64x129xf32, #tpu.memory_space<vmem>>
        %parallel_loop3A_2007 = tpu.memref_squeeze %parallel_loop3A_2006 : memref<1x64x129xf32, #tpu.memory_space<vmem>> -> memref<64x129xf32, #tpu.memory_space<vmem>>
        tpu.vector_store_idx %parallel_loop3A_2007[%add3A_5, %parallel_loop3A_1997], %parallel_loop3A_2002 : memref<64x129xf32, #tpu.memory_space<vmem>>[vector<16xi32>, vector<16xi32>], vector<16xf32>,
        %parallel_loop3A_2008 = arith.constant 2 : i32
        %parallel_loop3A_2009 = arith.index_cast %parallel_loop3A_2008 : i32 to index
        %parallel_loop3A_2010 = arith.index_cast %parallel_loop3A_1993 : i32 to index
        %parallel_loop3A_2011 = arith.constant 16 : index
        %parallel_loop3A_2012 = tpu.vector_load %arg6[%parallel_loop3A_2009, %parallel_loop3A_2010, %parallel_loop3A_2011] {strides = array<i32>} : memref<5x128x64xf32, #tpu.memory_space<vmem>>, vector<16xf32>,
        %parallel_loop3A_2013 = arith.constant 2 : i32
        %parallel_loop3A_2014 = arith.constant 0 : i32
        %parallel_loop3A_2015 = arith.constant 0 : i32
        %parallel_loop3A_2016 = tpu.memref_slice %arg7[%parallel_loop3A_2013, %parallel_loop3A_2014, %parallel_loop3A_2015] : memref<5x64x129xf32, #tpu.memory_space<vmem>> -> memref<1x64x129xf32, #tpu.memory_space<vmem>>
        %parallel_loop3A_2017 = tpu.memref_squeeze %parallel_loop3A_2016 : memref<1x64x129xf32, #tpu.memory_space<vmem>> -> memref<64x129xf32, #tpu.memory_space<vmem>>
        tpu.vector_store_idx %parallel_loop3A_2017[%add3A_8, %parallel_loop3A_1997], %parallel_loop3A_2012 : memref<64x129xf32, #tpu.memory_space<vmem>>[vector<16xi32>, vector<16xi32>], vector<16xf32>,
        %parallel_loop3A_2018 = arith.constant 2 : i32
        %parallel_loop3A_2019 = arith.index_cast %parallel_loop3A_2018 : i32 to index
        %parallel_loop3A_2020 = arith.index_cast %parallel_loop3A_1993 : i32 to index
        %parallel_loop3A_2021 = arith.constant 32 : index
        %parallel_loop3A_2022 = tpu.vector_load %arg6[%parallel_loop3A_2019, %parallel_loop3A_2020, %parallel_loop3A_2021] {strides = array<i32>} : memref<5x128x64xf32, #tpu.memory_space<vmem>>, vector<16xf32>,
        %parallel_loop3A_2023 = arith.constant 2 : i32
        %parallel_loop3A_2024 = arith.constant 0 : i32
        %parallel_loop3A_2025 = arith.constant 0 : i32
        %parallel_loop3A_2026 = tpu.memref_slice %arg7[%parallel_loop3A_2023, %parallel_loop3A_2024, %parallel_loop3A_2025] : memref<5x64x129xf32, #tpu.memory_space<vmem>> -> memref<1x64x129xf32, #tpu.memory_space<vmem>>
        %parallel_loop3A_2027 = tpu.memref_squeeze %parallel_loop3A_2026 : memref<1x64x129xf32, #tpu.memory_space<vmem>> -> memref<64x129xf32, #tpu.memory_space<vmem>>
        tpu.vector_store_idx %parallel_loop3A_2027[%add3A_11, %parallel_loop3A_1997], %parallel_loop3A_2022 : memref<64x129xf32, #tpu.memory_space<vmem>>[vector<16xi32>, vector<16xi32>], vector<16xf32>,
        %parallel_loop3A_2028 = arith.constant 2 : i32
        %parallel_loop3A_2029 = arith.index_cast %parallel_loop3A_2028 : i32 to index
        %parallel_loop3A_2030 = arith.index_cast %parallel_loop3A_1993 : i32 to index
        %parallel_loop3A_2031 = arith.constant 48 : index
        %parallel_loop3A_2032 = tpu.vector_load %arg6[%parallel_loop3A_2029, %parallel_loop3A_2030, %parallel_loop3A_2031] {strides = array<i32>} : memref<5x128x64xf32, #tpu.memory_space<vmem>>, vector<16xf32>,
        %parallel_loop3A_2033 = arith.constant 2 : i32
        %parallel_loop3A_2034 = arith.constant 0 : i32
        %parallel_loop3A_2035 = arith.constant 0 : i32
        %parallel_loop3A_2036 = tpu.memref_slice %arg7[%parallel_loop3A_2033, %parallel_loop3A_2034, %parallel_loop3A_2035] : memref<5x64x129xf32, #tpu.memory_space<vmem>> -> memref<1x64x129xf32, #tpu.memory_space<vmem>>
        %parallel_loop3A_2037 = tpu.memref_squeeze %parallel_loop3A_2036 : memref<1x64x129xf32, #tpu.memory_space<vmem>> -> memref<64x129xf32, #tpu.memory_space<vmem>>
        tpu.vector_store_idx %parallel_loop3A_2037[%add3A_14, %parallel_loop3A_1997], %parallel_loop3A_2032 : memref<64x129xf32, #tpu.memory_space<vmem>>[vector<16xi32>, vector<16xi32>], vector<16xf32>,
      } {sc.loop_unroll_factor = 8 : i64, sc.parallel_access}
      %dma_start3A_1440 = arith.constant 2 : i32
      %dma_start3A_1441 = arith.constant 0 : i32
      %dma_start3A_1442 = arith.constant 0 : i32
      %dma_start3A_1443 = arith.constant 0 : i32
      %dma_start3A_1444 = tpu.memref_slice %arg7[%dma_start3A_1440, %dma_start3A_1442, %dma_start3A_1443] : memref<5x64x129xf32, #tpu.memory_space<vmem>> -> memref<1x8x128xf32, #tpu.memory_space<vmem>>
      %dma_start3A_1445 = tpu.memref_squeeze %dma_start3A_1444 : memref<1x8x128xf32, #tpu.memory_space<vmem>> -> memref<8x128xf32, #tpu.memory_space<vmem>>
      %dma_start3A_1446 = arith.constant 0 : i32
      %dma_start3A_1447 = arith.constant 0 : i32
      %dma_start3A_1448 = tpu.memref_slice %arg4[%select_n3A_1408, %dma_start3A_1441, %select_n3A_1424, %dma_start3A_1446, %dma_start3A_1447] : memref<50x8x128x8x128xf32, #tpu.memory_space<hbm>> -> memref<1x1x1x8x128xf32, #tpu.memory_space<hbm>>
      %dma_start3A_1449 = tpu.memref_squeeze %dma_start3A_1448 : memref<1x1x1x8x128xf32, #tpu.memory_space<hbm>> -> memref<8x128xf32, #tpu.memory_space<hbm>>
      %dma_start3A_1450 = arith.constant 0 : i32
      %dma_start3A_1451 = arith.constant 0 : i32
      %dma_start3A_1452 = tpu.memref_slice %arg4[%select_n3A_1408, %dma_start3A_1441, %select_n3A_1424, %dma_start3A_1450, %dma_start3A_1451] : memref<50x8x128x8x128xf32, #tpu.memory_space<hbm>> -> memref<1x1x1x8x128xf32, #tpu.memory_space<hbm>>
      %dma_start3A_1453 = tpu.memref_squeeze %dma_start3A_1452 : memref<1x1x1x8x128xf32, #tpu.memory_space<hbm>> -> memref<8x128xf32, #tpu.memory_space<hbm>>
      %dma_start3A_1454 = arith.constant 0 : i32
      %dma_start3A_1455 = arith.constant 0 : i32
      %dma_start3A_1456 = tpu.memref_slice %arg7[%dma_start3A_1440, %dma_start3A_1454, %dma_start3A_1455] : memref<5x64x129xf32, #tpu.memory_space<vmem>> -> memref<1x8x128xf32, #tpu.memory_space<vmem>>
      %dma_start3A_1457 = tpu.memref_squeeze %dma_start3A_1456 : memref<1x8x128xf32, #tpu.memory_space<vmem>> -> memref<8x128xf32, #tpu.memory_space<vmem>>
      tpu.enqueue_dma source(%dma_start3A_1457 : memref<8x128xf32, #tpu.memory_space<vmem>>) target(%dma_start3A_1453 : memref<8x128xf32, #tpu.memory_space<hbm>>) target_semaphore(%arg10 : memref<!tpu.dma_semaphore, #tpu.memory_space<semaphore_mem>>)
      %dma_start3A_1458 = arith.constant 2 : i32
      %dma_start3A_1459 = arith.constant 1 : i32
      %dma_start3A_1460 = arith.constant 8 : i32
      %dma_start3A_1461 = arith.constant 0 : i32
      %dma_start3A_1462 = tpu.memref_slice %arg7[%dma_start3A_1458, %dma_start3A_1460, %dma_start3A_1461] : memref<5x64x129xf32, #tpu.memory_space<vmem>> -> memref<1x8x128xf32, #tpu.memory_space<vmem>>
      %dma_start3A_1463 = tpu.memref_squeeze %dma_start3A_1462 : memref<1x8x128xf32, #tpu.memory_space<vmem>> -> memref<8x128xf32, #tpu.memory_space<vmem>>
      %dma_start3A_1464 = arith.constant 0 : i32
      %dma_start3A_1465 = arith.constant 0 : i32
      %dma_start3A_1466 = tpu.memref_slice %arg4[%select_n3A_1408, %dma_start3A_1459, %select_n3A_1424, %dma_start3A_1464, %dma_start3A_1465] : memref<50x8x128x8x128xf32, #tpu.memory_space<hbm>> -> memref<1x1x1x8x128xf32, #tpu.memory_space<hbm>>
      %dma_start3A_1467 = tpu.memref_squeeze %dma_start3A_1466 : memref<1x1x1x8x128xf32, #tpu.memory_space<hbm>> -> memref<8x128xf32, #tpu.memory_space<hbm>>
      %dma_start3A_1468 = arith.constant 0 : i32
      %dma_start3A_1469 = arith.constant 0 : i32
      %dma_start3A_1470 = tpu.memref_slice %arg4[%select_n3A_1408, %dma_start3A_1459, %select_n3A_1424, %dma_start3A_1468, %dma_start3A_1469] : memref<50x8x128x8x128xf32, #tpu.memory_space<hbm>> -> memref<1x1x1x8x128xf32, #tpu.memory_space<hbm>>
      %dma_start3A_1471 = tpu.memref_squeeze %dma_start3A_1470 : memref<1x1x1x8x128xf32, #tpu.memory_space<hbm>> -> memref<8x128xf32, #tpu.memory_space<hbm>>
      %dma_start3A_1472 = arith.constant 8 : i32
      %dma_start3A_1473 = arith.constant 0 : i32
      %dma_start3A_1474 = tpu.memref_slice %arg7[%dma_start3A_1458, %dma_start3A_1472, %dma_start3A_1473] : memref<5x64x129xf32, #tpu.memory_space<vmem>> -> memref<1x8x128xf32, #tpu.memory_space<vmem>>
      %dma_start3A_1475 = tpu.memref_squeeze %dma_start3A_1474 : memref<1x8x128xf32, #tpu.memory_space<vmem>> -> memref<8x128xf32, #tpu.memory_space<vmem>>
      tpu.enqueue_dma source(%dma_start3A_1475 : memref<8x128xf32, #tpu.memory_space<vmem>>) target(%dma_start3A_1471 : memref<8x128xf32, #tpu.memory_space<hbm>>) target_semaphore(%arg10 : memref<!tpu.dma_semaphore, #tpu.memory_space<semaphore_mem>>)
      %dma_start3A_1476 = arith.constant 2 : i32
      %dma_start3A_1477 = arith.constant 2 : i32
      %dma_start3A_1478 = arith.constant 16 : i32
      %dma_start3A_1479 = arith.constant 0 : i32
      %dma_start3A_1480 = tpu.memref_slice %arg7[%dma_start3A_1476, %dma_start3A_1478, %dma_start3A_1479] : memref<5x64x129xf32, #tpu.memory_space<vmem>> -> memref<1x8x128xf32, #tpu.memory_space<vmem>>
      %dma_start3A_1481 = tpu.memref_squeeze %dma_start3A_1480 : memref<1x8x128xf32, #tpu.memory_space<vmem>> -> memref<8x128xf32, #tpu.memory_space<vmem>>
      %dma_start3A_1482 = arith.constant 0 : i32
      %dma_start3A_1483 = arith.constant 0 : i32
      %dma_start3A_1484 = tpu.memref_slice %arg4[%select_n3A_1408, %dma_start3A_1477, %select_n3A_1424, %dma_start3A_1482, %dma_start3A_1483] : memref<50x8x128x8x128xf32, #tpu.memory_space<hbm>> -> memref<1x1x1x8x128xf32, #tpu.memory_space<hbm>>
      %dma_start3A_1485 = tpu.memref_squeeze %dma_start3A_1484 : memref<1x1x1x8x128xf32, #tpu.memory_space<hbm>> -> memref<8x128xf32, #tpu.memory_space<hbm>>
      %dma_start3A_1486 = arith.constant 0 : i32
      %dma_start3A_1487 = arith.constant 0 : i32
      %dma_start3A_1488 = tpu.memref_slice %arg4[%select_n3A_1408, %dma_start3A_1477, %select_n3A_1424, %dma_start3A_1486, %dma_start3A_1487] : memref<50x8x128x8x128xf32, #tpu.memory_space<hbm>> -> memref<1x1x1x8x128xf32, #tpu.memory_space<hbm>>
      %dma_start3A_1489 = tpu.memref_squeeze %dma_start3A_1488 : memref<1x1x1x8x128xf32, #tpu.memory_space<hbm>> -> memref<8x128xf32, #tpu.memory_space<hbm>>
      %dma_start3A_1490 = arith.constant 16 : i32
      %dma_start3A_1491 = arith.constant 0 : i32
      %dma_start3A_1492 = tpu.memref_slice %arg7[%dma_start3A_1476, %dma_start3A_1490, %dma_start3A_1491] : memref<5x64x129xf32, #tpu.memory_space<vmem>> -> memref<1x8x128xf32, #tpu.memory_space<vmem>>
      %dma_start3A_1493 = tpu.memref_squeeze %dma_start3A_1492 : memref<1x8x128xf32, #tpu.memory_space<vmem>> -> memref<8x128xf32, #tpu.memory_space<vmem>>
      tpu.enqueue_dma source(%dma_start3A_1493 : memref<8x128xf32, #tpu.memory_space<vmem>>) target(%dma_start3A_1489 : memref<8x128xf32, #tpu.memory_space<hbm>>) target_semaphore(%arg10 : memref<!tpu.dma_semaphore, #tpu.memory_space<semaphore_mem>>)
      %dma_start3A_1494 = arith.constant 2 : i32
      %dma_start3A_1495 = arith.constant 3 : i32
      %dma_start3A_1496 = arith.constant 24 : i32
      %dma_start3A_1497 = arith.constant 0 : i32
      %dma_start3A_1498 = tpu.memref_slice %arg7[%dma_start3A_1494, %dma_start3A_1496, %dma_start3A_1497] : memref<5x64x129xf32, #tpu.memory_space<vmem>> -> memref<1x8x128xf32, #tpu.memory_space<vmem>>
      %dma_start3A_1499 = tpu.memref_squeeze %dma_start3A_1498 : memref<1x8x128xf32, #tpu.memory_space<vmem>> -> memref<8x128xf32, #tpu.memory_space<vmem>>
      %dma_start3A_1500 = arith.constant 0 : i32
      %dma_start3A_1501 = arith.constant 0 : i32
      %dma_start3A_1502 = tpu.memref_slice %arg4[%select_n3A_1408, %dma_start3A_1495, %select_n3A_1424, %dma_start3A_1500, %dma_start3A_1501] : memref<50x8x128x8x128xf32, #tpu.memory_space<hbm>> -> memref<1x1x1x8x128xf32, #tpu.memory_space<hbm>>
      %dma_start3A_1503 = tpu.memref_squeeze %dma_start3A_1502 : memref<1x1x1x8x128xf32, #tpu.memory_space<hbm>> -> memref<8x128xf32, #tpu.memory_space<hbm>>
      %dma_start3A_1504 = arith.constant 0 : i32
      %dma_start3A_1505 = arith.constant 0 : i32
      %dma_start3A_1506 = tpu.memref_slice %arg4[%select_n3A_1408, %dma_start3A_1495, %select_n3A_1424, %dma_start3A_1504, %dma_start3A_1505] : memref<50x8x128x8x128xf32, #tpu.memory_space<hbm>> -> memref<1x1x1x8x128xf32, #tpu.memory_space<hbm>>
      %dma_start3A_1507 = tpu.memref_squeeze %dma_start3A_1506 : memref<1x1x1x8x128xf32, #tpu.memory_space<hbm>> -> memref<8x128xf32, #tpu.memory_space<hbm>>
      %dma_start3A_1508 = arith.constant 24 : i32
      %dma_start3A_1509 = arith.constant 0 : i32
      %dma_start3A_1510 = tpu.memref_slice %arg7[%dma_start3A_1494, %dma_start3A_1508, %dma_start3A_1509] : memref<5x64x129xf32, #tpu.memory_space<vmem>> -> memref<1x8x128xf32, #tpu.memory_space<vmem>>
      %dma_start3A_1511 = tpu.memref_squeeze %dma_start3A_1510 : memref<1x8x128xf32, #tpu.memory_space<vmem>> -> memref<8x128xf32, #tpu.memory_space<vmem>>
      tpu.enqueue_dma source(%dma_start3A_1511 : memref<8x128xf32, #tpu.memory_space<vmem>>) target(%dma_start3A_1507 : memref<8x128xf32, #tpu.memory_space<hbm>>) target_semaphore(%arg10 : memref<!tpu.dma_semaphore, #tpu.memory_space<semaphore_mem>>)
      %dma_start3A_1512 = arith.constant 2 : i32
      %dma_start3A_1513 = arith.constant 4 : i32
      %dma_start3A_1514 = arith.constant 32 : i32
      %dma_start3A_1515 = arith.constant 0 : i32
      %dma_start3A_1516 = tpu.memref_slice %arg7[%dma_start3A_1512, %dma_start3A_1514, %dma_start3A_1515] : memref<5x64x129xf32, #tpu.memory_space<vmem>> -> memref<1x8x128xf32, #tpu.memory_space<vmem>>
      %dma_start3A_1517 = tpu.memref_squeeze %dma_start3A_1516 : memref<1x8x128xf32, #tpu.memory_space<vmem>> -> memref<8x128xf32, #tpu.memory_space<vmem>>
      %dma_start3A_1518 = arith.constant 0 : i32
      %dma_start3A_1519 = arith.constant 0 : i32
      %dma_start3A_1520 = tpu.memref_slice %arg4[%select_n3A_1408, %dma_start3A_1513, %select_n3A_1424, %dma_start3A_1518, %dma_start3A_1519] : memref<50x8x128x8x128xf32, #tpu.memory_space<hbm>> -> memref<1x1x1x8x128xf32, #tpu.memory_space<hbm>>
      %dma_start3A_1521 = tpu.memref_squeeze %dma_start3A_1520 : memref<1x1x1x8x128xf32, #tpu.memory_space<hbm>> -> memref<8x128xf32, #tpu.memory_space<hbm>>
      %dma_start3A_1522 = arith.constant 0 : i32
      %dma_start3A_1523 = arith.constant 0 : i32
      %dma_start3A_1524 = tpu.memref_slice %arg4[%select_n3A_1408, %dma_start3A_1513, %select_n3A_1424, %dma_start3A_1522, %dma_start3A_1523] : memref<50x8x128x8x128xf32, #tpu.memory_space<hbm>> -> memref<1x1x1x8x128xf32, #tpu.memory_space<hbm>>
      %dma_start3A_1525 = tpu.memref_squeeze %dma_start3A_1524 : memref<1x1x1x8x128xf32, #tpu.memory_space<hbm>> -> memref<8x128xf32, #tpu.memory_space<hbm>>
      %dma_start3A_1526 = arith.constant 32 : i32
      %dma_start3A_1527 = arith.constant 0 : i32
      %dma_start3A_1528 = tpu.memref_slice %arg7[%dma_start3A_1512, %dma_start3A_1526, %dma_start3A_1527] : memref<5x64x129xf32, #tpu.memory_space<vmem>> -> memref<1x8x128xf32, #tpu.memory_space<vmem>>
      %dma_start3A_1529 = tpu.memref_squeeze %dma_start3A_1528 : memref<1x8x128xf32, #tpu.memory_space<vmem>> -> memref<8x128xf32, #tpu.memory_space<vmem>>
      tpu.enqueue_dma source(%dma_start3A_1529 : memref<8x128xf32, #tpu.memory_space<vmem>>) target(%dma_start3A_1525 : memref<8x128xf32, #tpu.memory_space<hbm>>) target_semaphore(%arg10 : memref<!tpu.dma_semaphore, #tpu.memory_space<semaphore_mem>>)
      %dma_start3A_1530 = arith.constant 2 : i32
      %dma_start3A_1531 = arith.constant 5 : i32
      %dma_start3A_1532 = arith.constant 40 : i32
      %dma_start3A_1533 = arith.constant 0 : i32
      %dma_start3A_1534 = tpu.memref_slice %arg7[%dma_start3A_1530, %dma_start3A_1532, %dma_start3A_1533] : memref<5x64x129xf32, #tpu.memory_space<vmem>> -> memref<1x8x128xf32, #tpu.memory_space<vmem>>
      %dma_start3A_1535 = tpu.memref_squeeze %dma_start3A_1534 : memref<1x8x128xf32, #tpu.memory_space<vmem>> -> memref<8x128xf32, #tpu.memory_space<vmem>>
      %dma_start3A_1536 = arith.constant 0 : i32
      %dma_start3A_1537 = arith.constant 0 : i32
      %dma_start3A_1538 = tpu.memref_slice %arg4[%select_n3A_1408, %dma_start3A_1531, %select_n3A_1424, %dma_start3A_1536, %dma_start3A_1537] : memref<50x8x128x8x128xf32, #tpu.memory_space<hbm>> -> memref<1x1x1x8x128xf32, #tpu.memory_space<hbm>>
      %dma_start3A_1539 = tpu.memref_squeeze %dma_start3A_1538 : memref<1x1x1x8x128xf32, #tpu.memory_space<hbm>> -> memref<8x128xf32, #tpu.memory_space<hbm>>
      %dma_start3A_1540 = arith.constant 0 : i32
      %dma_start3A_1541 = arith.constant 0 : i32
      %dma_start3A_1542 = tpu.memref_slice %arg4[%select_n3A_1408, %dma_start3A_1531, %select_n3A_1424, %dma_start3A_1540, %dma_start3A_1541] : memref<50x8x128x8x128xf32, #tpu.memory_space<hbm>> -> memref<1x1x1x8x128xf32, #tpu.memory_space<hbm>>
      %dma_start3A_1543 = tpu.memref_squeeze %dma_start3A_1542 : memref<1x1x1x8x128xf32, #tpu.memory_space<hbm>> -> memref<8x128xf32, #tpu.memory_space<hbm>>
      %dma_start3A_1544 = arith.constant 40 : i32
      %dma_start3A_1545 = arith.constant 0 : i32
      %dma_start3A_1546 = tpu.memref_slice %arg7[%dma_start3A_1530, %dma_start3A_1544, %dma_start3A_1545] : memref<5x64x129xf32, #tpu.memory_space<vmem>> -> memref<1x8x128xf32, #tpu.memory_space<vmem>>
      %dma_start3A_1547 = tpu.memref_squeeze %dma_start3A_1546 : memref<1x8x128xf32, #tpu.memory_space<vmem>> -> memref<8x128xf32, #tpu.memory_space<vmem>>
      tpu.enqueue_dma source(%dma_start3A_1547 : memref<8x128xf32, #tpu.memory_space<vmem>>) target(%dma_start3A_1543 : memref<8x128xf32, #tpu.memory_space<hbm>>) target_semaphore(%arg10 : memref<!tpu.dma_semaphore, #tpu.memory_space<semaphore_mem>>)
      %dma_start3A_1548 = arith.constant 2 : i32
      %dma_start3A_1549 = arith.constant 6 : i32
      %dma_start3A_1550 = arith.constant 48 : i32
      %dma_start3A_1551 = arith.constant 0 : i32
      %dma_start3A_1552 = tpu.memref_slice %arg7[%dma_start3A_1548, %dma_start3A_1550, %dma_start3A_1551] : memref<5x64x129xf32, #tpu.memory_space<vmem>> -> memref<1x8x128xf32, #tpu.memory_space<vmem>>
      %dma_start3A_1553 = tpu.memref_squeeze %dma_start3A_1552 : memref<1x8x128xf32, #tpu.memory_space<vmem>> -> memref<8x128xf32, #tpu.memory_space<vmem>>
      %dma_start3A_1554 = arith.constant 0 : i32
      %dma_start3A_1555 = arith.constant 0 : i32
      %dma_start3A_1556 = tpu.memref_slice %arg4[%select_n3A_1408, %dma_start3A_1549, %select_n3A_1424, %dma_start3A_1554, %dma_start3A_1555] : memref<50x8x128x8x128xf32, #tpu.memory_space<hbm>> -> memref<1x1x1x8x128xf32, #tpu.memory_space<hbm>>
      %dma_start3A_1557 = tpu.memref_squeeze %dma_start3A_1556 : memref<1x1x1x8x128xf32, #tpu.memory_space<hbm>> -> memref<8x128xf32, #tpu.memory_space<hbm>>
      %dma_start3A_1558 = arith.constant 0 : i32
      %dma_start3A_1559 = arith.constant 0 : i32
      %dma_start3A_1560 = tpu.memref_slice %arg4[%select_n3A_1408, %dma_start3A_1549, %select_n3A_1424, %dma_start3A_1558, %dma_start3A_1559] : memref<50x8x128x8x128xf32, #tpu.memory_space<hbm>> -> memref<1x1x1x8x128xf32, #tpu.memory_space<hbm>>
      %dma_start3A_1561 = tpu.memref_squeeze %dma_start3A_1560 : memref<1x1x1x8x128xf32, #tpu.memory_space<hbm>> -> memref<8x128xf32, #tpu.memory_space<hbm>>
      %dma_start3A_1562 = arith.constant 48 : i32
      %dma_start3A_1563 = arith.constant 0 : i32
      %dma_start3A_1564 = tpu.memref_slice %arg7[%dma_start3A_1548, %dma_start3A_1562, %dma_start3A_1563] : memref<5x64x129xf32, #tpu.memory_space<vmem>> -> memref<1x8x128xf32, #tpu.memory_space<vmem>>
      %dma_start3A_1565 = tpu.memref_squeeze %dma_start3A_1564 : memref<1x8x128xf32, #tpu.memory_space<vmem>> -> memref<8x128xf32, #tpu.memory_space<vmem>>
      tpu.enqueue_dma source(%dma_start3A_1565 : memref<8x128xf32, #tpu.memory_space<vmem>>) target(%dma_start3A_1561 : memref<8x128xf32, #tpu.memory_space<hbm>>) target_semaphore(%arg10 : memref<!tpu.dma_semaphore, #tpu.memory_space<semaphore_mem>>)
      %dma_start3A_1566 = arith.constant 2 : i32
      %dma_start3A_1567 = arith.constant 7 : i32
      %dma_start3A_1568 = arith.constant 56 : i32
      %dma_start3A_1569 = arith.constant 0 : i32
      %dma_start3A_1570 = tpu.memref_slice %arg7[%dma_start3A_1566, %dma_start3A_1568, %dma_start3A_1569] : memref<5x64x129xf32, #tpu.memory_space<vmem>> -> memref<1x8x128xf32, #tpu.memory_space<vmem>>
      %dma_start3A_1571 = tpu.memref_squeeze %dma_start3A_1570 : memref<1x8x128xf32, #tpu.memory_space<vmem>> -> memref<8x128xf32, #tpu.memory_space<vmem>>
      %dma_start3A_1572 = arith.constant 0 : i32
      %dma_start3A_1573 = arith.constant 0 : i32
      %dma_start3A_1574 = tpu.memref_slice %arg4[%select_n3A_1408, %dma_start3A_1567, %select_n3A_1424, %dma_start3A_1572, %dma_start3A_1573] : memref<50x8x128x8x128xf32, #tpu.memory_space<hbm>> -> memref<1x1x1x8x128xf32, #tpu.memory_space<hbm>>
      %dma_start3A_1575 = tpu.memref_squeeze %dma_start3A_1574 : memref<1x1x1x8x128xf32, #tpu.memory_space<hbm>> -> memref<8x128xf32, #tpu.memory_space<hbm>>
      %dma_start3A_1576 = arith.constant 0 : i32
      %dma_start3A_1577 = arith.constant 0 : i32
      %dma_start3A_1578 = tpu.memref_slice %arg4[%select_n3A_1408, %dma_start3A_1567, %select_n3A_1424, %dma_start3A_1576, %dma_start3A_1577] : memref<50x8x128x8x128xf32, #tpu.memory_space<hbm>> -> memref<1x1x1x8x128xf32, #tpu.memory_space<hbm>>
      %dma_start3A_1579 = tpu.memref_squeeze %dma_start3A_1578 : memref<1x1x1x8x128xf32, #tpu.memory_space<hbm>> -> memref<8x128xf32, #tpu.memory_space<hbm>>
      %dma_start3A_1580 = arith.constant 56 : i32
      %dma_start3A_1581 = arith.constant 0 : i32
      %dma_start3A_1582 = tpu.memref_slice %arg7[%dma_start3A_1566, %dma_start3A_1580, %dma_start3A_1581] : memref<5x64x129xf32, #tpu.memory_space<vmem>> -> memref<1x8x128xf32, #tpu.memory_space<vmem>>
      %dma_start3A_1583 = tpu.memref_squeeze %dma_start3A_1582 : memref<1x8x128xf32, #tpu.memory_space<vmem>> -> memref<8x128xf32, #tpu.memory_space<vmem>>
      tpu.enqueue_dma source(%dma_start3A_1583 : memref<8x128xf32, #tpu.memory_space<vmem>>) target(%dma_start3A_1579 : memref<8x128xf32, #tpu.memory_space<hbm>>) target_semaphore(%arg10 : memref<!tpu.dma_semaphore, #tpu.memory_space<semaphore_mem>>)
      %mul3A_1584 = arith.constant 5 : i32
      %mul3A_1585 = arith.muli %scan3A_310, %mul3A_1584 : i32
      %add3A_1586 = arith.addi %mul3A_2, %mul3A_1585 : i32
      %add3A_1587 = arith.constant 3 : i32
      %add3A_1588 = arith.addi %add3A_1586, %add3A_1587 : i32
      %jit3A_1589 = arith.constant 128 : i32
      %div3A_1590 = arith.divsi %add3A_1588, %jit3A_1589 : i32
      %sign3A_1591 = arith.constant 0 : i32
      %sign3A_1592 = arith.cmpi sgt, %add3A_1588, %sign3A_1591 : i32
      %sign3A_1593 = arith.extui %sign3A_1592 : i1 to i32
      %sign3A_1594 = arith.constant 0 : i32
      %sign3A_1595 = arith.cmpi slt, %add3A_1588, %sign3A_1594 : i32
      %sign3A_1596 = arith.extui %sign3A_1595 : i1 to i32
      %sign3A_1597 = arith.subi %sign3A_1593, %sign3A_1596 : i32
      %sign3A_1598 = arith.constant 0 : i32
      %sign3A_1599 = arith.cmpi sgt, %jit3A_1589, %sign3A_1598 : i32
      %sign3A_1600 = arith.extui %sign3A_1599 : i1 to i32
      %sign3A_1601 = arith.constant 0 : i32
      %sign3A_1602 = arith.cmpi slt, %jit3A_1589, %sign3A_1601 : i32
      %sign3A_1603 = arith.extui %sign3A_1602 : i1 to i32
      %sign3A_1604 = arith.subi %sign3A_1600, %sign3A_1603 : i32
      %ne3A_1605 = arith.cmpi ne, %sign3A_1597, %sign3A_1604 : i32
      %rem3A_1606 = arith.remsi %add3A_1588, %jit3A_1589 : i32
      %ne3A_1607 = arith.constant 0 : i32
      %ne3A_1608 = arith.cmpi ne, %rem3A_1606, %ne3A_1607 : i32
      %and3A_1609 = arith.andi %ne3A_1605, %ne3A_1608 : i1
      %sub3A_1610 = arith.constant 1 : i32
      %sub3A_1611 = arith.subi %div3A_1590, %sub3A_1610 : i32
      %select_n3A_1612 = arith.select %and3A_1609, %sub3A_1611, %div3A_1590 : i32
      %jit3A_1613 = arith.constant 128 : i32
      %eq3A_1614 = arith.constant 0 : i32
      %eq3A_1615 = arith.cmpi eq, %jit3A_1613, %eq3A_1614 : i32
      %jit3A_1616 = arith.constant 1 : i32
      %select_n3A_1617 = arith.select %eq3A_1615, %jit3A_1616, %jit3A_1613 : i32
      %rem3A_1618 = arith.remsi %add3A_1588, %select_n3A_1617 : i32
      %ne3A_1619 = arith.constant 0 : i32
      %ne3A_1620 = arith.cmpi ne, %rem3A_1618, %ne3A_1619 : i32
      %lt3A_1621 = arith.constant 0 : i32
      %lt3A_1622 = arith.cmpi slt, %rem3A_1618, %lt3A_1621 : i32
      %lt3A_1623 = arith.constant 0 : i32
      %lt3A_1624 = arith.cmpi slt, %select_n3A_1617, %lt3A_1623 : i32
      %ne3A_1625 = arith.xori %lt3A_1622, %lt3A_1624 : i1
      %and3A_1626 = arith.andi %ne3A_1625, %ne3A_1620 : i1
      %add3A_1627 = arith.addi %rem3A_1618, %select_n3A_1617 : i32
      %select_n3A_1628 = arith.select %and3A_1626, %add3A_1627, %rem3A_1618 : i32
      %dma_wait3A_1629 = arith.constant 3 : i32
      %dma_wait3A_1630 = arith.constant 3 : i32
      %dma_wait3A_1631 = arith.constant 0 : i32
      %dma_wait3A_1632 = arith.constant 0 : i32
      %dma_wait3A_1633 = tpu.memref_slice %arg6[%dma_wait3A_1630, %dma_wait3A_1631, %dma_wait3A_1632] : memref<5x128x64xf32, #tpu.memory_space<vmem>> -> memref<1x128x64xf32, #tpu.memory_space<vmem>>
      %dma_wait3A_1634 = tpu.memref_squeeze %dma_wait3A_1633 : memref<1x128x64xf32, #tpu.memory_space<vmem>> -> memref<128x64xf32, #tpu.memory_space<vmem>>
      %dma_wait3A_1635 = arith.constant 0 : i32
      %dma_wait3A_1636 = tpu.memref_slice %arg5[%dma_wait3A_1629, %dma_wait3A_1635] : memref<5x128xi32, #tpu.memory_space<vmem>> -> memref<1x128xi32, #tpu.memory_space<vmem>>
      %dma_wait3A_1637 = tpu.memref_squeeze %dma_wait3A_1636 : memref<1x128xi32, #tpu.memory_space<vmem>> -> memref<128xi32, #tpu.memory_space<vmem>>
      %dma_wait3A_1638 = arith.constant 0 : i32
      %dma_wait3A_1639 = arith.constant 0 : i32
      %dma_wait3A_1640 = tpu.memref_slice %arg3[%dma_wait3A_1638, %dma_wait3A_1639] : memref<2000000x64xf32, #tpu.memory_space<hbm>> -> memref<2000000x64xf32, #tpu.memory_space<hbm>>
      tpu.wait_indirect_dma semaphore(%arg9 : memref<!tpu.dma_semaphore, #tpu.memory_space<semaphore_mem>>) src(%dma_wait3A_1640 : memref<2000000x64xf32, #tpu.memory_space<hbm>>) dst(%dma_wait3A_1634 : memref<128x64xf32, #tpu.memory_space<vmem>>)
      %parallel_loop3A_1641 = arith.constant 0 : i32
      %parallel_loop3A_1642 = arith.constant 128 : i32
      %parallel_loop3A_1643 = arith.constant 1 : i32
      scf.for %parallel_loop3A_1993 = %parallel_loop3A_1641 to %parallel_loop3A_1642 step %parallel_loop3A_1643  : i32 {
        %parallel_loop3A_1994 = arith.constant 0 : i32
        %parallel_loop3A_1995 = vector.broadcast %parallel_loop3A_1994 : i32 to vector<16xi32>
        %parallel_loop3A_1996 = vector.broadcast %parallel_loop3A_1993 : i32 to vector<16xi32>
        %parallel_loop3A_1997 = arith.addi %parallel_loop3A_1995, %parallel_loop3A_1996 : vector<16xi32>
        %parallel_loop3A_1998 = arith.constant 3 : i32
        %parallel_loop3A_1999 = arith.index_cast %parallel_loop3A_1998 : i32 to index
        %parallel_loop3A_2000 = arith.index_cast %parallel_loop3A_1993 : i32 to index
        %parallel_loop3A_2001 = arith.constant 0 : index
        %parallel_loop3A_2002 = tpu.vector_load %arg6[%parallel_loop3A_1999, %parallel_loop3A_2000, %parallel_loop3A_2001] {strides = array<i32>} : memref<5x128x64xf32, #tpu.memory_space<vmem>>, vector<16xf32>,
        %parallel_loop3A_2003 = arith.constant 3 : i32
        %parallel_loop3A_2004 = arith.constant 0 : i32
        %parallel_loop3A_2005 = arith.constant 0 : i32
        %parallel_loop3A_2006 = tpu.memref_slice %arg7[%parallel_loop3A_2003, %parallel_loop3A_2004, %parallel_loop3A_2005] : memref<5x64x129xf32, #tpu.memory_space<vmem>> -> memref<1x64x129xf32, #tpu.memory_space<vmem>>
        %parallel_loop3A_2007 = tpu.memref_squeeze %parallel_loop3A_2006 : memref<1x64x129xf32, #tpu.memory_space<vmem>> -> memref<64x129xf32, #tpu.memory_space<vmem>>
        tpu.vector_store_idx %parallel_loop3A_2007[%add3A_5, %parallel_loop3A_1997], %parallel_loop3A_2002 : memref<64x129xf32, #tpu.memory_space<vmem>>[vector<16xi32>, vector<16xi32>], vector<16xf32>,
        %parallel_loop3A_2008 = arith.constant 3 : i32
        %parallel_loop3A_2009 = arith.index_cast %parallel_loop3A_2008 : i32 to index
        %parallel_loop3A_2010 = arith.index_cast %parallel_loop3A_1993 : i32 to index
        %parallel_loop3A_2011 = arith.constant 16 : index
        %parallel_loop3A_2012 = tpu.vector_load %arg6[%parallel_loop3A_2009, %parallel_loop3A_2010, %parallel_loop3A_2011] {strides = array<i32>} : memref<5x128x64xf32, #tpu.memory_space<vmem>>, vector<16xf32>,
        %parallel_loop3A_2013 = arith.constant 3 : i32
        %parallel_loop3A_2014 = arith.constant 0 : i32
        %parallel_loop3A_2015 = arith.constant 0 : i32
        %parallel_loop3A_2016 = tpu.memref_slice %arg7[%parallel_loop3A_2013, %parallel_loop3A_2014, %parallel_loop3A_2015] : memref<5x64x129xf32, #tpu.memory_space<vmem>> -> memref<1x64x129xf32, #tpu.memory_space<vmem>>
        %parallel_loop3A_2017 = tpu.memref_squeeze %parallel_loop3A_2016 : memref<1x64x129xf32, #tpu.memory_space<vmem>> -> memref<64x129xf32, #tpu.memory_space<vmem>>
        tpu.vector_store_idx %parallel_loop3A_2017[%add3A_8, %parallel_loop3A_1997], %parallel_loop3A_2012 : memref<64x129xf32, #tpu.memory_space<vmem>>[vector<16xi32>, vector<16xi32>], vector<16xf32>,
        %parallel_loop3A_2018 = arith.constant 3 : i32
        %parallel_loop3A_2019 = arith.index_cast %parallel_loop3A_2018 : i32 to index
        %parallel_loop3A_2020 = arith.index_cast %parallel_loop3A_1993 : i32 to index
        %parallel_loop3A_2021 = arith.constant 32 : index
        %parallel_loop3A_2022 = tpu.vector_load %arg6[%parallel_loop3A_2019, %parallel_loop3A_2020, %parallel_loop3A_2021] {strides = array<i32>} : memref<5x128x64xf32, #tpu.memory_space<vmem>>, vector<16xf32>,
        %parallel_loop3A_2023 = arith.constant 3 : i32
        %parallel_loop3A_2024 = arith.constant 0 : i32
        %parallel_loop3A_2025 = arith.constant 0 : i32
        %parallel_loop3A_2026 = tpu.memref_slice %arg7[%parallel_loop3A_2023, %parallel_loop3A_2024, %parallel_loop3A_2025] : memref<5x64x129xf32, #tpu.memory_space<vmem>> -> memref<1x64x129xf32, #tpu.memory_space<vmem>>
        %parallel_loop3A_2027 = tpu.memref_squeeze %parallel_loop3A_2026 : memref<1x64x129xf32, #tpu.memory_space<vmem>> -> memref<64x129xf32, #tpu.memory_space<vmem>>
        tpu.vector_store_idx %parallel_loop3A_2027[%add3A_11, %parallel_loop3A_1997], %parallel_loop3A_2022 : memref<64x129xf32, #tpu.memory_space<vmem>>[vector<16xi32>, vector<16xi32>], vector<16xf32>,
        %parallel_loop3A_2028 = arith.constant 3 : i32
        %parallel_loop3A_2029 = arith.index_cast %parallel_loop3A_2028 : i32 to index
        %parallel_loop3A_2030 = arith.index_cast %parallel_loop3A_1993 : i32 to index
        %parallel_loop3A_2031 = arith.constant 48 : index
        %parallel_loop3A_2032 = tpu.vector_load %arg6[%parallel_loop3A_2029, %parallel_loop3A_2030, %parallel_loop3A_2031] {strides = array<i32>} : memref<5x128x64xf32, #tpu.memory_space<vmem>>, vector<16xf32>,
        %parallel_loop3A_2033 = arith.constant 3 : i32
        %parallel_loop3A_2034 = arith.constant 0 : i32
        %parallel_loop3A_2035 = arith.constant 0 : i32
        %parallel_loop3A_2036 = tpu.memref_slice %arg7[%parallel_loop3A_2033, %parallel_loop3A_2034, %parallel_loop3A_2035] : memref<5x64x129xf32, #tpu.memory_space<vmem>> -> memref<1x64x129xf32, #tpu.memory_space<vmem>>
        %parallel_loop3A_2037 = tpu.memref_squeeze %parallel_loop3A_2036 : memref<1x64x129xf32, #tpu.memory_space<vmem>> -> memref<64x129xf32, #tpu.memory_space<vmem>>
        tpu.vector_store_idx %parallel_loop3A_2037[%add3A_14, %parallel_loop3A_1997], %parallel_loop3A_2032 : memref<64x129xf32, #tpu.memory_space<vmem>>[vector<16xi32>, vector<16xi32>], vector<16xf32>,
      } {sc.loop_unroll_factor = 8 : i64, sc.parallel_access}
      %dma_start3A_1644 = arith.constant 3 : i32
      %dma_start3A_1645 = arith.constant 0 : i32
      %dma_start3A_1646 = arith.constant 0 : i32
      %dma_start3A_1647 = arith.constant 0 : i32
      %dma_start3A_1648 = tpu.memref_slice %arg7[%dma_start3A_1644, %dma_start3A_1646, %dma_start3A_1647] : memref<5x64x129xf32, #tpu.memory_space<vmem>> -> memref<1x8x128xf32, #tpu.memory_space<vmem>>
      %dma_start3A_1649 = tpu.memref_squeeze %dma_start3A_1648 : memref<1x8x128xf32, #tpu.memory_space<vmem>> -> memref<8x128xf32, #tpu.memory_space<vmem>>
      %dma_start3A_1650 = arith.constant 0 : i32
      %dma_start3A_1651 = arith.constant 0 : i32
      %dma_start3A_1652 = tpu.memref_slice %arg4[%select_n3A_1612, %dma_start3A_1645, %select_n3A_1628, %dma_start3A_1650, %dma_start3A_1651] : memref<50x8x128x8x128xf32, #tpu.memory_space<hbm>> -> memref<1x1x1x8x128xf32, #tpu.memory_space<hbm>>
      %dma_start3A_1653 = tpu.memref_squeeze %dma_start3A_1652 : memref<1x1x1x8x128xf32, #tpu.memory_space<hbm>> -> memref<8x128xf32, #tpu.memory_space<hbm>>
      %dma_start3A_1654 = arith.constant 0 : i32
      %dma_start3A_1655 = arith.constant 0 : i32
      %dma_start3A_1656 = tpu.memref_slice %arg4[%select_n3A_1612, %dma_start3A_1645, %select_n3A_1628, %dma_start3A_1654, %dma_start3A_1655] : memref<50x8x128x8x128xf32, #tpu.memory_space<hbm>> -> memref<1x1x1x8x128xf32, #tpu.memory_space<hbm>>
      %dma_start3A_1657 = tpu.memref_squeeze %dma_start3A_1656 : memref<1x1x1x8x128xf32, #tpu.memory_space<hbm>> -> memref<8x128xf32, #tpu.memory_space<hbm>>
      %dma_start3A_1658 = arith.constant 0 : i32
      %dma_start3A_1659 = arith.constant 0 : i32
      %dma_start3A_1660 = tpu.memref_slice %arg7[%dma_start3A_1644, %dma_start3A_1658, %dma_start3A_1659] : memref<5x64x129xf32, #tpu.memory_space<vmem>> -> memref<1x8x128xf32, #tpu.memory_space<vmem>>
      %dma_start3A_1661 = tpu.memref_squeeze %dma_start3A_1660 : memref<1x8x128xf32, #tpu.memory_space<vmem>> -> memref<8x128xf32, #tpu.memory_space<vmem>>
      tpu.enqueue_dma source(%dma_start3A_1661 : memref<8x128xf32, #tpu.memory_space<vmem>>) target(%dma_start3A_1657 : memref<8x128xf32, #tpu.memory_space<hbm>>) target_semaphore(%arg10 : memref<!tpu.dma_semaphore, #tpu.memory_space<semaphore_mem>>)
      %dma_start3A_1662 = arith.constant 3 : i32
      %dma_start3A_1663 = arith.constant 1 : i32
      %dma_start3A_1664 = arith.constant 8 : i32
      %dma_start3A_1665 = arith.constant 0 : i32
      %dma_start3A_1666 = tpu.memref_slice %arg7[%dma_start3A_1662, %dma_start3A_1664, %dma_start3A_1665] : memref<5x64x129xf32, #tpu.memory_space<vmem>> -> memref<1x8x128xf32, #tpu.memory_space<vmem>>
      %dma_start3A_1667 = tpu.memref_squeeze %dma_start3A_1666 : memref<1x8x128xf32, #tpu.memory_space<vmem>> -> memref<8x128xf32, #tpu.memory_space<vmem>>
      %dma_start3A_1668 = arith.constant 0 : i32
      %dma_start3A_1669 = arith.constant 0 : i32
      %dma_start3A_1670 = tpu.memref_slice %arg4[%select_n3A_1612, %dma_start3A_1663, %select_n3A_1628, %dma_start3A_1668, %dma_start3A_1669] : memref<50x8x128x8x128xf32, #tpu.memory_space<hbm>> -> memref<1x1x1x8x128xf32, #tpu.memory_space<hbm>>
      %dma_start3A_1671 = tpu.memref_squeeze %dma_start3A_1670 : memref<1x1x1x8x128xf32, #tpu.memory_space<hbm>> -> memref<8x128xf32, #tpu.memory_space<hbm>>
      %dma_start3A_1672 = arith.constant 0 : i32
      %dma_start3A_1673 = arith.constant 0 : i32
      %dma_start3A_1674 = tpu.memref_slice %arg4[%select_n3A_1612, %dma_start3A_1663, %select_n3A_1628, %dma_start3A_1672, %dma_start3A_1673] : memref<50x8x128x8x128xf32, #tpu.memory_space<hbm>> -> memref<1x1x1x8x128xf32, #tpu.memory_space<hbm>>
      %dma_start3A_1675 = tpu.memref_squeeze %dma_start3A_1674 : memref<1x1x1x8x128xf32, #tpu.memory_space<hbm>> -> memref<8x128xf32, #tpu.memory_space<hbm>>
      %dma_start3A_1676 = arith.constant 8 : i32
      %dma_start3A_1677 = arith.constant 0 : i32
      %dma_start3A_1678 = tpu.memref_slice %arg7[%dma_start3A_1662, %dma_start3A_1676, %dma_start3A_1677] : memref<5x64x129xf32, #tpu.memory_space<vmem>> -> memref<1x8x128xf32, #tpu.memory_space<vmem>>
      %dma_start3A_1679 = tpu.memref_squeeze %dma_start3A_1678 : memref<1x8x128xf32, #tpu.memory_space<vmem>> -> memref<8x128xf32, #tpu.memory_space<vmem>>
      tpu.enqueue_dma source(%dma_start3A_1679 : memref<8x128xf32, #tpu.memory_space<vmem>>) target(%dma_start3A_1675 : memref<8x128xf32, #tpu.memory_space<hbm>>) target_semaphore(%arg10 : memref<!tpu.dma_semaphore, #tpu.memory_space<semaphore_mem>>)
      %dma_start3A_1680 = arith.constant 3 : i32
      %dma_start3A_1681 = arith.constant 2 : i32
      %dma_start3A_1682 = arith.constant 16 : i32
      %dma_start3A_1683 = arith.constant 0 : i32
      %dma_start3A_1684 = tpu.memref_slice %arg7[%dma_start3A_1680, %dma_start3A_1682, %dma_start3A_1683] : memref<5x64x129xf32, #tpu.memory_space<vmem>> -> memref<1x8x128xf32, #tpu.memory_space<vmem>>
      %dma_start3A_1685 = tpu.memref_squeeze %dma_start3A_1684 : memref<1x8x128xf32, #tpu.memory_space<vmem>> -> memref<8x128xf32, #tpu.memory_space<vmem>>
      %dma_start3A_1686 = arith.constant 0 : i32
      %dma_start3A_1687 = arith.constant 0 : i32
      %dma_start3A_1688 = tpu.memref_slice %arg4[%select_n3A_1612, %dma_start3A_1681, %select_n3A_1628, %dma_start3A_1686, %dma_start3A_1687] : memref<50x8x128x8x128xf32, #tpu.memory_space<hbm>> -> memref<1x1x1x8x128xf32, #tpu.memory_space<hbm>>
      %dma_start3A_1689 = tpu.memref_squeeze %dma_start3A_1688 : memref<1x1x1x8x128xf32, #tpu.memory_space<hbm>> -> memref<8x128xf32, #tpu.memory_space<hbm>>
      %dma_start3A_1690 = arith.constant 0 : i32
      %dma_start3A_1691 = arith.constant 0 : i32
      %dma_start3A_1692 = tpu.memref_slice %arg4[%select_n3A_1612, %dma_start3A_1681, %select_n3A_1628, %dma_start3A_1690, %dma_start3A_1691] : memref<50x8x128x8x128xf32, #tpu.memory_space<hbm>> -> memref<1x1x1x8x128xf32, #tpu.memory_space<hbm>>
      %dma_start3A_1693 = tpu.memref_squeeze %dma_start3A_1692 : memref<1x1x1x8x128xf32, #tpu.memory_space<hbm>> -> memref<8x128xf32, #tpu.memory_space<hbm>>
      %dma_start3A_1694 = arith.constant 16 : i32
      %dma_start3A_1695 = arith.constant 0 : i32
      %dma_start3A_1696 = tpu.memref_slice %arg7[%dma_start3A_1680, %dma_start3A_1694, %dma_start3A_1695] : memref<5x64x129xf32, #tpu.memory_space<vmem>> -> memref<1x8x128xf32, #tpu.memory_space<vmem>>
      %dma_start3A_1697 = tpu.memref_squeeze %dma_start3A_1696 : memref<1x8x128xf32, #tpu.memory_space<vmem>> -> memref<8x128xf32, #tpu.memory_space<vmem>>
      tpu.enqueue_dma source(%dma_start3A_1697 : memref<8x128xf32, #tpu.memory_space<vmem>>) target(%dma_start3A_1693 : memref<8x128xf32, #tpu.memory_space<hbm>>) target_semaphore(%arg10 : memref<!tpu.dma_semaphore, #tpu.memory_space<semaphore_mem>>)
      %dma_start3A_1698 = arith.constant 3 : i32
      %dma_start3A_1699 = arith.constant 3 : i32
      %dma_start3A_1700 = arith.constant 24 : i32
      %dma_start3A_1701 = arith.constant 0 : i32
      %dma_start3A_1702 = tpu.memref_slice %arg7[%dma_start3A_1698, %dma_start3A_1700, %dma_start3A_1701] : memref<5x64x129xf32, #tpu.memory_space<vmem>> -> memref<1x8x128xf32, #tpu.memory_space<vmem>>
      %dma_start3A_1703 = tpu.memref_squeeze %dma_start3A_1702 : memref<1x8x128xf32, #tpu.memory_space<vmem>> -> memref<8x128xf32, #tpu.memory_space<vmem>>
      %dma_start3A_1704 = arith.constant 0 : i32
      %dma_start3A_1705 = arith.constant 0 : i32
      %dma_start3A_1706 = tpu.memref_slice %arg4[%select_n3A_1612, %dma_start3A_1699, %select_n3A_1628, %dma_start3A_1704, %dma_start3A_1705] : memref<50x8x128x8x128xf32, #tpu.memory_space<hbm>> -> memref<1x1x1x8x128xf32, #tpu.memory_space<hbm>>
      %dma_start3A_1707 = tpu.memref_squeeze %dma_start3A_1706 : memref<1x1x1x8x128xf32, #tpu.memory_space<hbm>> -> memref<8x128xf32, #tpu.memory_space<hbm>>
      %dma_start3A_1708 = arith.constant 0 : i32
      %dma_start3A_1709 = arith.constant 0 : i32
      %dma_start3A_1710 = tpu.memref_slice %arg4[%select_n3A_1612, %dma_start3A_1699, %select_n3A_1628, %dma_start3A_1708, %dma_start3A_1709] : memref<50x8x128x8x128xf32, #tpu.memory_space<hbm>> -> memref<1x1x1x8x128xf32, #tpu.memory_space<hbm>>
      %dma_start3A_1711 = tpu.memref_squeeze %dma_start3A_1710 : memref<1x1x1x8x128xf32, #tpu.memory_space<hbm>> -> memref<8x128xf32, #tpu.memory_space<hbm>>
      %dma_start3A_1712 = arith.constant 24 : i32
      %dma_start3A_1713 = arith.constant 0 : i32
      %dma_start3A_1714 = tpu.memref_slice %arg7[%dma_start3A_1698, %dma_start3A_1712, %dma_start3A_1713] : memref<5x64x129xf32, #tpu.memory_space<vmem>> -> memref<1x8x128xf32, #tpu.memory_space<vmem>>
      %dma_start3A_1715 = tpu.memref_squeeze %dma_start3A_1714 : memref<1x8x128xf32, #tpu.memory_space<vmem>> -> memref<8x128xf32, #tpu.memory_space<vmem>>
      tpu.enqueue_dma source(%dma_start3A_1715 : memref<8x128xf32, #tpu.memory_space<vmem>>) target(%dma_start3A_1711 : memref<8x128xf32, #tpu.memory_space<hbm>>) target_semaphore(%arg10 : memref<!tpu.dma_semaphore, #tpu.memory_space<semaphore_mem>>)
      %dma_start3A_1716 = arith.constant 3 : i32
      %dma_start3A_1717 = arith.constant 4 : i32
      %dma_start3A_1718 = arith.constant 32 : i32
      %dma_start3A_1719 = arith.constant 0 : i32
      %dma_start3A_1720 = tpu.memref_slice %arg7[%dma_start3A_1716, %dma_start3A_1718, %dma_start3A_1719] : memref<5x64x129xf32, #tpu.memory_space<vmem>> -> memref<1x8x128xf32, #tpu.memory_space<vmem>>
      %dma_start3A_1721 = tpu.memref_squeeze %dma_start3A_1720 : memref<1x8x128xf32, #tpu.memory_space<vmem>> -> memref<8x128xf32, #tpu.memory_space<vmem>>
      %dma_start3A_1722 = arith.constant 0 : i32
      %dma_start3A_1723 = arith.constant 0 : i32
      %dma_start3A_1724 = tpu.memref_slice %arg4[%select_n3A_1612, %dma_start3A_1717, %select_n3A_1628, %dma_start3A_1722, %dma_start3A_1723] : memref<50x8x128x8x128xf32, #tpu.memory_space<hbm>> -> memref<1x1x1x8x128xf32, #tpu.memory_space<hbm>>
      %dma_start3A_1725 = tpu.memref_squeeze %dma_start3A_1724 : memref<1x1x1x8x128xf32, #tpu.memory_space<hbm>> -> memref<8x128xf32, #tpu.memory_space<hbm>>
      %dma_start3A_1726 = arith.constant 0 : i32
      %dma_start3A_1727 = arith.constant 0 : i32
      %dma_start3A_1728 = tpu.memref_slice %arg4[%select_n3A_1612, %dma_start3A_1717, %select_n3A_1628, %dma_start3A_1726, %dma_start3A_1727] : memref<50x8x128x8x128xf32, #tpu.memory_space<hbm>> -> memref<1x1x1x8x128xf32, #tpu.memory_space<hbm>>
      %dma_start3A_1729 = tpu.memref_squeeze %dma_start3A_1728 : memref<1x1x1x8x128xf32, #tpu.memory_space<hbm>> -> memref<8x128xf32, #tpu.memory_space<hbm>>
      %dma_start3A_1730 = arith.constant 32 : i32
      %dma_start3A_1731 = arith.constant 0 : i32
      %dma_start3A_1732 = tpu.memref_slice %arg7[%dma_start3A_1716, %dma_start3A_1730, %dma_start3A_1731] : memref<5x64x129xf32, #tpu.memory_space<vmem>> -> memref<1x8x128xf32, #tpu.memory_space<vmem>>
      %dma_start3A_1733 = tpu.memref_squeeze %dma_start3A_1732 : memref<1x8x128xf32, #tpu.memory_space<vmem>> -> memref<8x128xf32, #tpu.memory_space<vmem>>
      tpu.enqueue_dma source(%dma_start3A_1733 : memref<8x128xf32, #tpu.memory_space<vmem>>) target(%dma_start3A_1729 : memref<8x128xf32, #tpu.memory_space<hbm>>) target_semaphore(%arg10 : memref<!tpu.dma_semaphore, #tpu.memory_space<semaphore_mem>>)
      %dma_start3A_1734 = arith.constant 3 : i32
      %dma_start3A_1735 = arith.constant 5 : i32
      %dma_start3A_1736 = arith.constant 40 : i32
      %dma_start3A_1737 = arith.constant 0 : i32
      %dma_start3A_1738 = tpu.memref_slice %arg7[%dma_start3A_1734, %dma_start3A_1736, %dma_start3A_1737] : memref<5x64x129xf32, #tpu.memory_space<vmem>> -> memref<1x8x128xf32, #tpu.memory_space<vmem>>
      %dma_start3A_1739 = tpu.memref_squeeze %dma_start3A_1738 : memref<1x8x128xf32, #tpu.memory_space<vmem>> -> memref<8x128xf32, #tpu.memory_space<vmem>>
      %dma_start3A_1740 = arith.constant 0 : i32
      %dma_start3A_1741 = arith.constant 0 : i32
      %dma_start3A_1742 = tpu.memref_slice %arg4[%select_n3A_1612, %dma_start3A_1735, %select_n3A_1628, %dma_start3A_1740, %dma_start3A_1741] : memref<50x8x128x8x128xf32, #tpu.memory_space<hbm>> -> memref<1x1x1x8x128xf32, #tpu.memory_space<hbm>>
      %dma_start3A_1743 = tpu.memref_squeeze %dma_start3A_1742 : memref<1x1x1x8x128xf32, #tpu.memory_space<hbm>> -> memref<8x128xf32, #tpu.memory_space<hbm>>
      %dma_start3A_1744 = arith.constant 0 : i32
      %dma_start3A_1745 = arith.constant 0 : i32
      %dma_start3A_1746 = tpu.memref_slice %arg4[%select_n3A_1612, %dma_start3A_1735, %select_n3A_1628, %dma_start3A_1744, %dma_start3A_1745] : memref<50x8x128x8x128xf32, #tpu.memory_space<hbm>> -> memref<1x1x1x8x128xf32, #tpu.memory_space<hbm>>
      %dma_start3A_1747 = tpu.memref_squeeze %dma_start3A_1746 : memref<1x1x1x8x128xf32, #tpu.memory_space<hbm>> -> memref<8x128xf32, #tpu.memory_space<hbm>>
      %dma_start3A_1748 = arith.constant 40 : i32
      %dma_start3A_1749 = arith.constant 0 : i32
      %dma_start3A_1750 = tpu.memref_slice %arg7[%dma_start3A_1734, %dma_start3A_1748, %dma_start3A_1749] : memref<5x64x129xf32, #tpu.memory_space<vmem>> -> memref<1x8x128xf32, #tpu.memory_space<vmem>>
      %dma_start3A_1751 = tpu.memref_squeeze %dma_start3A_1750 : memref<1x8x128xf32, #tpu.memory_space<vmem>> -> memref<8x128xf32, #tpu.memory_space<vmem>>
      tpu.enqueue_dma source(%dma_start3A_1751 : memref<8x128xf32, #tpu.memory_space<vmem>>) target(%dma_start3A_1747 : memref<8x128xf32, #tpu.memory_space<hbm>>) target_semaphore(%arg10 : memref<!tpu.dma_semaphore, #tpu.memory_space<semaphore_mem>>)
      %dma_start3A_1752 = arith.constant 3 : i32
      %dma_start3A_1753 = arith.constant 6 : i32
      %dma_start3A_1754 = arith.constant 48 : i32
      %dma_start3A_1755 = arith.constant 0 : i32
      %dma_start3A_1756 = tpu.memref_slice %arg7[%dma_start3A_1752, %dma_start3A_1754, %dma_start3A_1755] : memref<5x64x129xf32, #tpu.memory_space<vmem>> -> memref<1x8x128xf32, #tpu.memory_space<vmem>>
      %dma_start3A_1757 = tpu.memref_squeeze %dma_start3A_1756 : memref<1x8x128xf32, #tpu.memory_space<vmem>> -> memref<8x128xf32, #tpu.memory_space<vmem>>
      %dma_start3A_1758 = arith.constant 0 : i32
      %dma_start3A_1759 = arith.constant 0 : i32
      %dma_start3A_1760 = tpu.memref_slice %arg4[%select_n3A_1612, %dma_start3A_1753, %select_n3A_1628, %dma_start3A_1758, %dma_start3A_1759] : memref<50x8x128x8x128xf32, #tpu.memory_space<hbm>> -> memref<1x1x1x8x128xf32, #tpu.memory_space<hbm>>
      %dma_start3A_1761 = tpu.memref_squeeze %dma_start3A_1760 : memref<1x1x1x8x128xf32, #tpu.memory_space<hbm>> -> memref<8x128xf32, #tpu.memory_space<hbm>>
      %dma_start3A_1762 = arith.constant 0 : i32
      %dma_start3A_1763 = arith.constant 0 : i32
      %dma_start3A_1764 = tpu.memref_slice %arg4[%select_n3A_1612, %dma_start3A_1753, %select_n3A_1628, %dma_start3A_1762, %dma_start3A_1763] : memref<50x8x128x8x128xf32, #tpu.memory_space<hbm>> -> memref<1x1x1x8x128xf32, #tpu.memory_space<hbm>>
      %dma_start3A_1765 = tpu.memref_squeeze %dma_start3A_1764 : memref<1x1x1x8x128xf32, #tpu.memory_space<hbm>> -> memref<8x128xf32, #tpu.memory_space<hbm>>
      %dma_start3A_1766 = arith.constant 48 : i32
      %dma_start3A_1767 = arith.constant 0 : i32
      %dma_start3A_1768 = tpu.memref_slice %arg7[%dma_start3A_1752, %dma_start3A_1766, %dma_start3A_1767] : memref<5x64x129xf32, #tpu.memory_space<vmem>> -> memref<1x8x128xf32, #tpu.memory_space<vmem>>
      %dma_start3A_1769 = tpu.memref_squeeze %dma_start3A_1768 : memref<1x8x128xf32, #tpu.memory_space<vmem>> -> memref<8x128xf32, #tpu.memory_space<vmem>>
      tpu.enqueue_dma source(%dma_start3A_1769 : memref<8x128xf32, #tpu.memory_space<vmem>>) target(%dma_start3A_1765 : memref<8x128xf32, #tpu.memory_space<hbm>>) target_semaphore(%arg10 : memref<!tpu.dma_semaphore, #tpu.memory_space<semaphore_mem>>)
      %dma_start3A_1770 = arith.constant 3 : i32
      %dma_start3A_1771 = arith.constant 7 : i32
      %dma_start3A_1772 = arith.constant 56 : i32
      %dma_start3A_1773 = arith.constant 0 : i32
      %dma_start3A_1774 = tpu.memref_slice %arg7[%dma_start3A_1770, %dma_start3A_1772, %dma_start3A_1773] : memref<5x64x129xf32, #tpu.memory_space<vmem>> -> memref<1x8x128xf32, #tpu.memory_space<vmem>>
      %dma_start3A_1775 = tpu.memref_squeeze %dma_start3A_1774 : memref<1x8x128xf32, #tpu.memory_space<vmem>> -> memref<8x128xf32, #tpu.memory_space<vmem>>
      %dma_start3A_1776 = arith.constant 0 : i32
      %dma_start3A_1777 = arith.constant 0 : i32
      %dma_start3A_1778 = tpu.memref_slice %arg4[%select_n3A_1612, %dma_start3A_1771, %select_n3A_1628, %dma_start3A_1776, %dma_start3A_1777] : memref<50x8x128x8x128xf32, #tpu.memory_space<hbm>> -> memref<1x1x1x8x128xf32, #tpu.memory_space<hbm>>
      %dma_start3A_1779 = tpu.memref_squeeze %dma_start3A_1778 : memref<1x1x1x8x128xf32, #tpu.memory_space<hbm>> -> memref<8x128xf32, #tpu.memory_space<hbm>>
      %dma_start3A_1780 = arith.constant 0 : i32
      %dma_start3A_1781 = arith.constant 0 : i32
      %dma_start3A_1782 = tpu.memref_slice %arg4[%select_n3A_1612, %dma_start3A_1771, %select_n3A_1628, %dma_start3A_1780, %dma_start3A_1781] : memref<50x8x128x8x128xf32, #tpu.memory_space<hbm>> -> memref<1x1x1x8x128xf32, #tpu.memory_space<hbm>>
      %dma_start3A_1783 = tpu.memref_squeeze %dma_start3A_1782 : memref<1x1x1x8x128xf32, #tpu.memory_space<hbm>> -> memref<8x128xf32, #tpu.memory_space<hbm>>
      %dma_start3A_1784 = arith.constant 56 : i32
      %dma_start3A_1785 = arith.constant 0 : i32
      %dma_start3A_1786 = tpu.memref_slice %arg7[%dma_start3A_1770, %dma_start3A_1784, %dma_start3A_1785] : memref<5x64x129xf32, #tpu.memory_space<vmem>> -> memref<1x8x128xf32, #tpu.memory_space<vmem>>
      %dma_start3A_1787 = tpu.memref_squeeze %dma_start3A_1786 : memref<1x8x128xf32, #tpu.memory_space<vmem>> -> memref<8x128xf32, #tpu.memory_space<vmem>>
      tpu.enqueue_dma source(%dma_start3A_1787 : memref<8x128xf32, #tpu.memory_space<vmem>>) target(%dma_start3A_1783 : memref<8x128xf32, #tpu.memory_space<hbm>>) target_semaphore(%arg10 : memref<!tpu.dma_semaphore, #tpu.memory_space<semaphore_mem>>)
      %mul3A_1788 = arith.constant 5 : i32
      %mul3A_1789 = arith.muli %scan3A_310, %mul3A_1788 : i32
      %add3A_1790 = arith.addi %mul3A_2, %mul3A_1789 : i32
      %add3A_1791 = arith.constant 4 : i32
      %add3A_1792 = arith.addi %add3A_1790, %add3A_1791 : i32
      %jit3A_1793 = arith.constant 128 : i32
      %div3A_1794 = arith.divsi %add3A_1792, %jit3A_1793 : i32
      %sign3A_1795 = arith.constant 0 : i32
      %sign3A_1796 = arith.cmpi sgt, %add3A_1792, %sign3A_1795 : i32
      %sign3A_1797 = arith.extui %sign3A_1796 : i1 to i32
      %sign3A_1798 = arith.constant 0 : i32
      %sign3A_1799 = arith.cmpi slt, %add3A_1792, %sign3A_1798 : i32
      %sign3A_1800 = arith.extui %sign3A_1799 : i1 to i32
      %sign3A_1801 = arith.subi %sign3A_1797, %sign3A_1800 : i32
      %sign3A_1802 = arith.constant 0 : i32
      %sign3A_1803 = arith.cmpi sgt, %jit3A_1793, %sign3A_1802 : i32
      %sign3A_1804 = arith.extui %sign3A_1803 : i1 to i32
      %sign3A_1805 = arith.constant 0 : i32
      %sign3A_1806 = arith.cmpi slt, %jit3A_1793, %sign3A_1805 : i32
      %sign3A_1807 = arith.extui %sign3A_1806 : i1 to i32
      %sign3A_1808 = arith.subi %sign3A_1804, %sign3A_1807 : i32
      %ne3A_1809 = arith.cmpi ne, %sign3A_1801, %sign3A_1808 : i32
      %rem3A_1810 = arith.remsi %add3A_1792, %jit3A_1793 : i32
      %ne3A_1811 = arith.constant 0 : i32
      %ne3A_1812 = arith.cmpi ne, %rem3A_1810, %ne3A_1811 : i32
      %and3A_1813 = arith.andi %ne3A_1809, %ne3A_1812 : i1
      %sub3A_1814 = arith.constant 1 : i32
      %sub3A_1815 = arith.subi %div3A_1794, %sub3A_1814 : i32
      %select_n3A_1816 = arith.select %and3A_1813, %sub3A_1815, %div3A_1794 : i32
      %jit3A_1817 = arith.constant 128 : i32
      %eq3A_1818 = arith.constant 0 : i32
      %eq3A_1819 = arith.cmpi eq, %jit3A_1817, %eq3A_1818 : i32
      %jit3A_1820 = arith.constant 1 : i32
      %select_n3A_1821 = arith.select %eq3A_1819, %jit3A_1820, %jit3A_1817 : i32
      %rem3A_1822 = arith.remsi %add3A_1792, %select_n3A_1821 : i32
      %ne3A_1823 = arith.constant 0 : i32
      %ne3A_1824 = arith.cmpi ne, %rem3A_1822, %ne3A_1823 : i32
      %lt3A_1825 = arith.constant 0 : i32
      %lt3A_1826 = arith.cmpi slt, %rem3A_1822, %lt3A_1825 : i32
      %lt3A_1827 = arith.constant 0 : i32
      %lt3A_1828 = arith.cmpi slt, %select_n3A_1821, %lt3A_1827 : i32
      %ne3A_1829 = arith.xori %lt3A_1826, %lt3A_1828 : i1
      %and3A_1830 = arith.andi %ne3A_1829, %ne3A_1824 : i1
      %add3A_1831 = arith.addi %rem3A_1822, %select_n3A_1821 : i32
      %select_n3A_1832 = arith.select %and3A_1830, %add3A_1831, %rem3A_1822 : i32
      %dma_wait3A_1833 = arith.constant 4 : i32
      %dma_wait3A_1834 = arith.constant 4 : i32
      %dma_wait3A_1835 = arith.constant 0 : i32
      %dma_wait3A_1836 = arith.constant 0 : i32
      %dma_wait3A_1837 = tpu.memref_slice %arg6[%dma_wait3A_1834, %dma_wait3A_1835, %dma_wait3A_1836] : memref<5x128x64xf32, #tpu.memory_space<vmem>> -> memref<1x128x64xf32, #tpu.memory_space<vmem>>
      %dma_wait3A_1838 = tpu.memref_squeeze %dma_wait3A_1837 : memref<1x128x64xf32, #tpu.memory_space<vmem>> -> memref<128x64xf32, #tpu.memory_space<vmem>>
      %dma_wait3A_1839 = arith.constant 0 : i32
      %dma_wait3A_1840 = tpu.memref_slice %arg5[%dma_wait3A_1833, %dma_wait3A_1839] : memref<5x128xi32, #tpu.memory_space<vmem>> -> memref<1x128xi32, #tpu.memory_space<vmem>>
      %dma_wait3A_1841 = tpu.memref_squeeze %dma_wait3A_1840 : memref<1x128xi32, #tpu.memory_space<vmem>> -> memref<128xi32, #tpu.memory_space<vmem>>
      %dma_wait3A_1842 = arith.constant 0 : i32
      %dma_wait3A_1843 = arith.constant 0 : i32
      %dma_wait3A_1844 = tpu.memref_slice %arg3[%dma_wait3A_1842, %dma_wait3A_1843] : memref<2000000x64xf32, #tpu.memory_space<hbm>> -> memref<2000000x64xf32, #tpu.memory_space<hbm>>
      tpu.wait_indirect_dma semaphore(%arg9 : memref<!tpu.dma_semaphore, #tpu.memory_space<semaphore_mem>>) src(%dma_wait3A_1844 : memref<2000000x64xf32, #tpu.memory_space<hbm>>) dst(%dma_wait3A_1838 : memref<128x64xf32, #tpu.memory_space<vmem>>)
      %parallel_loop3A_1845 = arith.constant 0 : i32
      %parallel_loop3A_1846 = arith.constant 128 : i32
      %parallel_loop3A_1847 = arith.constant 1 : i32
      scf.for %parallel_loop3A_1993 = %parallel_loop3A_1845 to %parallel_loop3A_1846 step %parallel_loop3A_1847  : i32 {
        %parallel_loop3A_1994 = arith.constant 0 : i32
        %parallel_loop3A_1995 = vector.broadcast %parallel_loop3A_1994 : i32 to vector<16xi32>
        %parallel_loop3A_1996 = vector.broadcast %parallel_loop3A_1993 : i32 to vector<16xi32>
        %parallel_loop3A_1997 = arith.addi %parallel_loop3A_1995, %parallel_loop3A_1996 : vector<16xi32>
        %parallel_loop3A_1998 = arith.constant 4 : i32
        %parallel_loop3A_1999 = arith.index_cast %parallel_loop3A_1998 : i32 to index
        %parallel_loop3A_2000 = arith.index_cast %parallel_loop3A_1993 : i32 to index
        %parallel_loop3A_2001 = arith.constant 0 : index
        %parallel_loop3A_2002 = tpu.vector_load %arg6[%parallel_loop3A_1999, %parallel_loop3A_2000, %parallel_loop3A_2001] {strides = array<i32>} : memref<5x128x64xf32, #tpu.memory_space<vmem>>, vector<16xf32>,
        %parallel_loop3A_2003 = arith.constant 4 : i32
        %parallel_loop3A_2004 = arith.constant 0 : i32
        %parallel_loop3A_2005 = arith.constant 0 : i32
        %parallel_loop3A_2006 = tpu.memref_slice %arg7[%parallel_loop3A_2003, %parallel_loop3A_2004, %parallel_loop3A_2005] : memref<5x64x129xf32, #tpu.memory_space<vmem>> -> memref<1x64x129xf32, #tpu.memory_space<vmem>>
        %parallel_loop3A_2007 = tpu.memref_squeeze %parallel_loop3A_2006 : memref<1x64x129xf32, #tpu.memory_space<vmem>> -> memref<64x129xf32, #tpu.memory_space<vmem>>
        tpu.vector_store_idx %parallel_loop3A_2007[%add3A_5, %parallel_loop3A_1997], %parallel_loop3A_2002 : memref<64x129xf32, #tpu.memory_space<vmem>>[vector<16xi32>, vector<16xi32>], vector<16xf32>,
        %parallel_loop3A_2008 = arith.constant 4 : i32
        %parallel_loop3A_2009 = arith.index_cast %parallel_loop3A_2008 : i32 to index
        %parallel_loop3A_2010 = arith.index_cast %parallel_loop3A_1993 : i32 to index
        %parallel_loop3A_2011 = arith.constant 16 : index
        %parallel_loop3A_2012 = tpu.vector_load %arg6[%parallel_loop3A_2009, %parallel_loop3A_2010, %parallel_loop3A_2011] {strides = array<i32>} : memref<5x128x64xf32, #tpu.memory_space<vmem>>, vector<16xf32>,
        %parallel_loop3A_2013 = arith.constant 4 : i32
        %parallel_loop3A_2014 = arith.constant 0 : i32
        %parallel_loop3A_2015 = arith.constant 0 : i32
        %parallel_loop3A_2016 = tpu.memref_slice %arg7[%parallel_loop3A_2013, %parallel_loop3A_2014, %parallel_loop3A_2015] : memref<5x64x129xf32, #tpu.memory_space<vmem>> -> memref<1x64x129xf32, #tpu.memory_space<vmem>>
        %parallel_loop3A_2017 = tpu.memref_squeeze %parallel_loop3A_2016 : memref<1x64x129xf32, #tpu.memory_space<vmem>> -> memref<64x129xf32, #tpu.memory_space<vmem>>
        tpu.vector_store_idx %parallel_loop3A_2017[%add3A_8, %parallel_loop3A_1997], %parallel_loop3A_2012 : memref<64x129xf32, #tpu.memory_space<vmem>>[vector<16xi32>, vector<16xi32>], vector<16xf32>,
        %parallel_loop3A_2018 = arith.constant 4 : i32
        %parallel_loop3A_2019 = arith.index_cast %parallel_loop3A_2018 : i32 to index
        %parallel_loop3A_2020 = arith.index_cast %parallel_loop3A_1993 : i32 to index
        %parallel_loop3A_2021 = arith.constant 32 : index
        %parallel_loop3A_2022 = tpu.vector_load %arg6[%parallel_loop3A_2019, %parallel_loop3A_2020, %parallel_loop3A_2021] {strides = array<i32>} : memref<5x128x64xf32, #tpu.memory_space<vmem>>, vector<16xf32>,
        %parallel_loop3A_2023 = arith.constant 4 : i32
        %parallel_loop3A_2024 = arith.constant 0 : i32
        %parallel_loop3A_2025 = arith.constant 0 : i32
        %parallel_loop3A_2026 = tpu.memref_slice %arg7[%parallel_loop3A_2023, %parallel_loop3A_2024, %parallel_loop3A_2025] : memref<5x64x129xf32, #tpu.memory_space<vmem>> -> memref<1x64x129xf32, #tpu.memory_space<vmem>>
        %parallel_loop3A_2027 = tpu.memref_squeeze %parallel_loop3A_2026 : memref<1x64x129xf32, #tpu.memory_space<vmem>> -> memref<64x129xf32, #tpu.memory_space<vmem>>
        tpu.vector_store_idx %parallel_loop3A_2027[%add3A_11, %parallel_loop3A_1997], %parallel_loop3A_2022 : memref<64x129xf32, #tpu.memory_space<vmem>>[vector<16xi32>, vector<16xi32>], vector<16xf32>,
        %parallel_loop3A_2028 = arith.constant 4 : i32
        %parallel_loop3A_2029 = arith.index_cast %parallel_loop3A_2028 : i32 to index
        %parallel_loop3A_2030 = arith.index_cast %parallel_loop3A_1993 : i32 to index
        %parallel_loop3A_2031 = arith.constant 48 : index
        %parallel_loop3A_2032 = tpu.vector_load %arg6[%parallel_loop3A_2029, %parallel_loop3A_2030, %parallel_loop3A_2031] {strides = array<i32>} : memref<5x128x64xf32, #tpu.memory_space<vmem>>, vector<16xf32>,
        %parallel_loop3A_2033 = arith.constant 4 : i32
        %parallel_loop3A_2034 = arith.constant 0 : i32
        %parallel_loop3A_2035 = arith.constant 0 : i32
        %parallel_loop3A_2036 = tpu.memref_slice %arg7[%parallel_loop3A_2033, %parallel_loop3A_2034, %parallel_loop3A_2035] : memref<5x64x129xf32, #tpu.memory_space<vmem>> -> memref<1x64x129xf32, #tpu.memory_space<vmem>>
        %parallel_loop3A_2037 = tpu.memref_squeeze %parallel_loop3A_2036 : memref<1x64x129xf32, #tpu.memory_space<vmem>> -> memref<64x129xf32, #tpu.memory_space<vmem>>
        tpu.vector_store_idx %parallel_loop3A_2037[%add3A_14, %parallel_loop3A_1997], %parallel_loop3A_2032 : memref<64x129xf32, #tpu.memory_space<vmem>>[vector<16xi32>, vector<16xi32>], vector<16xf32>,
      } {sc.loop_unroll_factor = 8 : i64, sc.parallel_access}
      %dma_start3A_1848 = arith.constant 4 : i32
      %dma_start3A_1849 = arith.constant 0 : i32
      %dma_start3A_1850 = arith.constant 0 : i32
      %dma_start3A_1851 = arith.constant 0 : i32
      %dma_start3A_1852 = tpu.memref_slice %arg7[%dma_start3A_1848, %dma_start3A_1850, %dma_start3A_1851] : memref<5x64x129xf32, #tpu.memory_space<vmem>> -> memref<1x8x128xf32, #tpu.memory_space<vmem>>
      %dma_start3A_1853 = tpu.memref_squeeze %dma_start3A_1852 : memref<1x8x128xf32, #tpu.memory_space<vmem>> -> memref<8x128xf32, #tpu.memory_space<vmem>>
      %dma_start3A_1854 = arith.constant 0 : i32
      %dma_start3A_1855 = arith.constant 0 : i32
      %dma_start3A_1856 = tpu.memref_slice %arg4[%select_n3A_1816, %dma_start3A_1849, %select_n3A_1832, %dma_start3A_1854, %dma_start3A_1855] : memref<50x8x128x8x128xf32, #tpu.memory_space<hbm>> -> memref<1x1x1x8x128xf32, #tpu.memory_space<hbm>>
      %dma_start3A_1857 = tpu.memref_squeeze %dma_start3A_1856 : memref<1x1x1x8x128xf32, #tpu.memory_space<hbm>> -> memref<8x128xf32, #tpu.memory_space<hbm>>
      %dma_start3A_1858 = arith.constant 0 : i32
      %dma_start3A_1859 = arith.constant 0 : i32
      %dma_start3A_1860 = tpu.memref_slice %arg4[%select_n3A_1816, %dma_start3A_1849, %select_n3A_1832, %dma_start3A_1858, %dma_start3A_1859] : memref<50x8x128x8x128xf32, #tpu.memory_space<hbm>> -> memref<1x1x1x8x128xf32, #tpu.memory_space<hbm>>
      %dma_start3A_1861 = tpu.memref_squeeze %dma_start3A_1860 : memref<1x1x1x8x128xf32, #tpu.memory_space<hbm>> -> memref<8x128xf32, #tpu.memory_space<hbm>>
      %dma_start3A_1862 = arith.constant 0 : i32
      %dma_start3A_1863 = arith.constant 0 : i32
      %dma_start3A_1864 = tpu.memref_slice %arg7[%dma_start3A_1848, %dma_start3A_1862, %dma_start3A_1863] : memref<5x64x129xf32, #tpu.memory_space<vmem>> -> memref<1x8x128xf32, #tpu.memory_space<vmem>>
      %dma_start3A_1865 = tpu.memref_squeeze %dma_start3A_1864 : memref<1x8x128xf32, #tpu.memory_space<vmem>> -> memref<8x128xf32, #tpu.memory_space<vmem>>
      tpu.enqueue_dma source(%dma_start3A_1865 : memref<8x128xf32, #tpu.memory_space<vmem>>) target(%dma_start3A_1861 : memref<8x128xf32, #tpu.memory_space<hbm>>) target_semaphore(%arg10 : memref<!tpu.dma_semaphore, #tpu.memory_space<semaphore_mem>>)
      %dma_start3A_1866 = arith.constant 4 : i32
      %dma_start3A_1867 = arith.constant 1 : i32
      %dma_start3A_1868 = arith.constant 8 : i32
      %dma_start3A_1869 = arith.constant 0 : i32
      %dma_start3A_1870 = tpu.memref_slice %arg7[%dma_start3A_1866, %dma_start3A_1868, %dma_start3A_1869] : memref<5x64x129xf32, #tpu.memory_space<vmem>> -> memref<1x8x128xf32, #tpu.memory_space<vmem>>
      %dma_start3A_1871 = tpu.memref_squeeze %dma_start3A_1870 : memref<1x8x128xf32, #tpu.memory_space<vmem>> -> memref<8x128xf32, #tpu.memory_space<vmem>>
      %dma_start3A_1872 = arith.constant 0 : i32
      %dma_start3A_1873 = arith.constant 0 : i32
      %dma_start3A_1874 = tpu.memref_slice %arg4[%select_n3A_1816, %dma_start3A_1867, %select_n3A_1832, %dma_start3A_1872, %dma_start3A_1873] : memref<50x8x128x8x128xf32, #tpu.memory_space<hbm>> -> memref<1x1x1x8x128xf32, #tpu.memory_space<hbm>>
      %dma_start3A_1875 = tpu.memref_squeeze %dma_start3A_1874 : memref<1x1x1x8x128xf32, #tpu.memory_space<hbm>> -> memref<8x128xf32, #tpu.memory_space<hbm>>
      %dma_start3A_1876 = arith.constant 0 : i32
      %dma_start3A_1877 = arith.constant 0 : i32
      %dma_start3A_1878 = tpu.memref_slice %arg4[%select_n3A_1816, %dma_start3A_1867, %select_n3A_1832, %dma_start3A_1876, %dma_start3A_1877] : memref<50x8x128x8x128xf32, #tpu.memory_space<hbm>> -> memref<1x1x1x8x128xf32, #tpu.memory_space<hbm>>
      %dma_start3A_1879 = tpu.memref_squeeze %dma_start3A_1878 : memref<1x1x1x8x128xf32, #tpu.memory_space<hbm>> -> memref<8x128xf32, #tpu.memory_space<hbm>>
      %dma_start3A_1880 = arith.constant 8 : i32
      %dma_start3A_1881 = arith.constant 0 : i32
      %dma_start3A_1882 = tpu.memref_slice %arg7[%dma_start3A_1866, %dma_start3A_1880, %dma_start3A_1881] : memref<5x64x129xf32, #tpu.memory_space<vmem>> -> memref<1x8x128xf32, #tpu.memory_space<vmem>>
      %dma_start3A_1883 = tpu.memref_squeeze %dma_start3A_1882 : memref<1x8x128xf32, #tpu.memory_space<vmem>> -> memref<8x128xf32, #tpu.memory_space<vmem>>
      tpu.enqueue_dma source(%dma_start3A_1883 : memref<8x128xf32, #tpu.memory_space<vmem>>) target(%dma_start3A_1879 : memref<8x128xf32, #tpu.memory_space<hbm>>) target_semaphore(%arg10 : memref<!tpu.dma_semaphore, #tpu.memory_space<semaphore_mem>>)
      %dma_start3A_1884 = arith.constant 4 : i32
      %dma_start3A_1885 = arith.constant 2 : i32
      %dma_start3A_1886 = arith.constant 16 : i32
      %dma_start3A_1887 = arith.constant 0 : i32
      %dma_start3A_1888 = tpu.memref_slice %arg7[%dma_start3A_1884, %dma_start3A_1886, %dma_start3A_1887] : memref<5x64x129xf32, #tpu.memory_space<vmem>> -> memref<1x8x128xf32, #tpu.memory_space<vmem>>
      %dma_start3A_1889 = tpu.memref_squeeze %dma_start3A_1888 : memref<1x8x128xf32, #tpu.memory_space<vmem>> -> memref<8x128xf32, #tpu.memory_space<vmem>>
      %dma_start3A_1890 = arith.constant 0 : i32
      %dma_start3A_1891 = arith.constant 0 : i32
      %dma_start3A_1892 = tpu.memref_slice %arg4[%select_n3A_1816, %dma_start3A_1885, %select_n3A_1832, %dma_start3A_1890, %dma_start3A_1891] : memref<50x8x128x8x128xf32, #tpu.memory_space<hbm>> -> memref<1x1x1x8x128xf32, #tpu.memory_space<hbm>>
      %dma_start3A_1893 = tpu.memref_squeeze %dma_start3A_1892 : memref<1x1x1x8x128xf32, #tpu.memory_space<hbm>> -> memref<8x128xf32, #tpu.memory_space<hbm>>
      %dma_start3A_1894 = arith.constant 0 : i32
      %dma_start3A_1895 = arith.constant 0 : i32
      %dma_start3A_1896 = tpu.memref_slice %arg4[%select_n3A_1816, %dma_start3A_1885, %select_n3A_1832, %dma_start3A_1894, %dma_start3A_1895] : memref<50x8x128x8x128xf32, #tpu.memory_space<hbm>> -> memref<1x1x1x8x128xf32, #tpu.memory_space<hbm>>
      %dma_start3A_1897 = tpu.memref_squeeze %dma_start3A_1896 : memref<1x1x1x8x128xf32, #tpu.memory_space<hbm>> -> memref<8x128xf32, #tpu.memory_space<hbm>>
      %dma_start3A_1898 = arith.constant 16 : i32
      %dma_start3A_1899 = arith.constant 0 : i32
      %dma_start3A_1900 = tpu.memref_slice %arg7[%dma_start3A_1884, %dma_start3A_1898, %dma_start3A_1899] : memref<5x64x129xf32, #tpu.memory_space<vmem>> -> memref<1x8x128xf32, #tpu.memory_space<vmem>>
      %dma_start3A_1901 = tpu.memref_squeeze %dma_start3A_1900 : memref<1x8x128xf32, #tpu.memory_space<vmem>> -> memref<8x128xf32, #tpu.memory_space<vmem>>
      tpu.enqueue_dma source(%dma_start3A_1901 : memref<8x128xf32, #tpu.memory_space<vmem>>) target(%dma_start3A_1897 : memref<8x128xf32, #tpu.memory_space<hbm>>) target_semaphore(%arg10 : memref<!tpu.dma_semaphore, #tpu.memory_space<semaphore_mem>>)
      %dma_start3A_1902 = arith.constant 4 : i32
      %dma_start3A_1903 = arith.constant 3 : i32
      %dma_start3A_1904 = arith.constant 24 : i32
      %dma_start3A_1905 = arith.constant 0 : i32
      %dma_start3A_1906 = tpu.memref_slice %arg7[%dma_start3A_1902, %dma_start3A_1904, %dma_start3A_1905] : memref<5x64x129xf32, #tpu.memory_space<vmem>> -> memref<1x8x128xf32, #tpu.memory_space<vmem>>
      %dma_start3A_1907 = tpu.memref_squeeze %dma_start3A_1906 : memref<1x8x128xf32, #tpu.memory_space<vmem>> -> memref<8x128xf32, #tpu.memory_space<vmem>>
      %dma_start3A_1908 = arith.constant 0 : i32
      %dma_start3A_1909 = arith.constant 0 : i32
      %dma_start3A_1910 = tpu.memref_slice %arg4[%select_n3A_1816, %dma_start3A_1903, %select_n3A_1832, %dma_start3A_1908, %dma_start3A_1909] : memref<50x8x128x8x128xf32, #tpu.memory_space<hbm>> -> memref<1x1x1x8x128xf32, #tpu.memory_space<hbm>>
      %dma_start3A_1911 = tpu.memref_squeeze %dma_start3A_1910 : memref<1x1x1x8x128xf32, #tpu.memory_space<hbm>> -> memref<8x128xf32, #tpu.memory_space<hbm>>
      %dma_start3A_1912 = arith.constant 0 : i32
      %dma_start3A_1913 = arith.constant 0 : i32
      %dma_start3A_1914 = tpu.memref_slice %arg4[%select_n3A_1816, %dma_start3A_1903, %select_n3A_1832, %dma_start3A_1912, %dma_start3A_1913] : memref<50x8x128x8x128xf32, #tpu.memory_space<hbm>> -> memref<1x1x1x8x128xf32, #tpu.memory_space<hbm>>
      %dma_start3A_1915 = tpu.memref_squeeze %dma_start3A_1914 : memref<1x1x1x8x128xf32, #tpu.memory_space<hbm>> -> memref<8x128xf32, #tpu.memory_space<hbm>>
      %dma_start3A_1916 = arith.constant 24 : i32
      %dma_start3A_1917 = arith.constant 0 : i32
      %dma_start3A_1918 = tpu.memref_slice %arg7[%dma_start3A_1902, %dma_start3A_1916, %dma_start3A_1917] : memref<5x64x129xf32, #tpu.memory_space<vmem>> -> memref<1x8x128xf32, #tpu.memory_space<vmem>>
      %dma_start3A_1919 = tpu.memref_squeeze %dma_start3A_1918 : memref<1x8x128xf32, #tpu.memory_space<vmem>> -> memref<8x128xf32, #tpu.memory_space<vmem>>
      tpu.enqueue_dma source(%dma_start3A_1919 : memref<8x128xf32, #tpu.memory_space<vmem>>) target(%dma_start3A_1915 : memref<8x128xf32, #tpu.memory_space<hbm>>) target_semaphore(%arg10 : memref<!tpu.dma_semaphore, #tpu.memory_space<semaphore_mem>>)
      %dma_start3A_1920 = arith.constant 4 : i32
      %dma_start3A_1921 = arith.constant 4 : i32
      %dma_start3A_1922 = arith.constant 32 : i32
      %dma_start3A_1923 = arith.constant 0 : i32
      %dma_start3A_1924 = tpu.memref_slice %arg7[%dma_start3A_1920, %dma_start3A_1922, %dma_start3A_1923] : memref<5x64x129xf32, #tpu.memory_space<vmem>> -> memref<1x8x128xf32, #tpu.memory_space<vmem>>
      %dma_start3A_1925 = tpu.memref_squeeze %dma_start3A_1924 : memref<1x8x128xf32, #tpu.memory_space<vmem>> -> memref<8x128xf32, #tpu.memory_space<vmem>>
      %dma_start3A_1926 = arith.constant 0 : i32
      %dma_start3A_1927 = arith.constant 0 : i32
      %dma_start3A_1928 = tpu.memref_slice %arg4[%select_n3A_1816, %dma_start3A_1921, %select_n3A_1832, %dma_start3A_1926, %dma_start3A_1927] : memref<50x8x128x8x128xf32, #tpu.memory_space<hbm>> -> memref<1x1x1x8x128xf32, #tpu.memory_space<hbm>>
      %dma_start3A_1929 = tpu.memref_squeeze %dma_start3A_1928 : memref<1x1x1x8x128xf32, #tpu.memory_space<hbm>> -> memref<8x128xf32, #tpu.memory_space<hbm>>
      %dma_start3A_1930 = arith.constant 0 : i32
      %dma_start3A_1931 = arith.constant 0 : i32
      %dma_start3A_1932 = tpu.memref_slice %arg4[%select_n3A_1816, %dma_start3A_1921, %select_n3A_1832, %dma_start3A_1930, %dma_start3A_1931] : memref<50x8x128x8x128xf32, #tpu.memory_space<hbm>> -> memref<1x1x1x8x128xf32, #tpu.memory_space<hbm>>
      %dma_start3A_1933 = tpu.memref_squeeze %dma_start3A_1932 : memref<1x1x1x8x128xf32, #tpu.memory_space<hbm>> -> memref<8x128xf32, #tpu.memory_space<hbm>>
      %dma_start3A_1934 = arith.constant 32 : i32
      %dma_start3A_1935 = arith.constant 0 : i32
      %dma_start3A_1936 = tpu.memref_slice %arg7[%dma_start3A_1920, %dma_start3A_1934, %dma_start3A_1935] : memref<5x64x129xf32, #tpu.memory_space<vmem>> -> memref<1x8x128xf32, #tpu.memory_space<vmem>>
      %dma_start3A_1937 = tpu.memref_squeeze %dma_start3A_1936 : memref<1x8x128xf32, #tpu.memory_space<vmem>> -> memref<8x128xf32, #tpu.memory_space<vmem>>
      tpu.enqueue_dma source(%dma_start3A_1937 : memref<8x128xf32, #tpu.memory_space<vmem>>) target(%dma_start3A_1933 : memref<8x128xf32, #tpu.memory_space<hbm>>) target_semaphore(%arg10 : memref<!tpu.dma_semaphore, #tpu.memory_space<semaphore_mem>>)
      %dma_start3A_1938 = arith.constant 4 : i32
      %dma_start3A_1939 = arith.constant 5 : i32
      %dma_start3A_1940 = arith.constant 40 : i32
      %dma_start3A_1941 = arith.constant 0 : i32
      %dma_start3A_1942 = tpu.memref_slice %arg7[%dma_start3A_1938, %dma_start3A_1940, %dma_start3A_1941] : memref<5x64x129xf32, #tpu.memory_space<vmem>> -> memref<1x8x128xf32, #tpu.memory_space<vmem>>
      %dma_start3A_1943 = tpu.memref_squeeze %dma_start3A_1942 : memref<1x8x128xf32, #tpu.memory_space<vmem>> -> memref<8x128xf32, #tpu.memory_space<vmem>>
      %dma_start3A_1944 = arith.constant 0 : i32
      %dma_start3A_1945 = arith.constant 0 : i32
      %dma_start3A_1946 = tpu.memref_slice %arg4[%select_n3A_1816, %dma_start3A_1939, %select_n3A_1832, %dma_start3A_1944, %dma_start3A_1945] : memref<50x8x128x8x128xf32, #tpu.memory_space<hbm>> -> memref<1x1x1x8x128xf32, #tpu.memory_space<hbm>>
      %dma_start3A_1947 = tpu.memref_squeeze %dma_start3A_1946 : memref<1x1x1x8x128xf32, #tpu.memory_space<hbm>> -> memref<8x128xf32, #tpu.memory_space<hbm>>
      %dma_start3A_1948 = arith.constant 0 : i32
      %dma_start3A_1949 = arith.constant 0 : i32
      %dma_start3A_1950 = tpu.memref_slice %arg4[%select_n3A_1816, %dma_start3A_1939, %select_n3A_1832, %dma_start3A_1948, %dma_start3A_1949] : memref<50x8x128x8x128xf32, #tpu.memory_space<hbm>> -> memref<1x1x1x8x128xf32, #tpu.memory_space<hbm>>
      %dma_start3A_1951 = tpu.memref_squeeze %dma_start3A_1950 : memref<1x1x1x8x128xf32, #tpu.memory_space<hbm>> -> memref<8x128xf32, #tpu.memory_space<hbm>>
      %dma_start3A_1952 = arith.constant 40 : i32
      %dma_start3A_1953 = arith.constant 0 : i32
      %dma_start3A_1954 = tpu.memref_slice %arg7[%dma_start3A_1938, %dma_start3A_1952, %dma_start3A_1953] : memref<5x64x129xf32, #tpu.memory_space<vmem>> -> memref<1x8x128xf32, #tpu.memory_space<vmem>>
      %dma_start3A_1955 = tpu.memref_squeeze %dma_start3A_1954 : memref<1x8x128xf32, #tpu.memory_space<vmem>> -> memref<8x128xf32, #tpu.memory_space<vmem>>
      tpu.enqueue_dma source(%dma_start3A_1955 : memref<8x128xf32, #tpu.memory_space<vmem>>) target(%dma_start3A_1951 : memref<8x128xf32, #tpu.memory_space<hbm>>) target_semaphore(%arg10 : memref<!tpu.dma_semaphore, #tpu.memory_space<semaphore_mem>>)
      %dma_start3A_1956 = arith.constant 4 : i32
      %dma_start3A_1957 = arith.constant 6 : i32
      %dma_start3A_1958 = arith.constant 48 : i32
      %dma_start3A_1959 = arith.constant 0 : i32
      %dma_start3A_1960 = tpu.memref_slice %arg7[%dma_start3A_1956, %dma_start3A_1958, %dma_start3A_1959] : memref<5x64x129xf32, #tpu.memory_space<vmem>> -> memref<1x8x128xf32, #tpu.memory_space<vmem>>
      %dma_start3A_1961 = tpu.memref_squeeze %dma_start3A_1960 : memref<1x8x128xf32, #tpu.memory_space<vmem>> -> memref<8x128xf32, #tpu.memory_space<vmem>>
      %dma_start3A_1962 = arith.constant 0 : i32
      %dma_start3A_1963 = arith.constant 0 : i32
      %dma_start3A_1964 = tpu.memref_slice %arg4[%select_n3A_1816, %dma_start3A_1957, %select_n3A_1832, %dma_start3A_1962, %dma_start3A_1963] : memref<50x8x128x8x128xf32, #tpu.memory_space<hbm>> -> memref<1x1x1x8x128xf32, #tpu.memory_space<hbm>>
      %dma_start3A_1965 = tpu.memref_squeeze %dma_start3A_1964 : memref<1x1x1x8x128xf32, #tpu.memory_space<hbm>> -> memref<8x128xf32, #tpu.memory_space<hbm>>
      %dma_start3A_1966 = arith.constant 0 : i32
      %dma_start3A_1967 = arith.constant 0 : i32
      %dma_start3A_1968 = tpu.memref_slice %arg4[%select_n3A_1816, %dma_start3A_1957, %select_n3A_1832, %dma_start3A_1966, %dma_start3A_1967] : memref<50x8x128x8x128xf32, #tpu.memory_space<hbm>> -> memref<1x1x1x8x128xf32, #tpu.memory_space<hbm>>
      %dma_start3A_1969 = tpu.memref_squeeze %dma_start3A_1968 : memref<1x1x1x8x128xf32, #tpu.memory_space<hbm>> -> memref<8x128xf32, #tpu.memory_space<hbm>>
      %dma_start3A_1970 = arith.constant 48 : i32
      %dma_start3A_1971 = arith.constant 0 : i32
      %dma_start3A_1972 = tpu.memref_slice %arg7[%dma_start3A_1956, %dma_start3A_1970, %dma_start3A_1971] : memref<5x64x129xf32, #tpu.memory_space<vmem>> -> memref<1x8x128xf32, #tpu.memory_space<vmem>>
      %dma_start3A_1973 = tpu.memref_squeeze %dma_start3A_1972 : memref<1x8x128xf32, #tpu.memory_space<vmem>> -> memref<8x128xf32, #tpu.memory_space<vmem>>
      tpu.enqueue_dma source(%dma_start3A_1973 : memref<8x128xf32, #tpu.memory_space<vmem>>) target(%dma_start3A_1969 : memref<8x128xf32, #tpu.memory_space<hbm>>) target_semaphore(%arg10 : memref<!tpu.dma_semaphore, #tpu.memory_space<semaphore_mem>>)
      %dma_start3A_1974 = arith.constant 4 : i32
      %dma_start3A_1975 = arith.constant 7 : i32
      %dma_start3A_1976 = arith.constant 56 : i32
      %dma_start3A_1977 = arith.constant 0 : i32
      %dma_start3A_1978 = tpu.memref_slice %arg7[%dma_start3A_1974, %dma_start3A_1976, %dma_start3A_1977] : memref<5x64x129xf32, #tpu.memory_space<vmem>> -> memref<1x8x128xf32, #tpu.memory_space<vmem>>
      %dma_start3A_1979 = tpu.memref_squeeze %dma_start3A_1978 : memref<1x8x128xf32, #tpu.memory_space<vmem>> -> memref<8x128xf32, #tpu.memory_space<vmem>>
      %dma_start3A_1980 = arith.constant 0 : i32
      %dma_start3A_1981 = arith.constant 0 : i32
      %dma_start3A_1982 = tpu.memref_slice %arg4[%select_n3A_1816, %dma_start3A_1975, %select_n3A_1832, %dma_start3A_1980, %dma_start3A_1981] : memref<50x8x128x8x128xf32, #tpu.memory_space<hbm>> -> memref<1x1x1x8x128xf32, #tpu.memory_space<hbm>>
      %dma_start3A_1983 = tpu.memref_squeeze %dma_start3A_1982 : memref<1x1x1x8x128xf32, #tpu.memory_space<hbm>> -> memref<8x128xf32, #tpu.memory_space<hbm>>
      %dma_start3A_1984 = arith.constant 0 : i32
      %dma_start3A_1985 = arith.constant 0 : i32
      %dma_start3A_1986 = tpu.memref_slice %arg4[%select_n3A_1816, %dma_start3A_1975, %select_n3A_1832, %dma_start3A_1984, %dma_start3A_1985] : memref<50x8x128x8x128xf32, #tpu.memory_space<hbm>> -> memref<1x1x1x8x128xf32, #tpu.memory_space<hbm>>
      %dma_start3A_1987 = tpu.memref_squeeze %dma_start3A_1986 : memref<1x1x1x8x128xf32, #tpu.memory_space<hbm>> -> memref<8x128xf32, #tpu.memory_space<hbm>>
      %dma_start3A_1988 = arith.constant 56 : i32
      %dma_start3A_1989 = arith.constant 0 : i32
      %dma_start3A_1990 = tpu.memref_slice %arg7[%dma_start3A_1974, %dma_start3A_1988, %dma_start3A_1989] : memref<5x64x129xf32, #tpu.memory_space<vmem>> -> memref<1x8x128xf32, #tpu.memory_space<vmem>>
      %dma_start3A_1991 = tpu.memref_squeeze %dma_start3A_1990 : memref<1x8x128xf32, #tpu.memory_space<vmem>> -> memref<8x128xf32, #tpu.memory_space<vmem>>
      tpu.enqueue_dma source(%dma_start3A_1991 : memref<8x128xf32, #tpu.memory_space<vmem>>) target(%dma_start3A_1987 : memref<8x128xf32, #tpu.memory_space<hbm>>) target_semaphore(%arg10 : memref<!tpu.dma_semaphore, #tpu.memory_space<semaphore_mem>>)
      %scan3A_1992 = arith.constant 0 : i32
      scf.yield %scan3A_1992 : i32
    }
    %scan3A_20 = arith.constant 40 : i32
    %add3A_21 = arith.constant 0 : i32
    %add3A_22 = arith.addi %mul3A_2, %add3A_21 : i32
    %jit3A = arith.constant 128 : i32
    %div3A = arith.divsi %add3A_22, %jit3A : i32
    %sign3A = arith.constant 0 : i32
    %sign3A_23 = arith.cmpi sgt, %add3A_22, %sign3A : i32
    %sign3A_24 = arith.extui %sign3A_23 : i1 to i32
    %sign3A_25 = arith.constant 0 : i32
    %sign3A_26 = arith.cmpi slt, %add3A_22, %sign3A_25 : i32
    %sign3A_27 = arith.extui %sign3A_26 : i1 to i32
    %sign3A_28 = arith.subi %sign3A_24, %sign3A_27 : i32
    %sign3A_29 = arith.constant 0 : i32
    %sign3A_30 = arith.cmpi sgt, %jit3A, %sign3A_29 : i32
    %sign3A_31 = arith.extui %sign3A_30 : i1 to i32
    %sign3A_32 = arith.constant 0 : i32
    %sign3A_33 = arith.cmpi slt, %jit3A, %sign3A_32 : i32
    %sign3A_34 = arith.extui %sign3A_33 : i1 to i32
    %sign3A_35 = arith.subi %sign3A_31, %sign3A_34 : i32
    %ne3A = arith.cmpi ne, %sign3A_28, %sign3A_35 : i32
    %rem3A = arith.remsi %add3A_22, %jit3A : i32
    %ne3A_36 = arith.constant 0 : i32
    %ne3A_37 = arith.cmpi ne, %rem3A, %ne3A_36 : i32
    %and3A = arith.andi %ne3A, %ne3A_37 : i1
    %sub3A = arith.constant 1 : i32
    %sub3A_38 = arith.subi %div3A, %sub3A : i32
    %select_n3A = arith.select %and3A, %sub3A_38, %div3A : i32
    %jit3A_39 = arith.constant 128 : i32
    %eq3A = arith.constant 0 : i32
    %eq3A_40 = arith.cmpi eq, %jit3A_39, %eq3A : i32
    %jit3A_41 = arith.constant 1 : i32
    %select_n3A_42 = arith.select %eq3A_40, %jit3A_41, %jit3A_39 : i32
    %rem3A_43 = arith.remsi %add3A_22, %select_n3A_42 : i32
    %ne3A_44 = arith.constant 0 : i32
    %ne3A_45 = arith.cmpi ne, %rem3A_43, %ne3A_44 : i32
    %lt3A = arith.constant 0 : i32
    %lt3A_46 = arith.cmpi slt, %rem3A_43, %lt3A : i32
    %lt3A_47 = arith.constant 0 : i32
    %lt3A_48 = arith.cmpi slt, %select_n3A_42, %lt3A_47 : i32
    %ne3A_49 = arith.xori %lt3A_46, %lt3A_48 : i1
    %and3A_50 = arith.andi %ne3A_49, %ne3A_45 : i1
    %add3A_51 = arith.addi %rem3A_43, %select_n3A_42 : i32
    %select_n3A_52 = arith.select %and3A_50, %add3A_51, %rem3A_43 : i32
    %dma_wait3A = arith.constant 0 : i32
    %dma_wait3A_53 = arith.constant 0 : i32
    %dma_wait3A_54 = arith.constant 0 : i32
    %dma_wait3A_55 = arith.constant 0 : i32
    %dma_wait3A_56 = tpu.memref_slice %arg7[%dma_wait3A, %dma_wait3A_54, %dma_wait3A_55] : memref<5x64x129xf32, #tpu.memory_space<vmem>> -> memref<1x64x128xf32, #tpu.memory_space<vmem>>
    %dma_wait3A_57 = tpu.memref_squeeze %dma_wait3A_56 : memref<1x64x128xf32, #tpu.memory_space<vmem>> -> memref<64x128xf32, #tpu.memory_space<vmem>>
    %dma_wait3A_58 = arith.constant 0 : i32
    %dma_wait3A_59 = arith.constant 0 : i32
    %dma_wait3A_60 = tpu.memref_slice %arg4[%select_n3A, %dma_wait3A_53, %select_n3A_52, %dma_wait3A_58, %dma_wait3A_59] : memref<50x8x128x8x128xf32, #tpu.memory_space<hbm>> -> memref<1x1x1x8x128xf32, #tpu.memory_space<hbm>>
    %dma_wait3A_61 = tpu.memref_squeeze %dma_wait3A_60 : memref<1x1x1x8x128xf32, #tpu.memory_space<hbm>> -> memref<8x128xf32, #tpu.memory_space<hbm>>
    %dma_wait3A_62 = arith.constant 0 : i32
    %dma_wait3A_63 = arith.constant 0 : i32
    %dma_wait3A_64 = tpu.memref_slice %arg4[%select_n3A, %dma_wait3A_53, %select_n3A_52, %dma_wait3A_62, %dma_wait3A_63] : memref<50x8x128x8x128xf32, #tpu.memory_space<hbm>> -> memref<1x1x1x8x128xf32, #tpu.memory_space<hbm>>
    %dma_wait3A_65 = tpu.memref_squeeze %dma_wait3A_64 : memref<1x1x1x8x128xf32, #tpu.memory_space<hbm>> -> memref<8x128xf32, #tpu.memory_space<hbm>>
    %dma_wait3A_66 = arith.constant 0 : i32
    %dma_wait3A_67 = arith.constant 0 : i32
    %dma_wait3A_68 = tpu.memref_slice %arg7[%dma_wait3A, %dma_wait3A_66, %dma_wait3A_67] : memref<5x64x129xf32, #tpu.memory_space<vmem>> -> memref<1x64x128xf32, #tpu.memory_space<vmem>>
    %dma_wait3A_69 = tpu.memref_squeeze %dma_wait3A_68 : memref<1x64x128xf32, #tpu.memory_space<vmem>> -> memref<64x128xf32, #tpu.memory_space<vmem>>
    tpu.wait_dma2 semaphore(%arg10 : memref<!tpu.dma_semaphore, #tpu.memory_space<semaphore_mem>>) src(%dma_wait3A_69 : memref<64x128xf32, #tpu.memory_space<vmem>>) dst(%dma_wait3A_65 : memref<8x128xf32, #tpu.memory_space<hbm>>)
    %add3A_70 = arith.constant 1 : i32
    %add3A_71 = arith.addi %mul3A_2, %add3A_70 : i32
    %jit3A_72 = arith.constant 128 : i32
    %div3A_73 = arith.divsi %add3A_71, %jit3A_72 : i32
    %sign3A_74 = arith.constant 0 : i32
    %sign3A_75 = arith.cmpi sgt, %add3A_71, %sign3A_74 : i32
    %sign3A_76 = arith.extui %sign3A_75 : i1 to i32
    %sign3A_77 = arith.constant 0 : i32
    %sign3A_78 = arith.cmpi slt, %add3A_71, %sign3A_77 : i32
    %sign3A_79 = arith.extui %sign3A_78 : i1 to i32
    %sign3A_80 = arith.subi %sign3A_76, %sign3A_79 : i32
    %sign3A_81 = arith.constant 0 : i32
    %sign3A_82 = arith.cmpi sgt, %jit3A_72, %sign3A_81 : i32
    %sign3A_83 = arith.extui %sign3A_82 : i1 to i32
    %sign3A_84 = arith.constant 0 : i32
    %sign3A_85 = arith.cmpi slt, %jit3A_72, %sign3A_84 : i32
    %sign3A_86 = arith.extui %sign3A_85 : i1 to i32
    %sign3A_87 = arith.subi %sign3A_83, %sign3A_86 : i32
    %ne3A_88 = arith.cmpi ne, %sign3A_80, %sign3A_87 : i32
    %rem3A_89 = arith.remsi %add3A_71, %jit3A_72 : i32
    %ne3A_90 = arith.constant 0 : i32
    %ne3A_91 = arith.cmpi ne, %rem3A_89, %ne3A_90 : i32
    %and3A_92 = arith.andi %ne3A_88, %ne3A_91 : i1
    %sub3A_93 = arith.constant 1 : i32
    %sub3A_94 = arith.subi %div3A_73, %sub3A_93 : i32
    %select_n3A_95 = arith.select %and3A_92, %sub3A_94, %div3A_73 : i32
    %jit3A_96 = arith.constant 128 : i32
    %eq3A_97 = arith.constant 0 : i32
    %eq3A_98 = arith.cmpi eq, %jit3A_96, %eq3A_97 : i32
    %jit3A_99 = arith.constant 1 : i32
    %select_n3A_100 = arith.select %eq3A_98, %jit3A_99, %jit3A_96 : i32
    %rem3A_101 = arith.remsi %add3A_71, %select_n3A_100 : i32
    %ne3A_102 = arith.constant 0 : i32
    %ne3A_103 = arith.cmpi ne, %rem3A_101, %ne3A_102 : i32
    %lt3A_104 = arith.constant 0 : i32
    %lt3A_105 = arith.cmpi slt, %rem3A_101, %lt3A_104 : i32
    %lt3A_106 = arith.constant 0 : i32
    %lt3A_107 = arith.cmpi slt, %select_n3A_100, %lt3A_106 : i32
    %ne3A_108 = arith.xori %lt3A_105, %lt3A_107 : i1
    %and3A_109 = arith.andi %ne3A_108, %ne3A_103 : i1
    %add3A_110 = arith.addi %rem3A_101, %select_n3A_100 : i32
    %select_n3A_111 = arith.select %and3A_109, %add3A_110, %rem3A_101 : i32
    %dma_wait3A_112 = arith.constant 1 : i32
    %dma_wait3A_113 = arith.constant 0 : i32
    %dma_wait3A_114 = arith.constant 0 : i32
    %dma_wait3A_115 = arith.constant 0 : i32
    %dma_wait3A_116 = tpu.memref_slice %arg7[%dma_wait3A_112, %dma_wait3A_114, %dma_wait3A_115] : memref<5x64x129xf32, #tpu.memory_space<vmem>> -> memref<1x64x128xf32, #tpu.memory_space<vmem>>
    %dma_wait3A_117 = tpu.memref_squeeze %dma_wait3A_116 : memref<1x64x128xf32, #tpu.memory_space<vmem>> -> memref<64x128xf32, #tpu.memory_space<vmem>>
    %dma_wait3A_118 = arith.constant 0 : i32
    %dma_wait3A_119 = arith.constant 0 : i32
    %dma_wait3A_120 = tpu.memref_slice %arg4[%select_n3A_95, %dma_wait3A_113, %select_n3A_111, %dma_wait3A_118, %dma_wait3A_119] : memref<50x8x128x8x128xf32, #tpu.memory_space<hbm>> -> memref<1x1x1x8x128xf32, #tpu.memory_space<hbm>>
    %dma_wait3A_121 = tpu.memref_squeeze %dma_wait3A_120 : memref<1x1x1x8x128xf32, #tpu.memory_space<hbm>> -> memref<8x128xf32, #tpu.memory_space<hbm>>
    %dma_wait3A_122 = arith.constant 0 : i32
    %dma_wait3A_123 = arith.constant 0 : i32
    %dma_wait3A_124 = tpu.memref_slice %arg4[%select_n3A_95, %dma_wait3A_113, %select_n3A_111, %dma_wait3A_122, %dma_wait3A_123] : memref<50x8x128x8x128xf32, #tpu.memory_space<hbm>> -> memref<1x1x1x8x128xf32, #tpu.memory_space<hbm>>
    %dma_wait3A_125 = tpu.memref_squeeze %dma_wait3A_124 : memref<1x1x1x8x128xf32, #tpu.memory_space<hbm>> -> memref<8x128xf32, #tpu.memory_space<hbm>>
    %dma_wait3A_126 = arith.constant 0 : i32
    %dma_wait3A_127 = arith.constant 0 : i32
    %dma_wait3A_128 = tpu.memref_slice %arg7[%dma_wait3A_112, %dma_wait3A_126, %dma_wait3A_127] : memref<5x64x129xf32, #tpu.memory_space<vmem>> -> memref<1x64x128xf32, #tpu.memory_space<vmem>>
    %dma_wait3A_129 = tpu.memref_squeeze %dma_wait3A_128 : memref<1x64x128xf32, #tpu.memory_space<vmem>> -> memref<64x128xf32, #tpu.memory_space<vmem>>
    tpu.wait_dma2 semaphore(%arg10 : memref<!tpu.dma_semaphore, #tpu.memory_space<semaphore_mem>>) src(%dma_wait3A_129 : memref<64x128xf32, #tpu.memory_space<vmem>>) dst(%dma_wait3A_125 : memref<8x128xf32, #tpu.memory_space<hbm>>)
    %add3A_130 = arith.constant 2 : i32
    %add3A_131 = arith.addi %mul3A_2, %add3A_130 : i32
    %jit3A_132 = arith.constant 128 : i32
    %div3A_133 = arith.divsi %add3A_131, %jit3A_132 : i32
    %sign3A_134 = arith.constant 0 : i32
    %sign3A_135 = arith.cmpi sgt, %add3A_131, %sign3A_134 : i32
    %sign3A_136 = arith.extui %sign3A_135 : i1 to i32
    %sign3A_137 = arith.constant 0 : i32
    %sign3A_138 = arith.cmpi slt, %add3A_131, %sign3A_137 : i32
    %sign3A_139 = arith.extui %sign3A_138 : i1 to i32
    %sign3A_140 = arith.subi %sign3A_136, %sign3A_139 : i32
    %sign3A_141 = arith.constant 0 : i32
    %sign3A_142 = arith.cmpi sgt, %jit3A_132, %sign3A_141 : i32
    %sign3A_143 = arith.extui %sign3A_142 : i1 to i32
    %sign3A_144 = arith.constant 0 : i32
    %sign3A_145 = arith.cmpi slt, %jit3A_132, %sign3A_144 : i32
    %sign3A_146 = arith.extui %sign3A_145 : i1 to i32
    %sign3A_147 = arith.subi %sign3A_143, %sign3A_146 : i32
    %ne3A_148 = arith.cmpi ne, %sign3A_140, %sign3A_147 : i32
    %rem3A_149 = arith.remsi %add3A_131, %jit3A_132 : i32
    %ne3A_150 = arith.constant 0 : i32
    %ne3A_151 = arith.cmpi ne, %rem3A_149, %ne3A_150 : i32
    %and3A_152 = arith.andi %ne3A_148, %ne3A_151 : i1
    %sub3A_153 = arith.constant 1 : i32
    %sub3A_154 = arith.subi %div3A_133, %sub3A_153 : i32
    %select_n3A_155 = arith.select %and3A_152, %sub3A_154, %div3A_133 : i32
    %jit3A_156 = arith.constant 128 : i32
    %eq3A_157 = arith.constant 0 : i32
    %eq3A_158 = arith.cmpi eq, %jit3A_156, %eq3A_157 : i32
    %jit3A_159 = arith.constant 1 : i32
    %select_n3A_160 = arith.select %eq3A_158, %jit3A_159, %jit3A_156 : i32
    %rem3A_161 = arith.remsi %add3A_131, %select_n3A_160 : i32
    %ne3A_162 = arith.constant 0 : i32
    %ne3A_163 = arith.cmpi ne, %rem3A_161, %ne3A_162 : i32
    %lt3A_164 = arith.constant 0 : i32
    %lt3A_165 = arith.cmpi slt, %rem3A_161, %lt3A_164 : i32
    %lt3A_166 = arith.constant 0 : i32
    %lt3A_167 = arith.cmpi slt, %select_n3A_160, %lt3A_166 : i32
    %ne3A_168 = arith.xori %lt3A_165, %lt3A_167 : i1
    %and3A_169 = arith.andi %ne3A_168, %ne3A_163 : i1
    %add3A_170 = arith.addi %rem3A_161, %select_n3A_160 : i32
    %select_n3A_171 = arith.select %and3A_169, %add3A_170, %rem3A_161 : i32
    %dma_wait3A_172 = arith.constant 2 : i32
    %dma_wait3A_173 = arith.constant 0 : i32
    %dma_wait3A_174 = arith.constant 0 : i32
    %dma_wait3A_175 = arith.constant 0 : i32
    %dma_wait3A_176 = tpu.memref_slice %arg7[%dma_wait3A_172, %dma_wait3A_174, %dma_wait3A_175] : memref<5x64x129xf32, #tpu.memory_space<vmem>> -> memref<1x64x128xf32, #tpu.memory_space<vmem>>
    %dma_wait3A_177 = tpu.memref_squeeze %dma_wait3A_176 : memref<1x64x128xf32, #tpu.memory_space<vmem>> -> memref<64x128xf32, #tpu.memory_space<vmem>>
    %dma_wait3A_178 = arith.constant 0 : i32
    %dma_wait3A_179 = arith.constant 0 : i32
    %dma_wait3A_180 = tpu.memref_slice %arg4[%select_n3A_155, %dma_wait3A_173, %select_n3A_171, %dma_wait3A_178, %dma_wait3A_179] : memref<50x8x128x8x128xf32, #tpu.memory_space<hbm>> -> memref<1x1x1x8x128xf32, #tpu.memory_space<hbm>>
    %dma_wait3A_181 = tpu.memref_squeeze %dma_wait3A_180 : memref<1x1x1x8x128xf32, #tpu.memory_space<hbm>> -> memref<8x128xf32, #tpu.memory_space<hbm>>
    %dma_wait3A_182 = arith.constant 0 : i32
    %dma_wait3A_183 = arith.constant 0 : i32
    %dma_wait3A_184 = tpu.memref_slice %arg4[%select_n3A_155, %dma_wait3A_173, %select_n3A_171, %dma_wait3A_182, %dma_wait3A_183] : memref<50x8x128x8x128xf32, #tpu.memory_space<hbm>> -> memref<1x1x1x8x128xf32, #tpu.memory_space<hbm>>
    %dma_wait3A_185 = tpu.memref_squeeze %dma_wait3A_184 : memref<1x1x1x8x128xf32, #tpu.memory_space<hbm>> -> memref<8x128xf32, #tpu.memory_space<hbm>>
    %dma_wait3A_186 = arith.constant 0 : i32
    %dma_wait3A_187 = arith.constant 0 : i32
    %dma_wait3A_188 = tpu.memref_slice %arg7[%dma_wait3A_172, %dma_wait3A_186, %dma_wait3A_187] : memref<5x64x129xf32, #tpu.memory_space<vmem>> -> memref<1x64x128xf32, #tpu.memory_space<vmem>>
    %dma_wait3A_189 = tpu.memref_squeeze %dma_wait3A_188 : memref<1x64x128xf32, #tpu.memory_space<vmem>> -> memref<64x128xf32, #tpu.memory_space<vmem>>
    tpu.wait_dma2 semaphore(%arg10 : memref<!tpu.dma_semaphore, #tpu.memory_space<semaphore_mem>>) src(%dma_wait3A_189 : memref<64x128xf32, #tpu.memory_space<vmem>>) dst(%dma_wait3A_185 : memref<8x128xf32, #tpu.memory_space<hbm>>)
    %add3A_190 = arith.constant 3 : i32
    %add3A_191 = arith.addi %mul3A_2, %add3A_190 : i32
    %jit3A_192 = arith.constant 128 : i32
    %div3A_193 = arith.divsi %add3A_191, %jit3A_192 : i32
    %sign3A_194 = arith.constant 0 : i32
    %sign3A_195 = arith.cmpi sgt, %add3A_191, %sign3A_194 : i32
    %sign3A_196 = arith.extui %sign3A_195 : i1 to i32
    %sign3A_197 = arith.constant 0 : i32
    %sign3A_198 = arith.cmpi slt, %add3A_191, %sign3A_197 : i32
    %sign3A_199 = arith.extui %sign3A_198 : i1 to i32
    %sign3A_200 = arith.subi %sign3A_196, %sign3A_199 : i32
    %sign3A_201 = arith.constant 0 : i32
    %sign3A_202 = arith.cmpi sgt, %jit3A_192, %sign3A_201 : i32
    %sign3A_203 = arith.extui %sign3A_202 : i1 to i32
    %sign3A_204 = arith.constant 0 : i32
    %sign3A_205 = arith.cmpi slt, %jit3A_192, %sign3A_204 : i32
    %sign3A_206 = arith.extui %sign3A_205 : i1 to i32
    %sign3A_207 = arith.subi %sign3A_203, %sign3A_206 : i32
    %ne3A_208 = arith.cmpi ne, %sign3A_200, %sign3A_207 : i32
    %rem3A_209 = arith.remsi %add3A_191, %jit3A_192 : i32
    %ne3A_210 = arith.constant 0 : i32
    %ne3A_211 = arith.cmpi ne, %rem3A_209, %ne3A_210 : i32
    %and3A_212 = arith.andi %ne3A_208, %ne3A_211 : i1
    %sub3A_213 = arith.constant 1 : i32
    %sub3A_214 = arith.subi %div3A_193, %sub3A_213 : i32
    %select_n3A_215 = arith.select %and3A_212, %sub3A_214, %div3A_193 : i32
    %jit3A_216 = arith.constant 128 : i32
    %eq3A_217 = arith.constant 0 : i32
    %eq3A_218 = arith.cmpi eq, %jit3A_216, %eq3A_217 : i32
    %jit3A_219 = arith.constant 1 : i32
    %select_n3A_220 = arith.select %eq3A_218, %jit3A_219, %jit3A_216 : i32
    %rem3A_221 = arith.remsi %add3A_191, %select_n3A_220 : i32
    %ne3A_222 = arith.constant 0 : i32
    %ne3A_223 = arith.cmpi ne, %rem3A_221, %ne3A_222 : i32
    %lt3A_224 = arith.constant 0 : i32
    %lt3A_225 = arith.cmpi slt, %rem3A_221, %lt3A_224 : i32
    %lt3A_226 = arith.constant 0 : i32
    %lt3A_227 = arith.cmpi slt, %select_n3A_220, %lt3A_226 : i32
    %ne3A_228 = arith.xori %lt3A_225, %lt3A_227 : i1
    %and3A_229 = arith.andi %ne3A_228, %ne3A_223 : i1
    %add3A_230 = arith.addi %rem3A_221, %select_n3A_220 : i32
    %select_n3A_231 = arith.select %and3A_229, %add3A_230, %rem3A_221 : i32
    %dma_wait3A_232 = arith.constant 3 : i32
    %dma_wait3A_233 = arith.constant 0 : i32
    %dma_wait3A_234 = arith.constant 0 : i32
    %dma_wait3A_235 = arith.constant 0 : i32
    %dma_wait3A_236 = tpu.memref_slice %arg7[%dma_wait3A_232, %dma_wait3A_234, %dma_wait3A_235] : memref<5x64x129xf32, #tpu.memory_space<vmem>> -> memref<1x64x128xf32, #tpu.memory_space<vmem>>
    %dma_wait3A_237 = tpu.memref_squeeze %dma_wait3A_236 : memref<1x64x128xf32, #tpu.memory_space<vmem>> -> memref<64x128xf32, #tpu.memory_space<vmem>>
    %dma_wait3A_238 = arith.constant 0 : i32
    %dma_wait3A_239 = arith.constant 0 : i32
    %dma_wait3A_240 = tpu.memref_slice %arg4[%select_n3A_215, %dma_wait3A_233, %select_n3A_231, %dma_wait3A_238, %dma_wait3A_239] : memref<50x8x128x8x128xf32, #tpu.memory_space<hbm>> -> memref<1x1x1x8x128xf32, #tpu.memory_space<hbm>>
    %dma_wait3A_241 = tpu.memref_squeeze %dma_wait3A_240 : memref<1x1x1x8x128xf32, #tpu.memory_space<hbm>> -> memref<8x128xf32, #tpu.memory_space<hbm>>
    %dma_wait3A_242 = arith.constant 0 : i32
    %dma_wait3A_243 = arith.constant 0 : i32
    %dma_wait3A_244 = tpu.memref_slice %arg4[%select_n3A_215, %dma_wait3A_233, %select_n3A_231, %dma_wait3A_242, %dma_wait3A_243] : memref<50x8x128x8x128xf32, #tpu.memory_space<hbm>> -> memref<1x1x1x8x128xf32, #tpu.memory_space<hbm>>
    %dma_wait3A_245 = tpu.memref_squeeze %dma_wait3A_244 : memref<1x1x1x8x128xf32, #tpu.memory_space<hbm>> -> memref<8x128xf32, #tpu.memory_space<hbm>>
    %dma_wait3A_246 = arith.constant 0 : i32
    %dma_wait3A_247 = arith.constant 0 : i32
    %dma_wait3A_248 = tpu.memref_slice %arg7[%dma_wait3A_232, %dma_wait3A_246, %dma_wait3A_247] : memref<5x64x129xf32, #tpu.memory_space<vmem>> -> memref<1x64x128xf32, #tpu.memory_space<vmem>>
    %dma_wait3A_249 = tpu.memref_squeeze %dma_wait3A_248 : memref<1x64x128xf32, #tpu.memory_space<vmem>> -> memref<64x128xf32, #tpu.memory_space<vmem>>
    tpu.wait_dma2 semaphore(%arg10 : memref<!tpu.dma_semaphore, #tpu.memory_space<semaphore_mem>>) src(%dma_wait3A_249 : memref<64x128xf32, #tpu.memory_space<vmem>>) dst(%dma_wait3A_245 : memref<8x128xf32, #tpu.memory_space<hbm>>)
    %add3A_250 = arith.constant 4 : i32
    %add3A_251 = arith.addi %mul3A_2, %add3A_250 : i32
    %jit3A_252 = arith.constant 128 : i32
    %div3A_253 = arith.divsi %add3A_251, %jit3A_252 : i32
    %sign3A_254 = arith.constant 0 : i32
    %sign3A_255 = arith.cmpi sgt, %add3A_251, %sign3A_254 : i32
    %sign3A_256 = arith.extui %sign3A_255 : i1 to i32
    %sign3A_257 = arith.constant 0 : i32
    %sign3A_258 = arith.cmpi slt, %add3A_251, %sign3A_257 : i32
    %sign3A_259 = arith.extui %sign3A_258 : i1 to i32
    %sign3A_260 = arith.subi %sign3A_256, %sign3A_259 : i32
    %sign3A_261 = arith.constant 0 : i32
    %sign3A_262 = arith.cmpi sgt, %jit3A_252, %sign3A_261 : i32
    %sign3A_263 = arith.extui %sign3A_262 : i1 to i32
    %sign3A_264 = arith.constant 0 : i32
    %sign3A_265 = arith.cmpi slt, %jit3A_252, %sign3A_264 : i32
    %sign3A_266 = arith.extui %sign3A_265 : i1 to i32
    %sign3A_267 = arith.subi %sign3A_263, %sign3A_266 : i32
    %ne3A_268 = arith.cmpi ne, %sign3A_260, %sign3A_267 : i32
    %rem3A_269 = arith.remsi %add3A_251, %jit3A_252 : i32
    %ne3A_270 = arith.constant 0 : i32
    %ne3A_271 = arith.cmpi ne, %rem3A_269, %ne3A_270 : i32
    %and3A_272 = arith.andi %ne3A_268, %ne3A_271 : i1
    %sub3A_273 = arith.constant 1 : i32
    %sub3A_274 = arith.subi %div3A_253, %sub3A_273 : i32
    %select_n3A_275 = arith.select %and3A_272, %sub3A_274, %div3A_253 : i32
    %jit3A_276 = arith.constant 128 : i32
    %eq3A_277 = arith.constant 0 : i32
    %eq3A_278 = arith.cmpi eq, %jit3A_276, %eq3A_277 : i32
    %jit3A_279 = arith.constant 1 : i32
    %select_n3A_280 = arith.select %eq3A_278, %jit3A_279, %jit3A_276 : i32
    %rem3A_281 = arith.remsi %add3A_251, %select_n3A_280 : i32
    %ne3A_282 = arith.constant 0 : i32
    %ne3A_283 = arith.cmpi ne, %rem3A_281, %ne3A_282 : i32
    %lt3A_284 = arith.constant 0 : i32
    %lt3A_285 = arith.cmpi slt, %rem3A_281, %lt3A_284 : i32
    %lt3A_286 = arith.constant 0 : i32
    %lt3A_287 = arith.cmpi slt, %select_n3A_280, %lt3A_286 : i32
    %ne3A_288 = arith.xori %lt3A_285, %lt3A_287 : i1
    %and3A_289 = arith.andi %ne3A_288, %ne3A_283 : i1
    %add3A_290 = arith.addi %rem3A_281, %select_n3A_280 : i32
    %select_n3A_291 = arith.select %and3A_289, %add3A_290, %rem3A_281 : i32
    %dma_wait3A_292 = arith.constant 4 : i32
    %dma_wait3A_293 = arith.constant 0 : i32
    %dma_wait3A_294 = arith.constant 0 : i32
    %dma_wait3A_295 = arith.constant 0 : i32
    %dma_wait3A_296 = tpu.memref_slice %arg7[%dma_wait3A_292, %dma_wait3A_294, %dma_wait3A_295] : memref<5x64x129xf32, #tpu.memory_space<vmem>> -> memref<1x64x128xf32, #tpu.memory_space<vmem>>
    %dma_wait3A_297 = tpu.memref_squeeze %dma_wait3A_296 : memref<1x64x128xf32, #tpu.memory_space<vmem>> -> memref<64x128xf32, #tpu.memory_space<vmem>>
    %dma_wait3A_298 = arith.constant 0 : i32
    %dma_wait3A_299 = arith.constant 0 : i32
    %dma_wait3A_300 = tpu.memref_slice %arg4[%select_n3A_275, %dma_wait3A_293, %select_n3A_291, %dma_wait3A_298, %dma_wait3A_299] : memref<50x8x128x8x128xf32, #tpu.memory_space<hbm>> -> memref<1x1x1x8x128xf32, #tpu.memory_space<hbm>>
    %dma_wait3A_301 = tpu.memref_squeeze %dma_wait3A_300 : memref<1x1x1x8x128xf32, #tpu.memory_space<hbm>> -> memref<8x128xf32, #tpu.memory_space<hbm>>
    %dma_wait3A_302 = arith.constant 0 : i32
    %dma_wait3A_303 = arith.constant 0 : i32
    %dma_wait3A_304 = tpu.memref_slice %arg4[%select_n3A_275, %dma_wait3A_293, %select_n3A_291, %dma_wait3A_302, %dma_wait3A_303] : memref<50x8x128x8x128xf32, #tpu.memory_space<hbm>> -> memref<1x1x1x8x128xf32, #tpu.memory_space<hbm>>
    %dma_wait3A_305 = tpu.memref_squeeze %dma_wait3A_304 : memref<1x1x1x8x128xf32, #tpu.memory_space<hbm>> -> memref<8x128xf32, #tpu.memory_space<hbm>>
    %dma_wait3A_306 = arith.constant 0 : i32
    %dma_wait3A_307 = arith.constant 0 : i32
    %dma_wait3A_308 = tpu.memref_slice %arg7[%dma_wait3A_292, %dma_wait3A_306, %dma_wait3A_307] : memref<5x64x129xf32, #tpu.memory_space<vmem>> -> memref<1x64x128xf32, #tpu.memory_space<vmem>>
    %dma_wait3A_309 = tpu.memref_squeeze %dma_wait3A_308 : memref<1x64x128xf32, #tpu.memory_space<vmem>> -> memref<64x128xf32, #tpu.memory_space<vmem>>
    tpu.wait_dma2 semaphore(%arg10 : memref<!tpu.dma_semaphore, #tpu.memory_space<semaphore_mem>>) src(%dma_wait3A_309 : memref<64x128xf32, #tpu.memory_space<vmem>>) dst(%dma_wait3A_305 : memref<8x128xf32, #tpu.memory_space<hbm>>)
    return
  }
}

</mosaic_0001>

<sc_bundles>
// kernel: kernel.3.cloned.1.call-start
scs
__scs_entry_jumppad:
0x0: {  	(pc) =	sbr.rel $0x88, $3  }
0x1: {  	(tag) =	ssettag $0x0;
	lr =	simm.s32 $0x1  }
0x2: {  	[smem:$0x3F9F] =	sst lr;
	_ =	strace $0xD0000000  }
0x3: {  	_ = 	snop  }
0x4: {  	_ = 	snop  }
0x5: {  	_ = 	snop  }
0x6: {  	_ = 	snop  }
0x7: {  	_ = 	snop  }
__scs_overlays_trampoline_lowered:
0x8: {  	[smem:$0x3FAE] =	sst s0  }
0x9: {  	[smem:$0x3FAF] =	sst s1  }
0xa: {  	[smem:$0x3FB0] =	sst s2  }
0xb: {  	[smem:$0x3FB1] =	sst s3  }
0xc: {  	[smem:$0x3FB2] =	sst s4  }
0xd: {  	[smem:$0x3FB3] =	sst s5  }
0xe: {  	[smem:$0x3FB4] =	sst s6  }
0xf: {  	[smem:$0x3FB5] =	sst s7  }
0x10: {  	[smem:$0x3FB6] =	sst s8  }
0x11: {  	[smem:$0x3FB7] =	sst s9;
	s0 =	simm.s32 @!p0 $0x0  }
0x12: {  	s1 =	sld [smem:$0x3F9D];
	s0 =	simm.s32 @p0 $0x1  }
0x13: {  	[smem:$0x3FB8] =	sst s0;
	s0 =	simm.s32 @!p1 $0x0  }
0x14: {  	s2 =	sld [smem:$0x3F9C];
	s0 =	simm.s32 @p1 $0x1  }
0x15: {  	[smem:$0x3FB9] =	sst s0;
	s0 =	simm.s32 @!p2 $0x0  }
0x16: {  	s3 =	sld [smem:$0x3FDB];
	s0 =	simm.s32 @p2 $0x1  }
0x17: {  	s4 =	simm.s32 $0x1BF5;
	[smem:$0x3FBB] =	sst s0  }
0x18: {  	s0 =	sld [smem:$0x3F9E];
	_ =	swait.ge [sflag:s4], $0x0  }
0x19: {  	s7 =	sld [smem:$0x3F9F]  }
0x1a: {  	s8 =	sadd.s32 $0xFFFFE003, lr  }
0x1b: {  	s9 =	sadd.s32 $0xFFFFFEF7, lr;
	s5 =	simm.s32 $0xFFFFFFFF;
	p2 =	slt.u32 s8, $0xFFFFF086  }
0x1c: {  	p1 =	slt.u32 s9, $0xF7A;
	s5 =	simm.s32 @!p2 $0x0  }
0x1d: {  	s5 =	simm.s32 @p1 $0x1;
	p0 =	seq.s32 s7, s2  }
0x1e: {  	s7 =	smul.u32 @!p0 $0xF7A, s2;
	p2 =	seq.s32 @!p0 s5, $0x0  }
0x1f: {  	s9 =	smul.u32 $0xF7A, s1;
	s8 =	simm.s32 @!p0 $0x1BF5;
	p2 =	por !p2, p0  }
0x20: {  	[sflag:s8] =	ssyncset.s32 @!p0 $0xFFFFF086;
	s6 =	sadd.s32 @!p0 s3, s7;
	s7 =	simm.s32 @!p0 $0x108  }
0x21: {  	s3 =	sadd.s32 s3, s9;
	s6 =	sadd.s32 @!p0 $0x88, s6;
	s7 =	simm.s32 @p2 $0x1082  }
0x22: {  	[simem:s7], [sflag:s8] =	dma.local @!p0 [hbm:s6], $0xF7A  }
0x23: {  	s9 =	sor.u32 $0xD0000000, s2;
	s6 =	simm.s32 $0x108;
	_ =	swait.ge @!p0 [sflag:s8], $0x0  }
0x24: {  	s3 =	sadd.s32 $0x88, s3;
	s6 =	simm.s32 @!p1 $0x1082;
	[sflag:s4] =	ssyncset.s32 $0xFFFFF086  }
0x25: {  	[simem:s6], [sflag:s4] =	dma.local [hbm:s3], $0xF7A  }
0x26: {  	[smem:$0x3F9F] =	sst s1;
	(tag) =	ssettag s2;
	_ =	strace s9  }
0x27: {  	s1 =	sld [smem:$0x3FAF]  }
0x28: {  	s2 =	sld [smem:$0x3FB0]  }
0x29: {  	s4 =	sld [smem:$0x3FB2]  }
0x2a: {  	p0 =	seq.s32 s5, $0x0;
	s5 =	sld [smem:$0x3FB3]  }
0x2b: {  	s6 =	sld [smem:$0x3FB4]  }
0x2c: {  	s7 =	sld [smem:$0x3FB5]  }
0x2d: {  	s3 =	simm.s32 $0x108;
	s8 =	sld [smem:$0x3FB6]  }
0x2e: {  	s3 =	simm.s32 @!p0 $0x1082;
	s9 =	sld [smem:$0x3FB7]  }
0x2f: {  	lr =	sadd.s32 s0, s3;
	s0 =	sld [smem:$0x3FAE]  }
0x30: {  	s3 =	sld [smem:$0x3FB1]  }
0x31: {  	[smem:$0x3FBA] =	sst s10  }
0x32: {  	s10 =	sld [smem:$0x3FB8];
	_ =	sdelay $0x3  }
0x33: {  	p0 =	seq.s32 s10, $0x1;
	s10 =	sld [smem:$0x3FBA];
	_ =	sdelay $0x3  }
0x34: {  	[smem:$0x3FBA] =	sst s10  }
0x35: {  	s10 =	sld [smem:$0x3FB9];
	_ =	sdelay $0x3  }
0x36: {  	p1 =	seq.s32 s10, $0x1;
	s10 =	sld [smem:$0x3FBA];
	_ =	sdelay $0x3  }
0x37: {  	[smem:$0x3FBA] =	sst s10  }
0x38: {  	s10 =	sld [smem:$0x3FBB]  }
0x39: {  	_ = 	snop;
	(pc) =	sbr.ind lr, $3  }
0x3a: {  	_ = 	snop  }
0x3b: {  	_ = 	snop  }
0x3c: {  	p2 =	seq.s32 s10, $0x1;
	s10 =	sld [smem:$0x3FBA]  }
0x3d: {  	_ =	shalt  }
0x3e: {  	_ =	shalt  }
0x3f: {  	_ =	shalt  }
0x40: {  	_ =	shalt  }
0x41: {  	_ =	shalt  }
0x42: {  	_ =	shalt  }
0x43: {  	_ =	shalt  }
0x44: {  	_ =	shalt  }
0x45: {  	_ =	shalt  }
0x46: {  	_ =	shalt  }
0x47: {  	_ =	shalt  }
0x48: {  	_ =	shalt  }
0x49: {  	_ =	shalt  }
0x4a: {  	_ =	shalt  }
0x4b: {  	_ =	shalt  }
0x4c: {  	_ =	shalt  }
0x4d: {  	_ =	shalt  }
0x4e: {  	_ =	shalt  }
0x4f: {  	_ =	shalt  }
0x50: {  	_ =	shalt  }
0x51: {  	_ =	shalt  }
0x52: {  	_ =	shalt  }
0x53: {  	_ =	shalt  }
0x54: {  	_ =	shalt  }
0x55: {  	_ =	shalt  }
0x56: {  	_ =	shalt  }
0x57: {  	_ =	shalt  }
0x58: {  	_ =	shalt  }
0x59: {  	_ =	shalt  }
0x5a: {  	_ =	shalt  }
0x5b: {  	_ =	shalt  }
0x5c: {  	_ =	shalt  }
0x5d: {  	_ =	shalt  }
0x5e: {  	_ =	shalt  }
0x5f: {  	_ =	shalt  }
0x60: {  	_ =	shalt  }
0x61: {  	_ =	shalt  }
0x62: {  	_ =	shalt  }
0x63: {  	_ =	shalt  }
0x64: {  	_ =	shalt  }
0x65: {  	_ =	shalt  }
0x66: {  	_ =	shalt  }
0x67: {  	_ =	shalt  }
0x68: {  	_ =	shalt  }
0x69: {  	_ =	shalt  }
0x6a: {  	_ =	shalt  }
0x6b: {  	_ =	shalt  }
0x6c: {  	_ =	shalt  }
0x6d: {  	_ =	shalt  }
0x6e: {  	_ =	shalt  }
0x6f: {  	_ =	shalt  }
0x70: {  	_ =	shalt  }
0x71: {  	_ =	shalt  }
0x72: {  	_ =	shalt  }
0x73: {  	_ =	shalt  }
0x74: {  	_ =	shalt  }
0x75: {  	_ =	shalt  }
0x76: {  	_ =	shalt  }
0x77: {  	_ =	shalt  }
0x78: {  	_ =	shalt  }
0x79: {  	_ =	shalt  }
0x7a: {  	_ =	shalt  }
0x7b: {  	_ =	shalt  }
0x7c: {  	_ =	shalt  }
0x7d: {  	_ =	shalt  }
0x7e: {  	_ =	shalt  }
0x7f: {  	_ =	shalt  }
0x80: {  	_ =	shalt  }
0x81: {  	_ =	shalt  }
0x82: {  	_ =	shalt  }
0x83: {  	_ =	shalt  }
0x84: {  	_ =	shalt  }
0x85: {  	_ =	shalt  }
0x86: {  	_ =	shalt  }
0x87: {  	_ =	shalt  }
.Lfunc_end0:
.L_simem_size_0:
called_computation.1_lowered:
.L_overlay_start_0:
0x88: {  	s2 =	sld [smem:$0x3FD9]  }
0x89: {  	s3 =	sld [smem:$0x3FFE];
	_ =	sdelay $0x1  }
0x8a: {  	s1 =	srdreg.scid  }
0x8b: {  	s0 =	sand.u32 $0x1, s1  }
0x8c: {  	s17 =	sshll.u32 s0, $0xA;
	s2 =	sadd.s32 s3, s2  }
0x8d: {  	s2 =	sadd.s32 s2, s17  }
0x8e: {  	[smem:$0x3FC6] =	sst s2  }
0x8f: {  	_ = 	snop  }
0x90: {  	s2 =	sld [smem:$0x3FD0];
	(tm) =	ssettm $0x1  }
0x91: {  	s18 =	sld [smem:$0x3FFB];
	_ =	sdelay $0x3  }
0x92: {  	_ =	strace s18  }
0x93: {  	s3 =	sld [smem:$0x3FFC];
	_ =	sdelay $0x3  }
0x94: {  	_ =	strace s3  }
0x95: {  	s3 =	sld [smem:$0x3FFD];
	_ =	sdelay $0x3  }
0x96: {  	_ =	strace s3  }
0x97: {  	_ =	strace $0x8FFFFFFF  }
0x98: {  	s19 =	sld [smem:$0x3FDB];
	_ =	sdelay $0x1  }
0x99: {  	s4 =	simm.s32 $_scs_section_size  }
0x9a: {  	s5 =	simm.s32 $_size__tile_overlayer_lowered;
	s6 =	simm.s32 $_tile_overlayer_lowered  }
0x9b: {  	s22 =	simm.s32 $0x1BFF;
	s21 =	sshll.u32 s6, $0x1;
	s3 =	sadd.s32 s4, s19  }
0x9c: {  	s7 =	simm.s32 $0x0;
	s20 =	sshll.u32 s5, $0x1;
	s5 =	sadd.s32 s21, s3  }
0x9d: {  	[timem:s7], [sflag:s22] =	dma.local [hbm:s5], s20  }
0x9e: {  	_ =	swait.ge [sflag:s22], s20  }
0x9f: {  	s4 =	ssub.s32 $0x0, s20;
	[sflag:s22] =	ssyncset.done $0x0  }
0xa0: {  	[sflag:s22] =	ssyncadd.s32 s4;
	_ =	sdelay $0x1  }
0xa1: {  	s23 =	simm.s32 $0x1B8B  }
0xa2: {  	_ =	swait.ge [sflag:s23], $0x1  }
0xa3: {  	[sflag:s23] =	ssyncset.done $0x0  }
0xa4: {  	s25 =	simm.s32 $0x1B8E;
	s24 =	sld [smem:$0x3FFE];
	[sflag:s23] =	ssyncadd.s32 $0xFFFFFFFF  }
0xa5: {  	s26 =	simm.s32 $execute0_lowered;
	[smem:$0x3FD2] =	sst s25  }
0xa6: {  	s5 =	sshll.u32 s26, $0x1;
	_ =	strace $0x80000049;
	[dreg:$0x1] =	wrdreg $0xFFFFFFFF  }
0xa7: {  	s28 =	simm.s32 $_size_execute0_lowered;
	s3 =	sadd.s32 s3, s5;
	[dreg:$0x0] =	wrdreg $0x0  }
0xa8: {  	s5 =	sshll.u32 s28, $0x1;
	[dreg:$0x2] =	wrdreg s3  }
0xa9: {  	[dreg:$0x3] =	wrdreg s5  }
0xaa: {  	[dreg:$0x4] =	wrdreg $0xC0  }
0xab: {  	_ =	task [dreg:s7], $0x5FFFF  }
0xac: {  	[dreg:$0x1] =	wrdreg $0xFFFFFFFF  }
0xad: {  	[dreg:$0x0] =	wrdreg $0x60  }
0xae: {  	[dreg:$0x2] =	wrdreg s24  }
0xaf: {  	[dreg:$0x3] =	wrdreg s2  }
0xb0: {  	[dreg:$0x4] =	wrdreg $0x9  }
0xb1: {  	_ =	task.clear_ibuf [dreg:s7], $0x5FFFF;
	_ =	strace $0x90000049  }
0xb2: {  	s29 =	simm.s32 $0x9;
	_ =	strace $0x8000004B  }
0xb3: {  	_ =	swait.ge [sflag:s29], $0x1  }
0xb4: {  	[sflag:s29] =	ssyncadd.s32 $0xFFFFFFFF  }
0xb5: {  	_ =	strace $0x9000004B  }
0xb6: {  	_ =	sfence  }
0xb7: {  	s30 =	sld [smem:$0x0];
	_ =	sdelay $0x2  }
0xb8: {  	s31 =	sshll.u32 s1, $0xD;
	s1 =	sshrl.u32 s1, $0x2  }
0xb9: {  	s3 =	sand.u32 $0x4000, s31;
	s1 =	sadd.s32 s1, s30  }
0xba: {  	s0 =	sor.u32 s3, s0;
	s1 =	sshll.u32 s1, $0x11  }
0xbb: {  	s0 =	sor.u32 s1, s0  }
0xbc: {  	s0 =	sadd.s32 $0x8F2B, s0  }
0xbd: {  	[sflag:s0] =	ssyncadd.remote.s32 $0x1  }
0xbe: {  	_ =	sfence.sel $0xFFFF  }
0xbf: {  	[dreg:$0x0] =	wrdreg $0xFFFFFFFF;
	(pc) =	sbr.abs _section_cstart, $3  }
0xc0: {  	[dreg:$0x1] =	wrdreg $0xFFFFFFFF  }
0xc1: {  	_ =	task.clear_ibuf [dreg:s7], $0x2FFFF;
	_ =	strace $0x9FFFFFFF  }
0xc2: {  	(tm) =	ssettm $0x7FFFFFFF  }
0xc3: {  	_ =	shalt  }
tec
execute0_lowered:
.L_overlay_start_1:
0x0: {  	(tag) =	ssettag $0x1  }
0x1: {  	s0 =	rddreg [dreg:$0x0];
	v0 =	vlaneseq.u32  }
0x2: {  	s21 =	rddreg [dreg:$0x1];
	v0 =	vmul.u32 $0x88, v0  }
0x3: {  	s2 =	simm.s32 $0x0;
	s1 =	srdreg.scid;
	s5 =	stileid.u32;
	v1 =	vimm.s32 $0x0;
	vm0 =	vcmask $0x300  }
0x4: {  	s19 =	simm.s32 $0x1;
	s25 =	simm.s32 $0x2;
	s26 =	simm.s32 $0xA280;
	v1 =	vsel vm0, $0x3, v1;
	v2 =	vadd.s32 $0x880, v0  }
0x5: {  	s31 =	simm.s32 $0xC480;
	s28 =	simm.s32 $0xE680;
	s14 =	simm.s32 $0x12A80;
	v3 =	vadd.s32 $0x1100, v0;
	v4 =	vadd.s32 $0x1980, v0;
	v5 =	vor.u32 $0x1, v0  }
0x6: {  	s22 =	simm.s32 $0x80;
	s23 =	simm.s32 $0x100;
	[smem:$0x7FF] =	sst s2;
	v6 =	vadd.s32 $0x881, v0;
	v7 =	vadd.s32 $0x1101, v0;
	v8 =	vadd.s32 $0x1981, v0  }
0x7: {  	s1 =	sand.u32 $0x1, s1;
	s4 =	sadd.s32 $0xF42E00, s0;
	s7 =	sshll.u32 s5, $0x1;
	v9 =	vor.u32 $0x2, v0;
	v10 =	vadd.s32 $0x882, v0;
	v11 =	vadd.s32 $0x1102, v0  }
0x8: {  	s0 =	sadd.s32 $0xF5BE00, s0;
	s8 =	sadd.s32 $0x8000, s21;
	s9 =	sadd.s32 $0xC000, s21;
	v12 =	vadd.s32 $0x1982, v0;
	v13 =	vor.u32 $0x3, v0;
	v14 =	vadd.s32 $0x883, v0  }
0x9: {  	s10 =	sadd.s32 $0x10000, s21;
	s11 =	sadd.s32 $0x14000, s21;
	s12 =	sadd.s32 $0x18000, s21;
	v15 =	vadd.s32 $0x1103, v0;
	v16 =	vadd.s32 $0x1983, v0;
	v17 =	vor.u32 $0x4, v0  }
0xa: {  	_ =	strace $0x8000004A;
	s3 =	ssub.s32 $0x2, s1;
	s1 =	sor.u32 s1, s7;
	v18 =	vadd.s32 $0x884, v0;
	v19 =	vadd.s32 $0x1104, v0;
	v20 =	vadd.s32 $0x1984, v0  }
0xb: {  	[dreg:$0x8] =	wrdreg s4;
	s6 =	sshrl.u32 s3, $0x1;
	s1 =	smul.u32 $0xC8, s1;
	v21 =	vor.u32 $0x5, v0;
	v22 =	vadd.s32 $0x885, v0;
	v23 =	vadd.s32 $0x1105, v0  }
0xc: {  	s13 =	sadd.s32 $0x1C000, s21;
	[dreg:$0x9] =	wrdreg s0;
	v24 =	vadd.s32 $0x1985, v0;
	v25 =	vor.u32 $0x6, v0;
	v26 =	vadd.s32 $0x886, v0;
	s30 =	ssub.s32 s3, s6  }
0xd: {  	s7 =	sadd.s32 $0x4000, s21;
	v27 =	vadd.s32 $0x1106, v0;
	v28 =	vadd.s32 $0x1986, v0;
	v29 =	vor.u32 $0x7, v0;
	[dreg:$0x3] =	wrdreg s1;
	s0 =	smax.u32 s30, $0x1  }
0xe: {  	v30 =	vadd.s32 $0x887, v0;
	v31 =	vadd.s32 $0x1107, v0;
	v32 =	vadd.s32 $0x1987, v0;
	s3 =	simm.s32 $0x10880;
	s6 =	simm.s32 $0x0;
	[dreg:$0x4] =	wrdreg s0  }
.LBB2_1:
0xf: {  	[dreg:$0x5] =	wrdreg s6;
	s0 =	simm.s32 $0x0  }
.LBB2_2:
0x10: {  	s1 =	smul.u32 $0x5, s0  }
0x11: {  	s6 =	rddreg [dreg:$0x3];
	p0 =	seq.s32 s0, $0x0  }
0x12: {  	s15 =	simm.s32 @!p0 $0x3;
	s1 =	sadd.s32 s6, s1  }
0x13: {  	_ =	swait.ge @!p0 [sflag:s15], $0x400;
	s16 =	sand.u32 $0x7F, s1;
	s17 =	sshrl.u32 s1, $0x7  }
0x14: {  	[sflag:s15] =	ssyncset.done @!p0 $0x0;
	s5 =	rddreg [dreg:$0x8];
	s4 =	sshll.u32 s16, $0x4  }
0x15: {  	s20 =	sadd.s32 $0x1, s1;
	s18 =	sshll.u32 s17, $0xB;
	s6 =	sadd.s32 s5, s4  }
0x16: {  	[sflag:s15] =	ssyncadd.s32 @!p0 $0xFFFFFC00;
	s30 =	sshrl.u32 s20, $0x7;
	s6 =	sadd.s32 s18, s6  }
0x17: {  	[tilespmem:s2], [sflag:$0x1] =	stream.linear.gather [hbm4b:s6+s2], $0x80, $0x38;
	[tilespmem:$0x14C80] =	vst v63  }
0x18: {  	s24 =	sshll.u32 s30, $0xE;
	s6 =	sand.u32 $0x7F, s20  }
0x19: {  	s4 =	sadd.s32 $0x2, s1;
	s20 =	sshll.u32 s6, $0x7;
	_ =	swait.ge @!p0 [sflag:s15], $0x400  }
0x1a: {  	s29 =	sand.u32 $0x7F, s4;
	s18 =	sor.u32 s20, s24;
	[sflag:s15] =	ssyncset.done @!p0 $0x0  }
0x1b: {  	s24 =	sshrl.u32 s4, $0x7;
	s4 =	sshll.u32 s29, $0x7;
	s18 =	sshrl.u32 s18, $0x3  }
0x1c: {  	[sflag:s15] =	ssyncadd.s32 @!p0 $0xFFFFFC00;
	s20 =	sshll.u32 s24, $0xE;
	s18 =	sadd.s32 s5, s18  }
0x1d: {  	[tilespmem:s22], [sflag:$0x1] =	stream.linear.gather [hbm4b:s18+s2], $0x80, $0x38;
	[tilespmem:$0x14C80] =	vst v63  }
0x1e: {  	s18 =	sor.u32 s4, s20;
	_ =	swait.ge @!p0 [sflag:s15], $0x400  }
0x1f: {  	s20 =	sadd.s32 $0x3, s1;
	s18 =	sshrl.u32 s18, $0x3;
	[sflag:s15] =	ssyncset.done @!p0 $0x0  }
0x20: {  	s4 =	sshrl.u32 s20, $0x7;
	s18 =	sadd.s32 s5, s18;
	[sflag:s15] =	ssyncadd.s32 @!p0 $0xFFFFFC00  }
0x21: {  	[tilespmem:s23], [sflag:$0x1] =	stream.linear.gather [hbm4b:s18+s2], $0x80, $0x38;
	[tilespmem:$0x14C80] =	vst v63  }
0x22: {  	[dreg:$0xa] =	wrdreg s4;
	s18 =	sand.u32 $0x7F, s20  }
0x23: {  	s1 =	sadd.s32 $0x4, s1;
	[dreg:$0xb] =	wrdreg s18  }
0x24: {  	s4 =	sshll.u32 s4, $0xE;
	s20 =	sshll.u32 s18, $0x7;
	_ =	swait.ge @!p0 [sflag:s15], $0x400  }
0x25: {  	s18 =	sor.u32 s20, s4;
	s20 =	simm.s32 $0x180;
	s4 =	sshrl.u32 s1, $0x7  }
0x26: {  	s1 =	sand.u32 $0x7F, s1;
	[sflag:s15] =	ssyncset.done @!p0 $0x0;
	s18 =	sshrl.u32 s18, $0x3  }
0x27: {  	[dreg:$0x6] =	wrdreg s4;
	[sflag:s15] =	ssyncadd.s32 @!p0 $0xFFFFFC00;
	s18 =	sadd.s32 s5, s18  }
0x28: {  	[tilespmem:s20], [sflag:$0x1] =	stream.linear.gather [hbm4b:s18+s2], $0x80, $0x38;
	[tilespmem:$0x14C80] =	vst v63  }
0x29: {  	[dreg:$0x7] =	wrdreg s1;
	s18 =	sshll.u32 s4, $0xE;
	s4 =	sshll.u32 s1, $0x7  }
0x2a: {  	_ =	swait.ge @!p0 [sflag:s15], $0x400;
	s1 =	sor.u32 s4, s18  }
0x2b: {  	s18 =	simm.s32 $0x200;
	[sflag:s15] =	ssyncset.done @!p0 $0x0;
	s1 =	sshrl.u32 s1, $0x3  }
0x2c: {  	[sflag:s15] =	ssyncadd.s32 @!p0 $0xFFFFFC00;
	s1 =	sadd.s32 s5, s1;
	s15 =	simm.s32 $0x0  }
0x2d: {  	[tilespmem:s18], [sflag:$0x1] =	stream.linear.gather [hbm4b:s1+s15], $0x80, $0x38;
	[tilespmem:$0x14C80] =	vst v63  }
0x2e: {  	_ =	swait.ge [sflag:s19], $0x80  }
0x2f: {  	[sflag:s19] =	ssyncset.done $0x0  }
0x30: {  	s5 =	simm.s32 $0x280;
	s4 =	rddreg [dreg:$0x9];
	[sflag:s19] =	ssyncadd.s32 $0xFFFFFF80  }
0x31: {  	[tilespmem:s5], [sflag:$0x2] =	stream.indirect.gather [hbm4b:s4+s22], $0x40, s15, s22, $0xb8;
	[tilespmem:$0x14C80] =	vst v63  }
0x32: {  	_ =	swait.ge [sflag:s19], $0x80  }
0x33: {  	[sflag:s19] =	ssyncset.done $0x0  }
0x34: {  	s5 =	simm.s32 $0x2280;
	[sflag:s19] =	ssyncadd.s32 $0xFFFFFF80  }
0x35: {  	[tilespmem:s5], [sflag:$0x2] =	stream.indirect.gather [hbm4b:s4+s22], $0x40, s22, s22, $0xb8;
	[tilespmem:$0x14C80] =	vst v63  }
0x36: {  	_ =	swait.ge [sflag:s19], $0x80  }
0x37: {  	[sflag:s19] =	ssyncset.done $0x0  }
0x38: {  	s5 =	simm.s32 $0x4280;
	[sflag:s19] =	ssyncadd.s32 $0xFFFFFF80  }
0x39: {  	[tilespmem:s5], [sflag:$0x2] =	stream.indirect.gather [hbm4b:s4+s22], $0x40, s23, s22, $0xb8;
	[tilespmem:$0x14C80] =	vst v63  }
0x3a: {  	_ =	swait.ge [sflag:s19], $0x80  }
0x3b: {  	[sflag:s19] =	ssyncset.done $0x0  }
0x3c: {  	s5 =	simm.s32 $0x6280;
	[sflag:s19] =	ssyncadd.s32 $0xFFFFFF80  }
0x3d: {  	v33 =	vmov s15;
	[tilespmem:s5], [sflag:$0x2] =	stream.indirect.gather [hbm4b:s4+s22], $0x40, s20, s22, $0xb8;
	[tilespmem:$0x14C80] =	vst v63  }
0x3e: {  	v33 =	vshrl.u32 v33, $0x3;
	_ =	swait.ge [sflag:s19], $0x80  }
0x3f: {  	v33 =	vshll.u32 v33, v1;
	s5 =	simm.s32 $0x2;
	[sflag:s19] =	ssyncset.done $0x0  }
0x40: {  	v33 =	vbroadcast v33, $0x0;
	s20 =	simm.s32 $0x8280;
	v35 =	vmov s5;
	s5 =	simm.s32 $0x5;
	[sflag:s19] =	ssyncadd.s32 $0xFFFFFF80  }
0x41: {  	v35 =	vshrl.u32 v35, $0x3;
	[tilespmem:s20], [sflag:$0x2] =	stream.indirect.gather [hbm4b:s4+s22], $0x40, s18, s22, $0xb8;
	[tilespmem:$0x14C80] =	vst v63  }
0x42: {  	v44 =	vadd.s32 v0, v33;
	v39 =	vmov s5;
	v52 =	vshll.u32 v35, v1;
	s4 =	simm.s32 $0x1  }
0x43: {  	v55 =	vshrl.u32 v39, $0x3;
	s18 =	simm.s32 $0x3;
	s20 =	simm.s32 $0x4;
	v52 =	vbroadcast v52, $0x0;
	v34 =	vmov s4;
	s4 =	simm.s32 $0x7  }
0x44: {  	v36 =	vmov s18;
	v37 =	vmov s20;
	s20 =	simm.s32 $0x6;
	_ =	swait.ge [sflag:s25], $0x2000;
	v38 =	vmov s4  }
0x45: {  	v40 =	vmov s20;
	v34 =	vshrl.u32 v34, $0x3;
	[sflag:s25] =	ssyncset.done $0x0;
	v36 =	vshrl.u32 v36, $0x3  }
0x46: {  	s18 =	simm.s32 $0x380;
	v37 =	vshrl.u32 v37, $0x3;
	v38 =	vshrl.u32 v38, $0x3;
	[sflag:s25] =	ssyncadd.s32 $0xFFFFE000;
	v34 =	vshll.u32 v34, v1  }
0x47: {  	v49 =	vadd.s32 v9, v52;
	v38 =	vshll.u32 v38, v1;
	v45 =	vbroadcast v34, $0x0;
	v43 =	vld [tilespmem:s18+$0xFFFFFF00]  }
0x48: {  	v53 =	vshll.u32 v36, v1;
	v54 =	vshll.u32 v37, v1;
	v48 =	vld [tilespmem:s18+$0xFFFFFF80];
	v38 =	vbroadcast v38, $0x0  }
0x49: {  	v36 =	vshll.u32 v55, v1;
	v46 =	vld [tilespmem:s18+$0xFFFFFF40];
	v35 =	vbroadcast v53, $0x0;
	v47 =	vadd.s32 v5, v45  }
0x4a: {  	v40 =	vshrl.u32 v40, $0x3;
	v41 =	vld [tilespmem:s18+$0xC0];
	v34 =	vbroadcast v54, $0x0;
	v42 =	vadd.s32 v29, v38  }
0x4b: {  	v39 =	vld [tilespmem:s18+$0xFFFFFFC0];
	v37 =	vbroadcast v36, $0x0;
	v56 =	vshll.u32 v40, v1;
	v50 =	vadd.s32 v13, v35  }
0x4c: {  	v51 =	vld [tilespmem:s18+$0x0];
	v36 =	vbroadcast v56, $0x0;
	v53 =	vadd.s32 v17, v34;
	[tilespmem:v44+s26+$0x0] =	vst.idx.msk $0xffff, v43  }
0x4d: {  	v59 =	vld [tilespmem:s18+$0x40];
	v60 =	vadd.s32 v21, v37;
	[tilespmem:v49+s26+$0x0] =	vst.idx.msk $0xffff, v48  }
0x4e: {  	v61 =	vld [tilespmem:s18+$0x80];
	v62 =	vadd.s32 v25, v36;
	[tilespmem:v47+s26+$0x0] =	vst.idx.msk $0xffff, v46  }
0x4f: {  	v55 =	vadd.s32 v10, v52;
	v54 =	vld [tilespmem:s18+$0xFFFFFF90];
	[tilespmem:v42+s26+$0x0] =	vst.idx.msk $0xffff, v41  }
0x50: {  	v58 =	vadd.s32 v30, v38;
	[tilespmem:v50+s26+$0x0] =	vst.idx.msk $0xffff, v39;
	v57 =	vld [tilespmem:s18+$0xD0]  }
0x51: {  	v63 =	vadd.s32 v6, v45;
	[tilespmem:v53+s26+$0x0] =	vst.idx.msk $0xffff, v51;
	v47 =	vld [tilespmem:s18+$0xFFFFFF50]  }
0x52: {  	v56 =	vadd.s32 v14, v35;
	[tilespmem:v60+s26+$0x0] =	vst.idx.msk $0xffff, v59;
	v50 =	vld [tilespmem:s18+$0xFFFFFFD0]  }
0x53: {  	v46 =	vadd.s32 v22, v37;
	[tilespmem:v62+s26+$0x0] =	vst.idx.msk $0xffff, v61;
	v44 =	vld [tilespmem:s18+$0x50]  }
0x54: {  	v61 =	vld [tilespmem:s18+$0xFFFFFF10];
	v62 =	vadd.s32 v2, v33;
	[tilespmem:v55+s26+$0x0] =	vst.idx.msk $0xffff, v54  }
0x55: {  	v59 =	vadd.s32 v18, v34;
	[tilespmem:v58+s26+$0x0] =	vst.idx.msk $0xffff, v57;
	v58 =	vld [tilespmem:s18+$0x10]  }
0x56: {  	[tilespmem:v63+s26+$0x0] =	vst.idx.msk $0xffff, v47;
	v57 =	vadd.s32 v31, v38;
	v40 =	vld [tilespmem:s18+$0xE0]  }
0x57: {  	v60 =	vadd.s32 v26, v36;
	v63 =	vld [tilespmem:s18+$0x90];
	[tilespmem:v56+s26+$0x0] =	vst.idx.msk $0xffff, v50  }
0x58: {  	v55 =	vld [tilespmem:s18+$0xFFFFFFA0];
	[tilespmem:v46+s26+$0x0] =	vst.idx.msk $0xffff, v44  }
0x59: {  	v56 =	vadd.s32 v11, v52;
	[tilespmem:v62+s26+$0x0] =	vst.idx.msk $0xffff, v61;
	v50 =	vld [tilespmem:s18+$0xFFFFFF60]  }
0x5a: {  	v51 =	vadd.s32 v7, v45;
	v46 =	vld [tilespmem:s18+$0xFFFFFF20];
	[tilespmem:v59+s26+$0x0] =	vst.idx.msk $0xffff, v58  }
0x5b: {  	v58 =	vadd.s32 v15, v35;
	[tilespmem:v57+s26+$0x0] =	vst.idx.msk $0xffff, v40;
	v57 =	vld [tilespmem:s18+$0xFFFFFFE0]  }
0x5c: {  	[tilespmem:v60+s26+$0x0] =	vst.idx.msk $0xffff, v63;
	v60 =	vadd.s32 v19, v34;
	v59 =	vld [tilespmem:s18+$0x20]  }
0x5d: {  	v38 =	vadd.s32 v32, v38;
	v54 =	vld [tilespmem:s18+$0xF0]  }
0x5e: {  	s5 =	simm.s32 $0x9;
	s4 =	simm.s32 $0x8;
	v43 =	vadd.s32 v27, v36;
	v41 =	vadd.s32 v23, v37;
	[tilespmem:v56+s26+$0x0] =	vst.idx.msk $0xffff, v55;
	v40 =	vld [tilespmem:s18+$0x60]  }
0x5f: {  	s20 =	simm.s32 $0xB;
	v48 =	vadd.s32 v3, v33;
	v53 =	vmov s5;
	v63 =	vmov s4;
	[tilespmem:v51+s26+$0x0] =	vst.idx.msk $0xffff, v50;
	v42 =	vld [tilespmem:s18+$0xA0]  }
0x60: {  	v44 =	vmov s20;
	v52 =	vadd.s32 v12, v52;
	s4 =	simm.s32 $0xC;
	v39 =	vshrl.u32 v63, $0x3;
	v50 =	vld [tilespmem:s18+$0xFFFFFFB0];
	[tilespmem:v58+s26+$0x0] =	vst.idx.msk $0xffff, v57  }
0x61: {  	s15 =	simm.s32 $0xA;
	s5 =	simm.s32 $0xD;
	s20 =	simm.s32 $0xE;
	v47 =	vmov s4;
	v51 =	vadd.s32 v8, v45;
	v49 =	vld [tilespmem:s18+$0xFFFFFF70];
	v45 =	vshll.u32 v39, v1;
	[tilespmem:v60+s26+$0x0] =	vst.idx.msk $0xffff, v59  }
0x62: {  	s1 =	simm.s32 $0x10;
	v39 =	vmov s20;
	[tilespmem:v38+s26+$0x0] =	vst.idx.msk $0xffff, v54;
	v54 =	vmov s15;
	v38 =	vmov s5;
	s15 =	simm.s32 $0xF  }
.LBB2_3:
0x63: {  	p0 =	slt.u32 s1, $0x78;
	v53 =	vshrl.u32 v53, $0x3;
	v55 =	vmov s15;
	v56 =	vld [tilespmem:s18+$0xFFFFFFF0];
	v35 =	vadd.s32 v16, v35;
	[tilespmem:v41+s26+$0x0] =	vst.idx.msk $0xffff, v40  }
0x64: {  	v40 =	vshrl.u32 v54, $0x3;
	v34 =	vadd.s32 v20, v34;
	v41 =	vshrl.u32 v55, $0x3;
	v54 =	vld [tilespmem:s18+$0x30];
	[tilespmem:v43+s26+$0x0] =	vst.idx.msk $0xffff, v42  }
0x65: {  	v37 =	vadd.s32 v24, v37;
	v42 =	vshrl.u32 v44, $0x3;
	v41 =	vshll.u32 v41, v1;
	[tilespmem:v48+s26+$0x0] =	vst.idx.msk $0xffff, v46;
	v43 =	vld [tilespmem:s18+$0x70]  }
0x66: {  	v36 =	vadd.s32 v28, v36;
	v44 =	vshrl.u32 v47, $0x3;
	v41 =	vbroadcast v41, $0x0;
	[tilespmem:v51+s26+$0x0] =	vst.idx.msk $0xffff, v49;
	v46 =	vld [tilespmem:s18+$0xB0]  }
0x67: {  	v47 =	vshll.u32 v53, v1;
	v49 =	vadd.s32 v4, v33;
	v33 =	vbroadcast v45, $0x0;
	v48 =	vld [tilespmem:s18+$0xFFFFFF30];
	[tilespmem:v52+s26+$0x0] =	vst.idx.msk $0xffff, v50;
	s18 =	sadd.s32 $0x200, s18  }
0x68: {  	v40 =	vshll.u32 v40, v1;
	v45 =	vbroadcast v47, $0x0;
	v47 =	vld [tilespmem:s18+$0xC0];
	v50 =	vadd.s32 v29, v41;
	[tilespmem:v35+s26+$0x0] =	vst.idx.msk $0xffff, v56  }
0x69: {  	v55 =	vbroadcast v40, $0x0;
	v52 =	vadd.s32 v0, v33;
	v35 =	vshll.u32 v42, v1;
	v51 =	vld [tilespmem:s18+$0xFFFFFF00];
	[tilespmem:v34+s26+$0x0] =	vst.idx.msk $0xffff, v54  }
0x6a: {  	v42 =	vadd.s32 v5, v45;
	v35 =	vbroadcast v35, $0x0;
	v34 =	vshll.u32 v44, v1;
	v40 =	vld [tilespmem:s18+$0xFFFFFF40];
	[tilespmem:v37+s26+$0x0] =	vst.idx.msk $0xffff, v43  }
0x6b: {  	v44 =	vadd.s32 v9, v55;
	v34 =	vbroadcast v34, $0x0;
	v37 =	vshrl.u32 v38, $0x3;
	v43 =	vld [tilespmem:s18+$0xFFFFFF80];
	[tilespmem:v36+s26+$0x0] =	vst.idx.msk $0xffff, v46  }
0x6c: {  	v39 =	vshrl.u32 v39, $0x3;
	v46 =	vadd.s32 v13, v35;
	v36 =	vshll.u32 v37, v1;
	v38 =	vld [tilespmem:s18+$0xFFFFFFC0];
	[tilespmem:v49+s26+$0x0] =	vst.idx.msk $0xffff, v48  }
0x6d: {  	v49 =	vadd.s32 v17, v34;
	v37 =	vbroadcast v36, $0x0;
	v36 =	vshll.u32 v39, v1;
	v48 =	vld [tilespmem:s18+$0x0];
	[tilespmem:v50+s26+$0x0] =	vst.idx.msk $0xffff, v47  }
0x6e: {  	v36 =	vbroadcast v36, $0x0;
	v47 =	vadd.s32 v30, v41;
	[tilespmem:v52+s26+$0x0] =	vst.idx.msk $0xffff, v51;
	v39 =	vld [tilespmem:s18+$0xD0]  }
0x6f: {  	[tilespmem:v42+s26+$0x0] =	vst.idx.msk $0xffff, v40;
	v40 =	vld [tilespmem:s18+$0x40];
	v42 =	vadd.s32 v21, v37  }
0x70: {  	[tilespmem:v44+s26+$0x0] =	vst.idx.msk $0xffff, v43;
	v43 =	vld [tilespmem:s18+$0x80];
	v44 =	vadd.s32 v25, v36  }
0x71: {  	v51 =	vadd.s32 v6, v45;
	v50 =	vld [tilespmem:s18+$0xFFFFFF50];
	[tilespmem:v46+s26+$0x0] =	vst.idx.msk $0xffff, v38  }
0x72: {  	v46 =	vadd.s32 v10, v55;
	v38 =	vld [tilespmem:s18+$0xFFFFFF90];
	[tilespmem:v49+s26+$0x0] =	vst.idx.msk $0xffff, v48  }
0x73: {  	v49 =	vadd.s32 v14, v35;
	v48 =	vld [tilespmem:s18+$0xFFFFFFD0];
	[tilespmem:v47+s26+$0x0] =	vst.idx.msk $0xffff, v39  }
0x74: {  	[tilespmem:v42+s26+$0x0] =	vst.idx.msk $0xffff, v40;
	v39 =	vld [tilespmem:s18+$0xE0];
	v40 =	vadd.s32 v31, v41  }
0x75: {  	v47 =	vadd.s32 v18, v34;
	v42 =	vld [tilespmem:s18+$0x10];
	[tilespmem:v44+s26+$0x0] =	vst.idx.msk $0xffff, v43  }
0x76: {  	v44 =	vadd.s32 v22, v37;
	[tilespmem:v51+s26+$0x0] =	vst.idx.msk $0xffff, v50;
	v43 =	vld [tilespmem:s18+$0x50]  }
0x77: {  	[tilespmem:v46+s26+$0x0] =	vst.idx.msk $0xffff, v38;
	v38 =	vld [tilespmem:s18+$0x90];
	v46 =	vadd.s32 v26, v36  }
0x78: {  	v51 =	vadd.s32 v2, v33;
	v50 =	vld [tilespmem:s18+$0xFFFFFF10];
	[tilespmem:v49+s26+$0x0] =	vst.idx.msk $0xffff, v48  }
0x79: {  	v49 =	vadd.s32 v7, v45;
	v48 =	vld [tilespmem:s18+$0xFFFFFF60];
	[tilespmem:v40+s26+$0x0] =	vst.idx.msk $0xffff, v39  }
0x7a: {  	[tilespmem:v47+s26+$0x0] =	vst.idx.msk $0xffff, v42;
	v39 =	vld [tilespmem:s18+$0xF0];
	v47 =	vadd.s32 v32, v41  }
0x7b: {  	v56 =	vadd.s32 v11, v55;
	v52 =	vld [tilespmem:s18+$0xFFFFFFA0];
	[tilespmem:v44+s26+$0x0] =	vst.idx.msk $0xffff, v43  }
0x7c: {  	v58 =	vadd.s32 v15, v35;
	v57 =	vld [tilespmem:s18+$0xFFFFFFE0];
	[tilespmem:v46+s26+$0x0] =	vst.idx.msk $0xffff, v38  }
0x7d: {  	v60 =	vadd.s32 v19, v34;
	[tilespmem:v51+s26+$0x0] =	vst.idx.msk $0xffff, v50;
	v59 =	vld [tilespmem:s18+$0x20]  }
.Ltmp0:
0x7e: {  	s15 =	sadd.s32 $0x1, s1;
	v41 =	vadd.s32 v23, v37;
	v38 =	vmov s1;
	[tilespmem:v49+s26+$0x0] =	vst.idx.msk $0xffff, v48;
	v40 =	vld [tilespmem:s18+$0x60];
	(pc) =	sbr.rel @p0 .LBB2_3-.Ltmp0, $4  }
0x7f: {  	s20 =	sadd.s32 $0x3, s1;
	v53 =	vmov s15;
	s15 =	sadd.s32 $0x2, s1;
	v43 =	vadd.s32 v27, v36;
	v50 =	vshrl.u32 v38, $0x3;
	v42 =	vld [tilespmem:s18+$0xA0];
	[tilespmem:v47+s26+$0x0] =	vst.idx.msk $0xffff, v39  }
0x80: {  	v54 =	vmov s15;
	s15 =	sadd.s32 $0x4, s1;
	v44 =	vmov s20;
	s20 =	sadd.s32 $0x5, s1;
	v48 =	vadd.s32 v3, v33;
	v46 =	vld [tilespmem:s18+$0xFFFFFF20];
	[tilespmem:v56+s26+$0x0] =	vst.idx.msk $0xffff, v52  }
0x81: {  	v38 =	vmov s20;
	v51 =	vadd.s32 v8, v45;
	v47 =	vmov s15;
	s15 =	sadd.s32 $0x6, s1;
	v49 =	vld [tilespmem:s18+$0xFFFFFF70];
	[tilespmem:v58+s26+$0x0] =	vst.idx.msk $0xffff, v57  }
0x82: {  	v45 =	vshll.u32 v50, v1;
	v39 =	vmov s15;
	s15 =	sadd.s32 $0x7, s1;
	s1 =	sadd.s32 $0x8, s1;
	v52 =	vadd.s32 v12, v55;
	v50 =	vld [tilespmem:s18+$0xFFFFFFB0];
	[tilespmem:v60+s26+$0x0] =	vst.idx.msk $0xffff, v59  }
0x83: {  	_ =	sdelay $0x2  }
0x84: {  	v53 =	vshrl.u32 v53, $0x3  }
0x85: {  	v55 =	vmov s15;
	v56 =	vld [tilespmem:s18+$0xFFFFFFF0];
	v35 =	vadd.s32 v16, v35;
	[tilespmem:v41+s26+$0x0] =	vst.idx.msk $0xffff, v40;
	v34 =	vadd.s32 v20, v34  }
0x86: {  	v61 =	vshrl.u32 v54, $0x3;
	v63 =	vld [tilespmem:s18+$0x30];
	v37 =	vadd.s32 v24, v37;
	v36 =	vadd.s32 v28, v36;
	[tilespmem:v43+s26+$0x0] =	vst.idx.msk $0xffff, v42  }
0x87: {  	v45 =	vbroadcast v45, $0x0;
	v33 =	vadd.s32 v4, v33;
	v62 =	vshrl.u32 v55, $0x3;
	v43 =	vld [tilespmem:s18+$0x70];
	[tilespmem:v48+s26+$0x0] =	vst.idx.msk $0xffff, v46  }
0x88: {  	s1 =	sadd.s32 $0x200, s18;
	v38 =	vshrl.u32 v38, $0x3;
	v55 =	vshrl.u32 v44, $0x3;
	v41 =	vshll.u32 v62, v1;
	v46 =	vld [tilespmem:s18+$0xB0];
	[tilespmem:v51+s26+$0x0] =	vst.idx.msk $0xffff, v49  }
0x89: {  	v40 =	vshll.u32 v61, v1;
	v60 =	vld [tilespmem:s1+$0xFFFFFF00];
	v61 =	vadd.s32 v0, v45;
	v41 =	vbroadcast v41, $0x0;
	[tilespmem:v52+s26+$0x0] =	vst.idx.msk $0xffff, v50  }
0x8a: {  	v44 =	vshrl.u32 v47, $0x3;
	v57 =	vshll.u32 v53, v1;
	v40 =	vbroadcast v40, $0x0;
	v48 =	vld [tilespmem:s18+$0xFFFFFF30];
	[tilespmem:v35+s26+$0x0] =	vst.idx.msk $0xffff, v56  }
0x8b: {  	v58 =	vld [tilespmem:s1+$0xC0];
	v47 =	vbroadcast v57, $0x0;
	v42 =	vshll.u32 v55, v1;
	v59 =	vadd.s32 v29, v41;
	[tilespmem:v34+s26+$0x0] =	vst.idx.msk $0xffff, v63  }
0x8c: {  	v54 =	vld [tilespmem:s1+$0xFFFFFF80];
	v44 =	vshll.u32 v44, v1;
	v42 =	vbroadcast v42, $0x0;
	v55 =	vadd.s32 v9, v40;
	[tilespmem:v37+s26+$0x0] =	vst.idx.msk $0xffff, v43  }
0x8d: {  	v38 =	vshll.u32 v38, v1;
	v62 =	vld [tilespmem:s1+$0xFFFFFF40];
	v44 =	vbroadcast v44, $0x0;
	v63 =	vadd.s32 v5, v47;
	[tilespmem:v36+s26+$0x0] =	vst.idx.msk $0xffff, v46  }
0x8e: {  	v39 =	vshrl.u32 v39, $0x3;
	v38 =	vbroadcast v38, $0x0;
	v36 =	vld [tilespmem:s1+$0xFFFFFFC0];
	v46 =	vadd.s32 v13, v42;
	[tilespmem:v61+s26+$0x0] =	vst.idx.msk $0xffff, v60  }
0x8f: {  	v39 =	vshll.u32 v39, v1;
	[tilespmem:v33+s26+$0x0] =	vst.idx.msk $0xffff, v48;
	v33 =	vld [tilespmem:s1+$0x0];
	v48 =	vadd.s32 v17, v44  }
0x90: {  	v35 =	vbroadcast v39, $0x0;
	[tilespmem:v59+s26+$0x0] =	vst.idx.msk $0xffff, v58;
	v58 =	vld [tilespmem:s1+$0x40];
	v59 =	vadd.s32 v21, v38  }
0x91: {  	v57 =	vadd.s32 v30, v41;
	[tilespmem:v55+s26+$0x0] =	vst.idx.msk $0xffff, v54;
	v56 =	vld [tilespmem:s1+$0xD0]  }
0x92: {  	v60 =	vld [tilespmem:s1+$0x80];
	v61 =	vadd.s32 v25, v35;
	[tilespmem:v63+s26+$0x0] =	vst.idx.msk $0xffff, v62  }
0x93: {  	v55 =	vadd.s32 v10, v40;
	v54 =	vld [tilespmem:s1+$0xFFFFFF90];
	[tilespmem:v46+s26+$0x0] =	vst.idx.msk $0xffff, v36  }
0x94: {  	v63 =	vadd.s32 v6, v47;
	v62 =	vld [tilespmem:s1+$0xFFFFFF50];
	[tilespmem:v48+s26+$0x0] =	vst.idx.msk $0xffff, v33  }
0x95: {  	v33 =	vld [tilespmem:s1+$0xFFFFFFD0];
	v48 =	vadd.s32 v14, v42;
	[tilespmem:v59+s26+$0x0] =	vst.idx.msk $0xffff, v58  }
0x96: {  	[tilespmem:v57+s26+$0x0] =	vst.idx.msk $0xffff, v56;
	v56 =	vld [tilespmem:s1+$0x10];
	v57 =	vadd.s32 v18, v44  }
0x97: {  	[tilespmem:v61+s26+$0x0] =	vst.idx.msk $0xffff, v60;
	v59 =	vadd.s32 v22, v38;
	v58 =	vld [tilespmem:s1+$0x50]  }
0x98: {  	v39 =	vadd.s32 v31, v41;
	[tilespmem:v55+s26+$0x0] =	vst.idx.msk $0xffff, v54;
	v34 =	vld [tilespmem:s1+$0xE0]  }
0x99: {  	v61 =	vadd.s32 v26, v35;
	v60 =	vld [tilespmem:s1+$0x90];
	[tilespmem:v63+s26+$0x0] =	vst.idx.msk $0xffff, v62  }
0x9a: {  	v62 =	vld [tilespmem:s1+$0xFFFFFF10];
	v63 =	vadd.s32 v2, v45;
	[tilespmem:v48+s26+$0x0] =	vst.idx.msk $0xffff, v33  }
0x9b: {  	v55 =	vadd.s32 v7, v47;
	v54 =	vld [tilespmem:s1+$0xFFFFFF60];
	[tilespmem:v57+s26+$0x0] =	vst.idx.msk $0xffff, v56  }
0x9c: {  	v56 =	vadd.s32 v32, v41;
	v41 =	vld [tilespmem:s1+$0xFFFFFFA0];
	v57 =	vadd.s32 v11, v40;
	[tilespmem:v59+s26+$0x0] =	vst.idx.msk $0xffff, v58  }
0x9d: {  	v37 =	vld [tilespmem:s1+$0xFFFFFFE0];
	v58 =	vadd.s32 v15, v42;
	[tilespmem:v39+s26+$0x0] =	vst.idx.msk $0xffff, v34  }
0x9e: {  	[tilespmem:v61+s26+$0x0] =	vst.idx.msk $0xffff, v60;
	v34 =	vld [tilespmem:s1+$0xF0]  }
0x9f: {  	v60 =	vadd.s32 v19, v44;
	[tilespmem:v63+s26+$0x0] =	vst.idx.msk $0xffff, v62;
	v59 =	vld [tilespmem:s1+$0x20]  }
0xa0: {  	v62 =	vadd.s32 v23, v38;
	[tilespmem:v55+s26+$0x0] =	vst.idx.msk $0xffff, v54;
	v61 =	vld [tilespmem:s1+$0x60]  }
0xa1: {  	v63 =	vld [tilespmem:s1+$0xA0];
	v54 =	vadd.s32 v27, v35;
	[tilespmem:v57+s26+$0x0] =	vst.idx.msk $0xffff, v41  }
0xa2: {  	v47 =	vadd.s32 v8, v47;
	v57 =	vld [tilespmem:s1+$0xFFFFFF70];
	[tilespmem:v58+s26+$0x0] =	vst.idx.msk $0xffff, v37  }
0xa3: {  	v55 =	vld [tilespmem:s1+$0xFFFFFF20];
	[tilespmem:v56+s26+$0x0] =	vst.idx.msk $0xffff, v34;
	v56 =	vadd.s32 v3, v45  }
0xa4: {  	v40 =	vadd.s32 v12, v40;
	v58 =	vld [tilespmem:s1+$0xFFFFFFB0];
	[tilespmem:v60+s26+$0x0] =	vst.idx.msk $0xffff, v59  }
0xa5: {  	v42 =	vadd.s32 v16, v42;
	v59 =	vld [tilespmem:s1+$0xFFFFFFF0];
	[tilespmem:v62+s26+$0x0] =	vst.idx.msk $0xffff, v61  }
0xa6: {  	v61 =	vadd.s32 v20, v44;
	[tilespmem:v54+s26+$0x0] =	vst.idx.msk $0xffff, v63;
	v60 =	vld [tilespmem:s1+$0x30]  }
0xa7: {  	v38 =	vadd.s32 v24, v38;
	v62 =	vld [tilespmem:s1+$0x70];
	[tilespmem:v47+s26+$0x0] =	vst.idx.msk $0xffff, v57  }
0xa8: {  	v35 =	vadd.s32 v28, v35;
	v63 =	vld [tilespmem:s1+$0xB0];
	[tilespmem:v56+s26+$0x0] =	vst.idx.msk $0xffff, v55  }
0xa9: {  	v49 =	vadd.s32 v4, v45;
	[tilespmem:v40+s26+$0x0] =	vst.idx.msk $0xffff, v58;
	v48 =	vld [tilespmem:s1+$0xFFFFFF30]  }
0xaa: {  	[tilespmem:v42+s26+$0x0] =	vst.idx.msk $0xffff, v59  }
0xab: {  	[tilespmem:v61+s26+$0x0] =	vst.idx.msk $0xffff, v60  }
0xac: {  	s15 =	sshll.u32 s17, $0x11;
	s17 =	sshll.u32 s16, $0x7;
	[tilespmem:v38+s26+$0x0] =	vst.idx.msk $0xffff, v62  }
0xad: {  	s16 =	sor.u32 s17, s15;
	[tilespmem:v35+s26+$0x0] =	vst.idx.msk $0xffff, v63  }
0xae: {  	s15 =	sadd.s32 s21, s16;
	s1 =	simm.s32 $0x0;
	[tilespmem:v49+s26+$0x0] =	vst.idx.msk $0xffff, v48  }
0xaf: {  	[hbm4b:s15+s1] =	stream.linear.scatter [tilespmem:s26], [sflag:$0x3], $0x80, $0x38;
	[tilespmem:$0x14C80] =	vst v63  }
0xb0: {  	s20 =	simm.s32 $0xA308;
	s18 =	sadd.s32 $0x10, s15  }
0xb1: {  	[hbm4b:s18+s1] =	stream.linear.scatter [tilespmem:s20], [sflag:$0x3], $0x80, $0x38;
	[tilespmem:$0x14C80] =	vst v63  }
0xb2: {  	s4 =	simm.s32 $0xA390;
	s20 =	sadd.s32 $0x20, s15  }
0xb3: {  	[hbm4b:s20+s1] =	stream.linear.scatter [tilespmem:s4], [sflag:$0x3], $0x80, $0x38;
	[tilespmem:$0x14C80] =	vst v63  }
0xb4: {  	s5 =	sadd.s32 $0x30, s15;
	s18 =	simm.s32 $0xA418  }
0xb5: {  	[hbm4b:s5+s1] =	stream.linear.scatter [tilespmem:s18], [sflag:$0x3], $0x80, $0x38;
	[tilespmem:$0x14C80] =	vst v63  }
0xb6: {  	s20 =	sadd.s32 $0x40, s15;
	s4 =	simm.s32 $0xA4A0  }
0xb7: {  	[hbm4b:s20+s1] =	stream.linear.scatter [tilespmem:s4], [sflag:$0x3], $0x80, $0x38;
	[tilespmem:$0x14C80] =	vst v63  }
0xb8: {  	s5 =	sadd.s32 $0x50, s15;
	s18 =	simm.s32 $0xA528  }
0xb9: {  	[hbm4b:s5+s1] =	stream.linear.scatter [tilespmem:s18], [sflag:$0x3], $0x80, $0x38;
	[tilespmem:$0x14C80] =	vst v63  }
0xba: {  	s20 =	sadd.s32 $0x60, s15;
	s4 =	simm.s32 $0xA5B0  }
0xbb: {  	[hbm4b:s20+s1] =	stream.linear.scatter [tilespmem:s4], [sflag:$0x3], $0x80, $0x38;
	[tilespmem:$0x14C80] =	vst v63  }
0xbc: {  	s15 =	sadd.s32 $0x70, s15;
	s5 =	simm.s32 $0xA638  }
0xbd: {  	[hbm4b:s15+s1] =	stream.linear.scatter [tilespmem:s5], [sflag:$0x3], $0x80, $0x38;
	[tilespmem:$0x14C80] =	vst v63  }
0xbe: {  	s18 =	simm.s32 $0xA6C0;
	s15 =	sadd.s32 s16, s7  }
0xbf: {  	[hbm4b:s15+s1] =	stream.linear.scatter [tilespmem:s18], [sflag:$0x3], $0x80, $0x38;
	[tilespmem:$0x14C80] =	vst v63  }
0xc0: {  	s4 =	simm.s32 $0xA748;
	s20 =	sadd.s32 $0x10, s15  }
0xc1: {  	[hbm4b:s20+s1] =	stream.linear.scatter [tilespmem:s4], [sflag:$0x3], $0x80, $0x38;
	[tilespmem:$0x14C80] =	vst v63  }
0xc2: {  	s5 =	sadd.s32 $0x20, s15;
	s18 =	simm.s32 $0xA7D0  }
0xc3: {  	[hbm4b:s5+s1] =	stream.linear.scatter [tilespmem:s18], [sflag:$0x3], $0x80, $0x38;
	[tilespmem:$0x14C80] =	vst v63  }
0xc4: {  	s20 =	sadd.s32 $0x30, s15;
	s4 =	simm.s32 $0xA858  }
0xc5: {  	[hbm4b:s20+s1] =	stream.linear.scatter [tilespmem:s4], [sflag:$0x3], $0x80, $0x38;
	[tilespmem:$0x14C80] =	vst v63  }
0xc6: {  	s5 =	sadd.s32 $0x40, s15;
	s18 =	simm.s32 $0xA8E0  }
0xc7: {  	[hbm4b:s5+s1] =	stream.linear.scatter [tilespmem:s18], [sflag:$0x3], $0x80, $0x38;
	[tilespmem:$0x14C80] =	vst v63  }
0xc8: {  	s20 =	sadd.s32 $0x50, s15;
	s4 =	simm.s32 $0xA968  }
0xc9: {  	[hbm4b:s20+s1] =	stream.linear.scatter [tilespmem:s4], [sflag:$0x3], $0x80, $0x38;
	[tilespmem:$0x14C80] =	vst v63  }
0xca: {  	s5 =	sadd.s32 $0x60, s15;
	s18 =	simm.s32 $0xA9F0  }
0xcb: {  	[hbm4b:s5+s1] =	stream.linear.scatter [tilespmem:s18], [sflag:$0x3], $0x80, $0x38;
	[tilespmem:$0x14C80] =	vst v63  }
0xcc: {  	s15 =	sadd.s32 $0x70, s15;
	s20 =	simm.s32 $0xAA78  }
0xcd: {  	[hbm4b:s15+s1] =	stream.linear.scatter [tilespmem:s20], [sflag:$0x3], $0x80, $0x38;
	[tilespmem:$0x14C80] =	vst v63  }
0xce: {  	s4 =	simm.s32 $0xAB00;
	s15 =	sadd.s32 s16, s8  }
0xcf: {  	[hbm4b:s15+s1] =	stream.linear.scatter [tilespmem:s4], [sflag:$0x3], $0x80, $0x38;
	[tilespmem:$0x14C80] =	vst v63  }
0xd0: {  	s18 =	simm.s32 $0xAB88;
	s5 =	sadd.s32 $0x10, s15  }
0xd1: {  	[hbm4b:s5+s1] =	stream.linear.scatter [tilespmem:s18], [sflag:$0x3], $0x80, $0x38;
	[tilespmem:$0x14C80] =	vst v63  }
0xd2: {  	s20 =	sadd.s32 $0x20, s15;
	s4 =	simm.s32 $0xAC10  }
0xd3: {  	[hbm4b:s20+s1] =	stream.linear.scatter [tilespmem:s4], [sflag:$0x3], $0x80, $0x38;
	[tilespmem:$0x14C80] =	vst v63  }
0xd4: {  	s5 =	sadd.s32 $0x30, s15;
	s18 =	simm.s32 $0xAC98  }
0xd5: {  	[hbm4b:s5+s1] =	stream.linear.scatter [tilespmem:s18], [sflag:$0x3], $0x80, $0x38;
	[tilespmem:$0x14C80] =	vst v63  }
0xd6: {  	s20 =	sadd.s32 $0x40, s15;
	s4 =	simm.s32 $0xAD20  }
0xd7: {  	[hbm4b:s20+s1] =	stream.linear.scatter [tilespmem:s4], [sflag:$0x3], $0x80, $0x38;
	[tilespmem:$0x14C80] =	vst v63  }
0xd8: {  	s5 =	sadd.s32 $0x50, s15;
	s18 =	simm.s32 $0xADA8  }
0xd9: {  	[hbm4b:s5+s1] =	stream.linear.scatter [tilespmem:s18], [sflag:$0x3], $0x80, $0x38;
	[tilespmem:$0x14C80] =	vst v63  }
0xda: {  	s20 =	sadd.s32 $0x60, s15;
	s4 =	simm.s32 $0xAE30  }
0xdb: {  	[hbm4b:s20+s1] =	stream.linear.scatter [tilespmem:s4], [sflag:$0x3], $0x80, $0x38;
	[tilespmem:$0x14C80] =	vst v63  }
0xdc: {  	s15 =	sadd.s32 $0x70, s15;
	s5 =	simm.s32 $0xAEB8  }
0xdd: {  	[hbm4b:s15+s1] =	stream.linear.scatter [tilespmem:s5], [sflag:$0x3], $0x80, $0x38;
	[tilespmem:$0x14C80] =	vst v63  }
0xde: {  	s18 =	simm.s32 $0xAF40;
	s15 =	sadd.s32 s16, s9  }
0xdf: {  	[hbm4b:s15+s1] =	stream.linear.scatter [tilespmem:s18], [sflag:$0x3], $0x80, $0x38;
	[tilespmem:$0x14C80] =	vst v63  }
0xe0: {  	s4 =	simm.s32 $0xAFC8;
	s20 =	sadd.s32 $0x10, s15  }
0xe1: {  	[hbm4b:s20+s1] =	stream.linear.scatter [tilespmem:s4], [sflag:$0x3], $0x80, $0x38;
	[tilespmem:$0x14C80] =	vst v63  }
0xe2: {  	s5 =	sadd.s32 $0x20, s15;
	s18 =	simm.s32 $0xB050  }
0xe3: {  	[hbm4b:s5+s1] =	stream.linear.scatter [tilespmem:s18], [sflag:$0x3], $0x80, $0x38;
	[tilespmem:$0x14C80] =	vst v63  }
0xe4: {  	s20 =	sadd.s32 $0x30, s15;
	s4 =	simm.s32 $0xB0D8  }
0xe5: {  	[hbm4b:s20+s1] =	stream.linear.scatter [tilespmem:s4], [sflag:$0x3], $0x80, $0x38;
	[tilespmem:$0x14C80] =	vst v63  }
0xe6: {  	s5 =	sadd.s32 $0x40, s15;
	s18 =	simm.s32 $0xB160  }
0xe7: {  	[hbm4b:s5+s1] =	stream.linear.scatter [tilespmem:s18], [sflag:$0x3], $0x80, $0x38;
	[tilespmem:$0x14C80] =	vst v63  }
0xe8: {  	s20 =	sadd.s32 $0x50, s15;
	s4 =	simm.s32 $0xB1E8  }
0xe9: {  	[hbm4b:s20+s1] =	stream.linear.scatter [tilespmem:s4], [sflag:$0x3], $0x80, $0x38;
	[tilespmem:$0x14C80] =	vst v63  }
0xea: {  	s5 =	sadd.s32 $0x60, s15;
	s18 =	simm.s32 $0xB270  }
0xeb: {  	[hbm4b:s5+s1] =	stream.linear.scatter [tilespmem:s18], [sflag:$0x3], $0x80, $0x38;
	[tilespmem:$0x14C80] =	vst v63  }
0xec: {  	s15 =	sadd.s32 $0x70, s15;
	s20 =	simm.s32 $0xB2F8  }
0xed: {  	[hbm4b:s15+s1] =	stream.linear.scatter [tilespmem:s20], [sflag:$0x3], $0x80, $0x38;
	[tilespmem:$0x14C80] =	vst v63  }
0xee: {  	s4 =	simm.s32 $0xB380;
	s15 =	sadd.s32 s16, s10  }
0xef: {  	[hbm4b:s15+s1] =	stream.linear.scatter [tilespmem:s4], [sflag:$0x3], $0x80, $0x38;
	[tilespmem:$0x14C80] =	vst v63  }
0xf0: {  	s18 =	simm.s32 $0xB408;
	s5 =	sadd.s32 $0x10, s15  }
0xf1: {  	[hbm4b:s5+s1] =	stream.linear.scatter [tilespmem:s18], [sflag:$0x3], $0x80, $0x38;
	[tilespmem:$0x14C80] =	vst v63  }
0xf2: {  	s20 =	sadd.s32 $0x20, s15;
	s4 =	simm.s32 $0xB490  }
0xf3: {  	[hbm4b:s20+s1] =	stream.linear.scatter [tilespmem:s4], [sflag:$0x3], $0x80, $0x38;
	[tilespmem:$0x14C80] =	vst v63  }
0xf4: {  	s5 =	sadd.s32 $0x30, s15;
	s18 =	simm.s32 $0xB518  }
0xf5: {  	[hbm4b:s5+s1] =	stream.linear.scatter [tilespmem:s18], [sflag:$0x3], $0x80, $0x38;
	[tilespmem:$0x14C80] =	vst v63  }
0xf6: {  	s20 =	sadd.s32 $0x40, s15;
	s4 =	simm.s32 $0xB5A0  }
0xf7: {  	[hbm4b:s20+s1] =	stream.linear.scatter [tilespmem:s4], [sflag:$0x3], $0x80, $0x38;
	[tilespmem:$0x14C80] =	vst v63  }
0xf8: {  	s5 =	sadd.s32 $0x50, s15;
	s18 =	simm.s32 $0xB628  }
0xf9: {  	[hbm4b:s5+s1] =	stream.linear.scatter [tilespmem:s18], [sflag:$0x3], $0x80, $0x38;
	[tilespmem:$0x14C80] =	vst v63  }
0xfa: {  	s20 =	sadd.s32 $0x60, s15;
	s4 =	simm.s32 $0xB6B0  }
0xfb: {  	[hbm4b:s20+s1] =	stream.linear.scatter [tilespmem:s4], [sflag:$0x3], $0x80, $0x38;
	[tilespmem:$0x14C80] =	vst v63  }
0xfc: {  	s15 =	sadd.s32 $0x70, s15;
	s5 =	simm.s32 $0xB738  }
0xfd: {  	[hbm4b:s15+s1] =	stream.linear.scatter [tilespmem:s5], [sflag:$0x3], $0x80, $0x38;
	[tilespmem:$0x14C80] =	vst v63  }
0xfe: {  	s18 =	simm.s32 $0xB7C0;
	s15 =	sadd.s32 s16, s11  }
0xff: {  	[hbm4b:s15+s1] =	stream.linear.scatter [tilespmem:s18], [sflag:$0x3], $0x80, $0x38;
	[tilespmem:$0x14C80] =	vst v63  }
0x100: {  	s4 =	simm.s32 $0xB848;
	s20 =	sadd.s32 $0x10, s15  }
0x101: {  	[hbm4b:s20+s1] =	stream.linear.scatter [tilespmem:s4], [sflag:$0x3], $0x80, $0x38;
	[tilespmem:$0x14C80] =	vst v63  }
0x102: {  	s5 =	sadd.s32 $0x20, s15;
	s18 =	simm.s32 $0xB8D0  }
0x103: {  	[hbm4b:s5+s1] =	stream.linear.scatter [tilespmem:s18], [sflag:$0x3], $0x80, $0x38;
	[tilespmem:$0x14C80] =	vst v63  }
0x104: {  	s20 =	sadd.s32 $0x30, s15;
	s4 =	simm.s32 $0xB958  }
0x105: {  	[hbm4b:s20+s1] =	stream.linear.scatter [tilespmem:s4], [sflag:$0x3], $0x80, $0x38;
	[tilespmem:$0x14C80] =	vst v63  }
0x106: {  	s5 =	sadd.s32 $0x40, s15;
	s18 =	simm.s32 $0xB9E0  }
0x107: {  	[hbm4b:s5+s1] =	stream.linear.scatter [tilespmem:s18], [sflag:$0x3], $0x80, $0x38;
	[tilespmem:$0x14C80] =	vst v63  }
0x108: {  	s20 =	sadd.s32 $0x50, s15;
	s4 =	simm.s32 $0xBA68  }
0x109: {  	[hbm4b:s20+s1] =	stream.linear.scatter [tilespmem:s4], [sflag:$0x3], $0x80, $0x38;
	[tilespmem:$0x14C80] =	vst v63  }
0x10a: {  	s5 =	sadd.s32 $0x60, s15;
	s18 =	simm.s32 $0xBAF0  }
0x10b: {  	[hbm4b:s5+s1] =	stream.linear.scatter [tilespmem:s18], [sflag:$0x3], $0x80, $0x38;
	[tilespmem:$0x14C80] =	vst v63  }
0x10c: {  	s15 =	sadd.s32 $0x70, s15;
	s20 =	simm.s32 $0xBB78  }
0x10d: {  	[hbm4b:s15+s1] =	stream.linear.scatter [tilespmem:s20], [sflag:$0x3], $0x80, $0x38;
	[tilespmem:$0x14C80] =	vst v63  }
0x10e: {  	s4 =	simm.s32 $0xBC00;
	s15 =	sadd.s32 s16, s12  }
0x10f: {  	[hbm4b:s15+s1] =	stream.linear.scatter [tilespmem:s4], [sflag:$0x3], $0x80, $0x38;
	[tilespmem:$0x14C80] =	vst v63  }
0x110: {  	s18 =	simm.s32 $0xBC88;
	s5 =	sadd.s32 $0x10, s15  }
0x111: {  	[hbm4b:s5+s1] =	stream.linear.scatter [tilespmem:s18], [sflag:$0x3], $0x80, $0x38;
	[tilespmem:$0x14C80] =	vst v63  }
0x112: {  	s20 =	sadd.s32 $0x20, s15;
	s4 =	simm.s32 $0xBD10  }
0x113: {  	[hbm4b:s20+s1] =	stream.linear.scatter [tilespmem:s4], [sflag:$0x3], $0x80, $0x38;
	[tilespmem:$0x14C80] =	vst v63  }
0x114: {  	s5 =	sadd.s32 $0x30, s15;
	s18 =	simm.s32 $0xBD98  }
0x115: {  	[hbm4b:s5+s1] =	stream.linear.scatter [tilespmem:s18], [sflag:$0x3], $0x80, $0x38;
	[tilespmem:$0x14C80] =	vst v63  }
0x116: {  	s20 =	sadd.s32 $0x40, s15;
	s4 =	simm.s32 $0xBE20  }
0x117: {  	[hbm4b:s20+s1] =	stream.linear.scatter [tilespmem:s4], [sflag:$0x3], $0x80, $0x38;
	[tilespmem:$0x14C80] =	vst v63  }
0x118: {  	s5 =	sadd.s32 $0x50, s15;
	s18 =	simm.s32 $0xBEA8  }
0x119: {  	[hbm4b:s5+s1] =	stream.linear.scatter [tilespmem:s18], [sflag:$0x3], $0x80, $0x38;
	[tilespmem:$0x14C80] =	vst v63  }
0x11a: {  	s20 =	sadd.s32 $0x60, s15;
	s4 =	simm.s32 $0xBF30  }
0x11b: {  	[hbm4b:s20+s1] =	stream.linear.scatter [tilespmem:s4], [sflag:$0x3], $0x80, $0x38;
	[tilespmem:$0x14C80] =	vst v63  }
0x11c: {  	s15 =	sadd.s32 $0x70, s15;
	s5 =	simm.s32 $0xBFB8  }
0x11d: {  	[hbm4b:s15+s1] =	stream.linear.scatter [tilespmem:s5], [sflag:$0x3], $0x80, $0x38;
	[tilespmem:$0x14C80] =	vst v63  }
0x11e: {  	s17 =	simm.s32 $0xC040;
	s15 =	sadd.s32 s16, s13  }
0x11f: {  	[hbm4b:s15+s1] =	stream.linear.scatter [tilespmem:s17], [sflag:$0x3], $0x80, $0x38;
	[tilespmem:$0x14C80] =	vst v63  }
0x120: {  	s20 =	simm.s32 $0xC0C8;
	s18 =	sadd.s32 $0x10, s15  }
0x121: {  	[hbm4b:s18+s1] =	stream.linear.scatter [tilespmem:s20], [sflag:$0x3], $0x80, $0x38;
	[tilespmem:$0x14C80] =	vst v63  }
0x122: {  	s5 =	simm.s32 $0xC150;
	s4 =	sadd.s32 $0x20, s15  }
0x123: {  	[hbm4b:s4+s1] =	stream.linear.scatter [tilespmem:s5], [sflag:$0x3], $0x80, $0x38;
	[tilespmem:$0x14C80] =	vst v63  }
0x124: {  	s18 =	sadd.s32 $0x30, s15;
	s20 =	simm.s32 $0xC1D8  }
0x125: {  	[hbm4b:s18+s1] =	stream.linear.scatter [tilespmem:s20], [sflag:$0x3], $0x80, $0x38;
	[tilespmem:$0x14C80] =	vst v63  }
0x126: {  	s4 =	sadd.s32 $0x40, s15;
	s5 =	simm.s32 $0xC260  }
0x127: {  	[hbm4b:s4+s1] =	stream.linear.scatter [tilespmem:s5], [sflag:$0x3], $0x80, $0x38;
	[tilespmem:$0x14C80] =	vst v63  }
0x128: {  	s16 =	simm.s32 $0x1;
	s17 =	sadd.s32 $0x50, s15;
	s18 =	simm.s32 $0xC2E8  }
0x129: {  	v50 =	vmov s1;
	v51 =	vmov s16;
	[hbm4b:s17+s1] =	stream.linear.scatter [tilespmem:s18], [sflag:$0x3], $0x80, $0x38;
	[tilespmem:$0x14C80] =	vst v63  }
0x12a: {  	v33 =	vshrl.u32 v50, $0x3;
	v34 =	vshrl.u32 v51, $0x3;
	s20 =	sadd.s32 $0x60, s15;
	s4 =	simm.s32 $0xC370  }
0x12b: {  	v33 =	vshll.u32 v33, v1;
	v34 =	vshll.u32 v34, v1;
	[hbm4b:s20+s1] =	stream.linear.scatter [tilespmem:s4], [sflag:$0x3], $0x80, $0x38;
	[tilespmem:$0x14C80] =	vst v63  }
0x12c: {  	v33 =	vbroadcast v33, $0x0;
	v45 =	vbroadcast v34, $0x0;
	s15 =	sadd.s32 $0x70, s15;
	s4 =	simm.s32 $0x7  }
0x12d: {  	s5 =	simm.s32 $0xC3F8;
	s17 =	simm.s32 $0x2;
	s18 =	simm.s32 $0x3;
	v55 =	vmov s4  }
0x12e: {  	v57 =	vadd.s32 v0, v33;
	v60 =	vadd.s32 v5, v45;
	[hbm4b:s15+s1] =	stream.linear.scatter [tilespmem:s5], [sflag:$0x3], $0x80, $0x38;
	v38 =	vshrl.u32 v55, $0x3;
	[tilespmem:$0x14C80] =	vst v63  }
0x12f: {  	v52 =	vmov s17;
	v53 =	vmov s18;
	s17 =	simm.s32 $0x6;
	_ =	swait.ge [sflag:s25], $0x2000;
	v38 =	vshll.u32 v38, v1  }
0x130: {  	s20 =	simm.s32 $0x4;
	v40 =	vmov s17;
	v35 =	vshrl.u32 v52, $0x3;
	[sflag:s25] =	ssyncset.done $0x0;
	v38 =	vbroadcast v38, $0x0  }
0x131: {  	s16 =	simm.s32 $0x2470;
	v36 =	vshrl.u32 v53, $0x3;
	v54 =	vmov s20;
	v56 =	vshll.u32 v35, v1;
	[sflag:s25] =	ssyncadd.s32 $0xFFFFE000  }
0x132: {  	v58 =	vshll.u32 v36, v1;
	s5 =	simm.s32 $0x5;
	v52 =	vbroadcast v56, $0x0;
	v41 =	vld [tilespmem:s16+$0xFFFFFFD0];
	v42 =	vadd.s32 v29, v38  }
0x133: {  	v37 =	vshrl.u32 v54, $0x3;
	v35 =	vbroadcast v58, $0x0;
	v39 =	vmov s5;
	v59 =	vld [tilespmem:s16+$0xFFFFFE50]  }
0x134: {  	v61 =	vshll.u32 v37, v1;
	v63 =	vadd.s32 v9, v52;
	v55 =	vshrl.u32 v39, $0x3;
	v62 =	vld [tilespmem:s16+$0xFFFFFE90]  }
0x135: {  	v40 =	vshrl.u32 v40, $0x3;
	v34 =	vbroadcast v61, $0x0;
	v36 =	vshll.u32 v55, v1;
	v43 =	vld [tilespmem:s16+$0xFFFFFE10]  }
0x136: {  	v56 =	vshll.u32 v40, v1;
	v50 =	vadd.s32 v13, v35;
	v39 =	vld [tilespmem:s16+$0xFFFFFED0];
	v37 =	vbroadcast v36, $0x0  }
0x137: {  	v51 =	vld [tilespmem:s16+$0xFFFFFF10];
	v53 =	vadd.s32 v17, v34;
	v36 =	vbroadcast v56, $0x0;
	[tilespmem:v42+s31+$0x0] =	vst.idx.msk $0xffff, v41  }
0x138: {  	[tilespmem:v60+s31+$0x0] =	vst.idx.msk $0xffff, v59;
	v59 =	vld [tilespmem:s16+$0xFFFFFF50];
	v60 =	vadd.s32 v21, v37  }
0x139: {  	v61 =	vld [tilespmem:s16+$0xFFFFFF90];
	[tilespmem:v63+s31+$0x0] =	vst.idx.msk $0xffff, v62;
	v62 =	vadd.s32 v25, v36  }
0x13a: {  	v58 =	vadd.s32 v30, v38;
	[tilespmem:v57+s31+$0x0] =	vst.idx.msk $0xffff, v43;
	v57 =	vld [tilespmem:s16+$0xFFFFFFE0]  }
0x13b: {  	v63 =	vadd.s32 v6, v45;
	[tilespmem:v50+s31+$0x0] =	vst.idx.msk $0xffff, v39;
	v47 =	vld [tilespmem:s16+$0xFFFFFE60]  }
0x13c: {  	v55 =	vadd.s32 v10, v52;
	[tilespmem:v53+s31+$0x0] =	vst.idx.msk $0xffff, v51;
	v54 =	vld [tilespmem:s16+$0xFFFFFEA0]  }
0x13d: {  	v56 =	vadd.s32 v14, v35;
	v50 =	vld [tilespmem:s16+$0xFFFFFEE0];
	[tilespmem:v60+s31+$0x0] =	vst.idx.msk $0xffff, v59  }
0x13e: {  	[tilespmem:v62+s31+$0x0] =	vst.idx.msk $0xffff, v61;
	v61 =	vld [tilespmem:s16+$0xFFFFFE20];
	v62 =	vadd.s32 v2, v33  }
0x13f: {  	v59 =	vadd.s32 v18, v34;
	[tilespmem:v58+s31+$0x0] =	vst.idx.msk $0xffff, v57;
	v58 =	vld [tilespmem:s16+$0xFFFFFF20]  }
0x140: {  	v57 =	vadd.s32 v31, v38;
	[tilespmem:v63+s31+$0x0] =	vst.idx.msk $0xffff, v47;
	v40 =	vld [tilespmem:s16+$0xFFFFFFF0]  }
0x141: {  	v60 =	vadd.s32 v26, v36;
	[tilespmem:v55+s31+$0x0] =	vst.idx.msk $0xffff, v54;
	v63 =	vld [tilespmem:s16+$0xFFFFFFA0]  }
0x142: {  	v46 =	vadd.s32 v22, v37;
	v44 =	vld [tilespmem:s16+$0xFFFFFF60];
	[tilespmem:v56+s31+$0x0] =	vst.idx.msk $0xffff, v50  }
0x143: {  	v51 =	vadd.s32 v7, v45;
	v50 =	vld [tilespmem:s16+$0xFFFFFE70];
	[tilespmem:v62+s31+$0x0] =	vst.idx.msk $0xffff, v61  }
0x144: {  	v56 =	vadd.s32 v11, v52;
	v55 =	vld [tilespmem:s16+$0xFFFFFEB0];
	[tilespmem:v59+s31+$0x0] =	vst.idx.msk $0xffff, v58  }
0x145: {  	v58 =	vadd.s32 v15, v35;
	[tilespmem:v57+s31+$0x0] =	vst.idx.msk $0xffff, v40;
	v57 =	vld [tilespmem:s16+$0xFFFFFEF0]  }
0x146: {  	[tilespmem:v60+s31+$0x0] =	vst.idx.msk $0xffff, v63;
	v60 =	vadd.s32 v19, v34;
	v59 =	vld [tilespmem:s16+$0xFFFFFF30]  }
0x147: {  	v38 =	vadd.s32 v32, v38;
	[tilespmem:v46+s31+$0x0] =	vst.idx.msk $0xffff, v44;
	v54 =	vld [tilespmem:s16+$0x0]  }
0x148: {  	v48 =	vadd.s32 v3, v33;
	s18 =	simm.s32 $0x8;
	s20 =	simm.s32 $0x9;
	v41 =	vadd.s32 v23, v37;
	[tilespmem:v51+s31+$0x0] =	vst.idx.msk $0xffff, v50;
	v40 =	vld [tilespmem:s16+$0xFFFFFF70]  }
0x149: {  	s17 =	simm.s32 $0xC;
	s5 =	simm.s32 $0xB;
	v53 =	vmov s20;
	v43 =	vadd.s32 v27, v36;
	v63 =	vmov s18;
	v42 =	vld [tilespmem:s16+$0xFFFFFFB0];
	[tilespmem:v56+s31+$0x0] =	vst.idx.msk $0xffff, v55  }
0x14a: {  	s20 =	simm.s32 $0xE;
	v47 =	vmov s17;
	v44 =	vmov s5;
	v46 =	vld [tilespmem:s16+$0xFFFFFE30];
	v39 =	vshrl.u32 v63, $0x3;
	[tilespmem:v58+s31+$0x0] =	vst.idx.msk $0xffff, v57  }
0x14b: {  	s4 =	simm.s32 $0xA;
	s18 =	simm.s32 $0xD;
	v51 =	vadd.s32 v8, v45;
	v49 =	vld [tilespmem:s16+$0xFFFFFE80];
	v45 =	vshll.u32 v39, v1;
	v39 =	vmov s20;
	[tilespmem:v60+s31+$0x0] =	vst.idx.msk $0xffff, v59  }
0x14c: {  	s15 =	simm.s32 $0xF;
	s1 =	simm.s32 $0x10;
	v52 =	vadd.s32 v12, v52;
	v50 =	vld [tilespmem:s16+$0xFFFFFEC0];
	[tilespmem:v38+s31+$0x0] =	vst.idx.msk $0xffff, v54;
	v54 =	vmov s4;
	v38 =	vmov s18  }
.LBB2_5:
0x14d: {  	p0 =	slt.u32 s1, $0x78;
	v53 =	vshrl.u32 v53, $0x3;
	v55 =	vmov s15;
	v56 =	vld [tilespmem:s16+$0xFFFFFF00];
	v35 =	vadd.s32 v16, v35;
	[tilespmem:v41+s31+$0x0] =	vst.idx.msk $0xffff, v40  }
0x14e: {  	v40 =	vshrl.u32 v54, $0x3;
	v34 =	vadd.s32 v20, v34;
	v41 =	vshrl.u32 v55, $0x3;
	v54 =	vld [tilespmem:s16+$0xFFFFFF40];
	[tilespmem:v43+s31+$0x0] =	vst.idx.msk $0xffff, v42  }
0x14f: {  	v37 =	vadd.s32 v24, v37;
	v42 =	vshrl.u32 v44, $0x3;
	v41 =	vshll.u32 v41, v1;
	[tilespmem:v48+s31+$0x0] =	vst.idx.msk $0xffff, v46;
	v43 =	vld [tilespmem:s16+$0xFFFFFF80]  }
0x150: {  	v36 =	vadd.s32 v28, v36;
	v44 =	vshrl.u32 v47, $0x3;
	v41 =	vbroadcast v41, $0x0;
	[tilespmem:v51+s31+$0x0] =	vst.idx.msk $0xffff, v49;
	v46 =	vld [tilespmem:s16+$0xFFFFFFC0]  }
0x151: {  	v47 =	vshll.u32 v53, v1;
	v49 =	vadd.s32 v4, v33;
	v33 =	vbroadcast v45, $0x0;
	v48 =	vld [tilespmem:s16+$0xFFFFFE40];
	[tilespmem:v52+s31+$0x0] =	vst.idx.msk $0xffff, v50;
	s16 =	sadd.s32 $0x200, s16  }
0x152: {  	v40 =	vshll.u32 v40, v1;
	v45 =	vbroadcast v47, $0x0;
	v47 =	vld [tilespmem:s16+$0xFFFFFFD0];
	v50 =	vadd.s32 v29, v41;
	[tilespmem:v35+s31+$0x0] =	vst.idx.msk $0xffff, v56  }
0x153: {  	v55 =	vbroadcast v40, $0x0;
	v52 =	vadd.s32 v0, v33;
	v35 =	vshll.u32 v42, v1;
	v51 =	vld [tilespmem:s16+$0xFFFFFE10];
	[tilespmem:v34+s31+$0x0] =	vst.idx.msk $0xffff, v54  }
0x154: {  	v42 =	vadd.s32 v5, v45;
	v35 =	vbroadcast v35, $0x0;
	v34 =	vshll.u32 v44, v1;
	v40 =	vld [tilespmem:s16+$0xFFFFFE50];
	[tilespmem:v37+s31+$0x0] =	vst.idx.msk $0xffff, v43  }
0x155: {  	v44 =	vadd.s32 v9, v55;
	v34 =	vbroadcast v34, $0x0;
	v37 =	vshrl.u32 v38, $0x3;
	v43 =	vld [tilespmem:s16+$0xFFFFFE90];
	[tilespmem:v36+s31+$0x0] =	vst.idx.msk $0xffff, v46  }
0x156: {  	v39 =	vshrl.u32 v39, $0x3;
	v46 =	vadd.s32 v13, v35;
	v36 =	vshll.u32 v37, v1;
	v38 =	vld [tilespmem:s16+$0xFFFFFED0];
	[tilespmem:v49+s31+$0x0] =	vst.idx.msk $0xffff, v48  }
0x157: {  	v49 =	vadd.s32 v17, v34;
	v37 =	vbroadcast v36, $0x0;
	v36 =	vshll.u32 v39, v1;
	v48 =	vld [tilespmem:s16+$0xFFFFFF10];
	[tilespmem:v50+s31+$0x0] =	vst.idx.msk $0xffff, v47  }
0x158: {  	v36 =	vbroadcast v36, $0x0;
	v47 =	vadd.s32 v30, v41;
	[tilespmem:v52+s31+$0x0] =	vst.idx.msk $0xffff, v51;
	v39 =	vld [tilespmem:s16+$0xFFFFFFE0]  }
0x159: {  	[tilespmem:v42+s31+$0x0] =	vst.idx.msk $0xffff, v40;
	v40 =	vld [tilespmem:s16+$0xFFFFFF50];
	v42 =	vadd.s32 v21, v37  }
0x15a: {  	[tilespmem:v44+s31+$0x0] =	vst.idx.msk $0xffff, v43;
	v43 =	vld [tilespmem:s16+$0xFFFFFF90];
	v44 =	vadd.s32 v25, v36  }
0x15b: {  	v51 =	vadd.s32 v6, v45;
	v50 =	vld [tilespmem:s16+$0xFFFFFE60];
	[tilespmem:v46+s31+$0x0] =	vst.idx.msk $0xffff, v38  }
0x15c: {  	v46 =	vadd.s32 v10, v55;
	v38 =	vld [tilespmem:s16+$0xFFFFFEA0];
	[tilespmem:v49+s31+$0x0] =	vst.idx.msk $0xffff, v48  }
0x15d: {  	v49 =	vadd.s32 v14, v35;
	v48 =	vld [tilespmem:s16+$0xFFFFFEE0];
	[tilespmem:v47+s31+$0x0] =	vst.idx.msk $0xffff, v39  }
0x15e: {  	[tilespmem:v42+s31+$0x0] =	vst.idx.msk $0xffff, v40;
	v39 =	vld [tilespmem:s16+$0xFFFFFFF0];
	v40 =	vadd.s32 v31, v41  }
0x15f: {  	v47 =	vadd.s32 v18, v34;
	v42 =	vld [tilespmem:s16+$0xFFFFFF20];
	[tilespmem:v44+s31+$0x0] =	vst.idx.msk $0xffff, v43  }
0x160: {  	v44 =	vadd.s32 v22, v37;
	[tilespmem:v51+s31+$0x0] =	vst.idx.msk $0xffff, v50;
	v43 =	vld [tilespmem:s16+$0xFFFFFF60]  }
0x161: {  	[tilespmem:v46+s31+$0x0] =	vst.idx.msk $0xffff, v38;
	v38 =	vld [tilespmem:s16+$0xFFFFFFA0];
	v46 =	vadd.s32 v26, v36  }
0x162: {  	v51 =	vadd.s32 v2, v33;
	v50 =	vld [tilespmem:s16+$0xFFFFFE20];
	[tilespmem:v49+s31+$0x0] =	vst.idx.msk $0xffff, v48  }
0x163: {  	v49 =	vadd.s32 v7, v45;
	v48 =	vld [tilespmem:s16+$0xFFFFFE70];
	[tilespmem:v40+s31+$0x0] =	vst.idx.msk $0xffff, v39  }
0x164: {  	[tilespmem:v47+s31+$0x0] =	vst.idx.msk $0xffff, v42;
	v39 =	vld [tilespmem:s16+$0x0];
	v47 =	vadd.s32 v32, v41  }
0x165: {  	v56 =	vadd.s32 v11, v55;
	v52 =	vld [tilespmem:s16+$0xFFFFFEB0];
	[tilespmem:v44+s31+$0x0] =	vst.idx.msk $0xffff, v43  }
0x166: {  	v58 =	vadd.s32 v15, v35;
	v57 =	vld [tilespmem:s16+$0xFFFFFEF0];
	[tilespmem:v46+s31+$0x0] =	vst.idx.msk $0xffff, v38  }
0x167: {  	v60 =	vadd.s32 v19, v34;
	[tilespmem:v51+s31+$0x0] =	vst.idx.msk $0xffff, v50;
	v59 =	vld [tilespmem:s16+$0xFFFFFF30]  }
.Ltmp1:
0x168: {  	s15 =	sadd.s32 $0x1, s1;
	v41 =	vadd.s32 v23, v37;
	v38 =	vmov s1;
	[tilespmem:v49+s31+$0x0] =	vst.idx.msk $0xffff, v48;
	v40 =	vld [tilespmem:s16+$0xFFFFFF70];
	(pc) =	sbr.rel @p0 .LBB2_5-.Ltmp1, $4  }
0x169: {  	s17 =	sadd.s32 $0x3, s1;
	v53 =	vmov s15;
	s15 =	sadd.s32 $0x2, s1;
	v43 =	vadd.s32 v27, v36;
	v50 =	vshrl.u32 v38, $0x3;
	v42 =	vld [tilespmem:s16+$0xFFFFFFB0];
	[tilespmem:v47+s31+$0x0] =	vst.idx.msk $0xffff, v39  }
0x16a: {  	v54 =	vmov s15;
	s15 =	sadd.s32 $0x4, s1;
	v44 =	vmov s17;
	s17 =	sadd.s32 $0x5, s1;
	v48 =	vadd.s32 v3, v33;
	v46 =	vld [tilespmem:s16+$0xFFFFFE30];
	[tilespmem:v56+s31+$0x0] =	vst.idx.msk $0xffff, v52  }
0x16b: {  	v38 =	vmov s17;
	v51 =	vadd.s32 v8, v45;
	v47 =	vmov s15;
	s15 =	sadd.s32 $0x6, s1;
	v49 =	vld [tilespmem:s16+$0xFFFFFE80];
	[tilespmem:v58+s31+$0x0] =	vst.idx.msk $0xffff, v57  }
0x16c: {  	v45 =	vshll.u32 v50, v1;
	v39 =	vmov s15;
	s15 =	sadd.s32 $0x7, s1;
	s1 =	sadd.s32 $0x8, s1;
	v52 =	vadd.s32 v12, v55;
	v50 =	vld [tilespmem:s16+$0xFFFFFEC0];
	[tilespmem:v60+s31+$0x0] =	vst.idx.msk $0xffff, v59  }
0x16d: {  	_ =	sdelay $0x2  }
0x16e: {  	v53 =	vshrl.u32 v53, $0x3  }
0x16f: {  	v55 =	vmov s15;
	v56 =	vld [tilespmem:s16+$0xFFFFFF00];
	v35 =	vadd.s32 v16, v35;
	[tilespmem:v41+s31+$0x0] =	vst.idx.msk $0xffff, v40;
	v34 =	vadd.s32 v20, v34  }
0x170: {  	v61 =	vshrl.u32 v54, $0x3;
	v63 =	vld [tilespmem:s16+$0xFFFFFF40];
	v37 =	vadd.s32 v24, v37;
	v36 =	vadd.s32 v28, v36;
	[tilespmem:v43+s31+$0x0] =	vst.idx.msk $0xffff, v42  }
0x171: {  	v45 =	vbroadcast v45, $0x0;
	v33 =	vadd.s32 v4, v33;
	v62 =	vshrl.u32 v55, $0x3;
	v43 =	vld [tilespmem:s16+$0xFFFFFF80];
	[tilespmem:v48+s31+$0x0] =	vst.idx.msk $0xffff, v46  }
0x172: {  	s1 =	sadd.s32 $0x200, s16;
	v38 =	vshrl.u32 v38, $0x3;
	v55 =	vshrl.u32 v44, $0x3;
	v41 =	vshll.u32 v62, v1;
	v46 =	vld [tilespmem:s16+$0xFFFFFFC0];
	[tilespmem:v51+s31+$0x0] =	vst.idx.msk $0xffff, v49  }
0x173: {  	v40 =	vshll.u32 v61, v1;
	v60 =	vld [tilespmem:s1+$0xFFFFFE10];
	v61 =	vadd.s32 v0, v45;
	v41 =	vbroadcast v41, $0x0;
	[tilespmem:v52+s31+$0x0] =	vst.idx.msk $0xffff, v50  }
0x174: {  	v44 =	vshrl.u32 v47, $0x3;
	v57 =	vshll.u32 v53, v1;
	v40 =	vbroadcast v40, $0x0;
	v48 =	vld [tilespmem:s16+$0xFFFFFE40];
	[tilespmem:v35+s31+$0x0] =	vst.idx.msk $0xffff, v56  }
0x175: {  	v58 =	vld [tilespmem:s1+$0xFFFFFFD0];
	v47 =	vbroadcast v57, $0x0;
	v42 =	vshll.u32 v55, v1;
	v59 =	vadd.s32 v29, v41;
	[tilespmem:v34+s31+$0x0] =	vst.idx.msk $0xffff, v63  }
0x176: {  	v54 =	vld [tilespmem:s1+$0xFFFFFE90];
	v44 =	vshll.u32 v44, v1;
	v42 =	vbroadcast v42, $0x0;
	v55 =	vadd.s32 v9, v40;
	[tilespmem:v37+s31+$0x0] =	vst.idx.msk $0xffff, v43  }
0x177: {  	v38 =	vshll.u32 v38, v1;
	v62 =	vld [tilespmem:s1+$0xFFFFFE50];
	v44 =	vbroadcast v44, $0x0;
	v63 =	vadd.s32 v5, v47;
	[tilespmem:v36+s31+$0x0] =	vst.idx.msk $0xffff, v46  }
0x178: {  	v39 =	vshrl.u32 v39, $0x3;
	v38 =	vbroadcast v38, $0x0;
	v36 =	vld [tilespmem:s1+$0xFFFFFED0];
	v46 =	vadd.s32 v13, v42;
	[tilespmem:v61+s31+$0x0] =	vst.idx.msk $0xffff, v60  }
0x179: {  	v39 =	vshll.u32 v39, v1;
	[tilespmem:v33+s31+$0x0] =	vst.idx.msk $0xffff, v48;
	v33 =	vld [tilespmem:s1+$0xFFFFFF10];
	v48 =	vadd.s32 v17, v44  }
0x17a: {  	v35 =	vbroadcast v39, $0x0;
	[tilespmem:v59+s31+$0x0] =	vst.idx.msk $0xffff, v58;
	v58 =	vld [tilespmem:s1+$0xFFFFFF50];
	v59 =	vadd.s32 v21, v38  }
0x17b: {  	v57 =	vadd.s32 v30, v41;
	[tilespmem:v55+s31+$0x0] =	vst.idx.msk $0xffff, v54;
	v56 =	vld [tilespmem:s1+$0xFFFFFFE0]  }
0x17c: {  	v60 =	vld [tilespmem:s1+$0xFFFFFF90];
	v61 =	vadd.s32 v25, v35;
	[tilespmem:v63+s31+$0x0] =	vst.idx.msk $0xffff, v62  }
0x17d: {  	v55 =	vadd.s32 v10, v40;
	v54 =	vld [tilespmem:s1+$0xFFFFFEA0];
	[tilespmem:v46+s31+$0x0] =	vst.idx.msk $0xffff, v36  }
0x17e: {  	v63 =	vadd.s32 v6, v47;
	v62 =	vld [tilespmem:s1+$0xFFFFFE60];
	[tilespmem:v48+s31+$0x0] =	vst.idx.msk $0xffff, v33  }
0x17f: {  	v33 =	vld [tilespmem:s1+$0xFFFFFEE0];
	v48 =	vadd.s32 v14, v42;
	[tilespmem:v59+s31+$0x0] =	vst.idx.msk $0xffff, v58  }
0x180: {  	[tilespmem:v57+s31+$0x0] =	vst.idx.msk $0xffff, v56;
	v56 =	vld [tilespmem:s1+$0xFFFFFF20];
	v57 =	vadd.s32 v18, v44  }
0x181: {  	[tilespmem:v61+s31+$0x0] =	vst.idx.msk $0xffff, v60;
	v59 =	vadd.s32 v22, v38;
	v58 =	vld [tilespmem:s1+$0xFFFFFF60]  }
0x182: {  	v39 =	vadd.s32 v31, v41;
	[tilespmem:v55+s31+$0x0] =	vst.idx.msk $0xffff, v54;
	v34 =	vld [tilespmem:s1+$0xFFFFFFF0]  }
0x183: {  	v61 =	vadd.s32 v26, v35;
	v60 =	vld [tilespmem:s1+$0xFFFFFFA0];
	[tilespmem:v63+s31+$0x0] =	vst.idx.msk $0xffff, v62  }
0x184: {  	v62 =	vld [tilespmem:s1+$0xFFFFFE20];
	v63 =	vadd.s32 v2, v45;
	[tilespmem:v48+s31+$0x0] =	vst.idx.msk $0xffff, v33  }
0x185: {  	v55 =	vadd.s32 v7, v47;
	v54 =	vld [tilespmem:s1+$0xFFFFFE70];
	[tilespmem:v57+s31+$0x0] =	vst.idx.msk $0xffff, v56  }
0x186: {  	v56 =	vadd.s32 v32, v41;
	v41 =	vld [tilespmem:s1+$0xFFFFFEB0];
	v57 =	vadd.s32 v11, v40;
	[tilespmem:v59+s31+$0x0] =	vst.idx.msk $0xffff, v58  }
0x187: {  	v37 =	vld [tilespmem:s1+$0xFFFFFEF0];
	v58 =	vadd.s32 v15, v42;
	[tilespmem:v39+s31+$0x0] =	vst.idx.msk $0xffff, v34  }
0x188: {  	[tilespmem:v61+s31+$0x0] =	vst.idx.msk $0xffff, v60;
	v34 =	vld [tilespmem:s1+$0x0]  }
0x189: {  	v60 =	vadd.s32 v19, v44;
	[tilespmem:v63+s31+$0x0] =	vst.idx.msk $0xffff, v62;
	v59 =	vld [tilespmem:s1+$0xFFFFFF30]  }
0x18a: {  	v62 =	vadd.s32 v23, v38;
	[tilespmem:v55+s31+$0x0] =	vst.idx.msk $0xffff, v54;
	v61 =	vld [tilespmem:s1+$0xFFFFFF70]  }
0x18b: {  	v63 =	vld [tilespmem:s1+$0xFFFFFFB0];
	v54 =	vadd.s32 v27, v35;
	[tilespmem:v57+s31+$0x0] =	vst.idx.msk $0xffff, v41  }
0x18c: {  	v47 =	vadd.s32 v8, v47;
	v57 =	vld [tilespmem:s1+$0xFFFFFE80];
	[tilespmem:v58+s31+$0x0] =	vst.idx.msk $0xffff, v37  }
0x18d: {  	v55 =	vld [tilespmem:s1+$0xFFFFFE30];
	[tilespmem:v56+s31+$0x0] =	vst.idx.msk $0xffff, v34;
	v56 =	vadd.s32 v3, v45  }
0x18e: {  	v40 =	vadd.s32 v12, v40;
	v58 =	vld [tilespmem:s1+$0xFFFFFEC0];
	[tilespmem:v60+s31+$0x0] =	vst.idx.msk $0xffff, v59  }
0x18f: {  	v42 =	vadd.s32 v16, v42;
	v59 =	vld [tilespmem:s1+$0xFFFFFF00];
	[tilespmem:v62+s31+$0x0] =	vst.idx.msk $0xffff, v61  }
0x190: {  	v61 =	vadd.s32 v20, v44;
	[tilespmem:v54+s31+$0x0] =	vst.idx.msk $0xffff, v63;
	v60 =	vld [tilespmem:s1+$0xFFFFFF40]  }
0x191: {  	v38 =	vadd.s32 v24, v38;
	v62 =	vld [tilespmem:s1+$0xFFFFFF80];
	[tilespmem:v47+s31+$0x0] =	vst.idx.msk $0xffff, v57  }
0x192: {  	v35 =	vadd.s32 v28, v35;
	v63 =	vld [tilespmem:s1+$0xFFFFFFC0];
	[tilespmem:v56+s31+$0x0] =	vst.idx.msk $0xffff, v55  }
0x193: {  	v49 =	vadd.s32 v4, v45;
	[tilespmem:v40+s31+$0x0] =	vst.idx.msk $0xffff, v58;
	v48 =	vld [tilespmem:s1+$0xFFFFFE40]  }
0x194: {  	[tilespmem:v42+s31+$0x0] =	vst.idx.msk $0xffff, v59  }
0x195: {  	s4 =	sshll.u32 s30, $0x14;
	s6 =	sshll.u32 s6, $0xA;
	[tilespmem:v61+s31+$0x0] =	vst.idx.msk $0xffff, v60  }
0x196: {  	[tilespmem:v38+s31+$0x0] =	vst.idx.msk $0xffff, v62;
	s1 =	sor.u32 s6, s4  }
0x197: {  	[tilespmem:v35+s31+$0x0] =	vst.idx.msk $0xffff, v63;
	s6 =	sshrl.u32 s1, $0x3  }
0x198: {  	s1 =	simm.s32 $0x0;
	s15 =	sadd.s32 s21, s6;
	[tilespmem:v49+s31+$0x0] =	vst.idx.msk $0xffff, v48  }
0x199: {  	[hbm4b:s15+s1] =	stream.linear.scatter [tilespmem:s31], [sflag:$0x3], $0x80, $0x38;
	[tilespmem:$0x14C80] =	vst v63  }
0x19a: {  	s17 =	simm.s32 $0xC508;
	s5 =	sadd.s32 $0x10, s15  }
0x19b: {  	[hbm4b:s5+s1] =	stream.linear.scatter [tilespmem:s17], [sflag:$0x3], $0x80, $0x38;
	[tilespmem:$0x14C80] =	vst v63  }
0x19c: {  	s18 =	simm.s32 $0xC590;
	s17 =	sadd.s32 $0x20, s15  }
0x19d: {  	[hbm4b:s17+s1] =	stream.linear.scatter [tilespmem:s18], [sflag:$0x3], $0x80, $0x38;
	[tilespmem:$0x14C80] =	vst v63  }
0x19e: {  	s30 =	simm.s32 $0xC618;
	s20 =	sadd.s32 $0x30, s15  }
0x19f: {  	[hbm4b:s20+s1] =	stream.linear.scatter [tilespmem:s30], [sflag:$0x3], $0x80, $0x38;
	[tilespmem:$0x14C80] =	vst v63  }
0x1a0: {  	s4 =	sadd.s32 $0x40, s15;
	s5 =	simm.s32 $0xC6A0  }
0x1a1: {  	[hbm4b:s4+s1] =	stream.linear.scatter [tilespmem:s5], [sflag:$0x3], $0x80, $0x38;
	[tilespmem:$0x14C80] =	vst v63  }
0x1a2: {  	s17 =	sadd.s32 $0x50, s15;
	s18 =	simm.s32 $0xC728  }
0x1a3: {  	[hbm4b:s17+s1] =	stream.linear.scatter [tilespmem:s18], [sflag:$0x3], $0x80, $0x38;
	[tilespmem:$0x14C80] =	vst v63  }
0x1a4: {  	s20 =	sadd.s32 $0x60, s15;
	s30 =	simm.s32 $0xC7B0  }
0x1a5: {  	[hbm4b:s20+s1] =	stream.linear.scatter [tilespmem:s30], [sflag:$0x3], $0x80, $0x38;
	[tilespmem:$0x14C80] =	vst v63  }
0x1a6: {  	s15 =	sadd.s32 $0x70, s15;
	s4 =	simm.s32 $0xC838  }
0x1a7: {  	[hbm4b:s15+s1] =	stream.linear.scatter [tilespmem:s4], [sflag:$0x3], $0x80, $0x38;
	[tilespmem:$0x14C80] =	vst v63  }
0x1a8: {  	s5 =	simm.s32 $0xC8C0;
	s15 =	sadd.s32 s6, s7  }
0x1a9: {  	[hbm4b:s15+s1] =	stream.linear.scatter [tilespmem:s5], [sflag:$0x3], $0x80, $0x38;
	[tilespmem:$0x14C80] =	vst v63  }
0x1aa: {  	s18 =	simm.s32 $0xC948;
	s17 =	sadd.s32 $0x10, s15  }
0x1ab: {  	[hbm4b:s17+s1] =	stream.linear.scatter [tilespmem:s18], [sflag:$0x3], $0x80, $0x38;
	[tilespmem:$0x14C80] =	vst v63  }
0x1ac: {  	s30 =	simm.s32 $0xC9D0;
	s20 =	sadd.s32 $0x20, s15  }
0x1ad: {  	[hbm4b:s20+s1] =	stream.linear.scatter [tilespmem:s30], [sflag:$0x3], $0x80, $0x38;
	[tilespmem:$0x14C80] =	vst v63  }
0x1ae: {  	s4 =	sadd.s32 $0x30, s15;
	s5 =	simm.s32 $0xCA58  }
0x1af: {  	[hbm4b:s4+s1] =	stream.linear.scatter [tilespmem:s5], [sflag:$0x3], $0x80, $0x38;
	[tilespmem:$0x14C80] =	vst v63  }
0x1b0: {  	s17 =	sadd.s32 $0x40, s15;
	s18 =	simm.s32 $0xCAE0  }
0x1b1: {  	[hbm4b:s17+s1] =	stream.linear.scatter [tilespmem:s18], [sflag:$0x3], $0x80, $0x38;
	[tilespmem:$0x14C80] =	vst v63  }
0x1b2: {  	s20 =	sadd.s32 $0x50, s15;
	s30 =	simm.s32 $0xCB68  }
0x1b3: {  	[hbm4b:s20+s1] =	stream.linear.scatter [tilespmem:s30], [sflag:$0x3], $0x80, $0x38;
	[tilespmem:$0x14C80] =	vst v63  }
0x1b4: {  	s4 =	sadd.s32 $0x60, s15;
	s5 =	simm.s32 $0xCBF0  }
0x1b5: {  	[hbm4b:s4+s1] =	stream.linear.scatter [tilespmem:s5], [sflag:$0x3], $0x80, $0x38;
	[tilespmem:$0x14C80] =	vst v63  }
0x1b6: {  	s15 =	sadd.s32 $0x70, s15;
	s17 =	simm.s32 $0xCC78  }
0x1b7: {  	[hbm4b:s15+s1] =	stream.linear.scatter [tilespmem:s17], [sflag:$0x3], $0x80, $0x38;
	[tilespmem:$0x14C80] =	vst v63  }
0x1b8: {  	s18 =	simm.s32 $0xCD00;
	s15 =	sadd.s32 s6, s8  }
0x1b9: {  	[hbm4b:s15+s1] =	stream.linear.scatter [tilespmem:s18], [sflag:$0x3], $0x80, $0x38;
	[tilespmem:$0x14C80] =	vst v63  }
0x1ba: {  	s30 =	simm.s32 $0xCD88;
	s20 =	sadd.s32 $0x10, s15  }
0x1bb: {  	[hbm4b:s20+s1] =	stream.linear.scatter [tilespmem:s30], [sflag:$0x3], $0x80, $0x38;
	[tilespmem:$0x14C80] =	vst v63  }
0x1bc: {  	s5 =	simm.s32 $0xCE10;
	s4 =	sadd.s32 $0x20, s15  }
0x1bd: {  	[hbm4b:s4+s1] =	stream.linear.scatter [tilespmem:s5], [sflag:$0x3], $0x80, $0x38;
	[tilespmem:$0x14C80] =	vst v63  }
0x1be: {  	s17 =	sadd.s32 $0x30, s15;
	s18 =	simm.s32 $0xCE98  }
0x1bf: {  	[hbm4b:s17+s1] =	stream.linear.scatter [tilespmem:s18], [sflag:$0x3], $0x80, $0x38;
	[tilespmem:$0x14C80] =	vst v63  }
0x1c0: {  	s20 =	sadd.s32 $0x40, s15;
	s30 =	simm.s32 $0xCF20  }
0x1c1: {  	[hbm4b:s20+s1] =	stream.linear.scatter [tilespmem:s30], [sflag:$0x3], $0x80, $0x38;
	[tilespmem:$0x14C80] =	vst v63  }
0x1c2: {  	s4 =	sadd.s32 $0x50, s15;
	s5 =	simm.s32 $0xCFA8  }
0x1c3: {  	[hbm4b:s4+s1] =	stream.linear.scatter [tilespmem:s5], [sflag:$0x3], $0x80, $0x38;
	[tilespmem:$0x14C80] =	vst v63  }
0x1c4: {  	s17 =	sadd.s32 $0x60, s15;
	s18 =	simm.s32 $0xD030  }
0x1c5: {  	[hbm4b:s17+s1] =	stream.linear.scatter [tilespmem:s18], [sflag:$0x3], $0x80, $0x38;
	[tilespmem:$0x14C80] =	vst v63  }
0x1c6: {  	s15 =	sadd.s32 $0x70, s15;
	s20 =	simm.s32 $0xD0B8  }
0x1c7: {  	[hbm4b:s15+s1] =	stream.linear.scatter [tilespmem:s20], [sflag:$0x3], $0x80, $0x38;
	[tilespmem:$0x14C80] =	vst v63  }
0x1c8: {  	s30 =	simm.s32 $0xD140;
	s15 =	sadd.s32 s6, s9  }
0x1c9: {  	[hbm4b:s15+s1] =	stream.linear.scatter [tilespmem:s30], [sflag:$0x3], $0x80, $0x38;
	[tilespmem:$0x14C80] =	vst v63  }
0x1ca: {  	s5 =	simm.s32 $0xD1C8;
	s4 =	sadd.s32 $0x10, s15  }
0x1cb: {  	[hbm4b:s4+s1] =	stream.linear.scatter [tilespmem:s5], [sflag:$0x3], $0x80, $0x38;
	[tilespmem:$0x14C80] =	vst v63  }
0x1cc: {  	s18 =	simm.s32 $0xD250;
	s17 =	sadd.s32 $0x20, s15  }
0x1cd: {  	[hbm4b:s17+s1] =	stream.linear.scatter [tilespmem:s18], [sflag:$0x3], $0x80, $0x38;
	[tilespmem:$0x14C80] =	vst v63  }
0x1ce: {  	s20 =	sadd.s32 $0x30, s15;
	s30 =	simm.s32 $0xD2D8  }
0x1cf: {  	[hbm4b:s20+s1] =	stream.linear.scatter [tilespmem:s30], [sflag:$0x3], $0x80, $0x38;
	[tilespmem:$0x14C80] =	vst v63  }
0x1d0: {  	s4 =	sadd.s32 $0x40, s15;
	s5 =	simm.s32 $0xD360  }
0x1d1: {  	[hbm4b:s4+s1] =	stream.linear.scatter [tilespmem:s5], [sflag:$0x3], $0x80, $0x38;
	[tilespmem:$0x14C80] =	vst v63  }
0x1d2: {  	s17 =	sadd.s32 $0x50, s15;
	s18 =	simm.s32 $0xD3E8  }
0x1d3: {  	[hbm4b:s17+s1] =	stream.linear.scatter [tilespmem:s18], [sflag:$0x3], $0x80, $0x38;
	[tilespmem:$0x14C80] =	vst v63  }
0x1d4: {  	s20 =	sadd.s32 $0x60, s15;
	s30 =	simm.s32 $0xD470  }
0x1d5: {  	[hbm4b:s20+s1] =	stream.linear.scatter [tilespmem:s30], [sflag:$0x3], $0x80, $0x38;
	[tilespmem:$0x14C80] =	vst v63  }
0x1d6: {  	s15 =	sadd.s32 $0x70, s15;
	s4 =	simm.s32 $0xD4F8  }
0x1d7: {  	[hbm4b:s15+s1] =	stream.linear.scatter [tilespmem:s4], [sflag:$0x3], $0x80, $0x38;
	[tilespmem:$0x14C80] =	vst v63  }
0x1d8: {  	s5 =	simm.s32 $0xD580;
	s15 =	sadd.s32 s6, s10  }
0x1d9: {  	[hbm4b:s15+s1] =	stream.linear.scatter [tilespmem:s5], [sflag:$0x3], $0x80, $0x38;
	[tilespmem:$0x14C80] =	vst v63  }
0x1da: {  	s18 =	simm.s32 $0xD608;
	s17 =	sadd.s32 $0x10, s15  }
0x1db: {  	[hbm4b:s17+s1] =	stream.linear.scatter [tilespmem:s18], [sflag:$0x3], $0x80, $0x38;
	[tilespmem:$0x14C80] =	vst v63  }
0x1dc: {  	s30 =	simm.s32 $0xD690;
	s20 =	sadd.s32 $0x20, s15  }
0x1dd: {  	[hbm4b:s20+s1] =	stream.linear.scatter [tilespmem:s30], [sflag:$0x3], $0x80, $0x38;
	[tilespmem:$0x14C80] =	vst v63  }
0x1de: {  	s4 =	sadd.s32 $0x30, s15;
	s5 =	simm.s32 $0xD718  }
0x1df: {  	[hbm4b:s4+s1] =	stream.linear.scatter [tilespmem:s5], [sflag:$0x3], $0x80, $0x38;
	[tilespmem:$0x14C80] =	vst v63  }
0x1e0: {  	s17 =	sadd.s32 $0x40, s15;
	s18 =	simm.s32 $0xD7A0  }
0x1e1: {  	[hbm4b:s17+s1] =	stream.linear.scatter [tilespmem:s18], [sflag:$0x3], $0x80, $0x38;
	[tilespmem:$0x14C80] =	vst v63  }
0x1e2: {  	s20 =	sadd.s32 $0x50, s15;
	s30 =	simm.s32 $0xD828  }
0x1e3: {  	[hbm4b:s20+s1] =	stream.linear.scatter [tilespmem:s30], [sflag:$0x3], $0x80, $0x38;
	[tilespmem:$0x14C80] =	vst v63  }
0x1e4: {  	s4 =	sadd.s32 $0x60, s15;
	s5 =	simm.s32 $0xD8B0  }
0x1e5: {  	[hbm4b:s4+s1] =	stream.linear.scatter [tilespmem:s5], [sflag:$0x3], $0x80, $0x38;
	[tilespmem:$0x14C80] =	vst v63  }
0x1e6: {  	s15 =	sadd.s32 $0x70, s15;
	s17 =	simm.s32 $0xD938  }
0x1e7: {  	[hbm4b:s15+s1] =	stream.linear.scatter [tilespmem:s17], [sflag:$0x3], $0x80, $0x38;
	[tilespmem:$0x14C80] =	vst v63  }
0x1e8: {  	s18 =	simm.s32 $0xD9C0;
	s15 =	sadd.s32 s6, s11  }
0x1e9: {  	[hbm4b:s15+s1] =	stream.linear.scatter [tilespmem:s18], [sflag:$0x3], $0x80, $0x38;
	[tilespmem:$0x14C80] =	vst v63  }
0x1ea: {  	s30 =	simm.s32 $0xDA48;
	s20 =	sadd.s32 $0x10, s15  }
0x1eb: {  	[hbm4b:s20+s1] =	stream.linear.scatter [tilespmem:s30], [sflag:$0x3], $0x80, $0x38;
	[tilespmem:$0x14C80] =	vst v63  }
0x1ec: {  	s5 =	simm.s32 $0xDAD0;
	s4 =	sadd.s32 $0x20, s15  }
0x1ed: {  	[hbm4b:s4+s1] =	stream.linear.scatter [tilespmem:s5], [sflag:$0x3], $0x80, $0x38;
	[tilespmem:$0x14C80] =	vst v63  }
0x1ee: {  	s17 =	sadd.s32 $0x30, s15;
	s18 =	simm.s32 $0xDB58  }
0x1ef: {  	[hbm4b:s17+s1] =	stream.linear.scatter [tilespmem:s18], [sflag:$0x3], $0x80, $0x38;
	[tilespmem:$0x14C80] =	vst v63  }
0x1f0: {  	s20 =	sadd.s32 $0x40, s15;
	s30 =	simm.s32 $0xDBE0  }
0x1f1: {  	[hbm4b:s20+s1] =	stream.linear.scatter [tilespmem:s30], [sflag:$0x3], $0x80, $0x38;
	[tilespmem:$0x14C80] =	vst v63  }
0x1f2: {  	s4 =	sadd.s32 $0x50, s15;
	s5 =	simm.s32 $0xDC68  }
0x1f3: {  	[hbm4b:s4+s1] =	stream.linear.scatter [tilespmem:s5], [sflag:$0x3], $0x80, $0x38;
	[tilespmem:$0x14C80] =	vst v63  }
0x1f4: {  	s17 =	sadd.s32 $0x60, s15;
	s18 =	simm.s32 $0xDCF0  }
0x1f5: {  	[hbm4b:s17+s1] =	stream.linear.scatter [tilespmem:s18], [sflag:$0x3], $0x80, $0x38;
	[tilespmem:$0x14C80] =	vst v63  }
0x1f6: {  	s15 =	sadd.s32 $0x70, s15;
	s20 =	simm.s32 $0xDD78  }
0x1f7: {  	[hbm4b:s15+s1] =	stream.linear.scatter [tilespmem:s20], [sflag:$0x3], $0x80, $0x38;
	[tilespmem:$0x14C80] =	vst v63  }
0x1f8: {  	s30 =	simm.s32 $0xDE00;
	s15 =	sadd.s32 s6, s12  }
0x1f9: {  	[hbm4b:s15+s1] =	stream.linear.scatter [tilespmem:s30], [sflag:$0x3], $0x80, $0x38;
	[tilespmem:$0x14C80] =	vst v63  }
0x1fa: {  	s5 =	simm.s32 $0xDE88;
	s4 =	sadd.s32 $0x10, s15  }
0x1fb: {  	[hbm4b:s4+s1] =	stream.linear.scatter [tilespmem:s5], [sflag:$0x3], $0x80, $0x38;
	[tilespmem:$0x14C80] =	vst v63  }
0x1fc: {  	s18 =	simm.s32 $0xDF10;
	s17 =	sadd.s32 $0x20, s15  }
0x1fd: {  	[hbm4b:s17+s1] =	stream.linear.scatter [tilespmem:s18], [sflag:$0x3], $0x80, $0x38;
	[tilespmem:$0x14C80] =	vst v63  }
0x1fe: {  	s20 =	sadd.s32 $0x30, s15;
	s30 =	simm.s32 $0xDF98  }
0x1ff: {  	[hbm4b:s20+s1] =	stream.linear.scatter [tilespmem:s30], [sflag:$0x3], $0x80, $0x38;
	[tilespmem:$0x14C80] =	vst v63  }
0x200: {  	s4 =	sadd.s32 $0x40, s15;
	s5 =	simm.s32 $0xE020  }
0x201: {  	[hbm4b:s4+s1] =	stream.linear.scatter [tilespmem:s5], [sflag:$0x3], $0x80, $0x38;
	[tilespmem:$0x14C80] =	vst v63  }
0x202: {  	s18 =	sadd.s32 $0x50, s15;
	s20 =	simm.s32 $0xE0A8  }
0x203: {  	[hbm4b:s18+s1] =	stream.linear.scatter [tilespmem:s20], [sflag:$0x3], $0x80, $0x38;
	[tilespmem:$0x14C80] =	vst v63  }
0x204: {  	s30 =	sadd.s32 $0x60, s15;
	s4 =	simm.s32 $0xE130  }
0x205: {  	[hbm4b:s30+s1] =	stream.linear.scatter [tilespmem:s4], [sflag:$0x3], $0x80, $0x38;
	[tilespmem:$0x14C80] =	vst v63  }
0x206: {  	s15 =	sadd.s32 $0x70, s15;
	s5 =	simm.s32 $0xE1B8  }
0x207: {  	[hbm4b:s15+s1] =	stream.linear.scatter [tilespmem:s5], [sflag:$0x3], $0x80, $0x38;
	[tilespmem:$0x14C80] =	vst v63  }
0x208: {  	s16 =	simm.s32 $0xE240;
	s6 =	sadd.s32 s6, s13  }
0x209: {  	[hbm4b:s6+s1] =	stream.linear.scatter [tilespmem:s16], [sflag:$0x3], $0x80, $0x38;
	[tilespmem:$0x14C80] =	vst v63  }
0x20a: {  	s17 =	sadd.s32 $0x10, s6;
	s18 =	simm.s32 $0xE2C8  }
0x20b: {  	[hbm4b:s17+s1] =	stream.linear.scatter [tilespmem:s18], [sflag:$0x3], $0x80, $0x38;
	[tilespmem:$0x14C80] =	vst v63  }
0x20c: {  	s20 =	sadd.s32 $0x20, s6;
	s30 =	simm.s32 $0xE350  }
0x20d: {  	[hbm4b:s20+s1] =	stream.linear.scatter [tilespmem:s30], [sflag:$0x3], $0x80, $0x38;
	[tilespmem:$0x14C80] =	vst v63  }
0x20e: {  	s4 =	sadd.s32 $0x30, s6;
	s5 =	simm.s32 $0xE3D8  }
0x20f: {  	[hbm4b:s4+s1] =	stream.linear.scatter [tilespmem:s5], [sflag:$0x3], $0x80, $0x38;
	[tilespmem:$0x14C80] =	vst v63  }
0x210: {  	s15 =	simm.s32 $0x1;
	s16 =	sadd.s32 $0x40, s6;
	s17 =	simm.s32 $0xE460  }
0x211: {  	[hbm4b:s16+s1] =	stream.linear.scatter [tilespmem:s17], [sflag:$0x3], $0x80, $0x38;
	[tilespmem:$0x14C80] =	vst v63  }
0x212: {  	v50 =	vmov s1;
	v51 =	vmov s15;
	s18 =	sadd.s32 $0x50, s6;
	s20 =	simm.s32 $0xE4E8;
	s30 =	sadd.s32 $0x60, s6  }
0x213: {  	v33 =	vshrl.u32 v50, $0x3;
	v34 =	vshrl.u32 v51, $0x3;
	[hbm4b:s18+s1] =	stream.linear.scatter [tilespmem:s20], [sflag:$0x3], $0x80, $0x38;
	[tilespmem:$0x14C80] =	vst v63  }
0x214: {  	v33 =	vshll.u32 v33, v1;
	v34 =	vshll.u32 v34, v1;
	s6 =	sadd.s32 $0x70, s6;
	s4 =	simm.s32 $0xE570;
	s20 =	simm.s32 $0x7  }
0x215: {  	v33 =	vbroadcast v33, $0x0;
	v45 =	vbroadcast v34, $0x0;
	[hbm4b:s30+s1] =	stream.linear.scatter [tilespmem:s4], [sflag:$0x3], $0x80, $0x38;
	[tilespmem:$0x14C80] =	vst v63  }
0x216: {  	s5 =	simm.s32 $0xE5F8;
	s16 =	simm.s32 $0x2;
	s17 =	simm.s32 $0x3;
	v55 =	vmov s20  }
0x217: {  	v57 =	vadd.s32 v0, v33;
	v60 =	vadd.s32 v5, v45;
	v38 =	vshrl.u32 v55, $0x3;
	[hbm4b:s6+s1] =	stream.linear.scatter [tilespmem:s5], [sflag:$0x3], $0x80, $0x38;
	[tilespmem:$0x14C80] =	vst v63  }
0x218: {  	v52 =	vmov s16;
	v53 =	vmov s17;
	v38 =	vshll.u32 v38, v1;
	_ =	swait.ge [sflag:s25], $0x2000  }
0x219: {  	s18 =	simm.s32 $0x4;
	v35 =	vshrl.u32 v52, $0x3;
	v36 =	vshrl.u32 v53, $0x3;
	v38 =	vbroadcast v38, $0x0;
	[sflag:s25] =	ssyncset.done $0x0  }
0x21a: {  	v54 =	vmov s18;
	v56 =	vshll.u32 v35, v1;
	v58 =	vshll.u32 v36, v1;
	s6 =	simm.s32 $0x4470;
	[sflag:s25] =	ssyncadd.s32 $0xFFFFE000  }
0x21b: {  	s30 =	simm.s32 $0x5;
	s4 =	simm.s32 $0x6;
	v37 =	vshrl.u32 v54, $0x3;
	v52 =	vbroadcast v56, $0x0;
	v42 =	vadd.s32 v29, v38;
	v41 =	vld [tilespmem:s6+$0xFFFFFFD0]  }
0x21c: {  	v35 =	vbroadcast v58, $0x0;
	v39 =	vmov s30;
	v40 =	vmov s4;
	v59 =	vld [tilespmem:s6+$0xFFFFFE50]  }
0x21d: {  	v61 =	vshll.u32 v37, v1;
	v63 =	vadd.s32 v9, v52;
	v55 =	vshrl.u32 v39, $0x3;
	v62 =	vld [tilespmem:s6+$0xFFFFFE90]  }
0x21e: {  	v34 =	vbroadcast v61, $0x0;
	v40 =	vshrl.u32 v40, $0x3;
	v36 =	vshll.u32 v55, v1;
	v43 =	vld [tilespmem:s6+$0xFFFFFE10]  }
0x21f: {  	v50 =	vadd.s32 v13, v35;
	v56 =	vshll.u32 v40, v1;
	v37 =	vbroadcast v36, $0x0;
	v39 =	vld [tilespmem:s6+$0xFFFFFED0]  }
0x220: {  	v53 =	vadd.s32 v17, v34;
	v36 =	vbroadcast v56, $0x0;
	v51 =	vld [tilespmem:s6+$0xFFFFFF10];
	[tilespmem:v42+s28+$0x0] =	vst.idx.msk $0xffff, v41  }
0x221: {  	[tilespmem:v60+s28+$0x0] =	vst.idx.msk $0xffff, v59;
	v59 =	vld [tilespmem:s6+$0xFFFFFF50];
	v60 =	vadd.s32 v21, v37  }
0x222: {  	v61 =	vld [tilespmem:s6+$0xFFFFFF90];
	[tilespmem:v63+s28+$0x0] =	vst.idx.msk $0xffff, v62;
	v62 =	vadd.s32 v25, v36  }
0x223: {  	v58 =	vadd.s32 v30, v38;
	[tilespmem:v57+s28+$0x0] =	vst.idx.msk $0xffff, v43;
	v57 =	vld [tilespmem:s6+$0xFFFFFFE0]  }
0x224: {  	v63 =	vadd.s32 v6, v45;
	[tilespmem:v50+s28+$0x0] =	vst.idx.msk $0xffff, v39;
	v47 =	vld [tilespmem:s6+$0xFFFFFE60]  }
0x225: {  	v55 =	vadd.s32 v10, v52;
	[tilespmem:v53+s28+$0x0] =	vst.idx.msk $0xffff, v51;
	v54 =	vld [tilespmem:s6+$0xFFFFFEA0]  }
0x226: {  	v56 =	vadd.s32 v14, v35;
	v50 =	vld [tilespmem:s6+$0xFFFFFEE0];
	[tilespmem:v60+s28+$0x0] =	vst.idx.msk $0xffff, v59  }
0x227: {  	[tilespmem:v62+s28+$0x0] =	vst.idx.msk $0xffff, v61;
	v61 =	vld [tilespmem:s6+$0xFFFFFE20];
	v62 =	vadd.s32 v2, v33  }
0x228: {  	v59 =	vadd.s32 v18, v34;
	[tilespmem:v58+s28+$0x0] =	vst.idx.msk $0xffff, v57;
	v58 =	vld [tilespmem:s6+$0xFFFFFF20]  }
0x229: {  	v57 =	vadd.s32 v31, v38;
	[tilespmem:v63+s28+$0x0] =	vst.idx.msk $0xffff, v47;
	v40 =	vld [tilespmem:s6+$0xFFFFFFF0]  }
0x22a: {  	v60 =	vadd.s32 v26, v36;
	[tilespmem:v55+s28+$0x0] =	vst.idx.msk $0xffff, v54;
	v63 =	vld [tilespmem:s6+$0xFFFFFFA0]  }
0x22b: {  	v46 =	vadd.s32 v22, v37;
	v44 =	vld [tilespmem:s6+$0xFFFFFF60];
	[tilespmem:v56+s28+$0x0] =	vst.idx.msk $0xffff, v50  }
0x22c: {  	v51 =	vadd.s32 v7, v45;
	v50 =	vld [tilespmem:s6+$0xFFFFFE70];
	[tilespmem:v62+s28+$0x0] =	vst.idx.msk $0xffff, v61  }
0x22d: {  	v56 =	vadd.s32 v11, v52;
	v55 =	vld [tilespmem:s6+$0xFFFFFEB0];
	[tilespmem:v59+s28+$0x0] =	vst.idx.msk $0xffff, v58  }
0x22e: {  	v58 =	vadd.s32 v15, v35;
	[tilespmem:v57+s28+$0x0] =	vst.idx.msk $0xffff, v40;
	v57 =	vld [tilespmem:s6+$0xFFFFFEF0]  }
0x22f: {  	[tilespmem:v60+s28+$0x0] =	vst.idx.msk $0xffff, v63;
	v60 =	vadd.s32 v19, v34;
	v59 =	vld [tilespmem:s6+$0xFFFFFF30]  }
0x230: {  	v38 =	vadd.s32 v32, v38;
	[tilespmem:v46+s28+$0x0] =	vst.idx.msk $0xffff, v44;
	v54 =	vld [tilespmem:s6+$0x0]  }
0x231: {  	v48 =	vadd.s32 v3, v33;
	s15 =	simm.s32 $0x9;
	s5 =	simm.s32 $0x8;
	v41 =	vadd.s32 v23, v37;
	[tilespmem:v51+s28+$0x0] =	vst.idx.msk $0xffff, v50;
	v40 =	vld [tilespmem:s6+$0xFFFFFF70]  }
0x232: {  	s17 =	simm.s32 $0xB;
	s18 =	simm.s32 $0xC;
	v53 =	vmov s15;
	v43 =	vadd.s32 v27, v36;
	v63 =	vmov s5;
	v42 =	vld [tilespmem:s6+$0xFFFFFFB0];
	[tilespmem:v56+s28+$0x0] =	vst.idx.msk $0xffff, v55  }
0x233: {  	s30 =	simm.s32 $0xE;
	v47 =	vmov s18;
	v44 =	vmov s17;
	v46 =	vld [tilespmem:s6+$0xFFFFFE30];
	v39 =	vshrl.u32 v63, $0x3;
	[tilespmem:v58+s28+$0x0] =	vst.idx.msk $0xffff, v57  }
0x234: {  	s16 =	simm.s32 $0xA;
	s20 =	simm.s32 $0xD;
	v51 =	vadd.s32 v8, v45;
	v49 =	vld [tilespmem:s6+$0xFFFFFE80];
	v45 =	vshll.u32 v39, v1;
	v39 =	vmov s30;
	[tilespmem:v60+s28+$0x0] =	vst.idx.msk $0xffff, v59  }
0x235: {  	s1 =	simm.s32 $0x10;
	s15 =	simm.s32 $0xF;
	v52 =	vadd.s32 v12, v52;
	v50 =	vld [tilespmem:s6+$0xFFFFFEC0];
	[tilespmem:v38+s28+$0x0] =	vst.idx.msk $0xffff, v54;
	v54 =	vmov s16;
	v38 =	vmov s20  }
.LBB2_7:
0x236: {  	p0 =	slt.u32 s1, $0x78;
	v53 =	vshrl.u32 v53, $0x3;
	v55 =	vmov s15;
	v56 =	vld [tilespmem:s6+$0xFFFFFF00];
	v35 =	vadd.s32 v16, v35;
	[tilespmem:v41+s28+$0x0] =	vst.idx.msk $0xffff, v40  }
0x237: {  	v40 =	vshrl.u32 v54, $0x3;
	v34 =	vadd.s32 v20, v34;
	v41 =	vshrl.u32 v55, $0x3;
	v54 =	vld [tilespmem:s6+$0xFFFFFF40];
	[tilespmem:v43+s28+$0x0] =	vst.idx.msk $0xffff, v42  }
0x238: {  	v37 =	vadd.s32 v24, v37;
	v42 =	vshrl.u32 v44, $0x3;
	v41 =	vshll.u32 v41, v1;
	[tilespmem:v48+s28+$0x0] =	vst.idx.msk $0xffff, v46;
	v43 =	vld [tilespmem:s6+$0xFFFFFF80]  }
0x239: {  	v36 =	vadd.s32 v28, v36;
	v44 =	vshrl.u32 v47, $0x3;
	v41 =	vbroadcast v41, $0x0;
	[tilespmem:v51+s28+$0x0] =	vst.idx.msk $0xffff, v49;
	v46 =	vld [tilespmem:s6+$0xFFFFFFC0]  }
0x23a: {  	v47 =	vshll.u32 v53, v1;
	v49 =	vadd.s32 v4, v33;
	v33 =	vbroadcast v45, $0x0;
	v48 =	vld [tilespmem:s6+$0xFFFFFE40];
	[tilespmem:v52+s28+$0x0] =	vst.idx.msk $0xffff, v50;
	s6 =	sadd.s32 $0x200, s6  }
0x23b: {  	v40 =	vshll.u32 v40, v1;
	v45 =	vbroadcast v47, $0x0;
	v47 =	vld [tilespmem:s6+$0xFFFFFFD0];
	v50 =	vadd.s32 v29, v41;
	[tilespmem:v35+s28+$0x0] =	vst.idx.msk $0xffff, v56  }
0x23c: {  	v55 =	vbroadcast v40, $0x0;
	v52 =	vadd.s32 v0, v33;
	v35 =	vshll.u32 v42, v1;
	v51 =	vld [tilespmem:s6+$0xFFFFFE10];
	[tilespmem:v34+s28+$0x0] =	vst.idx.msk $0xffff, v54  }
0x23d: {  	v42 =	vadd.s32 v5, v45;
	v35 =	vbroadcast v35, $0x0;
	v34 =	vshll.u32 v44, v1;
	v40 =	vld [tilespmem:s6+$0xFFFFFE50];
	[tilespmem:v37+s28+$0x0] =	vst.idx.msk $0xffff, v43  }
0x23e: {  	v44 =	vadd.s32 v9, v55;
	v34 =	vbroadcast v34, $0x0;
	v37 =	vshrl.u32 v38, $0x3;
	v43 =	vld [tilespmem:s6+$0xFFFFFE90];
	[tilespmem:v36+s28+$0x0] =	vst.idx.msk $0xffff, v46  }
0x23f: {  	v39 =	vshrl.u32 v39, $0x3;
	v46 =	vadd.s32 v13, v35;
	v36 =	vshll.u32 v37, v1;
	v38 =	vld [tilespmem:s6+$0xFFFFFED0];
	[tilespmem:v49+s28+$0x0] =	vst.idx.msk $0xffff, v48  }
0x240: {  	v49 =	vadd.s32 v17, v34;
	v37 =	vbroadcast v36, $0x0;
	v36 =	vshll.u32 v39, v1;
	v48 =	vld [tilespmem:s6+$0xFFFFFF10];
	[tilespmem:v50+s28+$0x0] =	vst.idx.msk $0xffff, v47  }
0x241: {  	v36 =	vbroadcast v36, $0x0;
	v47 =	vadd.s32 v30, v41;
	[tilespmem:v52+s28+$0x0] =	vst.idx.msk $0xffff, v51;
	v39 =	vld [tilespmem:s6+$0xFFFFFFE0]  }
0x242: {  	[tilespmem:v42+s28+$0x0] =	vst.idx.msk $0xffff, v40;
	v40 =	vld [tilespmem:s6+$0xFFFFFF50];
	v42 =	vadd.s32 v21, v37  }
0x243: {  	[tilespmem:v44+s28+$0x0] =	vst.idx.msk $0xffff, v43;
	v43 =	vld [tilespmem:s6+$0xFFFFFF90];
	v44 =	vadd.s32 v25, v36  }
0x244: {  	v51 =	vadd.s32 v6, v45;
	v50 =	vld [tilespmem:s6+$0xFFFFFE60];
	[tilespmem:v46+s28+$0x0] =	vst.idx.msk $0xffff, v38  }
0x245: {  	v46 =	vadd.s32 v10, v55;
	v38 =	vld [tilespmem:s6+$0xFFFFFEA0];
	[tilespmem:v49+s28+$0x0] =	vst.idx.msk $0xffff, v48  }
0x246: {  	v49 =	vadd.s32 v14, v35;
	v48 =	vld [tilespmem:s6+$0xFFFFFEE0];
	[tilespmem:v47+s28+$0x0] =	vst.idx.msk $0xffff, v39  }
0x247: {  	[tilespmem:v42+s28+$0x0] =	vst.idx.msk $0xffff, v40;
	v39 =	vld [tilespmem:s6+$0xFFFFFFF0];
	v40 =	vadd.s32 v31, v41  }
0x248: {  	v47 =	vadd.s32 v18, v34;
	v42 =	vld [tilespmem:s6+$0xFFFFFF20];
	[tilespmem:v44+s28+$0x0] =	vst.idx.msk $0xffff, v43  }
0x249: {  	v44 =	vadd.s32 v22, v37;
	[tilespmem:v51+s28+$0x0] =	vst.idx.msk $0xffff, v50;
	v43 =	vld [tilespmem:s6+$0xFFFFFF60]  }
0x24a: {  	[tilespmem:v46+s28+$0x0] =	vst.idx.msk $0xffff, v38;
	v38 =	vld [tilespmem:s6+$0xFFFFFFA0];
	v46 =	vadd.s32 v26, v36  }
0x24b: {  	v51 =	vadd.s32 v2, v33;
	v50 =	vld [tilespmem:s6+$0xFFFFFE20];
	[tilespmem:v49+s28+$0x0] =	vst.idx.msk $0xffff, v48  }
0x24c: {  	v49 =	vadd.s32 v7, v45;
	v48 =	vld [tilespmem:s6+$0xFFFFFE70];
	[tilespmem:v40+s28+$0x0] =	vst.idx.msk $0xffff, v39  }
0x24d: {  	[tilespmem:v47+s28+$0x0] =	vst.idx.msk $0xffff, v42;
	v39 =	vld [tilespmem:s6+$0x0];
	v47 =	vadd.s32 v32, v41  }
0x24e: {  	v56 =	vadd.s32 v11, v55;
	v52 =	vld [tilespmem:s6+$0xFFFFFEB0];
	[tilespmem:v44+s28+$0x0] =	vst.idx.msk $0xffff, v43  }
0x24f: {  	v58 =	vadd.s32 v15, v35;
	v57 =	vld [tilespmem:s6+$0xFFFFFEF0];
	[tilespmem:v46+s28+$0x0] =	vst.idx.msk $0xffff, v38  }
0x250: {  	v60 =	vadd.s32 v19, v34;
	[tilespmem:v51+s28+$0x0] =	vst.idx.msk $0xffff, v50;
	v59 =	vld [tilespmem:s6+$0xFFFFFF30]  }
.Ltmp2:
0x251: {  	s15 =	sadd.s32 $0x1, s1;
	v41 =	vadd.s32 v23, v37;
	v38 =	vmov s1;
	[tilespmem:v49+s28+$0x0] =	vst.idx.msk $0xffff, v48;
	v40 =	vld [tilespmem:s6+$0xFFFFFF70];
	(pc) =	sbr.rel @p0 .LBB2_7-.Ltmp2, $4  }
0x252: {  	s16 =	sadd.s32 $0x3, s1;
	v53 =	vmov s15;
	s15 =	sadd.s32 $0x2, s1;
	v43 =	vadd.s32 v27, v36;
	v50 =	vshrl.u32 v38, $0x3;
	v42 =	vld [tilespmem:s6+$0xFFFFFFB0];
	[tilespmem:v47+s28+$0x0] =	vst.idx.msk $0xffff, v39  }
0x253: {  	v54 =	vmov s15;
	s15 =	sadd.s32 $0x4, s1;
	v44 =	vmov s16;
	s16 =	sadd.s32 $0x5, s1;
	v48 =	vadd.s32 v3, v33;
	v46 =	vld [tilespmem:s6+$0xFFFFFE30];
	[tilespmem:v56+s28+$0x0] =	vst.idx.msk $0xffff, v52  }
0x254: {  	v38 =	vmov s16;
	v51 =	vadd.s32 v8, v45;
	v47 =	vmov s15;
	s15 =	sadd.s32 $0x6, s1;
	v49 =	vld [tilespmem:s6+$0xFFFFFE80];
	[tilespmem:v58+s28+$0x0] =	vst.idx.msk $0xffff, v57  }
0x255: {  	v45 =	vshll.u32 v50, v1;
	v39 =	vmov s15;
	s15 =	sadd.s32 $0x7, s1;
	s1 =	sadd.s32 $0x8, s1;
	v52 =	vadd.s32 v12, v55;
	v50 =	vld [tilespmem:s6+$0xFFFFFEC0];
	[tilespmem:v60+s28+$0x0] =	vst.idx.msk $0xffff, v59  }
0x256: {  	_ =	sdelay $0x2  }
0x257: {  	v53 =	vshrl.u32 v53, $0x3  }
0x258: {  	v55 =	vmov s15;
	v56 =	vld [tilespmem:s6+$0xFFFFFF00];
	v35 =	vadd.s32 v16, v35;
	[tilespmem:v41+s28+$0x0] =	vst.idx.msk $0xffff, v40;
	v34 =	vadd.s32 v20, v34  }
0x259: {  	v61 =	vshrl.u32 v54, $0x3;
	v63 =	vld [tilespmem:s6+$0xFFFFFF40];
	v37 =	vadd.s32 v24, v37;
	v36 =	vadd.s32 v28, v36;
	[tilespmem:v43+s28+$0x0] =	vst.idx.msk $0xffff, v42  }
0x25a: {  	v45 =	vbroadcast v45, $0x0;
	v33 =	vadd.s32 v4, v33;
	v62 =	vshrl.u32 v55, $0x3;
	v43 =	vld [tilespmem:s6+$0xFFFFFF80];
	[tilespmem:v48+s28+$0x0] =	vst.idx.msk $0xffff, v46  }
0x25b: {  	s1 =	sadd.s32 $0x200, s6;
	v38 =	vshrl.u32 v38, $0x3;
	v55 =	vshrl.u32 v44, $0x3;
	v41 =	vshll.u32 v62, v1;
	v46 =	vld [tilespmem:s6+$0xFFFFFFC0];
	[tilespmem:v51+s28+$0x0] =	vst.idx.msk $0xffff, v49  }
0x25c: {  	v40 =	vshll.u32 v61, v1;
	v60 =	vld [tilespmem:s1+$0xFFFFFE10];
	v61 =	vadd.s32 v0, v45;
	v41 =	vbroadcast v41, $0x0;
	[tilespmem:v52+s28+$0x0] =	vst.idx.msk $0xffff, v50  }
0x25d: {  	v44 =	vshrl.u32 v47, $0x3;
	v57 =	vshll.u32 v53, v1;
	v40 =	vbroadcast v40, $0x0;
	v48 =	vld [tilespmem:s6+$0xFFFFFE40];
	[tilespmem:v35+s28+$0x0] =	vst.idx.msk $0xffff, v56  }
0x25e: {  	v58 =	vld [tilespmem:s1+$0xFFFFFFD0];
	v47 =	vbroadcast v57, $0x0;
	v42 =	vshll.u32 v55, v1;
	v59 =	vadd.s32 v29, v41;
	[tilespmem:v34+s28+$0x0] =	vst.idx.msk $0xffff, v63  }
0x25f: {  	v54 =	vld [tilespmem:s1+$0xFFFFFE90];
	v44 =	vshll.u32 v44, v1;
	v42 =	vbroadcast v42, $0x0;
	v55 =	vadd.s32 v9, v40;
	[tilespmem:v37+s28+$0x0] =	vst.idx.msk $0xffff, v43  }
0x260: {  	v38 =	vshll.u32 v38, v1;
	v62 =	vld [tilespmem:s1+$0xFFFFFE50];
	v44 =	vbroadcast v44, $0x0;
	v63 =	vadd.s32 v5, v47;
	[tilespmem:v36+s28+$0x0] =	vst.idx.msk $0xffff, v46  }
0x261: {  	v39 =	vshrl.u32 v39, $0x3;
	v38 =	vbroadcast v38, $0x0;
	v36 =	vld [tilespmem:s1+$0xFFFFFED0];
	v46 =	vadd.s32 v13, v42;
	[tilespmem:v61+s28+$0x0] =	vst.idx.msk $0xffff, v60  }
0x262: {  	v39 =	vshll.u32 v39, v1;
	[tilespmem:v33+s28+$0x0] =	vst.idx.msk $0xffff, v48;
	v33 =	vld [tilespmem:s1+$0xFFFFFF10];
	v48 =	vadd.s32 v17, v44  }
0x263: {  	v35 =	vbroadcast v39, $0x0;
	[tilespmem:v59+s28+$0x0] =	vst.idx.msk $0xffff, v58;
	v58 =	vld [tilespmem:s1+$0xFFFFFF50];
	v59 =	vadd.s32 v21, v38  }
0x264: {  	v57 =	vadd.s32 v30, v41;
	[tilespmem:v55+s28+$0x0] =	vst.idx.msk $0xffff, v54;
	v56 =	vld [tilespmem:s1+$0xFFFFFFE0]  }
0x265: {  	v60 =	vld [tilespmem:s1+$0xFFFFFF90];
	v61 =	vadd.s32 v25, v35;
	[tilespmem:v63+s28+$0x0] =	vst.idx.msk $0xffff, v62  }
0x266: {  	v55 =	vadd.s32 v10, v40;
	v54 =	vld [tilespmem:s1+$0xFFFFFEA0];
	[tilespmem:v46+s28+$0x0] =	vst.idx.msk $0xffff, v36  }
0x267: {  	v63 =	vadd.s32 v6, v47;
	v62 =	vld [tilespmem:s1+$0xFFFFFE60];
	[tilespmem:v48+s28+$0x0] =	vst.idx.msk $0xffff, v33  }
0x268: {  	v33 =	vld [tilespmem:s1+$0xFFFFFEE0];
	v48 =	vadd.s32 v14, v42;
	[tilespmem:v59+s28+$0x0] =	vst.idx.msk $0xffff, v58  }
0x269: {  	[tilespmem:v57+s28+$0x0] =	vst.idx.msk $0xffff, v56;
	v56 =	vld [tilespmem:s1+$0xFFFFFF20];
	v57 =	vadd.s32 v18, v44  }
0x26a: {  	[tilespmem:v61+s28+$0x0] =	vst.idx.msk $0xffff, v60;
	v59 =	vadd.s32 v22, v38;
	v58 =	vld [tilespmem:s1+$0xFFFFFF60]  }
0x26b: {  	v39 =	vadd.s32 v31, v41;
	[tilespmem:v55+s28+$0x0] =	vst.idx.msk $0xffff, v54;
	v34 =	vld [tilespmem:s1+$0xFFFFFFF0]  }
0x26c: {  	v61 =	vadd.s32 v26, v35;
	v60 =	vld [tilespmem:s1+$0xFFFFFFA0];
	[tilespmem:v63+s28+$0x0] =	vst.idx.msk $0xffff, v62  }
0x26d: {  	v62 =	vld [tilespmem:s1+$0xFFFFFE20];
	v63 =	vadd.s32 v2, v45;
	[tilespmem:v48+s28+$0x0] =	vst.idx.msk $0xffff, v33  }
0x26e: {  	v55 =	vadd.s32 v7, v47;
	v54 =	vld [tilespmem:s1+$0xFFFFFE70];
	[tilespmem:v57+s28+$0x0] =	vst.idx.msk $0xffff, v56  }
0x26f: {  	v56 =	vadd.s32 v32, v41;
	v41 =	vld [tilespmem:s1+$0xFFFFFEB0];
	v57 =	vadd.s32 v11, v40;
	[tilespmem:v59+s28+$0x0] =	vst.idx.msk $0xffff, v58  }
0x270: {  	v37 =	vld [tilespmem:s1+$0xFFFFFEF0];
	v58 =	vadd.s32 v15, v42;
	[tilespmem:v39+s28+$0x0] =	vst.idx.msk $0xffff, v34  }
0x271: {  	[tilespmem:v61+s28+$0x0] =	vst.idx.msk $0xffff, v60;
	v34 =	vld [tilespmem:s1+$0x0]  }
0x272: {  	v60 =	vadd.s32 v19, v44;
	[tilespmem:v63+s28+$0x0] =	vst.idx.msk $0xffff, v62;
	v59 =	vld [tilespmem:s1+$0xFFFFFF30]  }
0x273: {  	v62 =	vadd.s32 v23, v38;
	[tilespmem:v55+s28+$0x0] =	vst.idx.msk $0xffff, v54;
	v61 =	vld [tilespmem:s1+$0xFFFFFF70]  }
0x274: {  	v63 =	vld [tilespmem:s1+$0xFFFFFFB0];
	v54 =	vadd.s32 v27, v35;
	[tilespmem:v57+s28+$0x0] =	vst.idx.msk $0xffff, v41  }
0x275: {  	v47 =	vadd.s32 v8, v47;
	v57 =	vld [tilespmem:s1+$0xFFFFFE80];
	[tilespmem:v58+s28+$0x0] =	vst.idx.msk $0xffff, v37  }
0x276: {  	v55 =	vld [tilespmem:s1+$0xFFFFFE30];
	[tilespmem:v56+s28+$0x0] =	vst.idx.msk $0xffff, v34;
	v56 =	vadd.s32 v3, v45  }
0x277: {  	v40 =	vadd.s32 v12, v40;
	v58 =	vld [tilespmem:s1+$0xFFFFFEC0];
	[tilespmem:v60+s28+$0x0] =	vst.idx.msk $0xffff, v59  }
0x278: {  	v42 =	vadd.s32 v16, v42;
	v59 =	vld [tilespmem:s1+$0xFFFFFF00];
	[tilespmem:v62+s28+$0x0] =	vst.idx.msk $0xffff, v61  }
0x279: {  	v61 =	vadd.s32 v20, v44;
	[tilespmem:v54+s28+$0x0] =	vst.idx.msk $0xffff, v63;
	v60 =	vld [tilespmem:s1+$0xFFFFFF40]  }
0x27a: {  	v38 =	vadd.s32 v24, v38;
	v62 =	vld [tilespmem:s1+$0xFFFFFF80];
	[tilespmem:v47+s28+$0x0] =	vst.idx.msk $0xffff, v57  }
0x27b: {  	v35 =	vadd.s32 v28, v35;
	v63 =	vld [tilespmem:s1+$0xFFFFFFC0];
	[tilespmem:v56+s28+$0x0] =	vst.idx.msk $0xffff, v55  }
0x27c: {  	v49 =	vadd.s32 v4, v45;
	[tilespmem:v40+s28+$0x0] =	vst.idx.msk $0xffff, v58;
	v48 =	vld [tilespmem:s1+$0xFFFFFE40]  }
0x27d: {  	[tilespmem:v42+s28+$0x0] =	vst.idx.msk $0xffff, v59  }
0x27e: {  	s24 =	sshll.u32 s24, $0x14;
	s30 =	sshll.u32 s29, $0xA;
	[tilespmem:v61+s28+$0x0] =	vst.idx.msk $0xffff, v60  }
0x27f: {  	[tilespmem:v38+s28+$0x0] =	vst.idx.msk $0xffff, v62;
	s1 =	sor.u32 s30, s24  }
0x280: {  	[tilespmem:v35+s28+$0x0] =	vst.idx.msk $0xffff, v63;
	s6 =	sshrl.u32 s1, $0x3  }
0x281: {  	s1 =	simm.s32 $0x0;
	s15 =	sadd.s32 s21, s6;
	[tilespmem:v49+s28+$0x0] =	vst.idx.msk $0xffff, v48  }
0x282: {  	[hbm4b:s15+s1] =	stream.linear.scatter [tilespmem:s28], [sflag:$0x3], $0x80, $0x38;
	[tilespmem:$0x14C80] =	vst v63  }
0x283: {  	s17 =	simm.s32 $0xE708;
	s16 =	sadd.s32 $0x10, s15  }
0x284: {  	[hbm4b:s16+s1] =	stream.linear.scatter [tilespmem:s17], [sflag:$0x3], $0x80, $0x38;
	[tilespmem:$0x14C80] =	vst v63  }
0x285: {  	s5 =	simm.s32 $0xE790;
	s4 =	sadd.s32 $0x20, s15  }
0x286: {  	[hbm4b:s4+s1] =	stream.linear.scatter [tilespmem:s5], [sflag:$0x3], $0x80, $0x38;
	[tilespmem:$0x14C80] =	vst v63  }
0x287: {  	s18 =	simm.s32 $0xE818;
	s17 =	sadd.s32 $0x30, s15  }
0x288: {  	[hbm4b:s17+s1] =	stream.linear.scatter [tilespmem:s18], [sflag:$0x3], $0x80, $0x38;
	[tilespmem:$0x14C80] =	vst v63  }
0x289: {  	s24 =	simm.s32 $0xE8A0;
	s20 =	sadd.s32 $0x40, s15  }
0x28a: {  	[hbm4b:s20+s1] =	stream.linear.scatter [tilespmem:s24], [sflag:$0x3], $0x80, $0x38;
	[tilespmem:$0x14C80] =	vst v63  }
0x28b: {  	s30 =	simm.s32 $0xE928;
	s29 =	sadd.s32 $0x50, s15  }
0x28c: {  	[hbm4b:s29+s1] =	stream.linear.scatter [tilespmem:s30], [sflag:$0x3], $0x80, $0x38;
	[tilespmem:$0x14C80] =	vst v63  }
0x28d: {  	s4 =	sadd.s32 $0x60, s15;
	s5 =	simm.s32 $0xE9B0  }
0x28e: {  	[hbm4b:s4+s1] =	stream.linear.scatter [tilespmem:s5], [sflag:$0x3], $0x80, $0x38;
	[tilespmem:$0x14C80] =	vst v63  }
0x28f: {  	s15 =	sadd.s32 $0x70, s15;
	s17 =	simm.s32 $0xEA38  }
0x290: {  	[hbm4b:s15+s1] =	stream.linear.scatter [tilespmem:s17], [sflag:$0x3], $0x80, $0x38;
	[tilespmem:$0x14C80] =	vst v63  }
0x291: {  	s18 =	simm.s32 $0xEAC0;
	s15 =	sadd.s32 s6, s7  }
0x292: {  	[hbm4b:s15+s1] =	stream.linear.scatter [tilespmem:s18], [sflag:$0x3], $0x80, $0x38;
	[tilespmem:$0x14C80] =	vst v63  }
0x293: {  	s24 =	simm.s32 $0xEB48;
	s20 =	sadd.s32 $0x10, s15  }
0x294: {  	[hbm4b:s20+s1] =	stream.linear.scatter [tilespmem:s24], [sflag:$0x3], $0x80, $0x38;
	[tilespmem:$0x14C80] =	vst v63  }
0x295: {  	s30 =	simm.s32 $0xEBD0;
	s29 =	sadd.s32 $0x20, s15  }
0x296: {  	[hbm4b:s29+s1] =	stream.linear.scatter [tilespmem:s30], [sflag:$0x3], $0x80, $0x38;
	[tilespmem:$0x14C80] =	vst v63  }
0x297: {  	s5 =	simm.s32 $0xEC58;
	s4 =	sadd.s32 $0x30, s15  }
0x298: {  	[hbm4b:s4+s1] =	stream.linear.scatter [tilespmem:s5], [sflag:$0x3], $0x80, $0x38;
	[tilespmem:$0x14C80] =	vst v63  }
0x299: {  	s17 =	sadd.s32 $0x40, s15;
	s18 =	simm.s32 $0xECE0  }
0x29a: {  	[hbm4b:s17+s1] =	stream.linear.scatter [tilespmem:s18], [sflag:$0x3], $0x80, $0x38;
	[tilespmem:$0x14C80] =	vst v63  }
0x29b: {  	s20 =	sadd.s32 $0x50, s15;
	s24 =	simm.s32 $0xED68  }
0x29c: {  	[hbm4b:s20+s1] =	stream.linear.scatter [tilespmem:s24], [sflag:$0x3], $0x80, $0x38;
	[tilespmem:$0x14C80] =	vst v63  }
0x29d: {  	s29 =	sadd.s32 $0x60, s15;
	s30 =	simm.s32 $0xEDF0  }
0x29e: {  	[hbm4b:s29+s1] =	stream.linear.scatter [tilespmem:s30], [sflag:$0x3], $0x80, $0x38;
	[tilespmem:$0x14C80] =	vst v63  }
0x29f: {  	s15 =	sadd.s32 $0x70, s15;
	s4 =	simm.s32 $0xEE78  }
0x2a0: {  	[hbm4b:s15+s1] =	stream.linear.scatter [tilespmem:s4], [sflag:$0x3], $0x80, $0x38;
	[tilespmem:$0x14C80] =	vst v63  }
0x2a1: {  	s5 =	simm.s32 $0xEF00;
	s15 =	sadd.s32 s6, s8  }
0x2a2: {  	[hbm4b:s15+s1] =	stream.linear.scatter [tilespmem:s5], [sflag:$0x3], $0x80, $0x38;
	[tilespmem:$0x14C80] =	vst v63  }
0x2a3: {  	s18 =	simm.s32 $0xEF88;
	s17 =	sadd.s32 $0x10, s15  }
0x2a4: {  	[hbm4b:s17+s1] =	stream.linear.scatter [tilespmem:s18], [sflag:$0x3], $0x80, $0x38;
	[tilespmem:$0x14C80] =	vst v63  }
0x2a5: {  	s24 =	simm.s32 $0xF010;
	s20 =	sadd.s32 $0x20, s15  }
0x2a6: {  	[hbm4b:s20+s1] =	stream.linear.scatter [tilespmem:s24], [sflag:$0x3], $0x80, $0x38;
	[tilespmem:$0x14C80] =	vst v63  }
0x2a7: {  	s30 =	simm.s32 $0xF098;
	s29 =	sadd.s32 $0x30, s15  }
0x2a8: {  	[hbm4b:s29+s1] =	stream.linear.scatter [tilespmem:s30], [sflag:$0x3], $0x80, $0x38;
	[tilespmem:$0x14C80] =	vst v63  }
0x2a9: {  	s4 =	sadd.s32 $0x40, s15;
	s5 =	simm.s32 $0xF120  }
0x2aa: {  	[hbm4b:s4+s1] =	stream.linear.scatter [tilespmem:s5], [sflag:$0x3], $0x80, $0x38;
	[tilespmem:$0x14C80] =	vst v63  }
0x2ab: {  	s17 =	sadd.s32 $0x50, s15;
	s18 =	simm.s32 $0xF1A8  }
0x2ac: {  	[hbm4b:s17+s1] =	stream.linear.scatter [tilespmem:s18], [sflag:$0x3], $0x80, $0x38;
	[tilespmem:$0x14C80] =	vst v63  }
0x2ad: {  	s20 =	sadd.s32 $0x60, s15;
	s24 =	simm.s32 $0xF230  }
0x2ae: {  	[hbm4b:s20+s1] =	stream.linear.scatter [tilespmem:s24], [sflag:$0x3], $0x80, $0x38;
	[tilespmem:$0x14C80] =	vst v63  }
0x2af: {  	s15 =	sadd.s32 $0x70, s15;
	s29 =	simm.s32 $0xF2B8  }
0x2b0: {  	[hbm4b:s15+s1] =	stream.linear.scatter [tilespmem:s29], [sflag:$0x3], $0x80, $0x38;
	[tilespmem:$0x14C80] =	vst v63  }
0x2b1: {  	s30 =	simm.s32 $0xF340;
	s15 =	sadd.s32 s6, s9  }
0x2b2: {  	[hbm4b:s15+s1] =	stream.linear.scatter [tilespmem:s30], [sflag:$0x3], $0x80, $0x38;
	[tilespmem:$0x14C80] =	vst v63  }
0x2b3: {  	s5 =	simm.s32 $0xF3C8;
	s4 =	sadd.s32 $0x10, s15  }
0x2b4: {  	[hbm4b:s4+s1] =	stream.linear.scatter [tilespmem:s5], [sflag:$0x3], $0x80, $0x38;
	[tilespmem:$0x14C80] =	vst v63  }
0x2b5: {  	s18 =	simm.s32 $0xF450;
	s17 =	sadd.s32 $0x20, s15  }
0x2b6: {  	[hbm4b:s17+s1] =	stream.linear.scatter [tilespmem:s18], [sflag:$0x3], $0x80, $0x38;
	[tilespmem:$0x14C80] =	vst v63  }
0x2b7: {  	s24 =	simm.s32 $0xF4D8;
	s20 =	sadd.s32 $0x30, s15  }
0x2b8: {  	[hbm4b:s20+s1] =	stream.linear.scatter [tilespmem:s24], [sflag:$0x3], $0x80, $0x38;
	[tilespmem:$0x14C80] =	vst v63  }
0x2b9: {  	s29 =	sadd.s32 $0x40, s15;
	s30 =	simm.s32 $0xF560  }
0x2ba: {  	[hbm4b:s29+s1] =	stream.linear.scatter [tilespmem:s30], [sflag:$0x3], $0x80, $0x38;
	[tilespmem:$0x14C80] =	vst v63  }
0x2bb: {  	s4 =	sadd.s32 $0x50, s15;
	s5 =	simm.s32 $0xF5E8  }
0x2bc: {  	[hbm4b:s4+s1] =	stream.linear.scatter [tilespmem:s5], [sflag:$0x3], $0x80, $0x38;
	[tilespmem:$0x14C80] =	vst v63  }
0x2bd: {  	s17 =	sadd.s32 $0x60, s15;
	s18 =	simm.s32 $0xF670  }
0x2be: {  	[hbm4b:s17+s1] =	stream.linear.scatter [tilespmem:s18], [sflag:$0x3], $0x80, $0x38;
	[tilespmem:$0x14C80] =	vst v63  }
0x2bf: {  	s15 =	sadd.s32 $0x70, s15;
	s20 =	simm.s32 $0xF6F8  }
0x2c0: {  	[hbm4b:s15+s1] =	stream.linear.scatter [tilespmem:s20], [sflag:$0x3], $0x80, $0x38;
	[tilespmem:$0x14C80] =	vst v63  }
0x2c1: {  	s24 =	simm.s32 $0xF780;
	s15 =	sadd.s32 s6, s10  }
0x2c2: {  	[hbm4b:s15+s1] =	stream.linear.scatter [tilespmem:s24], [sflag:$0x3], $0x80, $0x38;
	[tilespmem:$0x14C80] =	vst v63  }
0x2c3: {  	s30 =	simm.s32 $0xF808;
	s29 =	sadd.s32 $0x10, s15  }
0x2c4: {  	[hbm4b:s29+s1] =	stream.linear.scatter [tilespmem:s30], [sflag:$0x3], $0x80, $0x38;
	[tilespmem:$0x14C80] =	vst v63  }
0x2c5: {  	s5 =	simm.s32 $0xF890;
	s4 =	sadd.s32 $0x20, s15  }
0x2c6: {  	[hbm4b:s4+s1] =	stream.linear.scatter [tilespmem:s5], [sflag:$0x3], $0x80, $0x38;
	[tilespmem:$0x14C80] =	vst v63  }
0x2c7: {  	s18 =	simm.s32 $0xF918;
	s17 =	sadd.s32 $0x30, s15  }
0x2c8: {  	[hbm4b:s17+s1] =	stream.linear.scatter [tilespmem:s18], [sflag:$0x3], $0x80, $0x38;
	[tilespmem:$0x14C80] =	vst v63  }
0x2c9: {  	s20 =	sadd.s32 $0x40, s15;
	s24 =	simm.s32 $0xF9A0  }
0x2ca: {  	[hbm4b:s20+s1] =	stream.linear.scatter [tilespmem:s24], [sflag:$0x3], $0x80, $0x38;
	[tilespmem:$0x14C80] =	vst v63  }
0x2cb: {  	s29 =	sadd.s32 $0x50, s15;
	s30 =	simm.s32 $0xFA28  }
0x2cc: {  	[hbm4b:s29+s1] =	stream.linear.scatter [tilespmem:s30], [sflag:$0x3], $0x80, $0x38;
	[tilespmem:$0x14C80] =	vst v63  }
0x2cd: {  	s4 =	sadd.s32 $0x60, s15;
	s5 =	simm.s32 $0xFAB0  }
0x2ce: {  	[hbm4b:s4+s1] =	stream.linear.scatter [tilespmem:s5], [sflag:$0x3], $0x80, $0x38;
	[tilespmem:$0x14C80] =	vst v63  }
0x2cf: {  	s15 =	sadd.s32 $0x70, s15;
	s17 =	simm.s32 $0xFB38  }
0x2d0: {  	[hbm4b:s15+s1] =	stream.linear.scatter [tilespmem:s17], [sflag:$0x3], $0x80, $0x38;
	[tilespmem:$0x14C80] =	vst v63  }
0x2d1: {  	s18 =	simm.s32 $0xFBC0;
	s15 =	sadd.s32 s6, s11  }
0x2d2: {  	[hbm4b:s15+s1] =	stream.linear.scatter [tilespmem:s18], [sflag:$0x3], $0x80, $0x38;
	[tilespmem:$0x14C80] =	vst v63  }
0x2d3: {  	s24 =	simm.s32 $0xFC48;
	s20 =	sadd.s32 $0x10, s15  }
0x2d4: {  	[hbm4b:s20+s1] =	stream.linear.scatter [tilespmem:s24], [sflag:$0x3], $0x80, $0x38;
	[tilespmem:$0x14C80] =	vst v63  }
0x2d5: {  	s30 =	simm.s32 $0xFCD0;
	s29 =	sadd.s32 $0x20, s15  }
0x2d6: {  	[hbm4b:s29+s1] =	stream.linear.scatter [tilespmem:s30], [sflag:$0x3], $0x80, $0x38;
	[tilespmem:$0x14C80] =	vst v63  }
0x2d7: {  	s5 =	simm.s32 $0xFD58;
	s4 =	sadd.s32 $0x30, s15  }
0x2d8: {  	[hbm4b:s4+s1] =	stream.linear.scatter [tilespmem:s5], [sflag:$0x3], $0x80, $0x38;
	[tilespmem:$0x14C80] =	vst v63  }
0x2d9: {  	s17 =	sadd.s32 $0x40, s15;
	s18 =	simm.s32 $0xFDE0  }
0x2da: {  	[hbm4b:s17+s1] =	stream.linear.scatter [tilespmem:s18], [sflag:$0x3], $0x80, $0x38;
	[tilespmem:$0x14C80] =	vst v63  }
0x2db: {  	s20 =	sadd.s32 $0x50, s15;
	s24 =	simm.s32 $0xFE68  }
0x2dc: {  	[hbm4b:s20+s1] =	stream.linear.scatter [tilespmem:s24], [sflag:$0x3], $0x80, $0x38;
	[tilespmem:$0x14C80] =	vst v63  }
0x2dd: {  	s29 =	sadd.s32 $0x60, s15;
	s30 =	simm.s32 $0xFEF0  }
0x2de: {  	[hbm4b:s29+s1] =	stream.linear.scatter [tilespmem:s30], [sflag:$0x3], $0x80, $0x38;
	[tilespmem:$0x14C80] =	vst v63  }
0x2df: {  	s15 =	sadd.s32 $0x70, s15;
	s4 =	simm.s32 $0xFF78  }
0x2e0: {  	[hbm4b:s15+s1] =	stream.linear.scatter [tilespmem:s4], [sflag:$0x3], $0x80, $0x38;
	[tilespmem:$0x14C80] =	vst v63  }
0x2e1: {  	s5 =	simm.s32 $0x10000;
	s15 =	sadd.s32 s6, s12  }
0x2e2: {  	[hbm4b:s15+s1] =	stream.linear.scatter [tilespmem:s5], [sflag:$0x3], $0x80, $0x38;
	[tilespmem:$0x14C80] =	vst v63  }
0x2e3: {  	s18 =	simm.s32 $0x10088;
	s17 =	sadd.s32 $0x10, s15  }
0x2e4: {  	[hbm4b:s17+s1] =	stream.linear.scatter [tilespmem:s18], [sflag:$0x3], $0x80, $0x38;
	[tilespmem:$0x14C80] =	vst v63  }
0x2e5: {  	s24 =	simm.s32 $0x10110;
	s20 =	sadd.s32 $0x20, s15  }
0x2e6: {  	[hbm4b:s20+s1] =	stream.linear.scatter [tilespmem:s24], [sflag:$0x3], $0x80, $0x38;
	[tilespmem:$0x14C80] =	vst v63  }
0x2e7: {  	s30 =	simm.s32 $0x10198;
	s29 =	sadd.s32 $0x30, s15  }
0x2e8: {  	[hbm4b:s29+s1] =	stream.linear.scatter [tilespmem:s30], [sflag:$0x3], $0x80, $0x38;
	[tilespmem:$0x14C80] =	vst v63  }
0x2e9: {  	s4 =	sadd.s32 $0x40, s15;
	s5 =	simm.s32 $0x10220  }
0x2ea: {  	[hbm4b:s4+s1] =	stream.linear.scatter [tilespmem:s5], [sflag:$0x3], $0x80, $0x38;
	[tilespmem:$0x14C80] =	vst v63  }
0x2eb: {  	s17 =	sadd.s32 $0x50, s15;
	s18 =	simm.s32 $0x102A8  }
0x2ec: {  	[hbm4b:s17+s1] =	stream.linear.scatter [tilespmem:s18], [sflag:$0x3], $0x80, $0x38;
	[tilespmem:$0x14C80] =	vst v63  }
0x2ed: {  	s20 =	sadd.s32 $0x60, s15;
	s24 =	simm.s32 $0x10330  }
0x2ee: {  	[hbm4b:s20+s1] =	stream.linear.scatter [tilespmem:s24], [sflag:$0x3], $0x80, $0x38;
	[tilespmem:$0x14C80] =	vst v63  }
0x2ef: {  	s15 =	sadd.s32 $0x70, s15;
	s29 =	simm.s32 $0x103B8  }
0x2f0: {  	[hbm4b:s15+s1] =	stream.linear.scatter [tilespmem:s29], [sflag:$0x3], $0x80, $0x38;
	[tilespmem:$0x14C80] =	vst v63  }
0x2f1: {  	s6 =	sadd.s32 s6, s13;
	s30 =	simm.s32 $0x10440  }
0x2f2: {  	[hbm4b:s6+s1] =	stream.linear.scatter [tilespmem:s30], [sflag:$0x3], $0x80, $0x38;
	[tilespmem:$0x14C80] =	vst v63  }
0x2f3: {  	s4 =	sadd.s32 $0x10, s6;
	s5 =	simm.s32 $0x104C8  }
0x2f4: {  	[hbm4b:s4+s1] =	stream.linear.scatter [tilespmem:s5], [sflag:$0x3], $0x80, $0x38;
	[tilespmem:$0x14C80] =	vst v63  }
0x2f5: {  	s16 =	sadd.s32 $0x60, s6;
	s17 =	sadd.s32 $0x20, s6;
	s18 =	simm.s32 $0x10550  }
0x2f6: {  	[hbm4b:s17+s1] =	stream.linear.scatter [tilespmem:s18], [sflag:$0x3], $0x80, $0x38;
	[tilespmem:$0x14C80] =	vst v63  }
0x2f7: {  	s20 =	sadd.s32 $0x30, s6;
	s24 =	simm.s32 $0x105D8;
	s29 =	sadd.s32 $0x40, s6  }
0x2f8: {  	[hbm4b:s20+s1] =	stream.linear.scatter [tilespmem:s24], [sflag:$0x3], $0x80, $0x38;
	[tilespmem:$0x14C80] =	vst v63  }
0x2f9: {  	v50 =	vmov s1;
	s15 =	simm.s32 $0x6;
	s30 =	simm.s32 $0x10660;
	s4 =	sadd.s32 $0x50, s6  }
0x2fa: {  	v33 =	vshrl.u32 v50, $0x3;
	[hbm4b:s29+s1] =	stream.linear.scatter [tilespmem:s30], [sflag:$0x3], $0x80, $0x38;
	[tilespmem:$0x14C80] =	vst v63  }
0x2fb: {  	v33 =	vshll.u32 v33, v1;
	s5 =	simm.s32 $0x106E8;
	s6 =	sadd.s32 $0x70, s6;
	s17 =	simm.s32 $0x10770  }
0x2fc: {  	v33 =	vbroadcast v33, $0x0;
	[hbm4b:s4+s1] =	stream.linear.scatter [tilespmem:s5], [sflag:$0x3], $0x80, $0x38;
	[tilespmem:$0x14C80] =	vst v63  }
0x2fd: {  	s20 =	simm.s32 $0x1;
	s24 =	simm.s32 $0x2;
	s4 =	simm.s32 $0x7  }
0x2fe: {  	v57 =	vadd.s32 v0, v33;
	v40 =	vmov s15;
	[hbm4b:s16+s1] =	stream.linear.scatter [tilespmem:s17], [sflag:$0x3], $0x80, $0x38;
	[tilespmem:$0x14C80] =	vst v63  }
0x2ff: {  	s18 =	simm.s32 $0x107F8;
	v51 =	vmov s20;
	v52 =	vmov s24;
	s29 =	simm.s32 $0x3;
	s30 =	simm.s32 $0x4;
	v55 =	vmov s4  }
0x300: {  	v34 =	vshrl.u32 v51, $0x3;
	v35 =	vshrl.u32 v52, $0x3;
	v38 =	vshrl.u32 v55, $0x3;
	[hbm4b:s6+s1] =	stream.linear.scatter [tilespmem:s18], [sflag:$0x3], $0x80, $0x38;
	[tilespmem:$0x14C80] =	vst v63  }
0x301: {  	v53 =	vmov s29;
	v54 =	vmov s30;
	v38 =	vshll.u32 v38, v1;
	_ =	swait.ge [sflag:s25], $0x2000  }
0x302: {  	v34 =	vshll.u32 v34, v1;
	v56 =	vshll.u32 v35, v1;
	v38 =	vbroadcast v38, $0x0;
	[sflag:s25] =	ssyncset.done $0x0  }
0x303: {  	s5 =	simm.s32 $0x5;
	v36 =	vshrl.u32 v53, $0x3;
	v37 =	vshrl.u32 v54, $0x3;
	v45 =	vbroadcast v34, $0x0;
	s6 =	simm.s32 $0x6470;
	[sflag:s25] =	ssyncadd.s32 $0xFFFFE000  }
0x304: {  	v52 =	vbroadcast v56, $0x0;
	v39 =	vmov s5;
	v42 =	vadd.s32 v29, v38;
	v41 =	vld [tilespmem:s6+$0xFFFFFFD0]  }
0x305: {  	v58 =	vshll.u32 v36, v1;
	v61 =	vshll.u32 v37, v1;
	v60 =	vadd.s32 v5, v45;
	v59 =	vld [tilespmem:s6+$0xFFFFFE50]  }
0x306: {  	v35 =	vbroadcast v58, $0x0;
	v63 =	vadd.s32 v9, v52;
	v55 =	vshrl.u32 v39, $0x3;
	v62 =	vld [tilespmem:s6+$0xFFFFFE90]  }
0x307: {  	v40 =	vshrl.u32 v40, $0x3;
	v34 =	vbroadcast v61, $0x0;
	v36 =	vshll.u32 v55, v1;
	v43 =	vld [tilespmem:s6+$0xFFFFFE10]  }
0x308: {  	v56 =	vshll.u32 v40, v1;
	v50 =	vadd.s32 v13, v35;
	v37 =	vbroadcast v36, $0x0;
	v39 =	vld [tilespmem:s6+$0xFFFFFED0]  }
0x309: {  	v53 =	vadd.s32 v17, v34;
	v36 =	vbroadcast v56, $0x0;
	v51 =	vld [tilespmem:s6+$0xFFFFFF10];
	[tilespmem:v42+s3+$0x0] =	vst.idx.msk $0xffff, v41  }
0x30a: {  	[tilespmem:v60+s3+$0x0] =	vst.idx.msk $0xffff, v59;
	v59 =	vld [tilespmem:s6+$0xFFFFFF50];
	v60 =	vadd.s32 v21, v37  }
0x30b: {  	v61 =	vld [tilespmem:s6+$0xFFFFFF90];
	[tilespmem:v63+s3+$0x0] =	vst.idx.msk $0xffff, v62;
	v62 =	vadd.s32 v25, v36  }
0x30c: {  	v58 =	vadd.s32 v30, v38;
	[tilespmem:v57+s3+$0x0] =	vst.idx.msk $0xffff, v43;
	v57 =	vld [tilespmem:s6+$0xFFFFFFE0]  }
0x30d: {  	v63 =	vadd.s32 v6, v45;
	[tilespmem:v50+s3+$0x0] =	vst.idx.msk $0xffff, v39;
	v47 =	vld [tilespmem:s6+$0xFFFFFE60]  }
0x30e: {  	v55 =	vadd.s32 v10, v52;
	[tilespmem:v53+s3+$0x0] =	vst.idx.msk $0xffff, v51;
	v54 =	vld [tilespmem:s6+$0xFFFFFEA0]  }
0x30f: {  	v56 =	vadd.s32 v14, v35;
	v50 =	vld [tilespmem:s6+$0xFFFFFEE0];
	[tilespmem:v60+s3+$0x0] =	vst.idx.msk $0xffff, v59  }
0x310: {  	[tilespmem:v62+s3+$0x0] =	vst.idx.msk $0xffff, v61;
	v61 =	vld [tilespmem:s6+$0xFFFFFE20];
	v62 =	vadd.s32 v2, v33  }
0x311: {  	v59 =	vadd.s32 v18, v34;
	[tilespmem:v58+s3+$0x0] =	vst.idx.msk $0xffff, v57;
	v58 =	vld [tilespmem:s6+$0xFFFFFF20]  }
0x312: {  	v57 =	vadd.s32 v31, v38;
	[tilespmem:v63+s3+$0x0] =	vst.idx.msk $0xffff, v47;
	v40 =	vld [tilespmem:s6+$0xFFFFFFF0]  }
0x313: {  	v60 =	vadd.s32 v26, v36;
	[tilespmem:v55+s3+$0x0] =	vst.idx.msk $0xffff, v54;
	v63 =	vld [tilespmem:s6+$0xFFFFFFA0]  }
0x314: {  	v46 =	vadd.s32 v22, v37;
	v44 =	vld [tilespmem:s6+$0xFFFFFF60];
	[tilespmem:v56+s3+$0x0] =	vst.idx.msk $0xffff, v50  }
0x315: {  	v51 =	vadd.s32 v7, v45;
	v50 =	vld [tilespmem:s6+$0xFFFFFE70];
	[tilespmem:v62+s3+$0x0] =	vst.idx.msk $0xffff, v61  }
0x316: {  	v56 =	vadd.s32 v11, v52;
	v55 =	vld [tilespmem:s6+$0xFFFFFEB0];
	[tilespmem:v59+s3+$0x0] =	vst.idx.msk $0xffff, v58  }
0x317: {  	v58 =	vadd.s32 v15, v35;
	[tilespmem:v57+s3+$0x0] =	vst.idx.msk $0xffff, v40;
	v57 =	vld [tilespmem:s6+$0xFFFFFEF0]  }
0x318: {  	[tilespmem:v60+s3+$0x0] =	vst.idx.msk $0xffff, v63;
	v60 =	vadd.s32 v19, v34;
	v59 =	vld [tilespmem:s6+$0xFFFFFF30]  }
0x319: {  	v38 =	vadd.s32 v32, v38;
	[tilespmem:v46+s3+$0x0] =	vst.idx.msk $0xffff, v44;
	v54 =	vld [tilespmem:s6+$0x0]  }
0x31a: {  	v48 =	vadd.s32 v3, v33;
	s16 =	simm.s32 $0x8;
	s17 =	simm.s32 $0x9;
	v41 =	vadd.s32 v23, v37;
	[tilespmem:v51+s3+$0x0] =	vst.idx.msk $0xffff, v50;
	v40 =	vld [tilespmem:s6+$0xFFFFFF70]  }
0x31b: {  	s20 =	simm.s32 $0xB;
	s24 =	simm.s32 $0xC;
	v53 =	vmov s17;
	v43 =	vadd.s32 v27, v36;
	v63 =	vmov s16;
	v42 =	vld [tilespmem:s6+$0xFFFFFFB0];
	[tilespmem:v56+s3+$0x0] =	vst.idx.msk $0xffff, v55  }
0x31c: {  	s30 =	simm.s32 $0xE;
	v47 =	vmov s24;
	v44 =	vmov s20;
	v46 =	vld [tilespmem:s6+$0xFFFFFE30];
	v39 =	vshrl.u32 v63, $0x3;
	[tilespmem:v58+s3+$0x0] =	vst.idx.msk $0xffff, v57  }
0x31d: {  	s29 =	simm.s32 $0xD;
	s18 =	simm.s32 $0xA;
	v51 =	vadd.s32 v8, v45;
	v49 =	vld [tilespmem:s6+$0xFFFFFE80];
	v45 =	vshll.u32 v39, v1;
	v39 =	vmov s30;
	[tilespmem:v60+s3+$0x0] =	vst.idx.msk $0xffff, v59  }
0x31e: {  	s15 =	simm.s32 $0xF;
	s1 =	simm.s32 $0x10;
	v52 =	vadd.s32 v12, v52;
	v50 =	vld [tilespmem:s6+$0xFFFFFEC0];
	[tilespmem:v38+s3+$0x0] =	vst.idx.msk $0xffff, v54;
	v54 =	vmov s18;
	v38 =	vmov s29  }
.LBB2_9:
0x31f: {  	p0 =	slt.u32 s1, $0x78;
	v53 =	vshrl.u32 v53, $0x3;
	v55 =	vmov s15;
	v56 =	vld [tilespmem:s6+$0xFFFFFF00];
	v35 =	vadd.s32 v16, v35;
	[tilespmem:v41+s3+$0x0] =	vst.idx.msk $0xffff, v40  }
0x320: {  	v40 =	vshrl.u32 v54, $0x3;
	v34 =	vadd.s32 v20, v34;
	v41 =	vshrl.u32 v55, $0x3;
	v54 =	vld [tilespmem:s6+$0xFFFFFF40];
	[tilespmem:v43+s3+$0x0] =	vst.idx.msk $0xffff, v42  }
0x321: {  	v37 =	vadd.s32 v24, v37;
	v42 =	vshrl.u32 v44, $0x3;
	v41 =	vshll.u32 v41, v1;
	[tilespmem:v48+s3+$0x0] =	vst.idx.msk $0xffff, v46;
	v43 =	vld [tilespmem:s6+$0xFFFFFF80]  }
0x322: {  	v36 =	vadd.s32 v28, v36;
	v44 =	vshrl.u32 v47, $0x3;
	v41 =	vbroadcast v41, $0x0;
	[tilespmem:v51+s3+$0x0] =	vst.idx.msk $0xffff, v49;
	v46 =	vld [tilespmem:s6+$0xFFFFFFC0]  }
0x323: {  	v47 =	vshll.u32 v53, v1;
	v49 =	vadd.s32 v4, v33;
	v33 =	vbroadcast v45, $0x0;
	v48 =	vld [tilespmem:s6+$0xFFFFFE40];
	[tilespmem:v52+s3+$0x0] =	vst.idx.msk $0xffff, v50;
	s6 =	sadd.s32 $0x200, s6  }
0x324: {  	v40 =	vshll.u32 v40, v1;
	v45 =	vbroadcast v47, $0x0;
	v47 =	vld [tilespmem:s6+$0xFFFFFFD0];
	v50 =	vadd.s32 v29, v41;
	[tilespmem:v35+s3+$0x0] =	vst.idx.msk $0xffff, v56  }
0x325: {  	v55 =	vbroadcast v40, $0x0;
	v52 =	vadd.s32 v0, v33;
	v35 =	vshll.u32 v42, v1;
	v51 =	vld [tilespmem:s6+$0xFFFFFE10];
	[tilespmem:v34+s3+$0x0] =	vst.idx.msk $0xffff, v54  }
0x326: {  	v42 =	vadd.s32 v5, v45;
	v35 =	vbroadcast v35, $0x0;
	v34 =	vshll.u32 v44, v1;
	v40 =	vld [tilespmem:s6+$0xFFFFFE50];
	[tilespmem:v37+s3+$0x0] =	vst.idx.msk $0xffff, v43  }
0x327: {  	v44 =	vadd.s32 v9, v55;
	v34 =	vbroadcast v34, $0x0;
	v37 =	vshrl.u32 v38, $0x3;
	v43 =	vld [tilespmem:s6+$0xFFFFFE90];
	[tilespmem:v36+s3+$0x0] =	vst.idx.msk $0xffff, v46  }
0x328: {  	v39 =	vshrl.u32 v39, $0x3;
	v46 =	vadd.s32 v13, v35;
	v36 =	vshll.u32 v37, v1;
	v38 =	vld [tilespmem:s6+$0xFFFFFED0];
	[tilespmem:v49+s3+$0x0] =	vst.idx.msk $0xffff, v48  }
0x329: {  	v49 =	vadd.s32 v17, v34;
	v37 =	vbroadcast v36, $0x0;
	v36 =	vshll.u32 v39, v1;
	v48 =	vld [tilespmem:s6+$0xFFFFFF10];
	[tilespmem:v50+s3+$0x0] =	vst.idx.msk $0xffff, v47  }
0x32a: {  	v36 =	vbroadcast v36, $0x0;
	v47 =	vadd.s32 v30, v41;
	[tilespmem:v52+s3+$0x0] =	vst.idx.msk $0xffff, v51;
	v39 =	vld [tilespmem:s6+$0xFFFFFFE0]  }
0x32b: {  	[tilespmem:v42+s3+$0x0] =	vst.idx.msk $0xffff, v40;
	v40 =	vld [tilespmem:s6+$0xFFFFFF50];
	v42 =	vadd.s32 v21, v37  }
0x32c: {  	[tilespmem:v44+s3+$0x0] =	vst.idx.msk $0xffff, v43;
	v43 =	vld [tilespmem:s6+$0xFFFFFF90];
	v44 =	vadd.s32 v25, v36  }
0x32d: {  	v51 =	vadd.s32 v6, v45;
	v50 =	vld [tilespmem:s6+$0xFFFFFE60];
	[tilespmem:v46+s3+$0x0] =	vst.idx.msk $0xffff, v38  }
0x32e: {  	v46 =	vadd.s32 v10, v55;
	v38 =	vld [tilespmem:s6+$0xFFFFFEA0];
	[tilespmem:v49+s3+$0x0] =	vst.idx.msk $0xffff, v48  }
0x32f: {  	v49 =	vadd.s32 v14, v35;
	v48 =	vld [tilespmem:s6+$0xFFFFFEE0];
	[tilespmem:v47+s3+$0x0] =	vst.idx.msk $0xffff, v39  }
0x330: {  	[tilespmem:v42+s3+$0x0] =	vst.idx.msk $0xffff, v40;
	v39 =	vld [tilespmem:s6+$0xFFFFFFF0];
	v40 =	vadd.s32 v31, v41  }
0x331: {  	v47 =	vadd.s32 v18, v34;
	v42 =	vld [tilespmem:s6+$0xFFFFFF20];
	[tilespmem:v44+s3+$0x0] =	vst.idx.msk $0xffff, v43  }
0x332: {  	v44 =	vadd.s32 v22, v37;
	[tilespmem:v51+s3+$0x0] =	vst.idx.msk $0xffff, v50;
	v43 =	vld [tilespmem:s6+$0xFFFFFF60]  }
0x333: {  	[tilespmem:v46+s3+$0x0] =	vst.idx.msk $0xffff, v38;
	v38 =	vld [tilespmem:s6+$0xFFFFFFA0];
	v46 =	vadd.s32 v26, v36  }
0x334: {  	v51 =	vadd.s32 v2, v33;
	v50 =	vld [tilespmem:s6+$0xFFFFFE20];
	[tilespmem:v49+s3+$0x0] =	vst.idx.msk $0xffff, v48  }
0x335: {  	v49 =	vadd.s32 v7, v45;
	v48 =	vld [tilespmem:s6+$0xFFFFFE70];
	[tilespmem:v40+s3+$0x0] =	vst.idx.msk $0xffff, v39  }
0x336: {  	[tilespmem:v47+s3+$0x0] =	vst.idx.msk $0xffff, v42;
	v39 =	vld [tilespmem:s6+$0x0];
	v47 =	vadd.s32 v32, v41  }
0x337: {  	v56 =	vadd.s32 v11, v55;
	v52 =	vld [tilespmem:s6+$0xFFFFFEB0];
	[tilespmem:v44+s3+$0x0] =	vst.idx.msk $0xffff, v43  }
0x338: {  	v58 =	vadd.s32 v15, v35;
	v57 =	vld [tilespmem:s6+$0xFFFFFEF0];
	[tilespmem:v46+s3+$0x0] =	vst.idx.msk $0xffff, v38  }
0x339: {  	v60 =	vadd.s32 v19, v34;
	[tilespmem:v51+s3+$0x0] =	vst.idx.msk $0xffff, v50;
	v59 =	vld [tilespmem:s6+$0xFFFFFF30]  }
.Ltmp3:
0x33a: {  	s15 =	sadd.s32 $0x1, s1;
	v41 =	vadd.s32 v23, v37;
	v38 =	vmov s1;
	[tilespmem:v49+s3+$0x0] =	vst.idx.msk $0xffff, v48;
	v40 =	vld [tilespmem:s6+$0xFFFFFF70];
	(pc) =	sbr.rel @p0 .LBB2_9-.Ltmp3, $4  }
0x33b: {  	s16 =	sadd.s32 $0x3, s1;
	v53 =	vmov s15;
	s15 =	sadd.s32 $0x2, s1;
	v43 =	vadd.s32 v27, v36;
	v50 =	vshrl.u32 v38, $0x3;
	v42 =	vld [tilespmem:s6+$0xFFFFFFB0];
	[tilespmem:v47+s3+$0x0] =	vst.idx.msk $0xffff, v39  }
0x33c: {  	v54 =	vmov s15;
	s15 =	sadd.s32 $0x4, s1;
	v44 =	vmov s16;
	s16 =	sadd.s32 $0x5, s1;
	v48 =	vadd.s32 v3, v33;
	v46 =	vld [tilespmem:s6+$0xFFFFFE30];
	[tilespmem:v56+s3+$0x0] =	vst.idx.msk $0xffff, v52  }
0x33d: {  	v38 =	vmov s16;
	v51 =	vadd.s32 v8, v45;
	v47 =	vmov s15;
	s15 =	sadd.s32 $0x6, s1;
	v49 =	vld [tilespmem:s6+$0xFFFFFE80];
	[tilespmem:v58+s3+$0x0] =	vst.idx.msk $0xffff, v57  }
0x33e: {  	v45 =	vshll.u32 v50, v1;
	v39 =	vmov s15;
	s15 =	sadd.s32 $0x7, s1;
	s1 =	sadd.s32 $0x8, s1;
	v52 =	vadd.s32 v12, v55;
	v50 =	vld [tilespmem:s6+$0xFFFFFEC0];
	[tilespmem:v60+s3+$0x0] =	vst.idx.msk $0xffff, v59  }
0x33f: {  	_ =	sdelay $0x2  }
0x340: {  	v53 =	vshrl.u32 v53, $0x3;
	v55 =	vmov s15  }
0x341: {  	v56 =	vld [tilespmem:s6+$0xFFFFFF00];
	v35 =	vadd.s32 v16, v35;
	[tilespmem:v41+s3+$0x0] =	vst.idx.msk $0xffff, v40;
	v61 =	vshrl.u32 v54, $0x3;
	v34 =	vadd.s32 v20, v34  }
0x342: {  	v63 =	vld [tilespmem:s6+$0xFFFFFF40];
	v37 =	vadd.s32 v24, v37;
	v36 =	vadd.s32 v28, v36;
	v45 =	vbroadcast v45, $0x0;
	[tilespmem:v43+s3+$0x0] =	vst.idx.msk $0xffff, v42  }
0x343: {  	v33 =	vadd.s32 v4, v33;
	v38 =	vshrl.u32 v38, $0x3;
	v39 =	vshrl.u32 v39, $0x3;
	v43 =	vld [tilespmem:s6+$0xFFFFFF80];
	[tilespmem:v48+s3+$0x0] =	vst.idx.msk $0xffff, v46  }
0x344: {  	s1 =	sadd.s32 $0x200, s6;
	v62 =	vshrl.u32 v55, $0x3;
	v55 =	vshrl.u32 v44, $0x3;
	v40 =	vshll.u32 v61, v1;
	v46 =	vld [tilespmem:s6+$0xFFFFFFC0];
	[tilespmem:v51+s3+$0x0] =	vst.idx.msk $0xffff, v49  }
0x345: {  	v60 =	vld [tilespmem:s1+$0xFFFFFE10];
	v41 =	vshll.u32 v62, v1;
	v61 =	vadd.s32 v0, v45;
	v40 =	vbroadcast v40, $0x0;
	[tilespmem:v52+s3+$0x0] =	vst.idx.msk $0xffff, v50  }
0x346: {  	v44 =	vshrl.u32 v47, $0x3;
	v57 =	vshll.u32 v53, v1;
	v41 =	vbroadcast v41, $0x0;
	v48 =	vld [tilespmem:s6+$0xFFFFFE40];
	[tilespmem:v35+s3+$0x0] =	vst.idx.msk $0xffff, v56  }
0x347: {  	v54 =	vld [tilespmem:s1+$0xFFFFFE90];
	v47 =	vbroadcast v57, $0x0;
	v42 =	vshll.u32 v55, v1;
	v55 =	vadd.s32 v9, v40;
	[tilespmem:v34+s3+$0x0] =	vst.idx.msk $0xffff, v63  }
0x348: {  	v58 =	vld [tilespmem:s1+$0xFFFFFFD0];
	v39 =	vshll.u32 v39, v1;
	v42 =	vbroadcast v42, $0x0;
	v59 =	vadd.s32 v29, v41;
	[tilespmem:v37+s3+$0x0] =	vst.idx.msk $0xffff, v43  }
0x349: {  	v62 =	vld [tilespmem:s1+$0xFFFFFE50];
	v44 =	vshll.u32 v44, v1;
	v63 =	vadd.s32 v5, v47;
	v35 =	vbroadcast v39, $0x0;
	[tilespmem:v36+s3+$0x0] =	vst.idx.msk $0xffff, v46  }
0x34a: {  	v38 =	vshll.u32 v38, v1;
	v44 =	vbroadcast v44, $0x0;
	v36 =	vld [tilespmem:s1+$0xFFFFFED0];
	v46 =	vadd.s32 v13, v42;
	[tilespmem:v61+s3+$0x0] =	vst.idx.msk $0xffff, v60  }
0x34b: {  	v38 =	vbroadcast v38, $0x0;
	v60 =	vld [tilespmem:s1+$0xFFFFFF90];
	v61 =	vadd.s32 v25, v35;
	[tilespmem:v33+s3+$0x0] =	vst.idx.msk $0xffff, v48  }
0x34c: {  	v33 =	vld [tilespmem:s1+$0xFFFFFF10];
	v48 =	vadd.s32 v17, v44;
	[tilespmem:v55+s3+$0x0] =	vst.idx.msk $0xffff, v54  }
0x34d: {  	[tilespmem:v59+s3+$0x0] =	vst.idx.msk $0xffff, v58;
	v58 =	vld [tilespmem:s1+$0xFFFFFF50];
	v59 =	vadd.s32 v21, v38  }
0x34e: {  	v57 =	vadd.s32 v30, v41;
	[tilespmem:v63+s3+$0x0] =	vst.idx.msk $0xffff, v62;
	v56 =	vld [tilespmem:s1+$0xFFFFFFE0]  }
0x34f: {  	v55 =	vadd.s32 v10, v40;
	v54 =	vld [tilespmem:s1+$0xFFFFFEA0];
	[tilespmem:v46+s3+$0x0] =	vst.idx.msk $0xffff, v36  }
0x350: {  	v63 =	vadd.s32 v6, v47;
	v62 =	vld [tilespmem:s1+$0xFFFFFE60];
	[tilespmem:v61+s3+$0x0] =	vst.idx.msk $0xffff, v60  }
0x351: {  	[tilespmem:v48+s3+$0x0] =	vst.idx.msk $0xffff, v33;
	v33 =	vld [tilespmem:s1+$0xFFFFFEE0];
	v48 =	vadd.s32 v14, v42  }
0x352: {  	v61 =	vadd.s32 v26, v35;
	v60 =	vld [tilespmem:s1+$0xFFFFFFA0];
	[tilespmem:v59+s3+$0x0] =	vst.idx.msk $0xffff, v58  }
0x353: {  	[tilespmem:v57+s3+$0x0] =	vst.idx.msk $0xffff, v56;
	v56 =	vld [tilespmem:s1+$0xFFFFFF20];
	v57 =	vadd.s32 v18, v44  }
0x354: {  	v59 =	vadd.s32 v22, v38;
	[tilespmem:v55+s3+$0x0] =	vst.idx.msk $0xffff, v54;
	v58 =	vld [tilespmem:s1+$0xFFFFFF60]  }
0x355: {  	[tilespmem:v63+s3+$0x0] =	vst.idx.msk $0xffff, v62;
	v62 =	vld [tilespmem:s1+$0xFFFFFE20];
	v63 =	vadd.s32 v2, v45  }
0x356: {  	v39 =	vadd.s32 v31, v41;
	v34 =	vld [tilespmem:s1+$0xFFFFFFF0];
	[tilespmem:v48+s3+$0x0] =	vst.idx.msk $0xffff, v33  }
0x357: {  	v55 =	vadd.s32 v7, v47;
	v54 =	vld [tilespmem:s1+$0xFFFFFE70];
	[tilespmem:v61+s3+$0x0] =	vst.idx.msk $0xffff, v60  }
0x358: {  	[tilespmem:v57+s3+$0x0] =	vst.idx.msk $0xffff, v56;
	v56 =	vadd.s32 v32, v41;
	v41 =	vld [tilespmem:s1+$0xFFFFFEB0];
	v57 =	vadd.s32 v11, v40  }
0x359: {  	v37 =	vld [tilespmem:s1+$0xFFFFFEF0];
	[tilespmem:v59+s3+$0x0] =	vst.idx.msk $0xffff, v58;
	v58 =	vadd.s32 v15, v42  }
0x35a: {  	v60 =	vadd.s32 v19, v44;
	[tilespmem:v63+s3+$0x0] =	vst.idx.msk $0xffff, v62;
	v59 =	vld [tilespmem:s1+$0xFFFFFF30]  }
0x35b: {  	v62 =	vadd.s32 v23, v38;
	[tilespmem:v39+s3+$0x0] =	vst.idx.msk $0xffff, v34;
	v61 =	vld [tilespmem:s1+$0xFFFFFF70]  }
0x35c: {  	[tilespmem:v55+s3+$0x0] =	vst.idx.msk $0xffff, v54;
	v34 =	vld [tilespmem:s1+$0x0]  }
0x35d: {  	v63 =	vld [tilespmem:s1+$0xFFFFFFB0];
	v54 =	vadd.s32 v27, v35;
	[tilespmem:v57+s3+$0x0] =	vst.idx.msk $0xffff, v41  }
0x35e: {  	v47 =	vadd.s32 v8, v47;
	v57 =	vld [tilespmem:s1+$0xFFFFFE80];
	[tilespmem:v58+s3+$0x0] =	vst.idx.msk $0xffff, v37  }
0x35f: {  	v40 =	vadd.s32 v12, v40;
	v58 =	vld [tilespmem:s1+$0xFFFFFEC0];
	[tilespmem:v60+s3+$0x0] =	vst.idx.msk $0xffff, v59  }
0x360: {  	v42 =	vadd.s32 v16, v42;
	v59 =	vld [tilespmem:s1+$0xFFFFFF00];
	[tilespmem:v62+s3+$0x0] =	vst.idx.msk $0xffff, v61  }
0x361: {  	v55 =	vld [tilespmem:s1+$0xFFFFFE30];
	[tilespmem:v56+s3+$0x0] =	vst.idx.msk $0xffff, v34;
	v56 =	vadd.s32 v3, v45  }
0x362: {  	v61 =	vadd.s32 v20, v44;
	[tilespmem:v54+s3+$0x0] =	vst.idx.msk $0xffff, v63;
	v60 =	vld [tilespmem:s1+$0xFFFFFF40]  }
0x363: {  	[tilespmem:v47+s3+$0x0] =	vst.idx.msk $0xffff, v57  }
0x364: {  	[tilespmem:v40+s3+$0x0] =	vst.idx.msk $0xffff, v58  }
0x365: {  	[tilespmem:v42+s3+$0x0] =	vst.idx.msk $0xffff, v59  }
0x366: {  	v38 =	vadd.s32 v24, v38;
	v62 =	vld [tilespmem:s1+$0xFFFFFF80];
	[tilespmem:v56+s3+$0x0] =	vst.idx.msk $0xffff, v55  }
0x367: {  	v35 =	vadd.s32 v28, v35;
	v63 =	vld [tilespmem:s1+$0xFFFFFFC0];
	[tilespmem:v61+s3+$0x0] =	vst.idx.msk $0xffff, v60  }
0x368: {  	v49 =	vadd.s32 v4, v45;
	v48 =	vld [tilespmem:s1+$0xFFFFFE40];
	s29 =	rddreg [dreg:$0xa]  }
0x369: {  	s4 =	rddreg [dreg:$0xb]  }
0x36a: {  	s1 =	sshll.u32 s29, $0x14;
	s30 =	sshll.u32 s4, $0xA  }
0x36b: {  	[tilespmem:v38+s3+$0x0] =	vst.idx.msk $0xffff, v62;
	s1 =	sor.u32 s30, s1  }
0x36c: {  	[tilespmem:v35+s3+$0x0] =	vst.idx.msk $0xffff, v63;
	s6 =	sshrl.u32 s1, $0x3  }
0x36d: {  	s1 =	simm.s32 $0x0;
	s15 =	sadd.s32 s21, s6;
	[tilespmem:v49+s3+$0x0] =	vst.idx.msk $0xffff, v48  }
0x36e: {  	[hbm4b:s15+s1] =	stream.linear.scatter [tilespmem:s3], [sflag:$0x3], $0x80, $0x38;
	[tilespmem:$0x14C80] =	vst v63  }
0x36f: {  	s17 =	simm.s32 $0x10908;
	s16 =	sadd.s32 $0x10, s15  }
0x370: {  	[hbm4b:s16+s1] =	stream.linear.scatter [tilespmem:s17], [sflag:$0x3], $0x80, $0x38;
	[tilespmem:$0x14C80] =	vst v63  }
0x371: {  	s5 =	simm.s32 $0x10990;
	s4 =	sadd.s32 $0x20, s15  }
0x372: {  	[hbm4b:s4+s1] =	stream.linear.scatter [tilespmem:s5], [sflag:$0x3], $0x80, $0x38;
	[tilespmem:$0x14C80] =	vst v63  }
0x373: {  	s18 =	simm.s32 $0x10A18;
	s17 =	sadd.s32 $0x30, s15  }
0x374: {  	[hbm4b:s17+s1] =	stream.linear.scatter [tilespmem:s18], [sflag:$0x3], $0x80, $0x38;
	[tilespmem:$0x14C80] =	vst v63  }
0x375: {  	s24 =	simm.s32 $0x10AA0;
	s20 =	sadd.s32 $0x40, s15  }
0x376: {  	[hbm4b:s20+s1] =	stream.linear.scatter [tilespmem:s24], [sflag:$0x3], $0x80, $0x38;
	[tilespmem:$0x14C80] =	vst v63  }
0x377: {  	s30 =	simm.s32 $0x10B28;
	s29 =	sadd.s32 $0x50, s15  }
0x378: {  	[hbm4b:s29+s1] =	stream.linear.scatter [tilespmem:s30], [sflag:$0x3], $0x80, $0x38;
	[tilespmem:$0x14C80] =	vst v63  }
0x379: {  	s4 =	sadd.s32 $0x60, s15;
	s5 =	simm.s32 $0x10BB0  }
0x37a: {  	[hbm4b:s4+s1] =	stream.linear.scatter [tilespmem:s5], [sflag:$0x3], $0x80, $0x38;
	[tilespmem:$0x14C80] =	vst v63  }
0x37b: {  	s15 =	sadd.s32 $0x70, s15;
	s17 =	simm.s32 $0x10C38  }
0x37c: {  	[hbm4b:s15+s1] =	stream.linear.scatter [tilespmem:s17], [sflag:$0x3], $0x80, $0x38;
	[tilespmem:$0x14C80] =	vst v63  }
0x37d: {  	s18 =	simm.s32 $0x10CC0;
	s15 =	sadd.s32 s6, s7  }
0x37e: {  	[hbm4b:s15+s1] =	stream.linear.scatter [tilespmem:s18], [sflag:$0x3], $0x80, $0x38;
	[tilespmem:$0x14C80] =	vst v63  }
0x37f: {  	s24 =	simm.s32 $0x10D48;
	s20 =	sadd.s32 $0x10, s15  }
0x380: {  	[hbm4b:s20+s1] =	stream.linear.scatter [tilespmem:s24], [sflag:$0x3], $0x80, $0x38;
	[tilespmem:$0x14C80] =	vst v63  }
0x381: {  	s30 =	simm.s32 $0x10DD0;
	s29 =	sadd.s32 $0x20, s15  }
0x382: {  	[hbm4b:s29+s1] =	stream.linear.scatter [tilespmem:s30], [sflag:$0x3], $0x80, $0x38;
	[tilespmem:$0x14C80] =	vst v63  }
0x383: {  	s5 =	simm.s32 $0x10E58;
	s4 =	sadd.s32 $0x30, s15  }
0x384: {  	[hbm4b:s4+s1] =	stream.linear.scatter [tilespmem:s5], [sflag:$0x3], $0x80, $0x38;
	[tilespmem:$0x14C80] =	vst v63  }
0x385: {  	s17 =	sadd.s32 $0x40, s15;
	s18 =	simm.s32 $0x10EE0  }
0x386: {  	[hbm4b:s17+s1] =	stream.linear.scatter [tilespmem:s18], [sflag:$0x3], $0x80, $0x38;
	[tilespmem:$0x14C80] =	vst v63  }
0x387: {  	s20 =	sadd.s32 $0x50, s15;
	s24 =	simm.s32 $0x10F68  }
0x388: {  	[hbm4b:s20+s1] =	stream.linear.scatter [tilespmem:s24], [sflag:$0x3], $0x80, $0x38;
	[tilespmem:$0x14C80] =	vst v63  }
0x389: {  	s29 =	sadd.s32 $0x60, s15;
	s30 =	simm.s32 $0x10FF0  }
0x38a: {  	[hbm4b:s29+s1] =	stream.linear.scatter [tilespmem:s30], [sflag:$0x3], $0x80, $0x38;
	[tilespmem:$0x14C80] =	vst v63  }
0x38b: {  	s15 =	sadd.s32 $0x70, s15;
	s4 =	simm.s32 $0x11078  }
0x38c: {  	[hbm4b:s15+s1] =	stream.linear.scatter [tilespmem:s4], [sflag:$0x3], $0x80, $0x38;
	[tilespmem:$0x14C80] =	vst v63  }
0x38d: {  	s5 =	simm.s32 $0x11100;
	s15 =	sadd.s32 s6, s8  }
0x38e: {  	[hbm4b:s15+s1] =	stream.linear.scatter [tilespmem:s5], [sflag:$0x3], $0x80, $0x38;
	[tilespmem:$0x14C80] =	vst v63  }
0x38f: {  	s18 =	simm.s32 $0x11188;
	s17 =	sadd.s32 $0x10, s15  }
0x390: {  	[hbm4b:s17+s1] =	stream.linear.scatter [tilespmem:s18], [sflag:$0x3], $0x80, $0x38;
	[tilespmem:$0x14C80] =	vst v63  }
0x391: {  	s24 =	simm.s32 $0x11210;
	s20 =	sadd.s32 $0x20, s15  }
0x392: {  	[hbm4b:s20+s1] =	stream.linear.scatter [tilespmem:s24], [sflag:$0x3], $0x80, $0x38;
	[tilespmem:$0x14C80] =	vst v63  }
0x393: {  	s30 =	simm.s32 $0x11298;
	s29 =	sadd.s32 $0x30, s15  }
0x394: {  	[hbm4b:s29+s1] =	stream.linear.scatter [tilespmem:s30], [sflag:$0x3], $0x80, $0x38;
	[tilespmem:$0x14C80] =	vst v63  }
0x395: {  	s4 =	sadd.s32 $0x40, s15;
	s5 =	simm.s32 $0x11320  }
0x396: {  	[hbm4b:s4+s1] =	stream.linear.scatter [tilespmem:s5], [sflag:$0x3], $0x80, $0x38;
	[tilespmem:$0x14C80] =	vst v63  }
0x397: {  	s17 =	sadd.s32 $0x50, s15;
	s18 =	simm.s32 $0x113A8  }
0x398: {  	[hbm4b:s17+s1] =	stream.linear.scatter [tilespmem:s18], [sflag:$0x3], $0x80, $0x38;
	[tilespmem:$0x14C80] =	vst v63  }
0x399: {  	s20 =	sadd.s32 $0x60, s15;
	s24 =	simm.s32 $0x11430  }
0x39a: {  	[hbm4b:s20+s1] =	stream.linear.scatter [tilespmem:s24], [sflag:$0x3], $0x80, $0x38;
	[tilespmem:$0x14C80] =	vst v63  }
0x39b: {  	s15 =	sadd.s32 $0x70, s15;
	s29 =	simm.s32 $0x114B8  }
0x39c: {  	[hbm4b:s15+s1] =	stream.linear.scatter [tilespmem:s29], [sflag:$0x3], $0x80, $0x38;
	[tilespmem:$0x14C80] =	vst v63  }
0x39d: {  	s30 =	simm.s32 $0x11540;
	s15 =	sadd.s32 s6, s9  }
0x39e: {  	[hbm4b:s15+s1] =	stream.linear.scatter [tilespmem:s30], [sflag:$0x3], $0x80, $0x38;
	[tilespmem:$0x14C80] =	vst v63  }
0x39f: {  	s5 =	simm.s32 $0x115C8;
	s4 =	sadd.s32 $0x10, s15  }
0x3a0: {  	[hbm4b:s4+s1] =	stream.linear.scatter [tilespmem:s5], [sflag:$0x3], $0x80, $0x38;
	[tilespmem:$0x14C80] =	vst v63  }
0x3a1: {  	s18 =	simm.s32 $0x11650;
	s17 =	sadd.s32 $0x20, s15  }
0x3a2: {  	[hbm4b:s17+s1] =	stream.linear.scatter [tilespmem:s18], [sflag:$0x3], $0x80, $0x38;
	[tilespmem:$0x14C80] =	vst v63  }
0x3a3: {  	s24 =	simm.s32 $0x116D8;
	s20 =	sadd.s32 $0x30, s15  }
0x3a4: {  	[hbm4b:s20+s1] =	stream.linear.scatter [tilespmem:s24], [sflag:$0x3], $0x80, $0x38;
	[tilespmem:$0x14C80] =	vst v63  }
0x3a5: {  	s29 =	sadd.s32 $0x40, s15;
	s30 =	simm.s32 $0x11760  }
0x3a6: {  	[hbm4b:s29+s1] =	stream.linear.scatter [tilespmem:s30], [sflag:$0x3], $0x80, $0x38;
	[tilespmem:$0x14C80] =	vst v63  }
0x3a7: {  	s4 =	sadd.s32 $0x50, s15;
	s5 =	simm.s32 $0x117E8  }
0x3a8: {  	[hbm4b:s4+s1] =	stream.linear.scatter [tilespmem:s5], [sflag:$0x3], $0x80, $0x38;
	[tilespmem:$0x14C80] =	vst v63  }
0x3a9: {  	s17 =	sadd.s32 $0x60, s15;
	s18 =	simm.s32 $0x11870  }
0x3aa: {  	[hbm4b:s17+s1] =	stream.linear.scatter [tilespmem:s18], [sflag:$0x3], $0x80, $0x38;
	[tilespmem:$0x14C80] =	vst v63  }
0x3ab: {  	s15 =	sadd.s32 $0x70, s15;
	s20 =	simm.s32 $0x118F8  }
0x3ac: {  	[hbm4b:s15+s1] =	stream.linear.scatter [tilespmem:s20], [sflag:$0x3], $0x80, $0x38;
	[tilespmem:$0x14C80] =	vst v63  }
0x3ad: {  	s24 =	simm.s32 $0x11980;
	s15 =	sadd.s32 s6, s10  }
0x3ae: {  	[hbm4b:s15+s1] =	stream.linear.scatter [tilespmem:s24], [sflag:$0x3], $0x80, $0x38;
	[tilespmem:$0x14C80] =	vst v63  }
0x3af: {  	s30 =	simm.s32 $0x11A08;
	s29 =	sadd.s32 $0x10, s15  }
0x3b0: {  	[hbm4b:s29+s1] =	stream.linear.scatter [tilespmem:s30], [sflag:$0x3], $0x80, $0x38;
	[tilespmem:$0x14C80] =	vst v63  }
0x3b1: {  	s5 =	simm.s32 $0x11A90;
	s4 =	sadd.s32 $0x20, s15  }
0x3b2: {  	[hbm4b:s4+s1] =	stream.linear.scatter [tilespmem:s5], [sflag:$0x3], $0x80, $0x38;
	[tilespmem:$0x14C80] =	vst v63  }
0x3b3: {  	s18 =	simm.s32 $0x11B18;
	s17 =	sadd.s32 $0x30, s15  }
0x3b4: {  	[hbm4b:s17+s1] =	stream.linear.scatter [tilespmem:s18], [sflag:$0x3], $0x80, $0x38;
	[tilespmem:$0x14C80] =	vst v63  }
0x3b5: {  	s20 =	sadd.s32 $0x40, s15;
	s24 =	simm.s32 $0x11BA0  }
0x3b6: {  	[hbm4b:s20+s1] =	stream.linear.scatter [tilespmem:s24], [sflag:$0x3], $0x80, $0x38;
	[tilespmem:$0x14C80] =	vst v63  }
0x3b7: {  	s29 =	sadd.s32 $0x50, s15;
	s30 =	simm.s32 $0x11C28  }
0x3b8: {  	[hbm4b:s29+s1] =	stream.linear.scatter [tilespmem:s30], [sflag:$0x3], $0x80, $0x38;
	[tilespmem:$0x14C80] =	vst v63  }
0x3b9: {  	s4 =	sadd.s32 $0x60, s15;
	s5 =	simm.s32 $0x11CB0  }
0x3ba: {  	[hbm4b:s4+s1] =	stream.linear.scatter [tilespmem:s5], [sflag:$0x3], $0x80, $0x38;
	[tilespmem:$0x14C80] =	vst v63  }
0x3bb: {  	s15 =	sadd.s32 $0x70, s15;
	s17 =	simm.s32 $0x11D38  }
0x3bc: {  	[hbm4b:s15+s1] =	stream.linear.scatter [tilespmem:s17], [sflag:$0x3], $0x80, $0x38;
	[tilespmem:$0x14C80] =	vst v63  }
0x3bd: {  	s18 =	simm.s32 $0x11DC0;
	s15 =	sadd.s32 s6, s11  }
0x3be: {  	[hbm4b:s15+s1] =	stream.linear.scatter [tilespmem:s18], [sflag:$0x3], $0x80, $0x38;
	[tilespmem:$0x14C80] =	vst v63  }
0x3bf: {  	s24 =	simm.s32 $0x11E48;
	s20 =	sadd.s32 $0x10, s15  }
0x3c0: {  	[hbm4b:s20+s1] =	stream.linear.scatter [tilespmem:s24], [sflag:$0x3], $0x80, $0x38;
	[tilespmem:$0x14C80] =	vst v63  }
0x3c1: {  	s30 =	simm.s32 $0x11ED0;
	s29 =	sadd.s32 $0x20, s15  }
0x3c2: {  	[hbm4b:s29+s1] =	stream.linear.scatter [tilespmem:s30], [sflag:$0x3], $0x80, $0x38;
	[tilespmem:$0x14C80] =	vst v63  }
0x3c3: {  	s5 =	simm.s32 $0x11F58;
	s4 =	sadd.s32 $0x30, s15  }
0x3c4: {  	[hbm4b:s4+s1] =	stream.linear.scatter [tilespmem:s5], [sflag:$0x3], $0x80, $0x38;
	[tilespmem:$0x14C80] =	vst v63  }
0x3c5: {  	s17 =	sadd.s32 $0x40, s15;
	s18 =	simm.s32 $0x11FE0  }
0x3c6: {  	[hbm4b:s17+s1] =	stream.linear.scatter [tilespmem:s18], [sflag:$0x3], $0x80, $0x38;
	[tilespmem:$0x14C80] =	vst v63  }
0x3c7: {  	s20 =	sadd.s32 $0x50, s15;
	s24 =	simm.s32 $0x12068  }
0x3c8: {  	[hbm4b:s20+s1] =	stream.linear.scatter [tilespmem:s24], [sflag:$0x3], $0x80, $0x38;
	[tilespmem:$0x14C80] =	vst v63  }
0x3c9: {  	s29 =	sadd.s32 $0x60, s15;
	s30 =	simm.s32 $0x120F0  }
0x3ca: {  	[hbm4b:s29+s1] =	stream.linear.scatter [tilespmem:s30], [sflag:$0x3], $0x80, $0x38;
	[tilespmem:$0x14C80] =	vst v63  }
0x3cb: {  	s15 =	sadd.s32 $0x70, s15;
	s4 =	simm.s32 $0x12178  }
0x3cc: {  	[hbm4b:s15+s1] =	stream.linear.scatter [tilespmem:s4], [sflag:$0x3], $0x80, $0x38;
	[tilespmem:$0x14C80] =	vst v63  }
0x3cd: {  	s5 =	simm.s32 $0x12200;
	s15 =	sadd.s32 s6, s12  }
0x3ce: {  	[hbm4b:s15+s1] =	stream.linear.scatter [tilespmem:s5], [sflag:$0x3], $0x80, $0x38;
	[tilespmem:$0x14C80] =	vst v63  }
0x3cf: {  	s18 =	simm.s32 $0x12288;
	s17 =	sadd.s32 $0x10, s15  }
0x3d0: {  	[hbm4b:s17+s1] =	stream.linear.scatter [tilespmem:s18], [sflag:$0x3], $0x80, $0x38;
	[tilespmem:$0x14C80] =	vst v63  }
0x3d1: {  	s24 =	simm.s32 $0x12310;
	s20 =	sadd.s32 $0x20, s15  }
0x3d2: {  	[hbm4b:s20+s1] =	stream.linear.scatter [tilespmem:s24], [sflag:$0x3], $0x80, $0x38;
	[tilespmem:$0x14C80] =	vst v63  }
0x3d3: {  	s30 =	simm.s32 $0x12398;
	s29 =	sadd.s32 $0x30, s15  }
0x3d4: {  	[hbm4b:s29+s1] =	stream.linear.scatter [tilespmem:s30], [sflag:$0x3], $0x80, $0x38;
	[tilespmem:$0x14C80] =	vst v63  }
0x3d5: {  	s4 =	sadd.s32 $0x40, s15;
	s5 =	simm.s32 $0x12420  }
0x3d6: {  	[hbm4b:s4+s1] =	stream.linear.scatter [tilespmem:s5], [sflag:$0x3], $0x80, $0x38;
	[tilespmem:$0x14C80] =	vst v63  }
0x3d7: {  	s17 =	sadd.s32 $0x50, s15;
	s18 =	simm.s32 $0x124A8  }
0x3d8: {  	[hbm4b:s17+s1] =	stream.linear.scatter [tilespmem:s18], [sflag:$0x3], $0x80, $0x38;
	[tilespmem:$0x14C80] =	vst v63  }
0x3d9: {  	s20 =	sadd.s32 $0x60, s15;
	s24 =	simm.s32 $0x12530  }
0x3da: {  	[hbm4b:s20+s1] =	stream.linear.scatter [tilespmem:s24], [sflag:$0x3], $0x80, $0x38;
	[tilespmem:$0x14C80] =	vst v63  }
0x3db: {  	s15 =	sadd.s32 $0x70, s15;
	s29 =	simm.s32 $0x125B8  }
0x3dc: {  	[hbm4b:s15+s1] =	stream.linear.scatter [tilespmem:s29], [sflag:$0x3], $0x80, $0x38;
	[tilespmem:$0x14C80] =	vst v63  }
0x3dd: {  	s6 =	sadd.s32 s6, s13;
	s30 =	simm.s32 $0x12640  }
0x3de: {  	[hbm4b:s6+s1] =	stream.linear.scatter [tilespmem:s30], [sflag:$0x3], $0x80, $0x38;
	[tilespmem:$0x14C80] =	vst v63  }
0x3df: {  	s4 =	sadd.s32 $0x10, s6;
	s5 =	simm.s32 $0x126C8  }
0x3e0: {  	[hbm4b:s4+s1] =	stream.linear.scatter [tilespmem:s5], [sflag:$0x3], $0x80, $0x38;
	[tilespmem:$0x14C80] =	vst v63  }
0x3e1: {  	s16 =	sadd.s32 $0x60, s6;
	s17 =	sadd.s32 $0x20, s6;
	s18 =	simm.s32 $0x12750  }
0x3e2: {  	[hbm4b:s17+s1] =	stream.linear.scatter [tilespmem:s18], [sflag:$0x3], $0x80, $0x38;
	[tilespmem:$0x14C80] =	vst v63  }
0x3e3: {  	s20 =	sadd.s32 $0x30, s6;
	s24 =	simm.s32 $0x127D8;
	s29 =	sadd.s32 $0x40, s6  }
0x3e4: {  	[hbm4b:s20+s1] =	stream.linear.scatter [tilespmem:s24], [sflag:$0x3], $0x80, $0x38;
	[tilespmem:$0x14C80] =	vst v63  }
0x3e5: {  	v50 =	vmov s1;
	s15 =	simm.s32 $0x6;
	s30 =	simm.s32 $0x12860;
	s4 =	sadd.s32 $0x50, s6  }
0x3e6: {  	v33 =	vshrl.u32 v50, $0x3;
	[hbm4b:s29+s1] =	stream.linear.scatter [tilespmem:s30], [sflag:$0x3], $0x80, $0x38;
	[tilespmem:$0x14C80] =	vst v63  }
0x3e7: {  	v33 =	vshll.u32 v33, v1;
	s5 =	simm.s32 $0x128E8;
	s6 =	sadd.s32 $0x70, s6;
	s17 =	simm.s32 $0x12970  }
0x3e8: {  	v33 =	vbroadcast v33, $0x0;
	[hbm4b:s4+s1] =	stream.linear.scatter [tilespmem:s5], [sflag:$0x3], $0x80, $0x38;
	[tilespmem:$0x14C80] =	vst v63  }
0x3e9: {  	s20 =	simm.s32 $0x1;
	s24 =	simm.s32 $0x2;
	s4 =	simm.s32 $0x7  }
0x3ea: {  	v57 =	vadd.s32 v0, v33;
	v40 =	vmov s15;
	[hbm4b:s16+s1] =	stream.linear.scatter [tilespmem:s17], [sflag:$0x3], $0x80, $0x38;
	[tilespmem:$0x14C80] =	vst v63  }
0x3eb: {  	s18 =	simm.s32 $0x129F8;
	v51 =	vmov s20;
	v52 =	vmov s24;
	s29 =	simm.s32 $0x3;
	s30 =	simm.s32 $0x4;
	v55 =	vmov s4  }
0x3ec: {  	v34 =	vshrl.u32 v51, $0x3;
	v35 =	vshrl.u32 v52, $0x3;
	v38 =	vshrl.u32 v55, $0x3;
	[hbm4b:s6+s1] =	stream.linear.scatter [tilespmem:s18], [sflag:$0x3], $0x80, $0x38;
	[tilespmem:$0x14C80] =	vst v63  }
0x3ed: {  	v53 =	vmov s29;
	v54 =	vmov s30;
	v38 =	vshll.u32 v38, v1;
	_ =	swait.ge [sflag:s25], $0x2000  }
0x3ee: {  	v34 =	vshll.u32 v34, v1;
	v56 =	vshll.u32 v35, v1;
	v38 =	vbroadcast v38, $0x0;
	[sflag:s25] =	ssyncset.done $0x0  }
0x3ef: {  	s5 =	simm.s32 $0x5;
	v36 =	vshrl.u32 v53, $0x3;
	v37 =	vshrl.u32 v54, $0x3;
	v45 =	vbroadcast v34, $0x0;
	s6 =	simm.s32 $0x8470;
	[sflag:s25] =	ssyncadd.s32 $0xFFFFE000  }
0x3f0: {  	v53 =	vbroadcast v56, $0x0;
	v39 =	vmov s5;
	v42 =	vadd.s32 v29, v38;
	v41 =	vld [tilespmem:s6+$0xFFFFFFD0]  }
0x3f1: {  	v58 =	vshll.u32 v36, v1;
	v61 =	vshll.u32 v37, v1;
	v60 =	vadd.s32 v5, v45;
	v59 =	vld [tilespmem:s6+$0xFFFFFE50]  }
0x3f2: {  	v35 =	vbroadcast v58, $0x0;
	v63 =	vadd.s32 v9, v53;
	v55 =	vshrl.u32 v39, $0x3;
	v62 =	vld [tilespmem:s6+$0xFFFFFE90]  }
0x3f3: {  	v40 =	vshrl.u32 v40, $0x3;
	v34 =	vbroadcast v61, $0x0;
	v36 =	vshll.u32 v55, v1;
	v43 =	vld [tilespmem:s6+$0xFFFFFE10]  }
0x3f4: {  	v56 =	vshll.u32 v40, v1;
	v50 =	vadd.s32 v13, v35;
	v37 =	vbroadcast v36, $0x0;
	v39 =	vld [tilespmem:s6+$0xFFFFFED0]  }
0x3f5: {  	v52 =	vadd.s32 v17, v34;
	v36 =	vbroadcast v56, $0x0;
	v51 =	vld [tilespmem:s6+$0xFFFFFF10];
	[tilespmem:v42+s14+$0x0] =	vst.idx.msk $0xffff, v41  }
0x3f6: {  	[tilespmem:v60+s14+$0x0] =	vst.idx.msk $0xffff, v59;
	v59 =	vld [tilespmem:s6+$0xFFFFFF50];
	v60 =	vadd.s32 v21, v37  }
0x3f7: {  	v61 =	vld [tilespmem:s6+$0xFFFFFF90];
	[tilespmem:v63+s14+$0x0] =	vst.idx.msk $0xffff, v62;
	v62 =	vadd.s32 v25, v36  }
0x3f8: {  	v58 =	vadd.s32 v30, v38;
	[tilespmem:v57+s14+$0x0] =	vst.idx.msk $0xffff, v43;
	v57 =	vld [tilespmem:s6+$0xFFFFFFE0]  }
0x3f9: {  	v63 =	vadd.s32 v6, v45;
	[tilespmem:v50+s14+$0x0] =	vst.idx.msk $0xffff, v39;
	v47 =	vld [tilespmem:s6+$0xFFFFFE60]  }
0x3fa: {  	v55 =	vadd.s32 v10, v53;
	[tilespmem:v52+s14+$0x0] =	vst.idx.msk $0xffff, v51;
	v54 =	vld [tilespmem:s6+$0xFFFFFEA0]  }
0x3fb: {  	v56 =	vadd.s32 v14, v35;
	v50 =	vld [tilespmem:s6+$0xFFFFFEE0];
	[tilespmem:v60+s14+$0x0] =	vst.idx.msk $0xffff, v59  }
0x3fc: {  	[tilespmem:v62+s14+$0x0] =	vst.idx.msk $0xffff, v61;
	v61 =	vld [tilespmem:s6+$0xFFFFFE20];
	v62 =	vadd.s32 v2, v33  }
0x3fd: {  	v59 =	vadd.s32 v18, v34;
	[tilespmem:v58+s14+$0x0] =	vst.idx.msk $0xffff, v57;
	v58 =	vld [tilespmem:s6+$0xFFFFFF20]  }
0x3fe: {  	v57 =	vadd.s32 v31, v38;
	[tilespmem:v63+s14+$0x0] =	vst.idx.msk $0xffff, v47;
	v40 =	vld [tilespmem:s6+$0xFFFFFFF0]  }
0x3ff: {  	v46 =	vadd.s32 v22, v37;
	v44 =	vld [tilespmem:s6+$0xFFFFFF60];
	[tilespmem:v55+s14+$0x0] =	vst.idx.msk $0xffff, v54  }
0x400: {  	v60 =	vadd.s32 v26, v36;
	v63 =	vld [tilespmem:s6+$0xFFFFFFA0];
	[tilespmem:v56+s14+$0x0] =	vst.idx.msk $0xffff, v50  }
0x401: {  	v51 =	vadd.s32 v7, v45;
	v50 =	vld [tilespmem:s6+$0xFFFFFE70];
	[tilespmem:v62+s14+$0x0] =	vst.idx.msk $0xffff, v61  }
0x402: {  	v56 =	vadd.s32 v11, v53;
	v55 =	vld [tilespmem:s6+$0xFFFFFEB0];
	[tilespmem:v59+s14+$0x0] =	vst.idx.msk $0xffff, v58  }
0x403: {  	v58 =	vadd.s32 v15, v35;
	[tilespmem:v57+s14+$0x0] =	vst.idx.msk $0xffff, v40;
	v57 =	vld [tilespmem:s6+$0xFFFFFEF0]  }
0x404: {  	v38 =	vadd.s32 v32, v38;
	[tilespmem:v46+s14+$0x0] =	vst.idx.msk $0xffff, v44;
	v52 =	vld [tilespmem:s6+$0x0]  }
0x405: {  	[tilespmem:v60+s14+$0x0] =	vst.idx.msk $0xffff, v63;
	v60 =	vadd.s32 v19, v34;
	v59 =	vld [tilespmem:s6+$0xFFFFFF30]  }
0x406: {  	v48 =	vadd.s32 v3, v33;
	s24 =	simm.s32 $0xC;
	s18 =	simm.s32 $0xA;
	v41 =	vadd.s32 v23, v37;
	[tilespmem:v51+s14+$0x0] =	vst.idx.msk $0xffff, v50;
	v40 =	vld [tilespmem:s6+$0xFFFFFF70]  }
0x407: {  	s20 =	simm.s32 $0xB;
	s16 =	simm.s32 $0x8;
	v43 =	vadd.s32 v27, v36;
	v54 =	vmov s18;
	v47 =	vmov s24;
	v42 =	vld [tilespmem:s6+$0xFFFFFFB0];
	[tilespmem:v56+s14+$0x0] =	vst.idx.msk $0xffff, v55  }
0x408: {  	s17 =	simm.s32 $0x9;
	v53 =	vadd.s32 v12, v53;
	v63 =	vmov s16;
	v44 =	vmov s20;
	v46 =	vld [tilespmem:s6+$0xFFFFFE30];
	[tilespmem:v58+s14+$0x0] =	vst.idx.msk $0xffff, v57  }
0x409: {  	s29 =	simm.s32 $0xD;
	s30 =	simm.s32 $0xE;
	v39 =	vshrl.u32 v63, $0x3;
	v51 =	vmov s17;
	v49 =	vld [tilespmem:s6+$0xFFFFFE80];
	[tilespmem:v38+s14+$0x0] =	vst.idx.msk $0xffff, v52;
	v52 =	vadd.s32 v8, v45  }
0x40a: {  	s15 =	simm.s32 $0xF;
	s1 =	simm.s32 $0x10;
	v50 =	vld [tilespmem:s6+$0xFFFFFEC0];
	[tilespmem:v60+s14+$0x0] =	vst.idx.msk $0xffff, v59;
	v38 =	vmov s29;
	v45 =	vshll.u32 v39, v1;
	v39 =	vmov s30  }
.LBB2_11:
0x40b: {  	p0 =	slt.u32 s1, $0x78;
	v51 =	vshrl.u32 v51, $0x3;
	v55 =	vmov s15;
	v56 =	vld [tilespmem:s6+$0xFFFFFF00];
	v35 =	vadd.s32 v16, v35;
	[tilespmem:v41+s14+$0x0] =	vst.idx.msk $0xffff, v40  }
0x40c: {  	v40 =	vshrl.u32 v54, $0x3;
	v34 =	vadd.s32 v20, v34;
	v41 =	vshrl.u32 v55, $0x3;
	v54 =	vld [tilespmem:s6+$0xFFFFFF40];
	[tilespmem:v43+s14+$0x0] =	vst.idx.msk $0xffff, v42  }
0x40d: {  	v37 =	vadd.s32 v24, v37;
	v42 =	vshrl.u32 v44, $0x3;
	v41 =	vshll.u32 v41, v1;
	[tilespmem:v48+s14+$0x0] =	vst.idx.msk $0xffff, v46;
	v43 =	vld [tilespmem:s6+$0xFFFFFF80]  }
0x40e: {  	v36 =	vadd.s32 v28, v36;
	v44 =	vshrl.u32 v47, $0x3;
	v41 =	vbroadcast v41, $0x0;
	[tilespmem:v52+s14+$0x0] =	vst.idx.msk $0xffff, v49;
	v46 =	vld [tilespmem:s6+$0xFFFFFFC0]  }
0x40f: {  	v47 =	vshll.u32 v51, v1;
	v49 =	vadd.s32 v4, v33;
	v33 =	vbroadcast v45, $0x0;
	v48 =	vld [tilespmem:s6+$0xFFFFFE40];
	[tilespmem:v53+s14+$0x0] =	vst.idx.msk $0xffff, v50;
	s6 =	sadd.s32 $0x200, s6  }
0x410: {  	v40 =	vshll.u32 v40, v1;
	v45 =	vbroadcast v47, $0x0;
	v47 =	vld [tilespmem:s6+$0xFFFFFFD0];
	v50 =	vadd.s32 v29, v41;
	[tilespmem:v35+s14+$0x0] =	vst.idx.msk $0xffff, v56  }
0x411: {  	v53 =	vbroadcast v40, $0x0;
	v52 =	vadd.s32 v0, v33;
	v35 =	vshll.u32 v42, v1;
	v51 =	vld [tilespmem:s6+$0xFFFFFE10];
	[tilespmem:v34+s14+$0x0] =	vst.idx.msk $0xffff, v54  }
0x412: {  	v42 =	vadd.s32 v5, v45;
	v35 =	vbroadcast v35, $0x0;
	v34 =	vshll.u32 v44, v1;
	v40 =	vld [tilespmem:s6+$0xFFFFFE50];
	[tilespmem:v37+s14+$0x0] =	vst.idx.msk $0xffff, v43  }
0x413: {  	v44 =	vadd.s32 v9, v53;
	v34 =	vbroadcast v34, $0x0;
	v37 =	vshrl.u32 v38, $0x3;
	v43 =	vld [tilespmem:s6+$0xFFFFFE90];
	[tilespmem:v36+s14+$0x0] =	vst.idx.msk $0xffff, v46  }
0x414: {  	v39 =	vshrl.u32 v39, $0x3;
	v46 =	vadd.s32 v13, v35;
	v36 =	vshll.u32 v37, v1;
	v38 =	vld [tilespmem:s6+$0xFFFFFED0];
	[tilespmem:v49+s14+$0x0] =	vst.idx.msk $0xffff, v48  }
0x415: {  	v49 =	vadd.s32 v17, v34;
	v37 =	vbroadcast v36, $0x0;
	v36 =	vshll.u32 v39, v1;
	v48 =	vld [tilespmem:s6+$0xFFFFFF10];
	[tilespmem:v50+s14+$0x0] =	vst.idx.msk $0xffff, v47  }
0x416: {  	v36 =	vbroadcast v36, $0x0;
	v47 =	vadd.s32 v30, v41;
	[tilespmem:v52+s14+$0x0] =	vst.idx.msk $0xffff, v51;
	v39 =	vld [tilespmem:s6+$0xFFFFFFE0]  }
0x417: {  	[tilespmem:v42+s14+$0x0] =	vst.idx.msk $0xffff, v40;
	v40 =	vld [tilespmem:s6+$0xFFFFFF50];
	v42 =	vadd.s32 v21, v37  }
0x418: {  	[tilespmem:v44+s14+$0x0] =	vst.idx.msk $0xffff, v43;
	v43 =	vld [tilespmem:s6+$0xFFFFFF90];
	v44 =	vadd.s32 v25, v36  }
0x419: {  	v51 =	vadd.s32 v6, v45;
	v50 =	vld [tilespmem:s6+$0xFFFFFE60];
	[tilespmem:v46+s14+$0x0] =	vst.idx.msk $0xffff, v38  }
0x41a: {  	v46 =	vadd.s32 v10, v53;
	v38 =	vld [tilespmem:s6+$0xFFFFFEA0];
	[tilespmem:v49+s14+$0x0] =	vst.idx.msk $0xffff, v48  }
0x41b: {  	v49 =	vadd.s32 v14, v35;
	v48 =	vld [tilespmem:s6+$0xFFFFFEE0];
	[tilespmem:v47+s14+$0x0] =	vst.idx.msk $0xffff, v39  }
0x41c: {  	[tilespmem:v42+s14+$0x0] =	vst.idx.msk $0xffff, v40;
	v39 =	vld [tilespmem:s6+$0xFFFFFFF0];
	v40 =	vadd.s32 v31, v41  }
0x41d: {  	v47 =	vadd.s32 v18, v34;
	v42 =	vld [tilespmem:s6+$0xFFFFFF20];
	[tilespmem:v44+s14+$0x0] =	vst.idx.msk $0xffff, v43  }
0x41e: {  	v44 =	vadd.s32 v22, v37;
	[tilespmem:v51+s14+$0x0] =	vst.idx.msk $0xffff, v50;
	v43 =	vld [tilespmem:s6+$0xFFFFFF60]  }
0x41f: {  	[tilespmem:v46+s14+$0x0] =	vst.idx.msk $0xffff, v38;
	v38 =	vld [tilespmem:s6+$0xFFFFFFA0];
	v46 =	vadd.s32 v26, v36  }
0x420: {  	v51 =	vadd.s32 v2, v33;
	v50 =	vld [tilespmem:s6+$0xFFFFFE20];
	[tilespmem:v49+s14+$0x0] =	vst.idx.msk $0xffff, v48  }
0x421: {  	v49 =	vadd.s32 v7, v45;
	v48 =	vld [tilespmem:s6+$0xFFFFFE70];
	[tilespmem:v40+s14+$0x0] =	vst.idx.msk $0xffff, v39  }
0x422: {  	[tilespmem:v47+s14+$0x0] =	vst.idx.msk $0xffff, v42;
	v39 =	vld [tilespmem:s6+$0x0];
	v47 =	vadd.s32 v32, v41  }
0x423: {  	v55 =	vadd.s32 v11, v53;
	v52 =	vld [tilespmem:s6+$0xFFFFFEB0];
	[tilespmem:v44+s14+$0x0] =	vst.idx.msk $0xffff, v43  }
0x424: {  	v57 =	vadd.s32 v15, v35;
	v56 =	vld [tilespmem:s6+$0xFFFFFEF0];
	[tilespmem:v46+s14+$0x0] =	vst.idx.msk $0xffff, v38  }
0x425: {  	v59 =	vadd.s32 v19, v34;
	[tilespmem:v51+s14+$0x0] =	vst.idx.msk $0xffff, v50;
	v58 =	vld [tilespmem:s6+$0xFFFFFF30]  }
.Ltmp4:
0x426: {  	s15 =	sadd.s32 $0x1, s1;
	v41 =	vadd.s32 v23, v37;
	v38 =	vmov s1;
	[tilespmem:v49+s14+$0x0] =	vst.idx.msk $0xffff, v48;
	v40 =	vld [tilespmem:s6+$0xFFFFFF70];
	(pc) =	sbr.rel @p0 .LBB2_11-.Ltmp4, $4  }
0x427: {  	s16 =	sadd.s32 $0x3, s1;
	v43 =	vadd.s32 v27, v36;
	v50 =	vshrl.u32 v38, $0x3;
	v51 =	vmov s15;
	s15 =	sadd.s32 $0x2, s1;
	v42 =	vld [tilespmem:s6+$0xFFFFFFB0];
	[tilespmem:v47+s14+$0x0] =	vst.idx.msk $0xffff, v39  }
0x428: {  	v44 =	vmov s16;
	s16 =	sadd.s32 $0x5, s1;
	v54 =	vmov s15;
	s15 =	sadd.s32 $0x4, s1;
	v48 =	vadd.s32 v3, v33;
	v46 =	vld [tilespmem:s6+$0xFFFFFE30];
	[tilespmem:v55+s14+$0x0] =	vst.idx.msk $0xffff, v52  }
0x429: {  	v38 =	vmov s16;
	v47 =	vmov s15;
	s15 =	sadd.s32 $0x6, s1;
	v52 =	vadd.s32 v8, v45;
	v49 =	vld [tilespmem:s6+$0xFFFFFE80];
	[tilespmem:v57+s14+$0x0] =	vst.idx.msk $0xffff, v56  }
0x42a: {  	v53 =	vadd.s32 v12, v53;
	v45 =	vshll.u32 v50, v1;
	v39 =	vmov s15;
	s15 =	sadd.s32 $0x7, s1;
	s1 =	sadd.s32 $0x8, s1;
	v50 =	vld [tilespmem:s6+$0xFFFFFEC0];
	[tilespmem:v59+s14+$0x0] =	vst.idx.msk $0xffff, v58  }
0x42b: {  	_ =	sdelay $0x2  }
0x42c: {  	v55 =	vmov s15  }
0x42d: {  	v51 =	vshrl.u32 v51, $0x3;
	v56 =	vld [tilespmem:s6+$0xFFFFFF00];
	v35 =	vadd.s32 v16, v35;
	[tilespmem:v41+s14+$0x0] =	vst.idx.msk $0xffff, v40;
	v57 =	vshrl.u32 v54, $0x3  }
0x42e: {  	v59 =	vld [tilespmem:s6+$0xFFFFFF40];
	v34 =	vadd.s32 v20, v34;
	v60 =	vshrl.u32 v44, $0x3;
	v58 =	vshrl.u32 v55, $0x3;
	[tilespmem:v43+s14+$0x0] =	vst.idx.msk $0xffff, v42  }
0x42f: {  	v37 =	vadd.s32 v24, v37;
	v62 =	vshrl.u32 v47, $0x3;
	v61 =	vld [tilespmem:s6+$0xFFFFFF80];
	v41 =	vshll.u32 v58, v1;
	[tilespmem:v48+s14+$0x0] =	vst.idx.msk $0xffff, v46  }
0x430: {  	v36 =	vadd.s32 v28, v36;
	v45 =	vbroadcast v45, $0x0;
	v63 =	vld [tilespmem:s6+$0xFFFFFFC0];
	v41 =	vbroadcast v41, $0x0;
	[tilespmem:v52+s14+$0x0] =	vst.idx.msk $0xffff, v49  }
0x431: {  	v33 =	vadd.s32 v4, v33;
	s1 =	sadd.s32 $0x200, s6;
	v38 =	vshrl.u32 v38, $0x3;
	v55 =	vshll.u32 v51, v1;
	v48 =	vld [tilespmem:s6+$0xFFFFFE40];
	[tilespmem:v53+s14+$0x0] =	vst.idx.msk $0xffff, v50  }
0x432: {  	v40 =	vshll.u32 v57, v1;
	v47 =	vbroadcast v55, $0x0;
	v49 =	vld [tilespmem:s1+$0xFFFFFFD0];
	v50 =	vadd.s32 v29, v41;
	[tilespmem:v35+s14+$0x0] =	vst.idx.msk $0xffff, v56  }
0x433: {  	v42 =	vshll.u32 v60, v1;
	v40 =	vbroadcast v40, $0x0;
	v35 =	vld [tilespmem:s1+$0xFFFFFE10];
	v56 =	vadd.s32 v0, v45;
	[tilespmem:v34+s14+$0x0] =	vst.idx.msk $0xffff, v59  }
0x434: {  	v57 =	vld [tilespmem:s1+$0xFFFFFE50];
	v44 =	vshll.u32 v62, v1;
	v42 =	vbroadcast v42, $0x0;
	v58 =	vadd.s32 v5, v47;
	[tilespmem:v37+s14+$0x0] =	vst.idx.msk $0xffff, v61  }
0x435: {  	v38 =	vshll.u32 v38, v1;
	v44 =	vbroadcast v44, $0x0;
	v60 =	vadd.s32 v9, v40;
	v59 =	vld [tilespmem:s1+$0xFFFFFE90];
	[tilespmem:v36+s14+$0x0] =	vst.idx.msk $0xffff, v63  }
0x436: {  	v38 =	vbroadcast v38, $0x0;
	v62 =	vadd.s32 v13, v42;
	v61 =	vld [tilespmem:s1+$0xFFFFFED0];
	[tilespmem:v33+s14+$0x0] =	vst.idx.msk $0xffff, v48  }
0x437: {  	v39 =	vshrl.u32 v39, $0x3;
	v63 =	vadd.s32 v17, v44;
	v33 =	vld [tilespmem:s1+$0xFFFFFF10];
	[tilespmem:v50+s14+$0x0] =	vst.idx.msk $0xffff, v49  }
0x438: {  	v39 =	vshll.u32 v39, v1;
	v34 =	vld [tilespmem:s1+$0xFFFFFF50];
	[tilespmem:v56+s14+$0x0] =	vst.idx.msk $0xffff, v35;
	v56 =	vadd.s32 v21, v38  }
0x439: {  	[tilespmem:v58+s14+$0x0] =	vst.idx.msk $0xffff, v57;
	v35 =	vbroadcast v39, $0x0;
	v49 =	vadd.s32 v30, v41;
	v39 =	vld [tilespmem:s1+$0xFFFFFFE0]  }
0x43a: {  	[tilespmem:v60+s14+$0x0] =	vst.idx.msk $0xffff, v59;
	v59 =	vld [tilespmem:s1+$0xFFFFFE60];
	v60 =	vadd.s32 v6, v47  }
0x43b: {  	v57 =	vld [tilespmem:s1+$0xFFFFFF90];
	[tilespmem:v62+s14+$0x0] =	vst.idx.msk $0xffff, v61;
	v58 =	vadd.s32 v25, v35  }
0x43c: {  	v61 =	vld [tilespmem:s1+$0xFFFFFEA0];
	v62 =	vadd.s32 v10, v40;
	[tilespmem:v63+s14+$0x0] =	vst.idx.msk $0xffff, v33  }
0x43d: {  	v33 =	vld [tilespmem:s1+$0xFFFFFEE0];
	v63 =	vadd.s32 v14, v42;
	[tilespmem:v56+s14+$0x0] =	vst.idx.msk $0xffff, v34  }
0x43e: {  	v56 =	vadd.s32 v18, v44;
	[tilespmem:v49+s14+$0x0] =	vst.idx.msk $0xffff, v39;
	v49 =	vld [tilespmem:s1+$0xFFFFFF20]  }
0x43f: {  	[tilespmem:v60+s14+$0x0] =	vst.idx.msk $0xffff, v59;
	v39 =	vadd.s32 v31, v41;
	v34 =	vld [tilespmem:s1+$0xFFFFFFF0]  }
0x440: {  	[tilespmem:v58+s14+$0x0] =	vst.idx.msk $0xffff, v57;
	v57 =	vld [tilespmem:s1+$0xFFFFFF60];
	v58 =	vadd.s32 v22, v38  }
0x441: {  	[tilespmem:v62+s14+$0x0] =	vst.idx.msk $0xffff, v61;
	v61 =	vld [tilespmem:s1+$0xFFFFFE20];
	v62 =	vadd.s32 v2, v45  }
0x442: {  	v60 =	vadd.s32 v26, v35;
	v59 =	vld [tilespmem:s1+$0xFFFFFFA0];
	[tilespmem:v63+s14+$0x0] =	vst.idx.msk $0xffff, v33  }
0x443: {  	v55 =	vadd.s32 v11, v40;
	v54 =	vadd.s32 v32, v41;
	v41 =	vld [tilespmem:s1+$0xFFFFFEB0];
	[tilespmem:v56+s14+$0x0] =	vst.idx.msk $0xffff, v49  }
0x444: {  	v53 =	vadd.s32 v7, v47;
	v63 =	vld [tilespmem:s1+$0xFFFFFE70];
	[tilespmem:v39+s14+$0x0] =	vst.idx.msk $0xffff, v34  }
0x445: {  	v56 =	vld [tilespmem:s1+$0xFFFFFEF0];
	[tilespmem:v58+s14+$0x0] =	vst.idx.msk $0xffff, v57;
	v57 =	vadd.s32 v15, v42  }
0x446: {  	[tilespmem:v62+s14+$0x0] =	vst.idx.msk $0xffff, v61;
	v34 =	vld [tilespmem:s1+$0x0]  }
0x447: {  	v58 =	vld [tilespmem:s1+$0xFFFFFF30];
	[tilespmem:v60+s14+$0x0] =	vst.idx.msk $0xffff, v59;
	v59 =	vadd.s32 v19, v44  }
0x448: {  	v61 =	vadd.s32 v23, v38;
	[tilespmem:v55+s14+$0x0] =	vst.idx.msk $0xffff, v41;
	v60 =	vld [tilespmem:s1+$0xFFFFFF70]  }
0x449: {  	[tilespmem:v53+s14+$0x0] =	vst.idx.msk $0xffff, v63;
	v63 =	vadd.s32 v27, v35;
	v62 =	vld [tilespmem:s1+$0xFFFFFFB0]  }
0x44a: {  	v47 =	vadd.s32 v8, v47;
	v55 =	vld [tilespmem:s1+$0xFFFFFE80];
	[tilespmem:v57+s14+$0x0] =	vst.idx.msk $0xffff, v56  }
0x44b: {  	v40 =	vadd.s32 v12, v40;
	v56 =	vld [tilespmem:s1+$0xFFFFFEC0];
	[tilespmem:v54+s14+$0x0] =	vst.idx.msk $0xffff, v34  }
0x44c: {  	v53 =	vld [tilespmem:s1+$0xFFFFFE30];
	v54 =	vadd.s32 v3, v45;
	[tilespmem:v59+s14+$0x0] =	vst.idx.msk $0xffff, v58  }
0x44d: {  	v42 =	vadd.s32 v16, v42;
	v57 =	vld [tilespmem:s1+$0xFFFFFF00];
	[tilespmem:v61+s14+$0x0] =	vst.idx.msk $0xffff, v60  }
0x44e: {  	v59 =	vadd.s32 v20, v44;
	v58 =	vld [tilespmem:s1+$0xFFFFFF40];
	[tilespmem:v63+s14+$0x0] =	vst.idx.msk $0xffff, v62  }
0x44f: {  	[tilespmem:v47+s14+$0x0] =	vst.idx.msk $0xffff, v55  }
0x450: {  	[tilespmem:v40+s14+$0x0] =	vst.idx.msk $0xffff, v56  }
0x451: {  	[tilespmem:v54+s14+$0x0] =	vst.idx.msk $0xffff, v53  }
0x452: {  	v38 =	vadd.s32 v24, v38;
	v60 =	vld [tilespmem:s1+$0xFFFFFF80];
	[tilespmem:v42+s14+$0x0] =	vst.idx.msk $0xffff, v57  }
0x453: {  	v35 =	vadd.s32 v28, v35;
	v61 =	vld [tilespmem:s1+$0xFFFFFFC0];
	[tilespmem:v59+s14+$0x0] =	vst.idx.msk $0xffff, v58  }
0x454: {  	v63 =	vadd.s32 v4, v45;
	v62 =	vld [tilespmem:s1+$0xFFFFFE40];
	s24 =	rddreg [dreg:$0x6]  }
0x455: {  	s29 =	rddreg [dreg:$0x7]  }
0x456: {  	s1 =	sshll.u32 s24, $0x14;
	s6 =	sshll.u32 s29, $0xA  }
0x457: {  	[tilespmem:v38+s14+$0x0] =	vst.idx.msk $0xffff, v60;
	s1 =	sor.u32 s6, s1  }
0x458: {  	[tilespmem:v35+s14+$0x0] =	vst.idx.msk $0xffff, v61;
	s1 =	sshrl.u32 s1, $0x3  }
0x459: {  	[tilespmem:v63+s14+$0x0] =	vst.idx.msk $0xffff, v62;
	s6 =	sadd.s32 s21, s1  }
0x45a: {  	[hbm4b:s6+s2] =	stream.linear.scatter [tilespmem:s14], [sflag:$0x3], $0x80, $0x38;
	[tilespmem:$0x14C80] =	vst v63  }
0x45b: {  	s16 =	simm.s32 $0x12B08;
	s30 =	sadd.s32 $0x10, s6  }
0x45c: {  	[hbm4b:s30+s2] =	stream.linear.scatter [tilespmem:s16], [sflag:$0x3], $0x80, $0x38;
	[tilespmem:$0x14C80] =	vst v63  }
0x45d: {  	s5 =	simm.s32 $0x12B90;
	s4 =	sadd.s32 $0x20, s6  }
0x45e: {  	[hbm4b:s4+s2] =	stream.linear.scatter [tilespmem:s5], [sflag:$0x3], $0x80, $0x38;
	[tilespmem:$0x14C80] =	vst v63  }
0x45f: {  	s17 =	simm.s32 $0x12C18;
	s16 =	sadd.s32 $0x30, s6  }
0x460: {  	[hbm4b:s16+s2] =	stream.linear.scatter [tilespmem:s17], [sflag:$0x3], $0x80, $0x38;
	[tilespmem:$0x14C80] =	vst v63  }
0x461: {  	s20 =	simm.s32 $0x12CA0;
	s18 =	sadd.s32 $0x40, s6  }
0x462: {  	[hbm4b:s18+s2] =	stream.linear.scatter [tilespmem:s20], [sflag:$0x3], $0x80, $0x38;
	[tilespmem:$0x14C80] =	vst v63  }
0x463: {  	s29 =	simm.s32 $0x12D28;
	s24 =	sadd.s32 $0x50, s6  }
0x464: {  	[hbm4b:s24+s2] =	stream.linear.scatter [tilespmem:s29], [sflag:$0x3], $0x80, $0x38;
	[tilespmem:$0x14C80] =	vst v63  }
0x465: {  	s30 =	sadd.s32 $0x60, s6;
	s4 =	simm.s32 $0x12DB0  }
0x466: {  	[hbm4b:s30+s2] =	stream.linear.scatter [tilespmem:s4], [sflag:$0x3], $0x80, $0x38;
	[tilespmem:$0x14C80] =	vst v63  }
0x467: {  	s6 =	sadd.s32 $0x70, s6;
	s5 =	simm.s32 $0x12E38  }
0x468: {  	[hbm4b:s6+s2] =	stream.linear.scatter [tilespmem:s5], [sflag:$0x3], $0x80, $0x38;
	[tilespmem:$0x14C80] =	vst v63  }
0x469: {  	s16 =	simm.s32 $0x12EC0;
	s6 =	sadd.s32 s1, s7  }
0x46a: {  	[hbm4b:s6+s2] =	stream.linear.scatter [tilespmem:s16], [sflag:$0x3], $0x80, $0x38;
	[tilespmem:$0x14C80] =	vst v63  }
0x46b: {  	s18 =	simm.s32 $0x12F48;
	s17 =	sadd.s32 $0x10, s6  }
0x46c: {  	[hbm4b:s17+s2] =	stream.linear.scatter [tilespmem:s18], [sflag:$0x3], $0x80, $0x38;
	[tilespmem:$0x14C80] =	vst v63  }
0x46d: {  	s24 =	simm.s32 $0x12FD0;
	s20 =	sadd.s32 $0x20, s6  }
0x46e: {  	[hbm4b:s20+s2] =	stream.linear.scatter [tilespmem:s24], [sflag:$0x3], $0x80, $0x38;
	[tilespmem:$0x14C80] =	vst v63  }
0x46f: {  	s30 =	simm.s32 $0x13058;
	s29 =	sadd.s32 $0x30, s6  }
0x470: {  	[hbm4b:s29+s2] =	stream.linear.scatter [tilespmem:s30], [sflag:$0x3], $0x80, $0x38;
	[tilespmem:$0x14C80] =	vst v63  }
0x471: {  	s5 =	simm.s32 $0x130E0;
	s4 =	sadd.s32 $0x40, s6  }
0x472: {  	[hbm4b:s4+s2] =	stream.linear.scatter [tilespmem:s5], [sflag:$0x3], $0x80, $0x38;
	[tilespmem:$0x14C80] =	vst v63  }
0x473: {  	s17 =	sadd.s32 $0x50, s6;
	s18 =	simm.s32 $0x13168  }
0x474: {  	[hbm4b:s17+s2] =	stream.linear.scatter [tilespmem:s18], [sflag:$0x3], $0x80, $0x38;
	[tilespmem:$0x14C80] =	vst v63  }
0x475: {  	s20 =	sadd.s32 $0x60, s6;
	s24 =	simm.s32 $0x131F0  }
0x476: {  	[hbm4b:s20+s2] =	stream.linear.scatter [tilespmem:s24], [sflag:$0x3], $0x80, $0x38;
	[tilespmem:$0x14C80] =	vst v63  }
0x477: {  	s6 =	sadd.s32 $0x70, s6;
	s29 =	simm.s32 $0x13278  }
0x478: {  	[hbm4b:s6+s2] =	stream.linear.scatter [tilespmem:s29], [sflag:$0x3], $0x80, $0x38;
	[tilespmem:$0x14C80] =	vst v63  }
0x479: {  	s30 =	simm.s32 $0x13300;
	s6 =	sadd.s32 s1, s8  }
0x47a: {  	[hbm4b:s6+s2] =	stream.linear.scatter [tilespmem:s30], [sflag:$0x3], $0x80, $0x38;
	[tilespmem:$0x14C80] =	vst v63  }
0x47b: {  	s5 =	simm.s32 $0x13388;
	s4 =	sadd.s32 $0x10, s6  }
0x47c: {  	[hbm4b:s4+s2] =	stream.linear.scatter [tilespmem:s5], [sflag:$0x3], $0x80, $0x38;
	[tilespmem:$0x14C80] =	vst v63  }
0x47d: {  	s18 =	simm.s32 $0x13410;
	s17 =	sadd.s32 $0x20, s6  }
0x47e: {  	[hbm4b:s17+s2] =	stream.linear.scatter [tilespmem:s18], [sflag:$0x3], $0x80, $0x38;
	[tilespmem:$0x14C80] =	vst v63  }
0x47f: {  	s24 =	simm.s32 $0x13498;
	s20 =	sadd.s32 $0x30, s6  }
0x480: {  	[hbm4b:s20+s2] =	stream.linear.scatter [tilespmem:s24], [sflag:$0x3], $0x80, $0x38;
	[tilespmem:$0x14C80] =	vst v63  }
0x481: {  	s29 =	sadd.s32 $0x40, s6;
	s30 =	simm.s32 $0x13520  }
0x482: {  	[hbm4b:s29+s2] =	stream.linear.scatter [tilespmem:s30], [sflag:$0x3], $0x80, $0x38;
	[tilespmem:$0x14C80] =	vst v63  }
0x483: {  	s4 =	sadd.s32 $0x50, s6;
	s5 =	simm.s32 $0x135A8  }
0x484: {  	[hbm4b:s4+s2] =	stream.linear.scatter [tilespmem:s5], [sflag:$0x3], $0x80, $0x38;
	[tilespmem:$0x14C80] =	vst v63  }
0x485: {  	s17 =	sadd.s32 $0x60, s6;
	s18 =	simm.s32 $0x13630  }
0x486: {  	[hbm4b:s17+s2] =	stream.linear.scatter [tilespmem:s18], [sflag:$0x3], $0x80, $0x38;
	[tilespmem:$0x14C80] =	vst v63  }
0x487: {  	s6 =	sadd.s32 $0x70, s6;
	s20 =	simm.s32 $0x136B8  }
0x488: {  	[hbm4b:s6+s2] =	stream.linear.scatter [tilespmem:s20], [sflag:$0x3], $0x80, $0x38;
	[tilespmem:$0x14C80] =	vst v63  }
0x489: {  	s24 =	simm.s32 $0x13740;
	s6 =	sadd.s32 s1, s9  }
0x48a: {  	[hbm4b:s6+s2] =	stream.linear.scatter [tilespmem:s24], [sflag:$0x3], $0x80, $0x38;
	[tilespmem:$0x14C80] =	vst v63  }
0x48b: {  	s30 =	simm.s32 $0x137C8;
	s29 =	sadd.s32 $0x10, s6  }
0x48c: {  	[hbm4b:s29+s2] =	stream.linear.scatter [tilespmem:s30], [sflag:$0x3], $0x80, $0x38;
	[tilespmem:$0x14C80] =	vst v63  }
0x48d: {  	s5 =	simm.s32 $0x13850;
	s4 =	sadd.s32 $0x20, s6  }
0x48e: {  	[hbm4b:s4+s2] =	stream.linear.scatter [tilespmem:s5], [sflag:$0x3], $0x80, $0x38;
	[tilespmem:$0x14C80] =	vst v63  }
0x48f: {  	s17 =	simm.s32 $0x138D8;
	s16 =	sadd.s32 $0x30, s6  }
0x490: {  	[hbm4b:s16+s2] =	stream.linear.scatter [tilespmem:s17], [sflag:$0x3], $0x80, $0x38;
	[tilespmem:$0x14C80] =	vst v63  }
0x491: {  	s20 =	simm.s32 $0x13960;
	s18 =	sadd.s32 $0x40, s6  }
0x492: {  	[hbm4b:s18+s2] =	stream.linear.scatter [tilespmem:s20], [sflag:$0x3], $0x80, $0x38;
	[tilespmem:$0x14C80] =	vst v63  }
0x493: {  	s24 =	sadd.s32 $0x50, s6;
	s29 =	simm.s32 $0x139E8  }
0x494: {  	[hbm4b:s24+s2] =	stream.linear.scatter [tilespmem:s29], [sflag:$0x3], $0x80, $0x38;
	[tilespmem:$0x14C80] =	vst v63  }
0x495: {  	s30 =	sadd.s32 $0x60, s6;
	s4 =	simm.s32 $0x13A70  }
0x496: {  	[hbm4b:s30+s2] =	stream.linear.scatter [tilespmem:s4], [sflag:$0x3], $0x80, $0x38;
	[tilespmem:$0x14C80] =	vst v63  }
0x497: {  	s6 =	sadd.s32 $0x70, s6;
	s5 =	simm.s32 $0x13AF8  }
0x498: {  	[hbm4b:s6+s2] =	stream.linear.scatter [tilespmem:s5], [sflag:$0x3], $0x80, $0x38;
	[tilespmem:$0x14C80] =	vst v63  }
0x499: {  	s16 =	simm.s32 $0x13B80;
	s6 =	sadd.s32 s1, s10  }
0x49a: {  	[hbm4b:s6+s2] =	stream.linear.scatter [tilespmem:s16], [sflag:$0x3], $0x80, $0x38;
	[tilespmem:$0x14C80] =	vst v63  }
0x49b: {  	s18 =	simm.s32 $0x13C08;
	s17 =	sadd.s32 $0x10, s6  }
0x49c: {  	[hbm4b:s17+s2] =	stream.linear.scatter [tilespmem:s18], [sflag:$0x3], $0x80, $0x38;
	[tilespmem:$0x14C80] =	vst v63  }
0x49d: {  	s24 =	simm.s32 $0x13C90;
	s20 =	sadd.s32 $0x20, s6  }
0x49e: {  	[hbm4b:s20+s2] =	stream.linear.scatter [tilespmem:s24], [sflag:$0x3], $0x80, $0x38;
	[tilespmem:$0x14C80] =	vst v63  }
0x49f: {  	s30 =	simm.s32 $0x13D18;
	s29 =	sadd.s32 $0x30, s6  }
0x4a0: {  	[hbm4b:s29+s2] =	stream.linear.scatter [tilespmem:s30], [sflag:$0x3], $0x80, $0x38;
	[tilespmem:$0x14C80] =	vst v63  }
0x4a1: {  	s5 =	simm.s32 $0x13DA0;
	s4 =	sadd.s32 $0x40, s6  }
0x4a2: {  	[hbm4b:s4+s2] =	stream.linear.scatter [tilespmem:s5], [sflag:$0x3], $0x80, $0x38;
	[tilespmem:$0x14C80] =	vst v63  }
0x4a3: {  	s17 =	sadd.s32 $0x50, s6;
	s18 =	simm.s32 $0x13E28  }
0x4a4: {  	[hbm4b:s17+s2] =	stream.linear.scatter [tilespmem:s18], [sflag:$0x3], $0x80, $0x38;
	[tilespmem:$0x14C80] =	vst v63  }
0x4a5: {  	s20 =	sadd.s32 $0x60, s6;
	s24 =	simm.s32 $0x13EB0  }
0x4a6: {  	[hbm4b:s20+s2] =	stream.linear.scatter [tilespmem:s24], [sflag:$0x3], $0x80, $0x38;
	[tilespmem:$0x14C80] =	vst v63  }
0x4a7: {  	s6 =	sadd.s32 $0x70, s6;
	s29 =	simm.s32 $0x13F38  }
0x4a8: {  	[hbm4b:s6+s2] =	stream.linear.scatter [tilespmem:s29], [sflag:$0x3], $0x80, $0x38;
	[tilespmem:$0x14C80] =	vst v63  }
0x4a9: {  	s30 =	simm.s32 $0x13FC0;
	s6 =	sadd.s32 s1, s11  }
0x4aa: {  	[hbm4b:s6+s2] =	stream.linear.scatter [tilespmem:s30], [sflag:$0x3], $0x80, $0x38;
	[tilespmem:$0x14C80] =	vst v63  }
0x4ab: {  	s5 =	simm.s32 $0x14048;
	s4 =	sadd.s32 $0x10, s6  }
0x4ac: {  	[hbm4b:s4+s2] =	stream.linear.scatter [tilespmem:s5], [sflag:$0x3], $0x80, $0x38;
	[tilespmem:$0x14C80] =	vst v63  }
0x4ad: {  	s18 =	simm.s32 $0x140D0;
	s17 =	sadd.s32 $0x20, s6  }
0x4ae: {  	[hbm4b:s17+s2] =	stream.linear.scatter [tilespmem:s18], [sflag:$0x3], $0x80, $0x38;
	[tilespmem:$0x14C80] =	vst v63  }
0x4af: {  	s24 =	simm.s32 $0x14158;
	s20 =	sadd.s32 $0x30, s6  }
0x4b0: {  	[hbm4b:s20+s2] =	stream.linear.scatter [tilespmem:s24], [sflag:$0x3], $0x80, $0x38;
	[tilespmem:$0x14C80] =	vst v63  }
0x4b1: {  	s29 =	sadd.s32 $0x40, s6;
	s30 =	simm.s32 $0x141E0  }
0x4b2: {  	[hbm4b:s29+s2] =	stream.linear.scatter [tilespmem:s30], [sflag:$0x3], $0x80, $0x38;
	[tilespmem:$0x14C80] =	vst v63  }
0x4b3: {  	s4 =	sadd.s32 $0x50, s6;
	s5 =	simm.s32 $0x14268  }
0x4b4: {  	[hbm4b:s4+s2] =	stream.linear.scatter [tilespmem:s5], [sflag:$0x3], $0x80, $0x38;
	[tilespmem:$0x14C80] =	vst v63  }
0x4b5: {  	s17 =	sadd.s32 $0x60, s6;
	s18 =	simm.s32 $0x142F0  }
0x4b6: {  	[hbm4b:s17+s2] =	stream.linear.scatter [tilespmem:s18], [sflag:$0x3], $0x80, $0x38;
	[tilespmem:$0x14C80] =	vst v63  }
0x4b7: {  	s6 =	sadd.s32 $0x70, s6;
	s20 =	simm.s32 $0x14378  }
0x4b8: {  	[hbm4b:s6+s2] =	stream.linear.scatter [tilespmem:s20], [sflag:$0x3], $0x80, $0x38;
	[tilespmem:$0x14C80] =	vst v63  }
0x4b9: {  	s24 =	simm.s32 $0x14400;
	s6 =	sadd.s32 s1, s12  }
0x4ba: {  	[hbm4b:s6+s2] =	stream.linear.scatter [tilespmem:s24], [sflag:$0x3], $0x80, $0x38;
	[tilespmem:$0x14C80] =	vst v63  }
0x4bb: {  	s30 =	simm.s32 $0x14488;
	s29 =	sadd.s32 $0x10, s6  }
0x4bc: {  	[hbm4b:s29+s2] =	stream.linear.scatter [tilespmem:s30], [sflag:$0x3], $0x80, $0x38;
	[tilespmem:$0x14C80] =	vst v63  }
0x4bd: {  	s5 =	simm.s32 $0x14510;
	s4 =	sadd.s32 $0x20, s6  }
0x4be: {  	[hbm4b:s4+s2] =	stream.linear.scatter [tilespmem:s5], [sflag:$0x3], $0x80, $0x38;
	[tilespmem:$0x14C80] =	vst v63  }
0x4bf: {  	s18 =	simm.s32 $0x14598;
	s17 =	sadd.s32 $0x30, s6  }
0x4c0: {  	[hbm4b:s17+s2] =	stream.linear.scatter [tilespmem:s18], [sflag:$0x3], $0x80, $0x38;
	[tilespmem:$0x14C80] =	vst v63  }
0x4c1: {  	s20 =	sadd.s32 $0x40, s6;
	s24 =	simm.s32 $0x14620  }
0x4c2: {  	[hbm4b:s20+s2] =	stream.linear.scatter [tilespmem:s24], [sflag:$0x3], $0x80, $0x38;
	[tilespmem:$0x14C80] =	vst v63  }
0x4c3: {  	s29 =	sadd.s32 $0x50, s6;
	s30 =	simm.s32 $0x146A8  }
0x4c4: {  	[hbm4b:s29+s2] =	stream.linear.scatter [tilespmem:s30], [sflag:$0x3], $0x80, $0x38;
	[tilespmem:$0x14C80] =	vst v63  }
0x4c5: {  	s4 =	sadd.s32 $0x60, s6;
	s5 =	simm.s32 $0x14730  }
0x4c6: {  	[hbm4b:s4+s2] =	stream.linear.scatter [tilespmem:s5], [sflag:$0x3], $0x80, $0x38;
	[tilespmem:$0x14C80] =	vst v63  }
0x4c7: {  	s6 =	sadd.s32 $0x70, s6;
	s17 =	simm.s32 $0x147B8  }
0x4c8: {  	[hbm4b:s6+s2] =	stream.linear.scatter [tilespmem:s17], [sflag:$0x3], $0x80, $0x38;
	[tilespmem:$0x14C80] =	vst v63  }
0x4c9: {  	s1 =	sadd.s32 s1, s13;
	s18 =	simm.s32 $0x14840  }
0x4ca: {  	[hbm4b:s1+s2] =	stream.linear.scatter [tilespmem:s18], [sflag:$0x3], $0x80, $0x38;
	[tilespmem:$0x14C80] =	vst v63  }
0x4cb: {  	s20 =	sadd.s32 $0x10, s1;
	s24 =	simm.s32 $0x148C8  }
0x4cc: {  	[hbm4b:s20+s2] =	stream.linear.scatter [tilespmem:s24], [sflag:$0x3], $0x80, $0x38;
	[tilespmem:$0x14C80] =	vst v63  }
0x4cd: {  	s29 =	sadd.s32 $0x20, s1;
	s30 =	simm.s32 $0x14950  }
0x4ce: {  	[hbm4b:s29+s2] =	stream.linear.scatter [tilespmem:s30], [sflag:$0x3], $0x80, $0x38;
	[tilespmem:$0x14C80] =	vst v63  }
0x4cf: {  	s4 =	sadd.s32 $0x30, s1;
	s5 =	simm.s32 $0x149D8  }
0x4d0: {  	[hbm4b:s4+s2] =	stream.linear.scatter [tilespmem:s5], [sflag:$0x3], $0x80, $0x38;
	[tilespmem:$0x14C80] =	vst v63  }
0x4d1: {  	s0 =	sadd.s32 $0x1, s0;
	s16 =	sadd.s32 $0x40, s1;
	s17 =	simm.s32 $0x14A60  }
0x4d2: {  	[hbm4b:s16+s2] =	stream.linear.scatter [tilespmem:s17], [sflag:$0x3], $0x80, $0x38;
	[tilespmem:$0x14C80] =	vst v63  }
0x4d3: {  	p0 =	sne.s32 s0, $0x28;
	s18 =	sadd.s32 $0x50, s1;
	s20 =	simm.s32 $0x14AE8  }
0x4d4: {  	[hbm4b:s18+s2] =	stream.linear.scatter [tilespmem:s20], [sflag:$0x3], $0x80, $0x38;
	[tilespmem:$0x14C80] =	vst v63  }
.Ltmp5:
0x4d5: {  	_ = 	snop;
	(pc) =	sbr.rel @p0 .LBB2_2-.Ltmp5, $4  }
0x4d6: {  	s24 =	sadd.s32 $0x60, s1;
	s29 =	simm.s32 $0x14B70  }
0x4d7: {  	[hbm4b:s24+s2] =	stream.linear.scatter [tilespmem:s29], [sflag:$0x3], $0x80, $0x38;
	[tilespmem:$0x14C80] =	vst v63  }
0x4d8: {  	s1 =	sadd.s32 $0x70, s1;
	s30 =	simm.s32 $0x14BF8  }
0x4d9: {  	[hbm4b:s1+s2] =	stream.linear.scatter [tilespmem:s30], [sflag:$0x3], $0x80, $0x38;
	[tilespmem:$0x14C80] =	vst v63  }
0x4da: {  	s1 =	simm.s32 $0x3  }
0x4db: {  	_ =	swait.ge [sflag:s1], $0x400  }
0x4dc: {  	[sflag:s1] =	ssyncset.done $0x0  }
0x4dd: {  	[sflag:s1] =	ssyncadd.s32 $0xFFFFFC00  }
0x4de: {  	_ =	swait.ge [sflag:s1], $0x400  }
0x4df: {  	[sflag:s1] =	ssyncset.done $0x0  }
0x4e0: {  	[sflag:s1] =	ssyncadd.s32 $0xFFFFFC00  }
0x4e1: {  	_ =	swait.ge [sflag:s1], $0x400  }
0x4e2: {  	[sflag:s1] =	ssyncset.done $0x0  }
0x4e3: {  	[sflag:s1] =	ssyncadd.s32 $0xFFFFFC00  }
0x4e4: {  	_ =	swait.ge [sflag:s1], $0x400  }
0x4e5: {  	[sflag:s1] =	ssyncset.done $0x0  }
0x4e6: {  	[sflag:s1] =	ssyncadd.s32 $0xFFFFFC00  }
0x4e7: {  	_ =	swait.ge [sflag:s1], $0x400  }
0x4e8: {  	s6 =	rddreg [dreg:$0x5]  }
0x4e9: {  	s0 =	rddreg [dreg:$0x4];
	s6 =	sadd.s32 $0x1, s6  }
0x4ea: {  	p0 =	sne.s32 s6, s0  }
.Ltmp6:
0x4eb: {  	_ = 	snop;
	(pc) =	sbr.rel @p0 .LBB2_1-.Ltmp6, $3  }
0x4ec: {  	_ =	sdelay $0x1  }
0x4ed: {  	[sflag:s1] =	ssyncset.done $0x0  }
0x4ee: {  	[sflag:s1] =	ssyncadd.s32 $0xFFFFFC00  }
0x4ef: {  	_ =	sfence.sel $0x180000  }
0x4f0: {  	[bflag:$0x0] =	sbarrier.arrive $0xFFFF  }
0x4f1: {  	_ =	strace $0x9000004A  }
0x4f2: {  	s0 =	stileid.u32;
	[bflag:$0x2] =	sbarrier.arrive $0xFFFF  }
0x4f3: {  	p0 =	sne.s32 s0, $0x0;
	s0 =	rddreg [dreg:$0x2]  }
0x4f4: {  	s0 =	sadd.s32 @!p0 $0x100000, s0  }
0x4f5: {  	[sflag:s0] =	ssyncadd.tile.s32 @!p0 $0x1;
	_ =	shalt  }
.Lfunc_end2:
_tile_overlayer_lowered:
.L_overlay_start_2:
0x4f6: {  	(tag) =	ssettag $0x2  }
0x4f7: {  	s0 =	rddreg [dreg:$0x0];
	s2 =	stileid.u32  }
0x4f8: {  	s1 =	rddreg [dreg:$0x1];
	p0 =	sne.s32 s2, $0x0  }
0x4f9: {  	s3 =	rddreg [dreg:$0x2];
	[bflag:$0x3] =	sbarrier.arrive $0xFFFF;
	s2 =	simm.s32 @!p0 $0x1C04  }
0x4fa: {  	[timem:s3], [sflag:s2] =	dma.local @!p0 [hbm:s0], s1  }
0x4fb: {  	s0 =	simm.s32 @!p0 $0x4  }
0x4fc: {  	_ =	swait.ge @!p0 [sflag:s0], s1  }
0x4fd: {  	s1 =	ssub.s32 @!p0 $0x0, s1;
	[sflag:s0] =	ssyncset.done @!p0 $0x0  }
0x4fe: {  	[sflag:s0] =	ssyncadd.s32 @!p0 s1  }
0x4ff: {  	[bflag:$0x3] =	sbarrier.arrive $0xFFFF  }
0x500: {  	_ =	shalt  }

// kernel: sparse-core-data-format-call.cloned.1.call-start
scs
called_computation_lowered:
.L_overlay_start_0:
0x0: {  	s2 =	sld [smem:$0x3FD9]  }
0x1: {  	s3 =	sld [smem:$0x3FFE];
	_ =	sdelay $0x1  }
0x2: {  	s1 =	srdreg.scid  }
0x3: {  	s0 =	sand.u32 $0x1, s1  }
0x4: {  	s18 =	sshll.u32 s0, $0xA;
	s2 =	sadd.s32 s3, s2  }
0x5: {  	s2 =	sadd.s32 s2, s18  }
0x6: {  	[smem:$0x3FC6] =	sst s2  }
0x7: {  	_ = 	snop  }
0x8: {  	s2 =	sld [smem:$0x3FC8];
	(tm) =	ssettm $0x1  }
0x9: {  	s19 =	sld [smem:$0x3FFB];
	_ =	sdelay $0x3  }
0xa: {  	_ =	strace s19  }
0xb: {  	s3 =	sld [smem:$0x3FFC];
	_ =	sdelay $0x3  }
0xc: {  	_ =	strace s3  }
0xd: {  	s3 =	sld [smem:$0x3FFD];
	_ =	sdelay $0x3  }
0xe: {  	_ =	strace s3  }
0xf: {  	_ =	strace $0x8FFFFFFF  }
0x10: {  	s20 =	sld [smem:$0x3FDB];
	_ =	sdelay $0x1  }
0x11: {  	s4 =	simm.s32 $_scs_section_size  }
0x12: {  	s5 =	simm.s32 $_size__tile_overlayer_lowered;
	s6 =	simm.s32 $_tile_overlayer_lowered  }
0x13: {  	s23 =	simm.s32 $0x1BFF;
	s22 =	sshll.u32 s6, $0x1;
	s3 =	sadd.s32 s4, s20  }
0x14: {  	s7 =	simm.s32 $0x0;
	s21 =	sshll.u32 s5, $0x1;
	s5 =	sadd.s32 s22, s3  }
0x15: {  	[timem:s7], [sflag:s23] =	dma.local [hbm:s5], s21  }
0x16: {  	_ =	swait.ge [sflag:s23], s21  }
0x17: {  	s4 =	ssub.s32 $0x0, s21;
	[sflag:s23] =	ssyncset.done $0x0  }
0x18: {  	[sflag:s23] =	ssyncadd.s32 s4;
	_ =	sdelay $0x1  }
0x19: {  	s24 =	simm.s32 $0x1B8B  }
0x1a: {  	_ =	swait.ge [sflag:s24], $0x1  }
0x1b: {  	[sflag:s24] =	ssyncset.done $0x0  }
0x1c: {  	s26 =	simm.s32 $0x1B8E;
	s25 =	sld [smem:$0x3FFE];
	[sflag:s24] =	ssyncadd.s32 $0xFFFFFFFF  }
0x1d: {  	s27 =	simm.s32 $execute0_lowered;
	[smem:$0x3FD2] =	sst s26  }
0x1e: {  	s5 =	sshll.u32 s27, $0x1;
	_ =	strace $0x80000046;
	[dreg:$0x1] =	wrdreg $0xFFFFFFFF  }
0x1f: {  	s28 =	simm.s32 $_size_execute0_lowered;
	s3 =	sadd.s32 s3, s5;
	[dreg:$0x0] =	wrdreg $0x0  }
0x20: {  	s5 =	sshll.u32 s28, $0x1;
	[dreg:$0x2] =	wrdreg s3  }
0x21: {  	[dreg:$0x3] =	wrdreg s5  }
0x22: {  	[dreg:$0x4] =	wrdreg $0xC0  }
0x23: {  	_ =	task [dreg:s7], $0x5FFFF  }
0x24: {  	[dreg:$0x1] =	wrdreg $0xFFFFFFFF  }
0x25: {  	[dreg:$0x0] =	wrdreg $0x60  }
0x26: {  	[dreg:$0x2] =	wrdreg s2  }
0x27: {  	[dreg:$0x3] =	wrdreg s25  }
0x28: {  	[dreg:$0x4] =	wrdreg $0x9  }
0x29: {  	_ =	task.clear_ibuf [dreg:s7], $0x5FFFF;
	_ =	strace $0x90000046  }
0x2a: {  	s29 =	simm.s32 $0x9;
	_ =	strace $0x80000048  }
0x2b: {  	_ =	swait.ge [sflag:s29], $0x1  }
0x2c: {  	[sflag:s29] =	ssyncadd.s32 $0xFFFFFFFF  }
0x2d: {  	_ =	strace $0x90000048  }
0x2e: {  	_ =	sfence  }
0x2f: {  	s30 =	sld [smem:$0x0];
	_ =	sdelay $0x2  }
0x30: {  	s31 =	sshll.u32 s1, $0xD;
	s1 =	sshrl.u32 s1, $0x2  }
0x31: {  	s3 =	sand.u32 $0x4000, s31;
	s1 =	sadd.s32 s1, s30  }
0x32: {  	s0 =	sor.u32 s3, s0;
	s1 =	sshll.u32 s1, $0x11  }
0x33: {  	s0 =	sor.u32 s1, s0  }
0x34: {  	s0 =	sadd.s32 $0x8F2B, s0  }
0x35: {  	[sflag:s0] =	ssyncadd.remote.s32 $0x1  }
0x36: {  	_ =	sfence.sel $0xFFFF  }
0x37: {  	[dreg:$0x0] =	wrdreg $0xFFFFFFFF;
	(pc) =	sbr.abs _section_cstart, $3  }
0x38: {  	[dreg:$0x1] =	wrdreg $0xFFFFFFFF  }
0x39: {  	_ =	task.clear_ibuf [dreg:s7], $0x2FFFF;
	_ =	strace $0x9FFFFFFF  }
0x3a: {  	(tm) =	ssettm $0x7FFFFFFF  }
0x3b: {  	_ =	shalt  }
tec
execute0_lowered:
.L_overlay_start_1:
0x0: {  	(tag) =	ssettag $0x1  }
0x1: {  	s0 =	srdreg.scid;
	s2 =	rddreg [dreg:$0x0]  }
0x2: {  	s5 =	rddreg [dreg:$0x1];
	s1 =	stileid.u32  }
0x3: {  	s4 =	simm.s32 $0x1;
	s6 =	simm.s32 $0x2;
	s15 =	simm.s32 $0x0  }
0x4: {  	p0 =	por $0x0, $0x0;
	s8 =	simm.s32 $0x80;
	s0 =	sshll.u32 s0, $0x4  }
0x5: {  	s14 =	simm.s32 $0x0;
	s9 =	simm.s32 $0x0;
	s3 =	sand.u32 $0x10, s0  }
.Ltmp0:
0x6: {  	s10 =	simm.s32 $0x0;
	s3 =	sor.u32 s1, s3;
	(pc) =	sbr.rel .LBB1_1-.Ltmp0, $4  }
0x7: {  	s0 =	rddreg [dreg:$0x2];
	_ =	strace $0x80000047;
	s3 =	sshll.u32 s3, $0x7  }
0x8: {  	s12 =	simm.s32 $0x0;
	[sflag:s4] =	ssyncpa.u1 $0x0;
	s7 =	ssub.s32 $0xF4200, s3  }
0x9: {  	s13 =	simm.s32 $0x0;
	[sflag:s6] =	ssyncpa.u1 $0x0;
	s6 =	sshrl.u32 s7, $0xC  }
0xa: {  	s5 =	sadd.s32 $0xA00, s5;
	s11 =	smov.u32 s3;
	s7 =	sadd.s32 $0x2, s6  }
.LBB1_5:
0xb: {  	p1 =	slt.u32 s13, $0x2  }
0xc: {  	s17 =	smov.u32 s15;
	p2 =	sgt.s32 @!p1 s15, $0xF41C0;
	s16 =	sshra.s32 @!p1 s15, $0x1F  }
0xd: {  	p3 =	sgt.s32 @!p1 s14, $0x40;
	s18 =	sshra.s32 @!p1 s14, $0x1F;
	p2 =	por !p2, p1  }
0xe: {  	s15 =	sand.u32 @!p1 s16, s15;
	p3 =	por !p3, p1;
	s16 =	smov.u32 s14  }
0xf: {  	s14 =	sand.u32 @!p1 s18, s14;
	s17 =	simm.s32 @p2 $0xF41C0;
	s16 =	simm.s32 @p3 $0x40  }
0x10: {  	s15 =	ssub.s32 @!p1 s17, s15;
	s14 =	ssub.s32 @!p1 s16, s14  }
0x11: {  	s18 =	smov.u32 s12;
	s16 =	sadd.s32 @!p1 $0xFFF0BE40, s15;
	s17 =	sadd.s32 @!p1 $0xFFFFFFC0, s14  }
0x12: {  	s15 =	ssub.s32 @!p1 $0xF4240, s15;
	p2 =	sgt.s32 @!p1 s16, $0x7F;
	p3 =	sgt.s32 @!p1 s17, $0x3F  }
0x13: {  	s14 =	ssub.s32 @!p1 $0x80, s14;
	p2 =	por !p2, p1;
	p3 =	por !p3, p1  }
0x14: {  	s16 =	sadd.s32 $0x1000, s11;
	s15 =	simm.s32 @!p2 $0x0;
	s14 =	simm.s32 @!p3 $0x0  }
0x15: {  	p2 =	sgt.s32 s16, $0xF423F;
	s14 =	smul.u32 @!p1 s14, s15;
	s15 =	sadd.s32 $0x40, s12  }
0x16: {  	s18 =	smov.u32 @p2 s15  }
0x17: {  	s16 =	smov.u32 @p2 s3;
	p2 =	sgt.s32 s18, $0x3F  }
0x18: {  	s18 =	simm.s32 @p2 $0x0;
	p2 =	sne.s32 s13, s7  }
.Ltmp1:
0x19: {  	p0 =	por !p0, !p0;
	s17 =	simm.s32 @!p1 $0x2;
	(pc) =	sbr.rel @!p2 .LBB1_6-.Ltmp1, $4  }
0x1a: {  	s15 =	smov.u32 s9;
	s9 =	smov.u32 s11;
	s14 =	sand.u32 @!p1 $0x3FFFFFFF, s14  }
0x1b: {  	s11 =	smov.u32 s16;
	_ =	swait.ge @!p1 [sflag:s17], s14;
	s19 =	ssub.s32 @!p1 $0x0, s14  }
0x1c: {  	s14 =	smov.u32 s10;
	s13 =	sadd.s32 $0x1, s13;
	[sflag:s17] =	ssyncset.done @!p1 $0x0  }
0x1d: {  	s10 =	smov.u32 s12;
	s12 =	smov.u32 s18;
	[sflag:s17] =	ssyncadd.s32 @!p1 s19  }
.LBB1_1:
0x1e: {  	p1 =	sgt.u32 s13, s6  }
0x1f: {  	s16 =	sshrl.u32 @!p1 s12, $0x3  }
0x20: {  	s17 =	sshll.u32 @!p1 s11, $0x3;
	s16 =	smul.u32 @!p1 $0x7A1400, s16  }
0x21: {  	s18 =	sshll.u32 @!p1 s12, $0x7;
	s17 =	sand.u32 @!p1 $0xFFFFFC00, s17  }
0x22: {  	s16 =	sadd.s32 @!p1 s16, s17;
	s17 =	sand.u32 @!p1 $0x380, s18  }
0x23: {  	s18 =	sand.u32 @!p1 $0x7F, s11;
	s16 =	sor.u32 @!p1 s17, s16  }
0x24: {  	s17 =	sor.u32 @!p1 s18, s16  }
0x25: {  	s18 =	smulhi.u32 @!p1 $0x218D6287, s17;
	_ =	sdelay $0x1  }
0x26: {  	s16 =	smulhi.u32 @!p1 $0x218D6287, s16;
	s18 =	sshrl.u32 @!p1 s18, $0x11  }
0x27: {  	s18 =	smul.u32 @!p1 $0xF4280, s18  }
0x28: {  	s19 =	sxor.u32 @!p1 $0xFFFFFFFF, s13;
	s16 =	sshrl.u32 @!p1 s16, $0x11  }
0x29: {  	s19 =	sshll.u32 @!p1 s19, $0xD;
	s16 =	sand.u32 @!p1 $0x3F, s16;
	s17 =	ssub.s32 @!p1 s17, s18  }
0x2a: {  	s16 =	smul.u32 @!p1 $0x1E850, s16;
	s18 =	sshrl.u32 @!p1 s17, $0x3;
	s17 =	sand.u32 @!p1 $0x7, s17  }
0x2b: {  	s19 =	sand.u32 @!p1 $0x2000, s19;
	s18 =	sadd.s32 @!p1 s2, s18;
	s17 =	sshll.u32 @!p1 s17, $0x12  }
0x2c: {  	s16 =	sadd.s32 @!p1 s16, s18;
	s17 =	sor.u32 @!p1 $0x400, s17;
	s18 =	simm.s32 @!p1 $0x7A1400  }
0x2d: {  	[tilespmem:s19], [sflag:$0x1] =	stream.strided.gather @!p1 [hbm4b:s16+s17], $0x2000, s18, s17, $0x38;
	[tilespmem:$0x8100] =	vst v63  }
0x2e: {  	p1 =	seq.s32 s13, $0x0  }
0x2f: {  	p2 =	sge.u32 @!p1 s13, s7  }
0x30: {  	p1 =	por p1, p2  }
.Ltmp2:
0x31: {  	_ = 	snop;
	(pc) =	sbr.rel @p1 .LBB1_5-.Ltmp2, $1  }
0x32: {  	_ =	sdelay $0x3  }
0x33: {  	s16 =	simm.s32 $0x1  }
0x34: {  	_ =	swait.ge [sflag:s4], $0x2000;
	s16 =	simm.s32 @!p0 $0x0  }
0x35: {  	[sflag:s4] =	ssyncset.done $0x0;
	s17 =	sshll.u32 s16, $0xD  }
0x36: {  	[sflag:s4] =	ssyncadd.s32 $0xFFFFE000;
	s17 =	sor.u32 $0x40, s17  }
0x37: {  	s16 =	smul.u32 $0x8200, s16;
	v0 =	vld [tilespmem:s17+$0x30]  }
0x38: {  	v1 =	vld [tilespmem:s17+$0xFFFFFFD0]  }
0x39: {  	s16 =	sshrl.u32 s16, $0x2;
	v5 =	vld [tilespmem:s17+$0xFFFFFFE0]  }
0x3a: {  	v6 =	vld [tilespmem:s17+$0xFFFFFFF0];
	s19 =	sor.u32 $0x4000, s16  }
0x3b: {  	s31 =	sand.u32 $0x1, s13;
	v4 =	vld [tilespmem:s17+$0x0];
	s18 =	sadd.s32 $0x0, s19  }
0x3c: {  	v3 =	vld [tilespmem:s17+$0x10];
	s16 =	smul.u32 $0x8200, s31;
	[tilespmem:s18+$0x1C70 ss:$0x41] =	vst.msk $0xffff, v0  }
0x3d: {  	v2 =	vld [tilespmem:s17+$0x20];
	[tilespmem:s18+$0x410 ss:$0x41] =	vst.msk $0xffff, v1  }
0x3e: {  	s16 =	sshrl.u32 s16, $0x2;
	v1 =	vld [tilespmem:s17+$0xFFFFFFC0];
	[tilespmem:s18+$0x820 ss:$0x41] =	vst.msk $0xffff, v5;
	s17 =	sadd.s32 $0x80, s17  }
0x3f: {  	s20 =	simm.s32 $0x4;
	s21 =	simm.s32 $0x8;
	s16 =	sor.u32 $0x4000, s16;
	[tilespmem:s18+$0xC30 ss:$0x41] =	vst.msk $0xffff, v6;
	v0 =	vld [tilespmem:s17+$0x30]  }
.LBB1_3:
0x40: {  	p1 =	sne.s32 s21, $0xFC;
	v5 =	vld [tilespmem:s17+$0xFFFFFFD0];
	[tilespmem:s18+$0x1040 ss:$0x41] =	vst.msk $0xffff, v4  }
0x41: {  	v6 =	vld [tilespmem:s17+$0xFFFFFFE0];
	[tilespmem:s18+$0x1450 ss:$0x41] =	vst.msk $0xffff, v3  }
0x42: {  	s22 =	sshra.s32 s20, $0x2;
	s20 =	smov.u32 s21;
	v7 =	vld [tilespmem:s17+$0xFFFFFFF0];
	[tilespmem:s18+$0x1860 ss:$0x41] =	vst.msk $0xffff, v2  }
.Ltmp3:
0x43: {  	v4 =	vld [tilespmem:s17+$0x0];
	[tilespmem:s18+$0x0 ss:$0x41] =	vst.msk $0xffff, v1;
	s18 =	sadd.s32 s22, s19;
	(pc) =	sbr.rel @p1 .LBB1_3-.Ltmp3, $4  }
0x44: {  	v3 =	vld [tilespmem:s17+$0x10];
	[tilespmem:s18+$0x1C70 ss:$0x41] =	vst.msk $0xffff, v0  }
0x45: {  	[tilespmem:s18+$0x410 ss:$0x41] =	vst.msk $0xffff, v5;
	v2 =	vld [tilespmem:s17+$0x20]  }
0x46: {  	v1 =	vld [tilespmem:s17+$0xFFFFFFC0];
	[tilespmem:s18+$0x820 ss:$0x41] =	vst.msk $0xffff, v6;
	s17 =	sadd.s32 $0x80, s17  }
0x47: {  	s21 =	sadd.s32 $0x4, s21;
	v0 =	vld [tilespmem:s17+$0x30];
	[tilespmem:s18+$0xC30 ss:$0x41] =	vst.msk $0xffff, v7  }
0x48: {  	s21 =	sshll.u32 s9, $0x7;
	s22 =	sshll.u32 s10, $0x3;
	s20 =	sshra.s32 s20, $0x2  }
0x49: {  	p1 =	sgt.s32 s9, $0xF41C0;
	s30 =	sshra.s32 s9, $0x1F;
	s25 =	sshra.s32 s10, $0x1F  }
0x4a: {  	v5 =	vld [tilespmem:s17+$0xFFFFFFD0];
	s28 =	sshrl.u32 s10, $0x3;
	s23 =	sand.u32 $0xFFFFFC00, s21;
	s22 =	sand.u32 $0xFFFFFC00, s22  }
0x4b: {  	[tilespmem:s18+$0x1040 ss:$0x41] =	vst.msk $0xffff, v4;
	v58 =	vld [tilespmem:s17+$0xFFFFFFE0];
	s21 =	sand.u32 $0x380, s21;
	s19 =	sadd.s32 s20, s19;
	s22 =	sadd.s32 s22, s23  }
0x4c: {  	v59 =	vld [tilespmem:s17+$0xFFFFFFF0];
	[tilespmem:s18+$0x1450 ss:$0x41] =	vst.msk $0xffff, v3;
	s29 =	sor.u32 s21, s22;
	s21 =	smov.u32 s9;
	s22 =	sand.u32 s30, s9  }
0x4d: {  	v60 =	vld [tilespmem:s17+$0x0];
	[tilespmem:s18+$0x1860 ss:$0x41] =	vst.msk $0xffff, v2;
	s30 =	sand.u32 $0x7, s10;
	s20 =	sshrl.u32 s29, $0x7;
	s21 =	simm.s32 @!p1 $0xF41C0  }
0x4e: {  	v61 =	vld [tilespmem:s17+$0x10];
	[tilespmem:s18+$0x0 ss:$0x41] =	vst.msk $0xffff, v1;
	p1 =	sgt.s32 s10, $0x40;
	s24 =	ssub.s32 s21, s22;
	s21 =	smov.u32 s10  }
0x4f: {  	v62 =	vld [tilespmem:s17+$0x20];
	[tilespmem:s19+$0x1C70 ss:$0x41] =	vst.msk $0xffff, v0;
	s31 =	smulhi.u32 $0x218DEF5, s20;
	s22 =	sand.u32 s25, s10;
	s21 =	simm.s32 @!p1 $0x40  }
0x50: {  	v63 =	vld [tilespmem:s17+$0xFFFFFFC0];
	[tilespmem:s19+$0x410 ss:$0x41] =	vst.msk $0xffff, v5;
	s26 =	sadd.s32 $0xFFF0BE40, s24;
	s17 =	ssub.s32 $0xF4240, s24;
	s21 =	ssub.s32 s21, s22  }
0x51: {  	[tilespmem:s19+$0x820 ss:$0x41] =	vst.msk $0xffff, v58;
	s23 =	sshrl.u32 s31, $0xD;
	p1 =	sgt.s32 s26, $0x7F;
	s27 =	sadd.s32 $0xFFFFFFC0, s21  }
0x52: {  	[tilespmem:s19+$0xC30 ss:$0x41] =	vst.msk $0xffff, v59;
	s23 =	smul.u32 $0xF4240, s23;
	s18 =	ssub.s32 $0x80, s21;
	p2 =	sgt.s32 s27, $0x3F  }
.Ltmp4:
0x53: {  	[tilespmem:s19+$0x1040 ss:$0x41] =	vst.msk $0xffff, v60;
	s17 =	simm.s32 @p1 $0x0;
	s18 =	simm.s32 @p2 $0x0;
	(pc) =	sbr.rel .LBB1_5-.Ltmp4, $4  }
0x54: {  	s29 =	sand.u32 $0xF, s28;
	[tilespmem:s19+$0x1450 ss:$0x41] =	vst.msk $0xffff, v61;
	s20 =	ssub.s32 s20, s23;
	s17 =	smul.u32 s18, s17  }
0x55: {  	[tilespmem:s19+$0x1860 ss:$0x41] =	vst.msk $0xffff, v62;
	s21 =	sshll.u32 s30, $0x12;
	s20 =	sshll.u32 s20, $0x4;
	s18 =	sadd.s32 s5, s29  }
0x56: {  	[tilespmem:s19+$0x0 ss:$0x41] =	vst.msk $0xffff, v63;
	s31 =	sor.u32 $0x40, s21;
	s18 =	sadd.s32 s20, s18;
	s17 =	sand.u32 $0x3FFFFFFF, s17  }
0x57: {  	[hbm4b:s18+s31] =	stream.strided.scatter [tilespmem:s16], [sflag:$0x2], s17, s8, s31, $0x18;
	[tilespmem:$0x8100] =	vst v63  }
.LBB1_6:
0x58: {  	_ =	sfence.sel $0x180000  }
0x59: {  	s2 =	simm.s32 $0x1;
	[bflag:$0x0] =	sbarrier.arrive $0xFFFF  }
0x5a: {  	s31 =	simm.s32 $0x2;
	[sflag:s2] =	ssyncpa.u1 $0x1  }
0x5b: {  	[sflag:s31] =	ssyncpa.u1 $0x1  }
0x5c: {  	p0 =	sne.s32 s1, $0x0;
	_ =	strace $0x90000047  }
0x5d: {  	s0 =	sadd.s32 @!p0 $0x100000, s0;
	[bflag:$0x2] =	sbarrier.arrive $0xFFFF  }
0x5e: {  	[sflag:s0] =	ssyncadd.tile.s32 @!p0 $0x1;
	_ =	shalt  }
.Lfunc_end1:
_tile_overlayer_lowered:
.L_overlay_start_2:
0x5f: {  	(tag) =	ssettag $0x2  }
0x60: {  	s0 =	rddreg [dreg:$0x0];
	s2 =	stileid.u32  }
0x61: {  	s1 =	rddreg [dreg:$0x1];
	p0 =	sne.s32 s2, $0x0  }
0x62: {  	s3 =	rddreg [dreg:$0x2];
	[bflag:$0x3] =	sbarrier.arrive $0xFFFF;
	s2 =	simm.s32 @!p0 $0x1C01  }
0x63: {  	[timem:s3], [sflag:s2] =	dma.local @!p0 [hbm:s0], s1  }
0x64: {  	s0 =	simm.s32 @!p0 $0x1  }
0x65: {  	_ =	swait.ge @!p0 [sflag:s0], s1  }
0x66: {  	s1 =	ssub.s32 @!p0 $0x0, s1;
	[sflag:s0] =	ssyncset.done @!p0 $0x0  }
0x67: {  	[sflag:s0] =	ssyncadd.s32 @!p0 s1  }
0x68: {  	[bflag:$0x3] =	sbarrier.arrive $0xFFFF  }
0x69: {  	_ =	shalt  }

</sc_bundles>
